<compile_context>
chip_gen: v7x
topology: tpu7x:2x2x1
jax: 0.10.2.dev20260603
libtpu: 0.0.44.dev20260713+nightly
codegen_flags: <defaults>
</compile_context>

<pallas_src>
import functools

import jax
import jax.numpy as jnp
from jax import lax
from jax.experimental import pallas as pl
from jax.experimental.pallas import tpu as pltpu
from jax.experimental.pallas import tpu_sc as plsc

D_MODEL = 2048
N_HEADS = 16
HEAD_DIM = D_MODEL // N_HEADS
IDX_HEADS = 4
IDX_DIM = 64
NIDX = IDX_HEADS * IDX_DIM
S = 2048
NEG_INF = -1e9

BQ = 256
N_QBLK = S // BQ
WBLK = 512


def _dot(a, b, dims):
    return lax.dot_general(a.astype(jnp.bfloat16), b.astype(jnp.bfloat16),
                           dimension_numbers=(dims, ((), ())),
                           preferred_element_type=jnp.float32)


def _proj_idx_body(h_ref, w_ref, out_ref, pooled_ref):
    i = pl.program_id(0)
    out_ref[...] = _dot(h_ref[...], w_ref[...], ((1,), (0,)))

    part = jnp.sum(h_ref[...].astype(jnp.float32), axis=0,
                   keepdims=True) * (1.0 / S)

    @pl.when(i == 0)
    def _():
        pooled_ref[...] = part

    @pl.when(i > 0)
    def _():
        pooled_ref[...] += part


def _run_proj_idx(h, w_idx):
    bm = 512
    return pl.pallas_call(
        _proj_idx_body,
        grid=(S // bm,),
        in_specs=[
            pl.BlockSpec((bm, D_MODEL), lambda i: (i, 0)),
            pl.BlockSpec((D_MODEL, 2 * NIDX), lambda i: (0, 0)),
        ],
        out_specs=[
            pl.BlockSpec((bm, 2 * NIDX), lambda i: (i, 0)),
            pl.BlockSpec((1, D_MODEL), lambda i: (0, 0)),
        ],
        out_shape=[
            jax.ShapeDtypeStruct((S, 2 * NIDX), jnp.float32),
            jax.ShapeDtypeStruct((1, D_MODEL), jnp.float32),
        ],
    )(h, w_idx)


def _proj_qkv_body(h_ref, w_ref, out_ref):
    out_ref[...] = _dot(h_ref[...], w_ref[...],
                        ((1,), (0,))).astype(jnp.bfloat16)


def _run_proj_qkv(h, w_qkv):
    bm = 512
    n_wblk = w_qkv.shape[1] // WBLK
    return pl.pallas_call(
        _proj_qkv_body,
        grid=(S // bm, n_wblk),
        in_specs=[
            pl.BlockSpec((bm, D_MODEL), lambda i, j: (i, 0)),
            pl.BlockSpec((D_MODEL, WBLK), lambda i, j: (0, j)),
        ],
        out_specs=pl.BlockSpec((bm, WBLK), lambda i, j: (i, j)),
        out_shape=jax.ShapeDtypeStruct((S, w_qkv.shape[1]), jnp.bfloat16),
    )(h, w_qkv)


def _f32_key(x):
    u = lax.bitcast_convert_type(x, jnp.uint32)
    neg = (u >> 31) == jnp.uint32(1)
    return jnp.where(neg, ~u, u | jnp.uint32(0x80000000))


def _scores_body(qi_ref, ki_ref, qb_ref, kb_ref, iw_ref, pooled_ref, cw_ref,
                 cb_ref, scores_ref, k_ref):
    acc = jnp.zeros((BQ, S), jnp.float32)
    for hh in range(IDX_HEADS):
        sl = slice(hh * IDX_DIM, (hh + 1) * IDX_DIM)
        q = qi_ref[:, sl] + qb_ref[:, sl]
        k = ki_ref[:, sl] + kb_ref[:, sl]
        dp = _dot(q, k, ((1,), (1,)))
        acc = acc + iw_ref[hh] * jnp.maximum(dp, 0.0)

    r = _dot(pooled_ref[...], cw_ref[...], ((1,), (0,)))[0, 0] + cb_ref[0]
    ratio = 1.0 / (1.0 + jnp.exp(-r))
    kf = jnp.clip(lax.round(ratio * S, lax.RoundingMethod.TO_NEAREST_EVEN),
                  1.0, float(S))
    kint = kf.astype(jnp.int32)

    scores_ref[...] = lax.bitcast_convert_type(_f32_key(acc), jnp.int32)
    k_ref[...] = jnp.full((1, 128), kint, jnp.int32)


def _run_scores(qi, ki, qb, kb, iw, pooled, cw, cb):
    return pl.pallas_call(
        _scores_body,
        grid=(N_QBLK,),
        in_specs=[
            pl.BlockSpec((BQ, NIDX), lambda i: (i, 0)),
            pl.BlockSpec((S, NIDX), lambda i: (0, 0)),
            pl.BlockSpec((1, NIDX), lambda i: (0, 0)),
            pl.BlockSpec((1, NIDX), lambda i: (0, 0)),
            pl.BlockSpec(memory_space=pltpu.SMEM),
            pl.BlockSpec((1, D_MODEL), lambda i: (0, 0)),
            pl.BlockSpec((D_MODEL, 1), lambda i: (0, 0)),
            pl.BlockSpec(memory_space=pltpu.SMEM),
        ],
        out_specs=[
            pl.BlockSpec((BQ, S), lambda i: (i, 0)),
            pl.BlockSpec((1, 128), lambda i: (0, 0)),
        ],
        out_shape=[
            jax.ShapeDtypeStruct((S, S), jnp.int32),
            jax.ShapeDtypeStruct((1, 128), jnp.int32),
        ],
    )(qi, ki, qb, kb, iw, pooled, cw, cb)



SC_TILES = 32
RPT = S // SC_TILES
RB = 32
NV = S // 16


def _sc_suffix(h):
    return lax.rev(plsc.cumsum(lax.rev(h, (0,))), (0,))


def _sc_select_digit(suffix, krem, suf_v):
    cnt = plsc.all_reduce_population_count(suffix >= krem)
    suf_v[...] = suffix
    above = plsc.load_gather(suf_v, [jnp.minimum(cnt, 15)])
    above = jnp.where(cnt >= 16, 0, above)
    return cnt, krem - above


def _sc_thr_body(keys_hbm, kv_hbm, thr_hbm, keys_v, hist_v,
                 suf_v, kv_v, thr_v, ba_v, bb_v):
    c = lax.axis_index("c")
    sb = lax.axis_index("s")
    wid = sb * 2 + c
    base = wid * RPT

    pltpu.sync_copy(kv_hbm, kv_v)
    ktest = lax.squeeze(lax.slice(kv_v[...], (0,), (1,)), dimensions=(0,))

    ones = jnp.ones((16,), jnp.int32)
    zeros16 = jnp.zeros((16,), jnp.int32)
    lanes = lax.iota(jnp.int32, 16)

    for b in range(RPT // RB):
        pltpu.sync_copy(keys_hbm.at[pl.ds((base + b * RB) * S, RB * S)],
                        keys_v)

        def row_fn(r, _):
            rowoff = r * S
            UNROLL = 16

            def zero_hist():
                for t in range(16):
                    hist_v[pl.ds(t * 16, 16)] = zeros16

            def select_byte(krem):
                h16 = plsc.load_gather(hist_v, [lanes * 16])
                for t in range(1, 16):
                    h16 = h16 + plsc.load_gather(hist_v, [lanes * 16 + t])
                cnt_hi, krem2 = _sc_select_digit(_sc_suffix(h16), krem, suf_v)
                fine = plsc.load_gather(hist_v, [(cnt_hi - 1) * 16 + lanes])
                cnt_lo, krem3 = _sc_select_digit(_sc_suffix(fine), krem2,
                                                 suf_v)
                return (cnt_hi - 1) * 16 + (cnt_lo - 1), krem3

            zero_hist()

            def scan1(j, _):
                for u in range(UNROLL):
                    x = keys_v[pl.ds(rowoff + (j * UNROLL + u) * 16, 16)]
                    plsc.addupdate_scatter(
                        hist_v, [(x >> 24) & jnp.int32(0xFF)], ones)
                return 0

            lax.fori_loop(0, NV // UNROLL, scan1, 0)
            d1, krem = select_byte(jnp.broadcast_to(ktest, (16,)))
            prefix = d1 << 24

            def comp1(j, off):
                for u in range(UNROLL):
                    x = keys_v[pl.ds(rowoff + (j * UNROLL + u) * 16, 16)]
                    act = ((x >> 24) & jnp.int32(0xFF)) == d1
                    pos = plsc.cumsum(act.astype(jnp.int32))
                    plsc.store_scatter(ba_v, [off + pos - 1], x, mask=act)
                    off = off + plsc.all_reduce_population_count(act)
                return off

            off = lax.fori_loop(0, NV // UNROLL, comp1, zeros16)
            n = lax.squeeze(lax.slice(off, (0,), (1,)), dimensions=(0,))

            for pi, shift in enumerate((16, 8, 0)):
                src = (ba_v, bb_v)[pi % 2]
                dst = (bb_v, ba_v)[pi % 2]
                nsp = jnp.broadcast_to(n, (16,))
                nv = (n + 15) >> 4
                zero_hist()

                def scanp(j, _, src=src, shift=shift, nsp=nsp):
                    x = src[pl.ds(j * 16, 16)]
                    tail = (j * 16 + lanes) < nsp
                    plsc.addupdate_scatter(
                        hist_v, [(x >> shift) & jnp.int32(0xFF)], ones,
                        mask=tail)
                    return 0

                lax.fori_loop(0, nv, scanp, 0)
                dsub, krem = select_byte(krem)
                prefix = prefix | (dsub << shift)

                if shift != 0:
                    def compp(j, off2, src=src, dst=dst, shift=shift,
                              nsp=nsp, dsub=dsub):
                        x = src[pl.ds(j * 16, 16)]
                        tail = (j * 16 + lanes) < nsp
                        act = tail & (((x >> shift) & jnp.int32(0xFF)) == dsub)
                        pos = plsc.cumsum(act.astype(jnp.int32))
                        plsc.store_scatter(dst, [off2 + pos - 1], x, mask=act)
                        return off2 + plsc.all_reduce_population_count(act)

                    off2 = lax.fori_loop(0, nv, compp, zeros16)
                    n = lax.squeeze(lax.slice(off2, (0,), (1,)),
                                    dimensions=(0,))

            idx = jnp.broadcast_to(b * RB + r, (16,)).astype(jnp.int32)
            plsc.store_scatter(thr_v, [idx], prefix, mask=lanes == 0)
            return 0

        lax.fori_loop(0, RB, row_fn, 0)

    pltpu.sync_copy(thr_v, thr_hbm.at[pl.ds(base, RPT)])


def _run_sc_thr(keys, kvec):
    mesh = plsc.VectorSubcoreMesh(core_axis_name="c", subcore_axis_name="s")
    fn = functools.partial(
        pl.kernel,
        mesh=mesh,
        compiler_params=pltpu.CompilerParams(needs_layout_passes=False),
        out_type=jax.ShapeDtypeStruct((S,), jnp.int32),
        scratch_types=[
            pltpu.VMEM((RB * S,), jnp.int32),
            pltpu.VMEM((256,), jnp.int32),
            pltpu.VMEM((16,), jnp.int32),
            pltpu.VMEM((16,), jnp.int32),
            pltpu.VMEM((RPT,), jnp.int32),
            pltpu.VMEM((S,), jnp.int32),
            pltpu.VMEM((S,), jnp.int32),
        ],
    )(_sc_thr_body)
    return fn(keys.reshape(-1), kvec)


def _attn_body(q_ref, k_ref, v_ref, keys_ref, thr_ref, out_ref):
    scale = 1.0 / (HEAD_DIM ** 0.5)
    keys = lax.bitcast_convert_type(keys_ref[...], jnp.uint32)
    thr = lax.bitcast_convert_type(thr_ref[...], jnp.uint32)
    add_mask = jnp.where(keys >= thr, 0.0, NEG_INF)
    logits = lax.dot_general(q_ref[...], k_ref[...],
                             dimension_numbers=((((1,), (1,))), ((), ())),
                             preferred_element_type=jnp.float32) * scale
    logits = logits + add_mask
    m = jnp.max(logits, axis=1, keepdims=True)
    p = jnp.exp(logits - m)
    z = jnp.sum(p, axis=1, keepdims=True)
    pv = lax.dot_general(p.astype(jnp.bfloat16), v_ref[...],
                         dimension_numbers=((((1,), (0,))), ((), ())),
                         preferred_element_type=jnp.float32)
    out_ref[...] = (pv * (1.0 / z)).astype(jnp.bfloat16)


def _run_attn(q, k, v, scores, thr):
    nq = q.shape[0] // BQ
    return pl.pallas_call(
        _attn_body,
        grid=(nq, N_HEADS),
        in_specs=[
            pl.BlockSpec((BQ, HEAD_DIM), lambda i, hh: (i, hh)),
            pl.BlockSpec((S, HEAD_DIM), lambda i, hh: (0, hh)),
            pl.BlockSpec((S, HEAD_DIM), lambda i, hh: (0, hh)),
            pl.BlockSpec((BQ, S), lambda i, hh: (i, 0)),
            pl.BlockSpec((BQ, 1), lambda i, hh: (i, 0)),
        ],
        out_specs=pl.BlockSpec((BQ, HEAD_DIM), lambda i, hh: (i, hh)),
        out_shape=jax.ShapeDtypeStruct((q.shape[0], D_MODEL), jnp.bfloat16),
    )(q, k, v, scores, thr)


def _oproj_body(x_ref, w_ref, out_ref):
    out_ref[...] = lax.dot_general(x_ref[...], w_ref[...],
                                   dimension_numbers=((((1,), (0,))), ((), ())),
                                   preferred_element_type=jnp.float32)


def _run_oproj(x, w):
    return pl.pallas_call(
        _oproj_body,
        grid=(N_QBLK,),
        in_specs=[
            pl.BlockSpec((BQ, D_MODEL), lambda i: (i, 0)),
            pl.BlockSpec((D_MODEL, D_MODEL), lambda i: (0, 0)),
        ],
        out_specs=pl.BlockSpec((BQ, D_MODEL), lambda i: (i, 0)),
        out_shape=jax.ShapeDtypeStruct((S, D_MODEL), jnp.float32),
    )(x, w)


def kernel(hidden_states, q_idx_W, q_idx_b, k_idx_W, k_idx_b, idx_weights,
           ctrl_W, ctrl_b, Wq, Wk, Wv, Wo):
    h16 = hidden_states[0].astype(jnp.bfloat16)

    w_idx = jnp.concatenate([q_idx_W, k_idx_W], axis=1).astype(jnp.bfloat16)
    w_qkv = jnp.concatenate([Wq, Wk, Wv], axis=1).astype(jnp.bfloat16)

    proj_idx, pooled = _run_proj_idx(h16, w_idx)
    qkv = _run_proj_qkv(h16, w_qkv)

    qi = proj_idx[:, :NIDX]
    ki = proj_idx[:, NIDX:]
    q = qkv[:, :D_MODEL]
    k = qkv[:, D_MODEL:2 * D_MODEL]
    v = qkv[:, 2 * D_MODEL:]

    keys, kvec = _run_scores(qi, ki, q_idx_b[None, :], k_idx_b[None, :],
                             idx_weights, pooled, ctrl_W, ctrl_b)

    thr = _run_sc_thr(keys, kvec[0, :16])
    attn = _run_attn(q, k, v, keys, thr[:, None])
    out = _run_oproj(attn, Wo.astype(jnp.bfloat16))
    return out[None]

# --- scband reference (transcript-rebuilt; emitter-appended) ---
"""Pipeline reference for scband-adaptive-deep-seek-sparse-attention-71545565217041 (READ-ONLY COPY).

The authoritative reference and input builder live on the scoring server;
editing this copy changes nothing except your own understanding.
"""

import jax, jax.numpy as jnp
import numpy as np

D_MODEL = 2048
N_HEADS = 16
HEAD_DIM = D_MODEL // N_HEADS
IDX_HEADS = 4
IDX_DIM = 64
B = 1
S = 2048
NEG_INF = -1e9


def setup_inputs(seed: int = 0) -> dict:
    key = jax.random.key(seed)
    ks = jax.random.split(key, 16)
    sc = 0.02
    inp = {
        'hidden_states': jax.random.normal(ks[0], (B, S, D_MODEL), dtype=jnp.float32),
        # Lightning indexer params
        'q_idx_W': jax.random.normal(ks[1], (D_MODEL, IDX_HEADS * IDX_DIM), dtype=jnp.float32) * sc,
        'q_idx_b': jnp.zeros((IDX_HEADS * IDX_DIM,), dtype=jnp.float32),
        'k_idx_W': jax.random.normal(ks[2], (D_MODEL, IDX_HEADS * IDX_DIM), dtype=jnp.float32) * sc,
        'k_idx_b': jnp.zeros((IDX_HEADS * IDX_DIM,), dtype=jnp.float32),
        'idx_weights': jax.random.normal(ks[3], (IDX_HEADS,), dtype=jnp.float32) * 0.1,
        # Dynamic sparsity controller params
        'ctrl_W': jax.random.normal(ks[4], (D_MODEL, 1), dtype=jnp.float32) * sc,
        'ctrl_b': jnp.zeros((1,), dtype=jnp.float32),
        # Attention projections (DeepseekV3-style core attention, bias-free)
        'Wq': jax.random.normal(ks[5], (D_MODEL, D_MODEL), dtype=jnp.float32) * sc,
        'Wk': jax.random.normal(ks[6], (D_MODEL, D_MODEL), dtype=jnp.float32) * sc,
        'Wv': jax.random.normal(ks[7], (D_MODEL, D_MODEL), dtype=jnp.float32) * sc,
        'Wo': jax.random.normal(ks[8], (D_MODEL, D_MODEL), dtype=jnp.float32) * sc,
    }
    return inp


def _lightning_indexer(h, qW, qb, kW, kb, iw):
    b, s, d = h.shape
    q = (h @ qW + qb).reshape(b, s, IDX_HEADS, IDX_DIM).transpose(0, 2, 1, 3)
    k = (h @ kW + kb).reshape(b, s, IDX_HEADS, IDX_DIM).transpose(0, 2, 1, 3)
    dp = jnp.einsum('bhqd,bhkd->bhqk', q, k)
    dp = jax.nn.relu(dp)
    weighted = dp * iw[None, :, None, None]
    return weighted.sum(axis=1)  # [B, S, S]


def _adaptive_k(h, cW, cb):
    pooled = h.mean(axis=1)  # [B, D]
    ratio = jax.nn.sigmoid(pooled @ cW + cb)  # [B, 1]
    s = h.shape[1]
    k = jnp.clip(jnp.round(jnp.mean(ratio) * s), 1, s).astype(jnp.int32)
    return k


def _attention_with_mask(h, Wq, Wk, Wv, Wo, add_mask):
    b, s, d = h.shape
    q = (h @ Wq).reshape(b, s, N_HEADS, HEAD_DIM).transpose(0, 2, 1, 3)
    k = (h @ Wk).reshape(b, s, N_HEADS, HEAD_DIM).transpose(0, 2, 1, 3)
    v = (h @ Wv).reshape(b, s, N_HEADS, HEAD_DIM).transpose(0, 2, 1, 3)
    scores = jnp.einsum('bhqd,bhkd->bhqk', q, k) / jnp.sqrt(float(HEAD_DIM))
    scores = scores + add_mask[:, None, :, :]
    probs = jax.nn.softmax(scores, axis=-1)
    out = jnp.einsum('bhqk,bhkd->bhqd', probs, v)
    out = out.transpose(0, 2, 1, 3).reshape(b, s, d)
    return out @ Wo


def reference(hidden_states, q_idx_W, q_idx_b, k_idx_W, k_idx_b, idx_weights,
              ctrl_W, ctrl_b, Wq, Wk, Wv, Wo):
    # 1) adaptive k from sparsity controller
    adaptive_k = _adaptive_k(hidden_states, ctrl_W, ctrl_b)
    # 2) lightning indexer relevance scores
    index_scores = _lightning_indexer(hidden_states, q_idx_W, q_idx_b,
                                      k_idx_W, k_idx_b, idx_weights)
    # 3) per-query top-k token selection -> boolean mask
    sorted_desc = jnp.sort(index_scores, axis=-1)[..., ::-1]
    kth = jax.lax.dynamic_slice_in_dim(sorted_desc, adaptive_k - 1, 1, axis=-1)
    top_k_mask = index_scores >= kth  # [B, S, S]
    # 4) create sparse additive mask (0 keep, -inf drop)
    sparse_mask = jnp.where(top_k_mask, 0.0, NEG_INF).astype(jnp.float32)
    # 5) dense attention under the sparse mask
    out = _attention_with_mask(hidden_states, Wq, Wk, Wv, Wo, sparse_mask)
    return out

if __name__ == "__main__":
    import jax
    _d = setup_inputs()
    print(jax.jit(kernel)(*tuple(_d.values())))

</pallas_src>

<mosaic_0001>
#map = affine_map<(d0, d1) -> (0)>
module attributes {stable_mosaic.version = 14 : i64} {
  func.func @_sc_thr_body(%arg0: i32, %arg1: i32, %arg2: memref<4194304xi32, #tpu.memory_space<hbm>>, %arg3: memref<16xi32, #tpu.memory_space<hbm>>, %arg4: memref<2048xi32, #tpu.memory_space<hbm>>, %arg5: memref<65536xi32, #tpu.memory_space<vmem>>, %arg6: memref<256xi32, #tpu.memory_space<vmem>>, %arg7: memref<16xi32, #tpu.memory_space<vmem>>, %arg8: memref<16xi32, #tpu.memory_space<vmem>>, %arg9: memref<64xi32, #tpu.memory_space<vmem>>, %arg10: memref<2048xi32, #tpu.memory_space<vmem>>, %arg11: memref<2048xi32, #tpu.memory_space<vmem>>) attributes {dimension_semantics = [#tpu.dimension_semantics<core_parallel>, #tpu.dimension_semantics<subcore_parallel>], iteration_bounds = array<i64: 2, 16>, scalar_prefetch = 0 : i64, scratch_operands = 7 : i64, tpu.core_type = #tpu.core_type<sc_vector_subcore>, window_params = [{transform_indices = #map}, {transform_indices = #map}, {transform_indices = #map}]} {
    %mul3A = arith.constant 2 : i32
    %mul3A_0 = arith.muli %arg1, %mul3A : i32
    %add3A = arith.addi %mul3A_0, %arg0 : i32
    %mul3A_1 = arith.constant 64 : i32
    %mul3A_2 = arith.muli %add3A, %mul3A_1 : i32
    "tpu.region"() ({
      %run_scoped3A = tpu.sem_alloc : memref<!tpu.dma_semaphore, #tpu.memory_space<semaphore_mem>>
      tpu.enqueue_dma source(%arg3 : memref<16xi32, #tpu.memory_space<hbm>>) target(%arg8 : memref<16xi32, #tpu.memory_space<vmem>>) target_semaphore(%run_scoped3A : memref<!tpu.dma_semaphore, #tpu.memory_space<semaphore_mem>>)
      tpu.wait_dma2 semaphore(%run_scoped3A : memref<!tpu.dma_semaphore, #tpu.memory_space<semaphore_mem>>) src(%arg3 : memref<16xi32, #tpu.memory_space<hbm>>) dst(%arg8 : memref<16xi32, #tpu.memory_space<vmem>>)
      tpu.yield
    }) : () -> ()
    %get3A = arith.constant 0 : index
    %get3A_3 = tpu.vector_load %arg8[%get3A] {strides = array<i32>} : memref<16xi32, #tpu.memory_space<vmem>>, vector<16xi32>,
    %slice3A = vector.extract_strided_slice %get3A_3 {offsets = [0], sizes = [1], strides = [1]} : vector<16xi32> to vector<1xi32>
    %squeeze3A = vector.extract %slice3A[0] : i32 from vector<1xi32>
    %broadcast_in_dim3A = arith.constant 1 : i32
    %broadcast_in_dim3A_4 = vector.broadcast %broadcast_in_dim3A : i32 to vector<16xi32>
    %broadcast_in_dim3A_5 = arith.constant 0 : i32
    %broadcast_in_dim3A_6 = vector.broadcast %broadcast_in_dim3A_5 : i32 to vector<16xi32>
    %iota3A = tpu.iota {dimensions = array<i32: 0>} : vector<16xi32>
    %add3A_7 = arith.constant 0 : i32
    %add3A_8 = arith.addi %mul3A_2, %add3A_7 : i32
    %mul3A_9 = arith.constant 2048 : i32
    %mul3A_10 = arith.muli %add3A_8, %mul3A_9 : i32
    "tpu.region"() ({
      %run_scoped3A = tpu.sem_alloc : memref<!tpu.dma_semaphore, #tpu.memory_space<semaphore_mem>>
      %dma_start3A = tpu.memref_slice %arg2[%mul3A_10] : memref<4194304xi32, #tpu.memory_space<hbm>> -> memref<65536xi32, #tpu.memory_space<hbm>>
      %dma_start3A_28 = tpu.memref_slice %arg2[%mul3A_10] : memref<4194304xi32, #tpu.memory_space<hbm>> -> memref<65536xi32, #tpu.memory_space<hbm>>
      tpu.enqueue_dma source(%dma_start3A_28 : memref<65536xi32, #tpu.memory_space<hbm>>) target(%arg5 : memref<65536xi32, #tpu.memory_space<vmem>>) target_semaphore(%run_scoped3A : memref<!tpu.dma_semaphore, #tpu.memory_space<semaphore_mem>>)
      %dma_wait3A = tpu.memref_slice %arg2[%mul3A_10] : memref<4194304xi32, #tpu.memory_space<hbm>> -> memref<65536xi32, #tpu.memory_space<hbm>>
      %dma_wait3A_29 = tpu.memref_slice %arg2[%mul3A_10] : memref<4194304xi32, #tpu.memory_space<hbm>> -> memref<65536xi32, #tpu.memory_space<hbm>>
      tpu.wait_dma2 semaphore(%run_scoped3A : memref<!tpu.dma_semaphore, #tpu.memory_space<semaphore_mem>>) src(%dma_wait3A_29 : memref<65536xi32, #tpu.memory_space<hbm>>) dst(%arg5 : memref<65536xi32, #tpu.memory_space<vmem>>)
      tpu.yield
    }) : () -> ()
    %scan3A = arith.constant 0 : i32
    %scan3A_11 = arith.constant 0 : i32
    %scan3A_12 = arith.constant 32 : i32
    %scan3A_13 = arith.addi %scan3A_11, %scan3A_12 : i32
    %scan3A_14 = arith.constant 1 : i32
    %scan3A_15 = scf.for %scan3A_28 = %scan3A_11 to %scan3A_13 step %scan3A_14 iter_args(%scan3A_29 = %scan3A) -> (i32)  : i32 {
      %mul3A_30 = arith.constant 2048 : i32
      %mul3A_31 = arith.muli %scan3A_28, %mul3A_30 : i32
      %swap3A = arith.constant 0 : index
      %swap3A_32 = tpu.vector_load %arg6[%swap3A] {strides = array<i32>} : memref<256xi32, #tpu.memory_space<vmem>>, vector<16xi32>,
      tpu.vector_store %arg6[%swap3A], %broadcast_in_dim3A_6 {strides = array<i32>} : memref<256xi32, #tpu.memory_space<vmem>>, vector<16xi32>,
      %swap3A_33 = arith.constant 16 : index
      %swap3A_34 = tpu.vector_load %arg6[%swap3A_33] {strides = array<i32>} : memref<256xi32, #tpu.memory_space<vmem>>, vector<16xi32>,
      tpu.vector_store %arg6[%swap3A_33], %broadcast_in_dim3A_6 {strides = array<i32>} : memref<256xi32, #tpu.memory_space<vmem>>, vector<16xi32>,
      %swap3A_35 = arith.constant 32 : index
      %swap3A_36 = tpu.vector_load %arg6[%swap3A_35] {strides = array<i32>} : memref<256xi32, #tpu.memory_space<vmem>>, vector<16xi32>,
      tpu.vector_store %arg6[%swap3A_35], %broadcast_in_dim3A_6 {strides = array<i32>} : memref<256xi32, #tpu.memory_space<vmem>>, vector<16xi32>,
      %swap3A_37 = arith.constant 48 : index
      %swap3A_38 = tpu.vector_load %arg6[%swap3A_37] {strides = array<i32>} : memref<256xi32, #tpu.memory_space<vmem>>, vector<16xi32>,
      tpu.vector_store %arg6[%swap3A_37], %broadcast_in_dim3A_6 {strides = array<i32>} : memref<256xi32, #tpu.memory_space<vmem>>, vector<16xi32>,
      %swap3A_39 = arith.constant 64 : index
      %swap3A_40 = tpu.vector_load %arg6[%swap3A_39] {strides = array<i32>} : memref<256xi32, #tpu.memory_space<vmem>>, vector<16xi32>,
      tpu.vector_store %arg6[%swap3A_39], %broadcast_in_dim3A_6 {strides = array<i32>} : memref<256xi32, #tpu.memory_space<vmem>>, vector<16xi32>,
      %swap3A_41 = arith.constant 80 : index
      %swap3A_42 = tpu.vector_load %arg6[%swap3A_41] {strides = array<i32>} : memref<256xi32, #tpu.memory_space<vmem>>, vector<16xi32>,
      tpu.vector_store %arg6[%swap3A_41], %broadcast_in_dim3A_6 {strides = array<i32>} : memref<256xi32, #tpu.memory_space<vmem>>, vector<16xi32>,
      %swap3A_43 = arith.constant 96 : index
      %swap3A_44 = tpu.vector_load %arg6[%swap3A_43] {strides = array<i32>} : memref<256xi32, #tpu.memory_space<vmem>>, vector<16xi32>,
      tpu.vector_store %arg6[%swap3A_43], %broadcast_in_dim3A_6 {strides = array<i32>} : memref<256xi32, #tpu.memory_space<vmem>>, vector<16xi32>,
      %swap3A_45 = arith.constant 112 : index
      %swap3A_46 = tpu.vector_load %arg6[%swap3A_45] {strides = array<i32>} : memref<256xi32, #tpu.memory_space<vmem>>, vector<16xi32>,
      tpu.vector_store %arg6[%swap3A_45], %broadcast_in_dim3A_6 {strides = array<i32>} : memref<256xi32, #tpu.memory_space<vmem>>, vector<16xi32>,
      %swap3A_47 = arith.constant 128 : index
      %swap3A_48 = tpu.vector_load %arg6[%swap3A_47] {strides = array<i32>} : memref<256xi32, #tpu.memory_space<vmem>>, vector<16xi32>,
      tpu.vector_store %arg6[%swap3A_47], %broadcast_in_dim3A_6 {strides = array<i32>} : memref<256xi32, #tpu.memory_space<vmem>>, vector<16xi32>,
      %swap3A_49 = arith.constant 144 : index
      %swap3A_50 = tpu.vector_load %arg6[%swap3A_49] {strides = array<i32>} : memref<256xi32, #tpu.memory_space<vmem>>, vector<16xi32>,
      tpu.vector_store %arg6[%swap3A_49], %broadcast_in_dim3A_6 {strides = array<i32>} : memref<256xi32, #tpu.memory_space<vmem>>, vector<16xi32>,
      %swap3A_51 = arith.constant 160 : index
      %swap3A_52 = tpu.vector_load %arg6[%swap3A_51] {strides = array<i32>} : memref<256xi32, #tpu.memory_space<vmem>>, vector<16xi32>,
      tpu.vector_store %arg6[%swap3A_51], %broadcast_in_dim3A_6 {strides = array<i32>} : memref<256xi32, #tpu.memory_space<vmem>>, vector<16xi32>,
      %swap3A_53 = arith.constant 176 : index
      %swap3A_54 = tpu.vector_load %arg6[%swap3A_53] {strides = array<i32>} : memref<256xi32, #tpu.memory_space<vmem>>, vector<16xi32>,
      tpu.vector_store %arg6[%swap3A_53], %broadcast_in_dim3A_6 {strides = array<i32>} : memref<256xi32, #tpu.memory_space<vmem>>, vector<16xi32>,
      %swap3A_55 = arith.constant 192 : index
      %swap3A_56 = tpu.vector_load %arg6[%swap3A_55] {strides = array<i32>} : memref<256xi32, #tpu.memory_space<vmem>>, vector<16xi32>,
      tpu.vector_store %arg6[%swap3A_55], %broadcast_in_dim3A_6 {strides = array<i32>} : memref<256xi32, #tpu.memory_space<vmem>>, vector<16xi32>,
      %swap3A_57 = arith.constant 208 : index
      %swap3A_58 = tpu.vector_load %arg6[%swap3A_57] {strides = array<i32>} : memref<256xi32, #tpu.memory_space<vmem>>, vector<16xi32>,
      tpu.vector_store %arg6[%swap3A_57], %broadcast_in_dim3A_6 {strides = array<i32>} : memref<256xi32, #tpu.memory_space<vmem>>, vector<16xi32>,
      %swap3A_59 = arith.constant 224 : index
      %swap3A_60 = tpu.vector_load %arg6[%swap3A_59] {strides = array<i32>} : memref<256xi32, #tpu.memory_space<vmem>>, vector<16xi32>,
      tpu.vector_store %arg6[%swap3A_59], %broadcast_in_dim3A_6 {strides = array<i32>} : memref<256xi32, #tpu.memory_space<vmem>>, vector<16xi32>,
      %swap3A_61 = arith.constant 240 : index
      %swap3A_62 = tpu.vector_load %arg6[%swap3A_61] {strides = array<i32>} : memref<256xi32, #tpu.memory_space<vmem>>, vector<16xi32>,
      tpu.vector_store %arg6[%swap3A_61], %broadcast_in_dim3A_6 {strides = array<i32>} : memref<256xi32, #tpu.memory_space<vmem>>, vector<16xi32>,
      %scan3A_63 = arith.constant 0 : i32
      %scan3A_64 = arith.constant 0 : i32
      %scan3A_65 = arith.constant 8 : i32
      %scan3A_66 = arith.addi %scan3A_64, %scan3A_65 : i32
      %scan3A_67 = arith.constant 1 : i32
      %scan3A_68 = scf.for %scan3A_1052 = %scan3A_64 to %scan3A_66 step %scan3A_67 iter_args(%scan3A_1053 = %scan3A_63) -> (i32)  : i32 {
        %mul3A_1054 = arith.constant 16 : i32
        %mul3A_1055 = arith.muli %scan3A_1052, %mul3A_1054 : i32
        %add3A_1056 = arith.constant 0 : i32
        %add3A_1057 = arith.addi %mul3A_1055, %add3A_1056 : i32
        %mul3A_1058 = arith.constant 16 : i32
        %mul3A_1059 = arith.muli %add3A_1057, %mul3A_1058 : i32
        %add3A_1060 = arith.addi %mul3A_31, %mul3A_1059 : i32
        %get3A_1061 = arith.index_cast %add3A_1060 : i32 to index
        %get3A_1062 = tpu.vector_load %arg5[%get3A_1061] {strides = array<i32>} : memref<65536xi32, #tpu.memory_space<vmem>>, vector<16xi32>,
        %shift_right_arithmetic3A_1063 = arith.constant 24 : i32
        %shift_right_arithmetic3A_1064 = vector.broadcast %shift_right_arithmetic3A_1063 : i32 to vector<16xi32>
        %shift_right_arithmetic3A_1065 = arith.shrsi %get3A_1062, %shift_right_arithmetic3A_1064 : vector<16xi32>
        %and3A = arith.constant 255 : i32
        %and3A_1066 = vector.broadcast %and3A : i32 to vector<16xi32>
        %and3A_1067 = arith.andi %shift_right_arithmetic3A_1065, %and3A_1066 : vector<16xi32>
        tpu.vector_store_idx %arg6[%and3A_1067], %broadcast_in_dim3A_4 {add = true} : memref<256xi32, #tpu.memory_space<vmem>>[vector<16xi32>], vector<16xi32>,
        %mul3A_1068 = arith.constant 16 : i32
        %mul3A_1069 = arith.muli %scan3A_1052, %mul3A_1068 : i32
        %add3A_1070 = arith.constant 1 : i32
        %add3A_1071 = arith.addi %mul3A_1069, %add3A_1070 : i32
        %mul3A_1072 = arith.constant 16 : i32
        %mul3A_1073 = arith.muli %add3A_1071, %mul3A_1072 : i32
        %add3A_1074 = arith.addi %mul3A_31, %mul3A_1073 : i32
        %get3A_1075 = arith.index_cast %add3A_1074 : i32 to index
        %get3A_1076 = tpu.vector_load %arg5[%get3A_1075] {strides = array<i32>} : memref<65536xi32, #tpu.memory_space<vmem>>, vector<16xi32>,
        %shift_right_arithmetic3A_1077 = arith.constant 24 : i32
        %shift_right_arithmetic3A_1078 = vector.broadcast %shift_right_arithmetic3A_1077 : i32 to vector<16xi32>
        %shift_right_arithmetic3A_1079 = arith.shrsi %get3A_1076, %shift_right_arithmetic3A_1078 : vector<16xi32>
        %and3A_1080 = arith.constant 255 : i32
        %and3A_1081 = vector.broadcast %and3A_1080 : i32 to vector<16xi32>
        %and3A_1082 = arith.andi %shift_right_arithmetic3A_1079, %and3A_1081 : vector<16xi32>
        tpu.vector_store_idx %arg6[%and3A_1082], %broadcast_in_dim3A_4 {add = true} : memref<256xi32, #tpu.memory_space<vmem>>[vector<16xi32>], vector<16xi32>,
        %mul3A_1083 = arith.constant 16 : i32
        %mul3A_1084 = arith.muli %scan3A_1052, %mul3A_1083 : i32
        %add3A_1085 = arith.constant 2 : i32
        %add3A_1086 = arith.addi %mul3A_1084, %add3A_1085 : i32
        %mul3A_1087 = arith.constant 16 : i32
        %mul3A_1088 = arith.muli %add3A_1086, %mul3A_1087 : i32
        %add3A_1089 = arith.addi %mul3A_31, %mul3A_1088 : i32
        %get3A_1090 = arith.index_cast %add3A_1089 : i32 to index
        %get3A_1091 = tpu.vector_load %arg5[%get3A_1090] {strides = array<i32>} : memref<65536xi32, #tpu.memory_space<vmem>>, vector<16xi32>,
        %shift_right_arithmetic3A_1092 = arith.constant 24 : i32
        %shift_right_arithmetic3A_1093 = vector.broadcast %shift_right_arithmetic3A_1092 : i32 to vector<16xi32>
        %shift_right_arithmetic3A_1094 = arith.shrsi %get3A_1091, %shift_right_arithmetic3A_1093 : vector<16xi32>
        %and3A_1095 = arith.constant 255 : i32
        %and3A_1096 = vector.broadcast %and3A_1095 : i32 to vector<16xi32>
        %and3A_1097 = arith.andi %shift_right_arithmetic3A_1094, %and3A_1096 : vector<16xi32>
        tpu.vector_store_idx %arg6[%and3A_1097], %broadcast_in_dim3A_4 {add = true} : memref<256xi32, #tpu.memory_space<vmem>>[vector<16xi32>], vector<16xi32>,
        %mul3A_1098 = arith.constant 16 : i32
        %mul3A_1099 = arith.muli %scan3A_1052, %mul3A_1098 : i32
        %add3A_1100 = arith.constant 3 : i32
        %add3A_1101 = arith.addi %mul3A_1099, %add3A_1100 : i32
        %mul3A_1102 = arith.constant 16 : i32
        %mul3A_1103 = arith.muli %add3A_1101, %mul3A_1102 : i32
        %add3A_1104 = arith.addi %mul3A_31, %mul3A_1103 : i32
        %get3A_1105 = arith.index_cast %add3A_1104 : i32 to index
        %get3A_1106 = tpu.vector_load %arg5[%get3A_1105] {strides = array<i32>} : memref<65536xi32, #tpu.memory_space<vmem>>, vector<16xi32>,
        %shift_right_arithmetic3A_1107 = arith.constant 24 : i32
        %shift_right_arithmetic3A_1108 = vector.broadcast %shift_right_arithmetic3A_1107 : i32 to vector<16xi32>
        %shift_right_arithmetic3A_1109 = arith.shrsi %get3A_1106, %shift_right_arithmetic3A_1108 : vector<16xi32>
        %and3A_1110 = arith.constant 255 : i32
        %and3A_1111 = vector.broadcast %and3A_1110 : i32 to vector<16xi32>
        %and3A_1112 = arith.andi %shift_right_arithmetic3A_1109, %and3A_1111 : vector<16xi32>
        tpu.vector_store_idx %arg6[%and3A_1112], %broadcast_in_dim3A_4 {add = true} : memref<256xi32, #tpu.memory_space<vmem>>[vector<16xi32>], vector<16xi32>,
        %mul3A_1113 = arith.constant 16 : i32
        %mul3A_1114 = arith.muli %scan3A_1052, %mul3A_1113 : i32
        %add3A_1115 = arith.constant 4 : i32
        %add3A_1116 = arith.addi %mul3A_1114, %add3A_1115 : i32
        %mul3A_1117 = arith.constant 16 : i32
        %mul3A_1118 = arith.muli %add3A_1116, %mul3A_1117 : i32
        %add3A_1119 = arith.addi %mul3A_31, %mul3A_1118 : i32
        %get3A_1120 = arith.index_cast %add3A_1119 : i32 to index
        %get3A_1121 = tpu.vector_load %arg5[%get3A_1120] {strides = array<i32>} : memref<65536xi32, #tpu.memory_space<vmem>>, vector<16xi32>,
        %shift_right_arithmetic3A_1122 = arith.constant 24 : i32
        %shift_right_arithmetic3A_1123 = vector.broadcast %shift_right_arithmetic3A_1122 : i32 to vector<16xi32>
        %shift_right_arithmetic3A_1124 = arith.shrsi %get3A_1121, %shift_right_arithmetic3A_1123 : vector<16xi32>
        %and3A_1125 = arith.constant 255 : i32
        %and3A_1126 = vector.broadcast %and3A_1125 : i32 to vector<16xi32>
        %and3A_1127 = arith.andi %shift_right_arithmetic3A_1124, %and3A_1126 : vector<16xi32>
        tpu.vector_store_idx %arg6[%and3A_1127], %broadcast_in_dim3A_4 {add = true} : memref<256xi32, #tpu.memory_space<vmem>>[vector<16xi32>], vector<16xi32>,
        %mul3A_1128 = arith.constant 16 : i32
        %mul3A_1129 = arith.muli %scan3A_1052, %mul3A_1128 : i32
        %add3A_1130 = arith.constant 5 : i32
        %add3A_1131 = arith.addi %mul3A_1129, %add3A_1130 : i32
        %mul3A_1132 = arith.constant 16 : i32
        %mul3A_1133 = arith.muli %add3A_1131, %mul3A_1132 : i32
        %add3A_1134 = arith.addi %mul3A_31, %mul3A_1133 : i32
        %get3A_1135 = arith.index_cast %add3A_1134 : i32 to index
        %get3A_1136 = tpu.vector_load %arg5[%get3A_1135] {strides = array<i32>} : memref<65536xi32, #tpu.memory_space<vmem>>, vector<16xi32>,
        %shift_right_arithmetic3A_1137 = arith.constant 24 : i32
        %shift_right_arithmetic3A_1138 = vector.broadcast %shift_right_arithmetic3A_1137 : i32 to vector<16xi32>
        %shift_right_arithmetic3A_1139 = arith.shrsi %get3A_1136, %shift_right_arithmetic3A_1138 : vector<16xi32>
        %and3A_1140 = arith.constant 255 : i32
        %and3A_1141 = vector.broadcast %and3A_1140 : i32 to vector<16xi32>
        %and3A_1142 = arith.andi %shift_right_arithmetic3A_1139, %and3A_1141 : vector<16xi32>
        tpu.vector_store_idx %arg6[%and3A_1142], %broadcast_in_dim3A_4 {add = true} : memref<256xi32, #tpu.memory_space<vmem>>[vector<16xi32>], vector<16xi32>,
        %mul3A_1143 = arith.constant 16 : i32
        %mul3A_1144 = arith.muli %scan3A_1052, %mul3A_1143 : i32
        %add3A_1145 = arith.constant 6 : i32
        %add3A_1146 = arith.addi %mul3A_1144, %add3A_1145 : i32
        %mul3A_1147 = arith.constant 16 : i32
        %mul3A_1148 = arith.muli %add3A_1146, %mul3A_1147 : i32
        %add3A_1149 = arith.addi %mul3A_31, %mul3A_1148 : i32
        %get3A_1150 = arith.index_cast %add3A_1149 : i32 to index
        %get3A_1151 = tpu.vector_load %arg5[%get3A_1150] {strides = array<i32>} : memref<65536xi32, #tpu.memory_space<vmem>>, vector<16xi32>,
        %shift_right_arithmetic3A_1152 = arith.constant 24 : i32
        %shift_right_arithmetic3A_1153 = vector.broadcast %shift_right_arithmetic3A_1152 : i32 to vector<16xi32>
        %shift_right_arithmetic3A_1154 = arith.shrsi %get3A_1151, %shift_right_arithmetic3A_1153 : vector<16xi32>
        %and3A_1155 = arith.constant 255 : i32
        %and3A_1156 = vector.broadcast %and3A_1155 : i32 to vector<16xi32>
        %and3A_1157 = arith.andi %shift_right_arithmetic3A_1154, %and3A_1156 : vector<16xi32>
        tpu.vector_store_idx %arg6[%and3A_1157], %broadcast_in_dim3A_4 {add = true} : memref<256xi32, #tpu.memory_space<vmem>>[vector<16xi32>], vector<16xi32>,
        %mul3A_1158 = arith.constant 16 : i32
        %mul3A_1159 = arith.muli %scan3A_1052, %mul3A_1158 : i32
        %add3A_1160 = arith.constant 7 : i32
        %add3A_1161 = arith.addi %mul3A_1159, %add3A_1160 : i32
        %mul3A_1162 = arith.constant 16 : i32
        %mul3A_1163 = arith.muli %add3A_1161, %mul3A_1162 : i32
        %add3A_1164 = arith.addi %mul3A_31, %mul3A_1163 : i32
        %get3A_1165 = arith.index_cast %add3A_1164 : i32 to index
        %get3A_1166 = tpu.vector_load %arg5[%get3A_1165] {strides = array<i32>} : memref<65536xi32, #tpu.memory_space<vmem>>, vector<16xi32>,
        %shift_right_arithmetic3A_1167 = arith.constant 24 : i32
        %shift_right_arithmetic3A_1168 = vector.broadcast %shift_right_arithmetic3A_1167 : i32 to vector<16xi32>
        %shift_right_arithmetic3A_1169 = arith.shrsi %get3A_1166, %shift_right_arithmetic3A_1168 : vector<16xi32>
        %and3A_1170 = arith.constant 255 : i32
        %and3A_1171 = vector.broadcast %and3A_1170 : i32 to vector<16xi32>
        %and3A_1172 = arith.andi %shift_right_arithmetic3A_1169, %and3A_1171 : vector<16xi32>
        tpu.vector_store_idx %arg6[%and3A_1172], %broadcast_in_dim3A_4 {add = true} : memref<256xi32, #tpu.memory_space<vmem>>[vector<16xi32>], vector<16xi32>,
        %mul3A_1173 = arith.constant 16 : i32
        %mul3A_1174 = arith.muli %scan3A_1052, %mul3A_1173 : i32
        %add3A_1175 = arith.constant 8 : i32
        %add3A_1176 = arith.addi %mul3A_1174, %add3A_1175 : i32
        %mul3A_1177 = arith.constant 16 : i32
        %mul3A_1178 = arith.muli %add3A_1176, %mul3A_1177 : i32
        %add3A_1179 = arith.addi %mul3A_31, %mul3A_1178 : i32
        %get3A_1180 = arith.index_cast %add3A_1179 : i32 to index
        %get3A_1181 = tpu.vector_load %arg5[%get3A_1180] {strides = array<i32>} : memref<65536xi32, #tpu.memory_space<vmem>>, vector<16xi32>,
        %shift_right_arithmetic3A_1182 = arith.constant 24 : i32
        %shift_right_arithmetic3A_1183 = vector.broadcast %shift_right_arithmetic3A_1182 : i32 to vector<16xi32>
        %shift_right_arithmetic3A_1184 = arith.shrsi %get3A_1181, %shift_right_arithmetic3A_1183 : vector<16xi32>
        %and3A_1185 = arith.constant 255 : i32
        %and3A_1186 = vector.broadcast %and3A_1185 : i32 to vector<16xi32>
        %and3A_1187 = arith.andi %shift_right_arithmetic3A_1184, %and3A_1186 : vector<16xi32>
        tpu.vector_store_idx %arg6[%and3A_1187], %broadcast_in_dim3A_4 {add = true} : memref<256xi32, #tpu.memory_space<vmem>>[vector<16xi32>], vector<16xi32>,
        %mul3A_1188 = arith.constant 16 : i32
        %mul3A_1189 = arith.muli %scan3A_1052, %mul3A_1188 : i32
        %add3A_1190 = arith.constant 9 : i32
        %add3A_1191 = arith.addi %mul3A_1189, %add3A_1190 : i32
        %mul3A_1192 = arith.constant 16 : i32
        %mul3A_1193 = arith.muli %add3A_1191, %mul3A_1192 : i32
        %add3A_1194 = arith.addi %mul3A_31, %mul3A_1193 : i32
        %get3A_1195 = arith.index_cast %add3A_1194 : i32 to index
        %get3A_1196 = tpu.vector_load %arg5[%get3A_1195] {strides = array<i32>} : memref<65536xi32, #tpu.memory_space<vmem>>, vector<16xi32>,
        %shift_right_arithmetic3A_1197 = arith.constant 24 : i32
        %shift_right_arithmetic3A_1198 = vector.broadcast %shift_right_arithmetic3A_1197 : i32 to vector<16xi32>
        %shift_right_arithmetic3A_1199 = arith.shrsi %get3A_1196, %shift_right_arithmetic3A_1198 : vector<16xi32>
        %and3A_1200 = arith.constant 255 : i32
        %and3A_1201 = vector.broadcast %and3A_1200 : i32 to vector<16xi32>
        %and3A_1202 = arith.andi %shift_right_arithmetic3A_1199, %and3A_1201 : vector<16xi32>
        tpu.vector_store_idx %arg6[%and3A_1202], %broadcast_in_dim3A_4 {add = true} : memref<256xi32, #tpu.memory_space<vmem>>[vector<16xi32>], vector<16xi32>,
        %mul3A_1203 = arith.constant 16 : i32
        %mul3A_1204 = arith.muli %scan3A_1052, %mul3A_1203 : i32
        %add3A_1205 = arith.constant 10 : i32
        %add3A_1206 = arith.addi %mul3A_1204, %add3A_1205 : i32
        %mul3A_1207 = arith.constant 16 : i32
        %mul3A_1208 = arith.muli %add3A_1206, %mul3A_1207 : i32
        %add3A_1209 = arith.addi %mul3A_31, %mul3A_1208 : i32
        %get3A_1210 = arith.index_cast %add3A_1209 : i32 to index
        %get3A_1211 = tpu.vector_load %arg5[%get3A_1210] {strides = array<i32>} : memref<65536xi32, #tpu.memory_space<vmem>>, vector<16xi32>,
        %shift_right_arithmetic3A_1212 = arith.constant 24 : i32
        %shift_right_arithmetic3A_1213 = vector.broadcast %shift_right_arithmetic3A_1212 : i32 to vector<16xi32>
        %shift_right_arithmetic3A_1214 = arith.shrsi %get3A_1211, %shift_right_arithmetic3A_1213 : vector<16xi32>
        %and3A_1215 = arith.constant 255 : i32
        %and3A_1216 = vector.broadcast %and3A_1215 : i32 to vector<16xi32>
        %and3A_1217 = arith.andi %shift_right_arithmetic3A_1214, %and3A_1216 : vector<16xi32>
        tpu.vector_store_idx %arg6[%and3A_1217], %broadcast_in_dim3A_4 {add = true} : memref<256xi32, #tpu.memory_space<vmem>>[vector<16xi32>], vector<16xi32>,
        %mul3A_1218 = arith.constant 16 : i32
        %mul3A_1219 = arith.muli %scan3A_1052, %mul3A_1218 : i32
        %add3A_1220 = arith.constant 11 : i32
        %add3A_1221 = arith.addi %mul3A_1219, %add3A_1220 : i32
        %mul3A_1222 = arith.constant 16 : i32
        %mul3A_1223 = arith.muli %add3A_1221, %mul3A_1222 : i32
        %add3A_1224 = arith.addi %mul3A_31, %mul3A_1223 : i32
        %get3A_1225 = arith.index_cast %add3A_1224 : i32 to index
        %get3A_1226 = tpu.vector_load %arg5[%get3A_1225] {strides = array<i32>} : memref<65536xi32, #tpu.memory_space<vmem>>, vector<16xi32>,
        %shift_right_arithmetic3A_1227 = arith.constant 24 : i32
        %shift_right_arithmetic3A_1228 = vector.broadcast %shift_right_arithmetic3A_1227 : i32 to vector<16xi32>
        %shift_right_arithmetic3A_1229 = arith.shrsi %get3A_1226, %shift_right_arithmetic3A_1228 : vector<16xi32>
        %and3A_1230 = arith.constant 255 : i32
        %and3A_1231 = vector.broadcast %and3A_1230 : i32 to vector<16xi32>
        %and3A_1232 = arith.andi %shift_right_arithmetic3A_1229, %and3A_1231 : vector<16xi32>
        tpu.vector_store_idx %arg6[%and3A_1232], %broadcast_in_dim3A_4 {add = true} : memref<256xi32, #tpu.memory_space<vmem>>[vector<16xi32>], vector<16xi32>,
        %mul3A_1233 = arith.constant 16 : i32
        %mul3A_1234 = arith.muli %scan3A_1052, %mul3A_1233 : i32
        %add3A_1235 = arith.constant 12 : i32
        %add3A_1236 = arith.addi %mul3A_1234, %add3A_1235 : i32
        %mul3A_1237 = arith.constant 16 : i32
        %mul3A_1238 = arith.muli %add3A_1236, %mul3A_1237 : i32
        %add3A_1239 = arith.addi %mul3A_31, %mul3A_1238 : i32
        %get3A_1240 = arith.index_cast %add3A_1239 : i32 to index
        %get3A_1241 = tpu.vector_load %arg5[%get3A_1240] {strides = array<i32>} : memref<65536xi32, #tpu.memory_space<vmem>>, vector<16xi32>,
        %shift_right_arithmetic3A_1242 = arith.constant 24 : i32
        %shift_right_arithmetic3A_1243 = vector.broadcast %shift_right_arithmetic3A_1242 : i32 to vector<16xi32>
        %shift_right_arithmetic3A_1244 = arith.shrsi %get3A_1241, %shift_right_arithmetic3A_1243 : vector<16xi32>
        %and3A_1245 = arith.constant 255 : i32
        %and3A_1246 = vector.broadcast %and3A_1245 : i32 to vector<16xi32>
        %and3A_1247 = arith.andi %shift_right_arithmetic3A_1244, %and3A_1246 : vector<16xi32>
        tpu.vector_store_idx %arg6[%and3A_1247], %broadcast_in_dim3A_4 {add = true} : memref<256xi32, #tpu.memory_space<vmem>>[vector<16xi32>], vector<16xi32>,
        %mul3A_1248 = arith.constant 16 : i32
        %mul3A_1249 = arith.muli %scan3A_1052, %mul3A_1248 : i32
        %add3A_1250 = arith.constant 13 : i32
        %add3A_1251 = arith.addi %mul3A_1249, %add3A_1250 : i32
        %mul3A_1252 = arith.constant 16 : i32
        %mul3A_1253 = arith.muli %add3A_1251, %mul3A_1252 : i32
        %add3A_1254 = arith.addi %mul3A_31, %mul3A_1253 : i32
        %get3A_1255 = arith.index_cast %add3A_1254 : i32 to index
        %get3A_1256 = tpu.vector_load %arg5[%get3A_1255] {strides = array<i32>} : memref<65536xi32, #tpu.memory_space<vmem>>, vector<16xi32>,
        %shift_right_arithmetic3A_1257 = arith.constant 24 : i32
        %shift_right_arithmetic3A_1258 = vector.broadcast %shift_right_arithmetic3A_1257 : i32 to vector<16xi32>
        %shift_right_arithmetic3A_1259 = arith.shrsi %get3A_1256, %shift_right_arithmetic3A_1258 : vector<16xi32>
        %and3A_1260 = arith.constant 255 : i32
        %and3A_1261 = vector.broadcast %and3A_1260 : i32 to vector<16xi32>
        %and3A_1262 = arith.andi %shift_right_arithmetic3A_1259, %and3A_1261 : vector<16xi32>
        tpu.vector_store_idx %arg6[%and3A_1262], %broadcast_in_dim3A_4 {add = true} : memref<256xi32, #tpu.memory_space<vmem>>[vector<16xi32>], vector<16xi32>,
        %mul3A_1263 = arith.constant 16 : i32
        %mul3A_1264 = arith.muli %scan3A_1052, %mul3A_1263 : i32
        %add3A_1265 = arith.constant 14 : i32
        %add3A_1266 = arith.addi %mul3A_1264, %add3A_1265 : i32
        %mul3A_1267 = arith.constant 16 : i32
        %mul3A_1268 = arith.muli %add3A_1266, %mul3A_1267 : i32
        %add3A_1269 = arith.addi %mul3A_31, %mul3A_1268 : i32
        %get3A_1270 = arith.index_cast %add3A_1269 : i32 to index
        %get3A_1271 = tpu.vector_load %arg5[%get3A_1270] {strides = array<i32>} : memref<65536xi32, #tpu.memory_space<vmem>>, vector<16xi32>,
        %shift_right_arithmetic3A_1272 = arith.constant 24 : i32
        %shift_right_arithmetic3A_1273 = vector.broadcast %shift_right_arithmetic3A_1272 : i32 to vector<16xi32>
        %shift_right_arithmetic3A_1274 = arith.shrsi %get3A_1271, %shift_right_arithmetic3A_1273 : vector<16xi32>
        %and3A_1275 = arith.constant 255 : i32
        %and3A_1276 = vector.broadcast %and3A_1275 : i32 to vector<16xi32>
        %and3A_1277 = arith.andi %shift_right_arithmetic3A_1274, %and3A_1276 : vector<16xi32>
        tpu.vector_store_idx %arg6[%and3A_1277], %broadcast_in_dim3A_4 {add = true} : memref<256xi32, #tpu.memory_space<vmem>>[vector<16xi32>], vector<16xi32>,
        %mul3A_1278 = arith.constant 16 : i32
        %mul3A_1279 = arith.muli %scan3A_1052, %mul3A_1278 : i32
        %add3A_1280 = arith.constant 15 : i32
        %add3A_1281 = arith.addi %mul3A_1279, %add3A_1280 : i32
        %mul3A_1282 = arith.constant 16 : i32
        %mul3A_1283 = arith.muli %add3A_1281, %mul3A_1282 : i32
        %add3A_1284 = arith.addi %mul3A_31, %mul3A_1283 : i32
        %get3A_1285 = arith.index_cast %add3A_1284 : i32 to index
        %get3A_1286 = tpu.vector_load %arg5[%get3A_1285] {strides = array<i32>} : memref<65536xi32, #tpu.memory_space<vmem>>, vector<16xi32>,
        %shift_right_arithmetic3A_1287 = arith.constant 24 : i32
        %shift_right_arithmetic3A_1288 = vector.broadcast %shift_right_arithmetic3A_1287 : i32 to vector<16xi32>
        %shift_right_arithmetic3A_1289 = arith.shrsi %get3A_1286, %shift_right_arithmetic3A_1288 : vector<16xi32>
        %and3A_1290 = arith.constant 255 : i32
        %and3A_1291 = vector.broadcast %and3A_1290 : i32 to vector<16xi32>
        %and3A_1292 = arith.andi %shift_right_arithmetic3A_1289, %and3A_1291 : vector<16xi32>
        tpu.vector_store_idx %arg6[%and3A_1292], %broadcast_in_dim3A_4 {add = true} : memref<256xi32, #tpu.memory_space<vmem>>[vector<16xi32>], vector<16xi32>,
        %scan3A_1293 = arith.constant 0 : i32
        scf.yield %scan3A_1293 : i32
      }
      %scan3A_69 = arith.constant 8 : i32
      %broadcast_in_dim3A_70 = vector.broadcast %squeeze3A : i32 to vector<16xi32>
      %mul3A_71 = arith.constant 16 : i32
      %mul3A_72 = vector.broadcast %mul3A_71 : i32 to vector<16xi32>
      %mul3A_73 = arith.muli %iota3A, %mul3A_72 : vector<16xi32>
      %gather3A = tpu.vector_load_idx %arg6[%mul3A_73] : memref<256xi32, #tpu.memory_space<vmem>>[vector<16xi32>], vector<16xi32>,
      %mul3A_74 = arith.constant 16 : i32
      %mul3A_75 = vector.broadcast %mul3A_74 : i32 to vector<16xi32>
      %mul3A_76 = arith.muli %iota3A, %mul3A_75 : vector<16xi32>
      %add3A_77 = arith.constant 1 : i32
      %add3A_78 = vector.broadcast %add3A_77 : i32 to vector<16xi32>
      %add3A_79 = arith.addi %mul3A_76, %add3A_78 : vector<16xi32>
      %gather3A_80 = tpu.vector_load_idx %arg6[%add3A_79] : memref<256xi32, #tpu.memory_space<vmem>>[vector<16xi32>], vector<16xi32>,
      %add3A_81 = arith.addi %gather3A, %gather3A_80 : vector<16xi32>
      %mul3A_82 = arith.constant 16 : i32
      %mul3A_83 = vector.broadcast %mul3A_82 : i32 to vector<16xi32>
      %mul3A_84 = arith.muli %iota3A, %mul3A_83 : vector<16xi32>
      %add3A_85 = arith.constant 2 : i32
      %add3A_86 = vector.broadcast %add3A_85 : i32 to vector<16xi32>
      %add3A_87 = arith.addi %mul3A_84, %add3A_86 : vector<16xi32>
      %gather3A_88 = tpu.vector_load_idx %arg6[%add3A_87] : memref<256xi32, #tpu.memory_space<vmem>>[vector<16xi32>], vector<16xi32>,
      %add3A_89 = arith.addi %add3A_81, %gather3A_88 : vector<16xi32>
      %mul3A_90 = arith.constant 16 : i32
      %mul3A_91 = vector.broadcast %mul3A_90 : i32 to vector<16xi32>
      %mul3A_92 = arith.muli %iota3A, %mul3A_91 : vector<16xi32>
      %add3A_93 = arith.constant 3 : i32
      %add3A_94 = vector.broadcast %add3A_93 : i32 to vector<16xi32>
      %add3A_95 = arith.addi %mul3A_92, %add3A_94 : vector<16xi32>
      %gather3A_96 = tpu.vector_load_idx %arg6[%add3A_95] : memref<256xi32, #tpu.memory_space<vmem>>[vector<16xi32>], vector<16xi32>,
      %add3A_97 = arith.addi %add3A_89, %gather3A_96 : vector<16xi32>
      %mul3A_98 = arith.constant 16 : i32
      %mul3A_99 = vector.broadcast %mul3A_98 : i32 to vector<16xi32>
      %mul3A_100 = arith.muli %iota3A, %mul3A_99 : vector<16xi32>
      %add3A_101 = arith.constant 4 : i32
      %add3A_102 = vector.broadcast %add3A_101 : i32 to vector<16xi32>
      %add3A_103 = arith.addi %mul3A_100, %add3A_102 : vector<16xi32>
      %gather3A_104 = tpu.vector_load_idx %arg6[%add3A_103] : memref<256xi32, #tpu.memory_space<vmem>>[vector<16xi32>], vector<16xi32>,
      %add3A_105 = arith.addi %add3A_97, %gather3A_104 : vector<16xi32>
      %mul3A_106 = arith.constant 16 : i32
      %mul3A_107 = vector.broadcast %mul3A_106 : i32 to vector<16xi32>
      %mul3A_108 = arith.muli %iota3A, %mul3A_107 : vector<16xi32>
      %add3A_109 = arith.constant 5 : i32
      %add3A_110 = vector.broadcast %add3A_109 : i32 to vector<16xi32>
      %add3A_111 = arith.addi %mul3A_108, %add3A_110 : vector<16xi32>
      %gather3A_112 = tpu.vector_load_idx %arg6[%add3A_111] : memref<256xi32, #tpu.memory_space<vmem>>[vector<16xi32>], vector<16xi32>,
      %add3A_113 = arith.addi %add3A_105, %gather3A_112 : vector<16xi32>
      %mul3A_114 = arith.constant 16 : i32
      %mul3A_115 = vector.broadcast %mul3A_114 : i32 to vector<16xi32>
      %mul3A_116 = arith.muli %iota3A, %mul3A_115 : vector<16xi32>
      %add3A_117 = arith.constant 6 : i32
      %add3A_118 = vector.broadcast %add3A_117 : i32 to vector<16xi32>
      %add3A_119 = arith.addi %mul3A_116, %add3A_118 : vector<16xi32>
      %gather3A_120 = tpu.vector_load_idx %arg6[%add3A_119] : memref<256xi32, #tpu.memory_space<vmem>>[vector<16xi32>], vector<16xi32>,
      %add3A_121 = arith.addi %add3A_113, %gather3A_120 : vector<16xi32>
      %mul3A_122 = arith.constant 16 : i32
      %mul3A_123 = vector.broadcast %mul3A_122 : i32 to vector<16xi32>
      %mul3A_124 = arith.muli %iota3A, %mul3A_123 : vector<16xi32>
      %add3A_125 = arith.constant 7 : i32
      %add3A_126 = vector.broadcast %add3A_125 : i32 to vector<16xi32>
      %add3A_127 = arith.addi %mul3A_124, %add3A_126 : vector<16xi32>
      %gather3A_128 = tpu.vector_load_idx %arg6[%add3A_127] : memref<256xi32, #tpu.memory_space<vmem>>[vector<16xi32>], vector<16xi32>,
      %add3A_129 = arith.addi %add3A_121, %gather3A_128 : vector<16xi32>
      %mul3A_130 = arith.constant 16 : i32
      %mul3A_131 = vector.broadcast %mul3A_130 : i32 to vector<16xi32>
      %mul3A_132 = arith.muli %iota3A, %mul3A_131 : vector<16xi32>
      %add3A_133 = arith.constant 8 : i32
      %add3A_134 = vector.broadcast %add3A_133 : i32 to vector<16xi32>
      %add3A_135 = arith.addi %mul3A_132, %add3A_134 : vector<16xi32>
      %gather3A_136 = tpu.vector_load_idx %arg6[%add3A_135] : memref<256xi32, #tpu.memory_space<vmem>>[vector<16xi32>], vector<16xi32>,
      %add3A_137 = arith.addi %add3A_129, %gather3A_136 : vector<16xi32>
      %mul3A_138 = arith.constant 16 : i32
      %mul3A_139 = vector.broadcast %mul3A_138 : i32 to vector<16xi32>
      %mul3A_140 = arith.muli %iota3A, %mul3A_139 : vector<16xi32>
      %add3A_141 = arith.constant 9 : i32
      %add3A_142 = vector.broadcast %add3A_141 : i32 to vector<16xi32>
      %add3A_143 = arith.addi %mul3A_140, %add3A_142 : vector<16xi32>
      %gather3A_144 = tpu.vector_load_idx %arg6[%add3A_143] : memref<256xi32, #tpu.memory_space<vmem>>[vector<16xi32>], vector<16xi32>,
      %add3A_145 = arith.addi %add3A_137, %gather3A_144 : vector<16xi32>
      %mul3A_146 = arith.constant 16 : i32
      %mul3A_147 = vector.broadcast %mul3A_146 : i32 to vector<16xi32>
      %mul3A_148 = arith.muli %iota3A, %mul3A_147 : vector<16xi32>
      %add3A_149 = arith.constant 10 : i32
      %add3A_150 = vector.broadcast %add3A_149 : i32 to vector<16xi32>
      %add3A_151 = arith.addi %mul3A_148, %add3A_150 : vector<16xi32>
      %gather3A_152 = tpu.vector_load_idx %arg6[%add3A_151] : memref<256xi32, #tpu.memory_space<vmem>>[vector<16xi32>], vector<16xi32>,
      %add3A_153 = arith.addi %add3A_145, %gather3A_152 : vector<16xi32>
      %mul3A_154 = arith.constant 16 : i32
      %mul3A_155 = vector.broadcast %mul3A_154 : i32 to vector<16xi32>
      %mul3A_156 = arith.muli %iota3A, %mul3A_155 : vector<16xi32>
      %add3A_157 = arith.constant 11 : i32
      %add3A_158 = vector.broadcast %add3A_157 : i32 to vector<16xi32>
      %add3A_159 = arith.addi %mul3A_156, %add3A_158 : vector<16xi32>
      %gather3A_160 = tpu.vector_load_idx %arg6[%add3A_159] : memref<256xi32, #tpu.memory_space<vmem>>[vector<16xi32>], vector<16xi32>,
      %add3A_161 = arith.addi %add3A_153, %gather3A_160 : vector<16xi32>
      %mul3A_162 = arith.constant 16 : i32
      %mul3A_163 = vector.broadcast %mul3A_162 : i32 to vector<16xi32>
      %mul3A_164 = arith.muli %iota3A, %mul3A_163 : vector<16xi32>
      %add3A_165 = arith.constant 12 : i32
      %add3A_166 = vector.broadcast %add3A_165 : i32 to vector<16xi32>
      %add3A_167 = arith.addi %mul3A_164, %add3A_166 : vector<16xi32>
      %gather3A_168 = tpu.vector_load_idx %arg6[%add3A_167] : memref<256xi32, #tpu.memory_space<vmem>>[vector<16xi32>], vector<16xi32>,
      %add3A_169 = arith.addi %add3A_161, %gather3A_168 : vector<16xi32>
      %mul3A_170 = arith.constant 16 : i32
      %mul3A_171 = vector.broadcast %mul3A_170 : i32 to vector<16xi32>
      %mul3A_172 = arith.muli %iota3A, %mul3A_171 : vector<16xi32>
      %add3A_173 = arith.constant 13 : i32
      %add3A_174 = vector.broadcast %add3A_173 : i32 to vector<16xi32>
      %add3A_175 = arith.addi %mul3A_172, %add3A_174 : vector<16xi32>
      %gather3A_176 = tpu.vector_load_idx %arg6[%add3A_175] : memref<256xi32, #tpu.memory_space<vmem>>[vector<16xi32>], vector<16xi32>,
      %add3A_177 = arith.addi %add3A_169, %gather3A_176 : vector<16xi32>
      %mul3A_178 = arith.constant 16 : i32
      %mul3A_179 = vector.broadcast %mul3A_178 : i32 to vector<16xi32>
      %mul3A_180 = arith.muli %iota3A, %mul3A_179 : vector<16xi32>
      %add3A_181 = arith.constant 14 : i32
      %add3A_182 = vector.broadcast %add3A_181 : i32 to vector<16xi32>
      %add3A_183 = arith.addi %mul3A_180, %add3A_182 : vector<16xi32>
      %gather3A_184 = tpu.vector_load_idx %arg6[%add3A_183] : memref<256xi32, #tpu.memory_space<vmem>>[vector<16xi32>], vector<16xi32>,
      %add3A_185 = arith.addi %add3A_177, %gather3A_184 : vector<16xi32>
      %mul3A_186 = arith.constant 16 : i32
      %mul3A_187 = vector.broadcast %mul3A_186 : i32 to vector<16xi32>
      %mul3A_188 = arith.muli %iota3A, %mul3A_187 : vector<16xi32>
      %add3A_189 = arith.constant 15 : i32
      %add3A_190 = vector.broadcast %add3A_189 : i32 to vector<16xi32>
      %add3A_191 = arith.addi %mul3A_188, %add3A_190 : vector<16xi32>
      %gather3A_192 = tpu.vector_load_idx %arg6[%add3A_191] : memref<256xi32, #tpu.memory_space<vmem>>[vector<16xi32>], vector<16xi32>,
      %add3A_193 = arith.addi %add3A_185, %gather3A_192 : vector<16xi32>
      %rev3A = arith.constant 15 : i32
      %rev3A_194 = vector.broadcast %rev3A : i32 to vector<16xi32>
      %rev3A_195 = tpu.iota {dimensions = array<i32: 0>} : vector<16xi32>
      %rev3A_196 = arith.subi %rev3A_194, %rev3A_195 : vector<16xi32>
      %rev3A_197 = tpu.dynamic_gather %add3A_193[%rev3A_196] in [0] : vector<16xi32>, vector<16xi32> -> vector<16xi32>
      %broadcast_in_dim3A_198 = arith.constant true
      %broadcast_in_dim3A_199 = vector.broadcast %broadcast_in_dim3A_198 : i1 to vector<16xi1>
      %masked_cumsum3A = tpu.scan <sum>, %rev3A_197 masked %broadcast_in_dim3A_199 : vector<16xi32>, vector<16xi1> -> vector<16xi32>
      %rev3A_200 = arith.constant 15 : i32
      %rev3A_201 = vector.broadcast %rev3A_200 : i32 to vector<16xi32>
      %rev3A_202 = tpu.iota {dimensions = array<i32: 0>} : vector<16xi32>
      %rev3A_203 = arith.subi %rev3A_201, %rev3A_202 : vector<16xi32>
      %rev3A_204 = tpu.dynamic_gather %masked_cumsum3A[%rev3A_203] in [0] : vector<16xi32>, vector<16xi32> -> vector<16xi32>
      %ge3A = arith.cmpi sge, %rev3A_204, %broadcast_in_dim3A_70 : vector<16xi32>
      %all_reduce_population_count3A = tpu.all_reduce %ge3A {dim = 0 : i64, kind = #tpu.reduction_kind<sum>} : vector<16xi1> -> vector<16xi32>
      %swap3A_205 = arith.constant 0 : index
      %swap3A_206 = tpu.vector_load %arg7[%swap3A_205] {strides = array<i32>} : memref<16xi32, #tpu.memory_space<vmem>>, vector<16xi32>,
      tpu.vector_store %arg7[%swap3A_205], %rev3A_204 {strides = array<i32>} : memref<16xi32, #tpu.memory_space<vmem>>, vector<16xi32>,
      %min3A = arith.constant 15 : i32
      %min3A_207 = vector.broadcast %min3A : i32 to vector<16xi32>
      %min3A_208 = arith.minsi %all_reduce_population_count3A, %min3A_207 : vector<16xi32>
      %gather3A_209 = tpu.vector_load_idx %arg7[%min3A_208] : memref<16xi32, #tpu.memory_space<vmem>>[vector<16xi32>], vector<16xi32>,
      %ge3A_210 = arith.constant 16 : i32
      %ge3A_211 = vector.broadcast %ge3A_210 : i32 to vector<16xi32>
      %ge3A_212 = arith.cmpi sge, %all_reduce_population_count3A, %ge3A_211 : vector<16xi32>
      %jit3A = arith.constant 0 : i32
      %broadcast_in_dim3A_213 = vector.broadcast %jit3A : i32 to vector<16xi32>
      %select_n3A = arith.select %ge3A_212, %broadcast_in_dim3A_213, %gather3A_209 : vector<16xi1>, vector<16xi32>
      %sub3A = arith.subi %broadcast_in_dim3A_70, %select_n3A : vector<16xi32>
      %sub3A_214 = arith.constant 1 : i32
      %sub3A_215 = vector.broadcast %sub3A_214 : i32 to vector<16xi32>
      %sub3A_216 = arith.subi %all_reduce_population_count3A, %sub3A_215 : vector<16xi32>
      %mul3A_217 = arith.constant 16 : i32
      %mul3A_218 = vector.broadcast %mul3A_217 : i32 to vector<16xi32>
      %mul3A_219 = arith.muli %sub3A_216, %mul3A_218 : vector<16xi32>
      %add3A_220 = arith.addi %mul3A_219, %iota3A : vector<16xi32>
      %gather3A_221 = tpu.vector_load_idx %arg6[%add3A_220] : memref<256xi32, #tpu.memory_space<vmem>>[vector<16xi32>], vector<16xi32>,
      %rev3A_222 = arith.constant 15 : i32
      %rev3A_223 = vector.broadcast %rev3A_222 : i32 to vector<16xi32>
      %rev3A_224 = tpu.iota {dimensions = array<i32: 0>} : vector<16xi32>
      %rev3A_225 = arith.subi %rev3A_223, %rev3A_224 : vector<16xi32>
      %rev3A_226 = tpu.dynamic_gather %gather3A_221[%rev3A_225] in [0] : vector<16xi32>, vector<16xi32> -> vector<16xi32>
      %broadcast_in_dim3A_227 = arith.constant true
      %broadcast_in_dim3A_228 = vector.broadcast %broadcast_in_dim3A_227 : i1 to vector<16xi1>
      %masked_cumsum3A_229 = tpu.scan <sum>, %rev3A_226 masked %broadcast_in_dim3A_228 : vector<16xi32>, vector<16xi1> -> vector<16xi32>
      %rev3A_230 = arith.constant 15 : i32
      %rev3A_231 = vector.broadcast %rev3A_230 : i32 to vector<16xi32>
      %rev3A_232 = tpu.iota {dimensions = array<i32: 0>} : vector<16xi32>
      %rev3A_233 = arith.subi %rev3A_231, %rev3A_232 : vector<16xi32>
      %rev3A_234 = tpu.dynamic_gather %masked_cumsum3A_229[%rev3A_233] in [0] : vector<16xi32>, vector<16xi32> -> vector<16xi32>
      %ge3A_235 = arith.cmpi sge, %rev3A_234, %sub3A : vector<16xi32>
      %all_reduce_population_count3A_236 = tpu.all_reduce %ge3A_235 {dim = 0 : i64, kind = #tpu.reduction_kind<sum>} : vector<16xi1> -> vector<16xi32>
      %swap3A_237 = arith.constant 0 : index
      %swap3A_238 = tpu.vector_load %arg7[%swap3A_237] {strides = array<i32>} : memref<16xi32, #tpu.memory_space<vmem>>, vector<16xi32>,
      tpu.vector_store %arg7[%swap3A_237], %rev3A_234 {strides = array<i32>} : memref<16xi32, #tpu.memory_space<vmem>>, vector<16xi32>,
      %min3A_239 = arith.constant 15 : i32
      %min3A_240 = vector.broadcast %min3A_239 : i32 to vector<16xi32>
      %min3A_241 = arith.minsi %all_reduce_population_count3A_236, %min3A_240 : vector<16xi32>
      %gather3A_242 = tpu.vector_load_idx %arg7[%min3A_241] : memref<16xi32, #tpu.memory_space<vmem>>[vector<16xi32>], vector<16xi32>,
      %ge3A_243 = arith.constant 16 : i32
      %ge3A_244 = vector.broadcast %ge3A_243 : i32 to vector<16xi32>
      %ge3A_245 = arith.cmpi sge, %all_reduce_population_count3A_236, %ge3A_244 : vector<16xi32>
      %jit3A_246 = arith.constant 0 : i32
      %broadcast_in_dim3A_247 = vector.broadcast %jit3A_246 : i32 to vector<16xi32>
      %select_n3A_248 = arith.select %ge3A_245, %broadcast_in_dim3A_247, %gather3A_242 : vector<16xi1>, vector<16xi32>
      %sub3A_249 = arith.subi %sub3A, %select_n3A_248 : vector<16xi32>
      %sub3A_250 = arith.constant 1 : i32
      %sub3A_251 = vector.broadcast %sub3A_250 : i32 to vector<16xi32>
      %sub3A_252 = arith.subi %all_reduce_population_count3A, %sub3A_251 : vector<16xi32>
      %mul3A_253 = arith.constant 16 : i32
      %mul3A_254 = vector.broadcast %mul3A_253 : i32 to vector<16xi32>
      %mul3A_255 = arith.muli %sub3A_252, %mul3A_254 : vector<16xi32>
      %sub3A_256 = arith.constant 1 : i32
      %sub3A_257 = vector.broadcast %sub3A_256 : i32 to vector<16xi32>
      %sub3A_258 = arith.subi %all_reduce_population_count3A_236, %sub3A_257 : vector<16xi32>
      %add3A_259 = arith.addi %mul3A_255, %sub3A_258 : vector<16xi32>
      %shift_left3A = arith.constant 24 : i32
      %shift_left3A_260 = vector.broadcast %shift_left3A : i32 to vector<16xi32>
      %shift_left3A_261 = arith.shli %add3A_259, %shift_left3A_260 : vector<16xi32>
      %scan3A_262 = arith.constant 0 : i32
      %scan3A_263 = arith.constant 8 : i32
      %scan3A_264 = arith.addi %scan3A_262, %scan3A_263 : i32
      %scan3A_265 = arith.constant 1 : i32
      %scan3A_266 = scf.for %scan3A_1052 = %scan3A_262 to %scan3A_264 step %scan3A_265 iter_args(%scan3A_1053 = %broadcast_in_dim3A_6) -> (vector<16xi32>)  : i32 {
        %mul3A_1054 = arith.constant 16 : i32
        %mul3A_1055 = arith.muli %scan3A_1052, %mul3A_1054 : i32
        %add3A_1056 = arith.constant 0 : i32
        %add3A_1057 = arith.addi %mul3A_1055, %add3A_1056 : i32
        %mul3A_1058 = arith.constant 16 : i32
        %mul3A_1059 = arith.muli %add3A_1057, %mul3A_1058 : i32
        %add3A_1060 = arith.addi %mul3A_31, %mul3A_1059 : i32
        %get3A_1061 = arith.index_cast %add3A_1060 : i32 to index
        %get3A_1062 = tpu.vector_load %arg5[%get3A_1061] {strides = array<i32>} : memref<65536xi32, #tpu.memory_space<vmem>>, vector<16xi32>,
        %shift_right_arithmetic3A_1063 = arith.constant 24 : i32
        %shift_right_arithmetic3A_1064 = vector.broadcast %shift_right_arithmetic3A_1063 : i32 to vector<16xi32>
        %shift_right_arithmetic3A_1065 = arith.shrsi %get3A_1062, %shift_right_arithmetic3A_1064 : vector<16xi32>
        %and3A = arith.constant 255 : i32
        %and3A_1066 = vector.broadcast %and3A : i32 to vector<16xi32>
        %and3A_1067 = arith.andi %shift_right_arithmetic3A_1065, %and3A_1066 : vector<16xi32>
        %eq3A_1068 = arith.cmpi eq, %and3A_1067, %add3A_259 : vector<16xi32>
        %convert_element_type3A = arith.extui %eq3A_1068 : vector<16xi1> to vector<16xi32>
        %broadcast_in_dim3A_1069 = arith.constant true
        %broadcast_in_dim3A_1070 = vector.broadcast %broadcast_in_dim3A_1069 : i1 to vector<16xi1>
        %masked_cumsum3A_1071 = tpu.scan <sum>, %convert_element_type3A masked %broadcast_in_dim3A_1070 : vector<16xi32>, vector<16xi1> -> vector<16xi32>
        %add3A_1072 = arith.addi %scan3A_1053, %masked_cumsum3A_1071 : vector<16xi32>
        %sub3A_1073 = arith.constant 1 : i32
        %sub3A_1074 = vector.broadcast %sub3A_1073 : i32 to vector<16xi32>
        %sub3A_1075 = arith.subi %add3A_1072, %sub3A_1074 : vector<16xi32>
        tpu.vector_store_idx %arg10[%sub3A_1075], %get3A_1062 masked %eq3A_1068 : memref<2048xi32, #tpu.memory_space<vmem>>[vector<16xi32>], vector<16xi32>, vector<16xi1>
        %all_reduce_population_count3A_1076 = tpu.all_reduce %eq3A_1068 {dim = 0 : i64, kind = #tpu.reduction_kind<sum>} : vector<16xi1> -> vector<16xi32>
        %add3A_1077 = arith.addi %scan3A_1053, %all_reduce_population_count3A_1076 : vector<16xi32>
        %mul3A_1078 = arith.constant 16 : i32
        %mul3A_1079 = arith.muli %scan3A_1052, %mul3A_1078 : i32
        %add3A_1080 = arith.constant 1 : i32
        %add3A_1081 = arith.addi %mul3A_1079, %add3A_1080 : i32
        %mul3A_1082 = arith.constant 16 : i32
        %mul3A_1083 = arith.muli %add3A_1081, %mul3A_1082 : i32
        %add3A_1084 = arith.addi %mul3A_31, %mul3A_1083 : i32
        %get3A_1085 = arith.index_cast %add3A_1084 : i32 to index
        %get3A_1086 = tpu.vector_load %arg5[%get3A_1085] {strides = array<i32>} : memref<65536xi32, #tpu.memory_space<vmem>>, vector<16xi32>,
        %shift_right_arithmetic3A_1087 = arith.constant 24 : i32
        %shift_right_arithmetic3A_1088 = vector.broadcast %shift_right_arithmetic3A_1087 : i32 to vector<16xi32>
        %shift_right_arithmetic3A_1089 = arith.shrsi %get3A_1086, %shift_right_arithmetic3A_1088 : vector<16xi32>
        %and3A_1090 = arith.constant 255 : i32
        %and3A_1091 = vector.broadcast %and3A_1090 : i32 to vector<16xi32>
        %and3A_1092 = arith.andi %shift_right_arithmetic3A_1089, %and3A_1091 : vector<16xi32>
        %eq3A_1093 = arith.cmpi eq, %and3A_1092, %add3A_259 : vector<16xi32>
        %convert_element_type3A_1094 = arith.extui %eq3A_1093 : vector<16xi1> to vector<16xi32>
        %broadcast_in_dim3A_1095 = arith.constant true
        %broadcast_in_dim3A_1096 = vector.broadcast %broadcast_in_dim3A_1095 : i1 to vector<16xi1>
        %masked_cumsum3A_1097 = tpu.scan <sum>, %convert_element_type3A_1094 masked %broadcast_in_dim3A_1096 : vector<16xi32>, vector<16xi1> -> vector<16xi32>
        %add3A_1098 = arith.addi %add3A_1077, %masked_cumsum3A_1097 : vector<16xi32>
        %sub3A_1099 = arith.constant 1 : i32
        %sub3A_1100 = vector.broadcast %sub3A_1099 : i32 to vector<16xi32>
        %sub3A_1101 = arith.subi %add3A_1098, %sub3A_1100 : vector<16xi32>
        tpu.vector_store_idx %arg10[%sub3A_1101], %get3A_1086 masked %eq3A_1093 : memref<2048xi32, #tpu.memory_space<vmem>>[vector<16xi32>], vector<16xi32>, vector<16xi1>
        %all_reduce_population_count3A_1102 = tpu.all_reduce %eq3A_1093 {dim = 0 : i64, kind = #tpu.reduction_kind<sum>} : vector<16xi1> -> vector<16xi32>
        %add3A_1103 = arith.addi %add3A_1077, %all_reduce_population_count3A_1102 : vector<16xi32>
        %mul3A_1104 = arith.constant 16 : i32
        %mul3A_1105 = arith.muli %scan3A_1052, %mul3A_1104 : i32
        %add3A_1106 = arith.constant 2 : i32
        %add3A_1107 = arith.addi %mul3A_1105, %add3A_1106 : i32
        %mul3A_1108 = arith.constant 16 : i32
        %mul3A_1109 = arith.muli %add3A_1107, %mul3A_1108 : i32
        %add3A_1110 = arith.addi %mul3A_31, %mul3A_1109 : i32
        %get3A_1111 = arith.index_cast %add3A_1110 : i32 to index
        %get3A_1112 = tpu.vector_load %arg5[%get3A_1111] {strides = array<i32>} : memref<65536xi32, #tpu.memory_space<vmem>>, vector<16xi32>,
        %shift_right_arithmetic3A_1113 = arith.constant 24 : i32
        %shift_right_arithmetic3A_1114 = vector.broadcast %shift_right_arithmetic3A_1113 : i32 to vector<16xi32>
        %shift_right_arithmetic3A_1115 = arith.shrsi %get3A_1112, %shift_right_arithmetic3A_1114 : vector<16xi32>
        %and3A_1116 = arith.constant 255 : i32
        %and3A_1117 = vector.broadcast %and3A_1116 : i32 to vector<16xi32>
        %and3A_1118 = arith.andi %shift_right_arithmetic3A_1115, %and3A_1117 : vector<16xi32>
        %eq3A_1119 = arith.cmpi eq, %and3A_1118, %add3A_259 : vector<16xi32>
        %convert_element_type3A_1120 = arith.extui %eq3A_1119 : vector<16xi1> to vector<16xi32>
        %broadcast_in_dim3A_1121 = arith.constant true
        %broadcast_in_dim3A_1122 = vector.broadcast %broadcast_in_dim3A_1121 : i1 to vector<16xi1>
        %masked_cumsum3A_1123 = tpu.scan <sum>, %convert_element_type3A_1120 masked %broadcast_in_dim3A_1122 : vector<16xi32>, vector<16xi1> -> vector<16xi32>
        %add3A_1124 = arith.addi %add3A_1103, %masked_cumsum3A_1123 : vector<16xi32>
        %sub3A_1125 = arith.constant 1 : i32
        %sub3A_1126 = vector.broadcast %sub3A_1125 : i32 to vector<16xi32>
        %sub3A_1127 = arith.subi %add3A_1124, %sub3A_1126 : vector<16xi32>
        tpu.vector_store_idx %arg10[%sub3A_1127], %get3A_1112 masked %eq3A_1119 : memref<2048xi32, #tpu.memory_space<vmem>>[vector<16xi32>], vector<16xi32>, vector<16xi1>
        %all_reduce_population_count3A_1128 = tpu.all_reduce %eq3A_1119 {dim = 0 : i64, kind = #tpu.reduction_kind<sum>} : vector<16xi1> -> vector<16xi32>
        %add3A_1129 = arith.addi %add3A_1103, %all_reduce_population_count3A_1128 : vector<16xi32>
        %mul3A_1130 = arith.constant 16 : i32
        %mul3A_1131 = arith.muli %scan3A_1052, %mul3A_1130 : i32
        %add3A_1132 = arith.constant 3 : i32
        %add3A_1133 = arith.addi %mul3A_1131, %add3A_1132 : i32
        %mul3A_1134 = arith.constant 16 : i32
        %mul3A_1135 = arith.muli %add3A_1133, %mul3A_1134 : i32
        %add3A_1136 = arith.addi %mul3A_31, %mul3A_1135 : i32
        %get3A_1137 = arith.index_cast %add3A_1136 : i32 to index
        %get3A_1138 = tpu.vector_load %arg5[%get3A_1137] {strides = array<i32>} : memref<65536xi32, #tpu.memory_space<vmem>>, vector<16xi32>,
        %shift_right_arithmetic3A_1139 = arith.constant 24 : i32
        %shift_right_arithmetic3A_1140 = vector.broadcast %shift_right_arithmetic3A_1139 : i32 to vector<16xi32>
        %shift_right_arithmetic3A_1141 = arith.shrsi %get3A_1138, %shift_right_arithmetic3A_1140 : vector<16xi32>
        %and3A_1142 = arith.constant 255 : i32
        %and3A_1143 = vector.broadcast %and3A_1142 : i32 to vector<16xi32>
        %and3A_1144 = arith.andi %shift_right_arithmetic3A_1141, %and3A_1143 : vector<16xi32>
        %eq3A_1145 = arith.cmpi eq, %and3A_1144, %add3A_259 : vector<16xi32>
        %convert_element_type3A_1146 = arith.extui %eq3A_1145 : vector<16xi1> to vector<16xi32>
        %broadcast_in_dim3A_1147 = arith.constant true
        %broadcast_in_dim3A_1148 = vector.broadcast %broadcast_in_dim3A_1147 : i1 to vector<16xi1>
        %masked_cumsum3A_1149 = tpu.scan <sum>, %convert_element_type3A_1146 masked %broadcast_in_dim3A_1148 : vector<16xi32>, vector<16xi1> -> vector<16xi32>
        %add3A_1150 = arith.addi %add3A_1129, %masked_cumsum3A_1149 : vector<16xi32>
        %sub3A_1151 = arith.constant 1 : i32
        %sub3A_1152 = vector.broadcast %sub3A_1151 : i32 to vector<16xi32>
        %sub3A_1153 = arith.subi %add3A_1150, %sub3A_1152 : vector<16xi32>
        tpu.vector_store_idx %arg10[%sub3A_1153], %get3A_1138 masked %eq3A_1145 : memref<2048xi32, #tpu.memory_space<vmem>>[vector<16xi32>], vector<16xi32>, vector<16xi1>
        %all_reduce_population_count3A_1154 = tpu.all_reduce %eq3A_1145 {dim = 0 : i64, kind = #tpu.reduction_kind<sum>} : vector<16xi1> -> vector<16xi32>
        %add3A_1155 = arith.addi %add3A_1129, %all_reduce_population_count3A_1154 : vector<16xi32>
        %mul3A_1156 = arith.constant 16 : i32
        %mul3A_1157 = arith.muli %scan3A_1052, %mul3A_1156 : i32
        %add3A_1158 = arith.constant 4 : i32
        %add3A_1159 = arith.addi %mul3A_1157, %add3A_1158 : i32
        %mul3A_1160 = arith.constant 16 : i32
        %mul3A_1161 = arith.muli %add3A_1159, %mul3A_1160 : i32
        %add3A_1162 = arith.addi %mul3A_31, %mul3A_1161 : i32
        %get3A_1163 = arith.index_cast %add3A_1162 : i32 to index
        %get3A_1164 = tpu.vector_load %arg5[%get3A_1163] {strides = array<i32>} : memref<65536xi32, #tpu.memory_space<vmem>>, vector<16xi32>,
        %shift_right_arithmetic3A_1165 = arith.constant 24 : i32
        %shift_right_arithmetic3A_1166 = vector.broadcast %shift_right_arithmetic3A_1165 : i32 to vector<16xi32>
        %shift_right_arithmetic3A_1167 = arith.shrsi %get3A_1164, %shift_right_arithmetic3A_1166 : vector<16xi32>
        %and3A_1168 = arith.constant 255 : i32
        %and3A_1169 = vector.broadcast %and3A_1168 : i32 to vector<16xi32>
        %and3A_1170 = arith.andi %shift_right_arithmetic3A_1167, %and3A_1169 : vector<16xi32>
        %eq3A_1171 = arith.cmpi eq, %and3A_1170, %add3A_259 : vector<16xi32>
        %convert_element_type3A_1172 = arith.extui %eq3A_1171 : vector<16xi1> to vector<16xi32>
        %broadcast_in_dim3A_1173 = arith.constant true
        %broadcast_in_dim3A_1174 = vector.broadcast %broadcast_in_dim3A_1173 : i1 to vector<16xi1>
        %masked_cumsum3A_1175 = tpu.scan <sum>, %convert_element_type3A_1172 masked %broadcast_in_dim3A_1174 : vector<16xi32>, vector<16xi1> -> vector<16xi32>
        %add3A_1176 = arith.addi %add3A_1155, %masked_cumsum3A_1175 : vector<16xi32>
        %sub3A_1177 = arith.constant 1 : i32
        %sub3A_1178 = vector.broadcast %sub3A_1177 : i32 to vector<16xi32>
        %sub3A_1179 = arith.subi %add3A_1176, %sub3A_1178 : vector<16xi32>
        tpu.vector_store_idx %arg10[%sub3A_1179], %get3A_1164 masked %eq3A_1171 : memref<2048xi32, #tpu.memory_space<vmem>>[vector<16xi32>], vector<16xi32>, vector<16xi1>
        %all_reduce_population_count3A_1180 = tpu.all_reduce %eq3A_1171 {dim = 0 : i64, kind = #tpu.reduction_kind<sum>} : vector<16xi1> -> vector<16xi32>
        %add3A_1181 = arith.addi %add3A_1155, %all_reduce_population_count3A_1180 : vector<16xi32>
        %mul3A_1182 = arith.constant 16 : i32
        %mul3A_1183 = arith.muli %scan3A_1052, %mul3A_1182 : i32
        %add3A_1184 = arith.constant 5 : i32
        %add3A_1185 = arith.addi %mul3A_1183, %add3A_1184 : i32
        %mul3A_1186 = arith.constant 16 : i32
        %mul3A_1187 = arith.muli %add3A_1185, %mul3A_1186 : i32
        %add3A_1188 = arith.addi %mul3A_31, %mul3A_1187 : i32
        %get3A_1189 = arith.index_cast %add3A_1188 : i32 to index
        %get3A_1190 = tpu.vector_load %arg5[%get3A_1189] {strides = array<i32>} : memref<65536xi32, #tpu.memory_space<vmem>>, vector<16xi32>,
        %shift_right_arithmetic3A_1191 = arith.constant 24 : i32
        %shift_right_arithmetic3A_1192 = vector.broadcast %shift_right_arithmetic3A_1191 : i32 to vector<16xi32>
        %shift_right_arithmetic3A_1193 = arith.shrsi %get3A_1190, %shift_right_arithmetic3A_1192 : vector<16xi32>
        %and3A_1194 = arith.constant 255 : i32
        %and3A_1195 = vector.broadcast %and3A_1194 : i32 to vector<16xi32>
        %and3A_1196 = arith.andi %shift_right_arithmetic3A_1193, %and3A_1195 : vector<16xi32>
        %eq3A_1197 = arith.cmpi eq, %and3A_1196, %add3A_259 : vector<16xi32>
        %convert_element_type3A_1198 = arith.extui %eq3A_1197 : vector<16xi1> to vector<16xi32>
        %broadcast_in_dim3A_1199 = arith.constant true
        %broadcast_in_dim3A_1200 = vector.broadcast %broadcast_in_dim3A_1199 : i1 to vector<16xi1>
        %masked_cumsum3A_1201 = tpu.scan <sum>, %convert_element_type3A_1198 masked %broadcast_in_dim3A_1200 : vector<16xi32>, vector<16xi1> -> vector<16xi32>
        %add3A_1202 = arith.addi %add3A_1181, %masked_cumsum3A_1201 : vector<16xi32>
        %sub3A_1203 = arith.constant 1 : i32
        %sub3A_1204 = vector.broadcast %sub3A_1203 : i32 to vector<16xi32>
        %sub3A_1205 = arith.subi %add3A_1202, %sub3A_1204 : vector<16xi32>
        tpu.vector_store_idx %arg10[%sub3A_1205], %get3A_1190 masked %eq3A_1197 : memref<2048xi32, #tpu.memory_space<vmem>>[vector<16xi32>], vector<16xi32>, vector<16xi1>
        %all_reduce_population_count3A_1206 = tpu.all_reduce %eq3A_1197 {dim = 0 : i64, kind = #tpu.reduction_kind<sum>} : vector<16xi1> -> vector<16xi32>
        %add3A_1207 = arith.addi %add3A_1181, %all_reduce_population_count3A_1206 : vector<16xi32>
        %mul3A_1208 = arith.constant 16 : i32
        %mul3A_1209 = arith.muli %scan3A_1052, %mul3A_1208 : i32
        %add3A_1210 = arith.constant 6 : i32
        %add3A_1211 = arith.addi %mul3A_1209, %add3A_1210 : i32
        %mul3A_1212 = arith.constant 16 : i32
        %mul3A_1213 = arith.muli %add3A_1211, %mul3A_1212 : i32
        %add3A_1214 = arith.addi %mul3A_31, %mul3A_1213 : i32
        %get3A_1215 = arith.index_cast %add3A_1214 : i32 to index
        %get3A_1216 = tpu.vector_load %arg5[%get3A_1215] {strides = array<i32>} : memref<65536xi32, #tpu.memory_space<vmem>>, vector<16xi32>,
        %shift_right_arithmetic3A_1217 = arith.constant 24 : i32
        %shift_right_arithmetic3A_1218 = vector.broadcast %shift_right_arithmetic3A_1217 : i32 to vector<16xi32>
        %shift_right_arithmetic3A_1219 = arith.shrsi %get3A_1216, %shift_right_arithmetic3A_1218 : vector<16xi32>
        %and3A_1220 = arith.constant 255 : i32
        %and3A_1221 = vector.broadcast %and3A_1220 : i32 to vector<16xi32>
        %and3A_1222 = arith.andi %shift_right_arithmetic3A_1219, %and3A_1221 : vector<16xi32>
        %eq3A_1223 = arith.cmpi eq, %and3A_1222, %add3A_259 : vector<16xi32>
        %convert_element_type3A_1224 = arith.extui %eq3A_1223 : vector<16xi1> to vector<16xi32>
        %broadcast_in_dim3A_1225 = arith.constant true
        %broadcast_in_dim3A_1226 = vector.broadcast %broadcast_in_dim3A_1225 : i1 to vector<16xi1>
        %masked_cumsum3A_1227 = tpu.scan <sum>, %convert_element_type3A_1224 masked %broadcast_in_dim3A_1226 : vector<16xi32>, vector<16xi1> -> vector<16xi32>
        %add3A_1228 = arith.addi %add3A_1207, %masked_cumsum3A_1227 : vector<16xi32>
        %sub3A_1229 = arith.constant 1 : i32
        %sub3A_1230 = vector.broadcast %sub3A_1229 : i32 to vector<16xi32>
        %sub3A_1231 = arith.subi %add3A_1228, %sub3A_1230 : vector<16xi32>
        tpu.vector_store_idx %arg10[%sub3A_1231], %get3A_1216 masked %eq3A_1223 : memref<2048xi32, #tpu.memory_space<vmem>>[vector<16xi32>], vector<16xi32>, vector<16xi1>
        %all_reduce_population_count3A_1232 = tpu.all_reduce %eq3A_1223 {dim = 0 : i64, kind = #tpu.reduction_kind<sum>} : vector<16xi1> -> vector<16xi32>
        %add3A_1233 = arith.addi %add3A_1207, %all_reduce_population_count3A_1232 : vector<16xi32>
        %mul3A_1234 = arith.constant 16 : i32
        %mul3A_1235 = arith.muli %scan3A_1052, %mul3A_1234 : i32
        %add3A_1236 = arith.constant 7 : i32
        %add3A_1237 = arith.addi %mul3A_1235, %add3A_1236 : i32
        %mul3A_1238 = arith.constant 16 : i32
        %mul3A_1239 = arith.muli %add3A_1237, %mul3A_1238 : i32
        %add3A_1240 = arith.addi %mul3A_31, %mul3A_1239 : i32
        %get3A_1241 = arith.index_cast %add3A_1240 : i32 to index
        %get3A_1242 = tpu.vector_load %arg5[%get3A_1241] {strides = array<i32>} : memref<65536xi32, #tpu.memory_space<vmem>>, vector<16xi32>,
        %shift_right_arithmetic3A_1243 = arith.constant 24 : i32
        %shift_right_arithmetic3A_1244 = vector.broadcast %shift_right_arithmetic3A_1243 : i32 to vector<16xi32>
        %shift_right_arithmetic3A_1245 = arith.shrsi %get3A_1242, %shift_right_arithmetic3A_1244 : vector<16xi32>
        %and3A_1246 = arith.constant 255 : i32
        %and3A_1247 = vector.broadcast %and3A_1246 : i32 to vector<16xi32>
        %and3A_1248 = arith.andi %shift_right_arithmetic3A_1245, %and3A_1247 : vector<16xi32>
        %eq3A_1249 = arith.cmpi eq, %and3A_1248, %add3A_259 : vector<16xi32>
        %convert_element_type3A_1250 = arith.extui %eq3A_1249 : vector<16xi1> to vector<16xi32>
        %broadcast_in_dim3A_1251 = arith.constant true
        %broadcast_in_dim3A_1252 = vector.broadcast %broadcast_in_dim3A_1251 : i1 to vector<16xi1>
        %masked_cumsum3A_1253 = tpu.scan <sum>, %convert_element_type3A_1250 masked %broadcast_in_dim3A_1252 : vector<16xi32>, vector<16xi1> -> vector<16xi32>
        %add3A_1254 = arith.addi %add3A_1233, %masked_cumsum3A_1253 : vector<16xi32>
        %sub3A_1255 = arith.constant 1 : i32
        %sub3A_1256 = vector.broadcast %sub3A_1255 : i32 to vector<16xi32>
        %sub3A_1257 = arith.subi %add3A_1254, %sub3A_1256 : vector<16xi32>
        tpu.vector_store_idx %arg10[%sub3A_1257], %get3A_1242 masked %eq3A_1249 : memref<2048xi32, #tpu.memory_space<vmem>>[vector<16xi32>], vector<16xi32>, vector<16xi1>
        %all_reduce_population_count3A_1258 = tpu.all_reduce %eq3A_1249 {dim = 0 : i64, kind = #tpu.reduction_kind<sum>} : vector<16xi1> -> vector<16xi32>
        %add3A_1259 = arith.addi %add3A_1233, %all_reduce_population_count3A_1258 : vector<16xi32>
        %mul3A_1260 = arith.constant 16 : i32
        %mul3A_1261 = arith.muli %scan3A_1052, %mul3A_1260 : i32
        %add3A_1262 = arith.constant 8 : i32
        %add3A_1263 = arith.addi %mul3A_1261, %add3A_1262 : i32
        %mul3A_1264 = arith.constant 16 : i32
        %mul3A_1265 = arith.muli %add3A_1263, %mul3A_1264 : i32
        %add3A_1266 = arith.addi %mul3A_31, %mul3A_1265 : i32
        %get3A_1267 = arith.index_cast %add3A_1266 : i32 to index
        %get3A_1268 = tpu.vector_load %arg5[%get3A_1267] {strides = array<i32>} : memref<65536xi32, #tpu.memory_space<vmem>>, vector<16xi32>,
        %shift_right_arithmetic3A_1269 = arith.constant 24 : i32
        %shift_right_arithmetic3A_1270 = vector.broadcast %shift_right_arithmetic3A_1269 : i32 to vector<16xi32>
        %shift_right_arithmetic3A_1271 = arith.shrsi %get3A_1268, %shift_right_arithmetic3A_1270 : vector<16xi32>
        %and3A_1272 = arith.constant 255 : i32
        %and3A_1273 = vector.broadcast %and3A_1272 : i32 to vector<16xi32>
        %and3A_1274 = arith.andi %shift_right_arithmetic3A_1271, %and3A_1273 : vector<16xi32>
        %eq3A_1275 = arith.cmpi eq, %and3A_1274, %add3A_259 : vector<16xi32>
        %convert_element_type3A_1276 = arith.extui %eq3A_1275 : vector<16xi1> to vector<16xi32>
        %broadcast_in_dim3A_1277 = arith.constant true
        %broadcast_in_dim3A_1278 = vector.broadcast %broadcast_in_dim3A_1277 : i1 to vector<16xi1>
        %masked_cumsum3A_1279 = tpu.scan <sum>, %convert_element_type3A_1276 masked %broadcast_in_dim3A_1278 : vector<16xi32>, vector<16xi1> -> vector<16xi32>
        %add3A_1280 = arith.addi %add3A_1259, %masked_cumsum3A_1279 : vector<16xi32>
        %sub3A_1281 = arith.constant 1 : i32
        %sub3A_1282 = vector.broadcast %sub3A_1281 : i32 to vector<16xi32>
        %sub3A_1283 = arith.subi %add3A_1280, %sub3A_1282 : vector<16xi32>
        tpu.vector_store_idx %arg10[%sub3A_1283], %get3A_1268 masked %eq3A_1275 : memref<2048xi32, #tpu.memory_space<vmem>>[vector<16xi32>], vector<16xi32>, vector<16xi1>
        %all_reduce_population_count3A_1284 = tpu.all_reduce %eq3A_1275 {dim = 0 : i64, kind = #tpu.reduction_kind<sum>} : vector<16xi1> -> vector<16xi32>
        %add3A_1285 = arith.addi %add3A_1259, %all_reduce_population_count3A_1284 : vector<16xi32>
        %mul3A_1286 = arith.constant 16 : i32
        %mul3A_1287 = arith.muli %scan3A_1052, %mul3A_1286 : i32
        %add3A_1288 = arith.constant 9 : i32
        %add3A_1289 = arith.addi %mul3A_1287, %add3A_1288 : i32
        %mul3A_1290 = arith.constant 16 : i32
        %mul3A_1291 = arith.muli %add3A_1289, %mul3A_1290 : i32
        %add3A_1292 = arith.addi %mul3A_31, %mul3A_1291 : i32
        %get3A_1293 = arith.index_cast %add3A_1292 : i32 to index
        %get3A_1294 = tpu.vector_load %arg5[%get3A_1293] {strides = array<i32>} : memref<65536xi32, #tpu.memory_space<vmem>>, vector<16xi32>,
        %shift_right_arithmetic3A_1295 = arith.constant 24 : i32
        %shift_right_arithmetic3A_1296 = vector.broadcast %shift_right_arithmetic3A_1295 : i32 to vector<16xi32>
        %shift_right_arithmetic3A_1297 = arith.shrsi %get3A_1294, %shift_right_arithmetic3A_1296 : vector<16xi32>
        %and3A_1298 = arith.constant 255 : i32
        %and3A_1299 = vector.broadcast %and3A_1298 : i32 to vector<16xi32>
        %and3A_1300 = arith.andi %shift_right_arithmetic3A_1297, %and3A_1299 : vector<16xi32>
        %eq3A_1301 = arith.cmpi eq, %and3A_1300, %add3A_259 : vector<16xi32>
        %convert_element_type3A_1302 = arith.extui %eq3A_1301 : vector<16xi1> to vector<16xi32>
        %broadcast_in_dim3A_1303 = arith.constant true
        %broadcast_in_dim3A_1304 = vector.broadcast %broadcast_in_dim3A_1303 : i1 to vector<16xi1>
        %masked_cumsum3A_1305 = tpu.scan <sum>, %convert_element_type3A_1302 masked %broadcast_in_dim3A_1304 : vector<16xi32>, vector<16xi1> -> vector<16xi32>
        %add3A_1306 = arith.addi %add3A_1285, %masked_cumsum3A_1305 : vector<16xi32>
        %sub3A_1307 = arith.constant 1 : i32
        %sub3A_1308 = vector.broadcast %sub3A_1307 : i32 to vector<16xi32>
        %sub3A_1309 = arith.subi %add3A_1306, %sub3A_1308 : vector<16xi32>
        tpu.vector_store_idx %arg10[%sub3A_1309], %get3A_1294 masked %eq3A_1301 : memref<2048xi32, #tpu.memory_space<vmem>>[vector<16xi32>], vector<16xi32>, vector<16xi1>
        %all_reduce_population_count3A_1310 = tpu.all_reduce %eq3A_1301 {dim = 0 : i64, kind = #tpu.reduction_kind<sum>} : vector<16xi1> -> vector<16xi32>
        %add3A_1311 = arith.addi %add3A_1285, %all_reduce_population_count3A_1310 : vector<16xi32>
        %mul3A_1312 = arith.constant 16 : i32
        %mul3A_1313 = arith.muli %scan3A_1052, %mul3A_1312 : i32
        %add3A_1314 = arith.constant 10 : i32
        %add3A_1315 = arith.addi %mul3A_1313, %add3A_1314 : i32
        %mul3A_1316 = arith.constant 16 : i32
        %mul3A_1317 = arith.muli %add3A_1315, %mul3A_1316 : i32
        %add3A_1318 = arith.addi %mul3A_31, %mul3A_1317 : i32
        %get3A_1319 = arith.index_cast %add3A_1318 : i32 to index
        %get3A_1320 = tpu.vector_load %arg5[%get3A_1319] {strides = array<i32>} : memref<65536xi32, #tpu.memory_space<vmem>>, vector<16xi32>,
        %shift_right_arithmetic3A_1321 = arith.constant 24 : i32
        %shift_right_arithmetic3A_1322 = vector.broadcast %shift_right_arithmetic3A_1321 : i32 to vector<16xi32>
        %shift_right_arithmetic3A_1323 = arith.shrsi %get3A_1320, %shift_right_arithmetic3A_1322 : vector<16xi32>
        %and3A_1324 = arith.constant 255 : i32
        %and3A_1325 = vector.broadcast %and3A_1324 : i32 to vector<16xi32>
        %and3A_1326 = arith.andi %shift_right_arithmetic3A_1323, %and3A_1325 : vector<16xi32>
        %eq3A_1327 = arith.cmpi eq, %and3A_1326, %add3A_259 : vector<16xi32>
        %convert_element_type3A_1328 = arith.extui %eq3A_1327 : vector<16xi1> to vector<16xi32>
        %broadcast_in_dim3A_1329 = arith.constant true
        %broadcast_in_dim3A_1330 = vector.broadcast %broadcast_in_dim3A_1329 : i1 to vector<16xi1>
        %masked_cumsum3A_1331 = tpu.scan <sum>, %convert_element_type3A_1328 masked %broadcast_in_dim3A_1330 : vector<16xi32>, vector<16xi1> -> vector<16xi32>
        %add3A_1332 = arith.addi %add3A_1311, %masked_cumsum3A_1331 : vector<16xi32>
        %sub3A_1333 = arith.constant 1 : i32
        %sub3A_1334 = vector.broadcast %sub3A_1333 : i32 to vector<16xi32>
        %sub3A_1335 = arith.subi %add3A_1332, %sub3A_1334 : vector<16xi32>
        tpu.vector_store_idx %arg10[%sub3A_1335], %get3A_1320 masked %eq3A_1327 : memref<2048xi32, #tpu.memory_space<vmem>>[vector<16xi32>], vector<16xi32>, vector<16xi1>
        %all_reduce_population_count3A_1336 = tpu.all_reduce %eq3A_1327 {dim = 0 : i64, kind = #tpu.reduction_kind<sum>} : vector<16xi1> -> vector<16xi32>
        %add3A_1337 = arith.addi %add3A_1311, %all_reduce_population_count3A_1336 : vector<16xi32>
        %mul3A_1338 = arith.constant 16 : i32
        %mul3A_1339 = arith.muli %scan3A_1052, %mul3A_1338 : i32
        %add3A_1340 = arith.constant 11 : i32
        %add3A_1341 = arith.addi %mul3A_1339, %add3A_1340 : i32
        %mul3A_1342 = arith.constant 16 : i32
        %mul3A_1343 = arith.muli %add3A_1341, %mul3A_1342 : i32
        %add3A_1344 = arith.addi %mul3A_31, %mul3A_1343 : i32
        %get3A_1345 = arith.index_cast %add3A_1344 : i32 to index
        %get3A_1346 = tpu.vector_load %arg5[%get3A_1345] {strides = array<i32>} : memref<65536xi32, #tpu.memory_space<vmem>>, vector<16xi32>,
        %shift_right_arithmetic3A_1347 = arith.constant 24 : i32
        %shift_right_arithmetic3A_1348 = vector.broadcast %shift_right_arithmetic3A_1347 : i32 to vector<16xi32>
        %shift_right_arithmetic3A_1349 = arith.shrsi %get3A_1346, %shift_right_arithmetic3A_1348 : vector<16xi32>
        %and3A_1350 = arith.constant 255 : i32
        %and3A_1351 = vector.broadcast %and3A_1350 : i32 to vector<16xi32>
        %and3A_1352 = arith.andi %shift_right_arithmetic3A_1349, %and3A_1351 : vector<16xi32>
        %eq3A_1353 = arith.cmpi eq, %and3A_1352, %add3A_259 : vector<16xi32>
        %convert_element_type3A_1354 = arith.extui %eq3A_1353 : vector<16xi1> to vector<16xi32>
        %broadcast_in_dim3A_1355 = arith.constant true
        %broadcast_in_dim3A_1356 = vector.broadcast %broadcast_in_dim3A_1355 : i1 to vector<16xi1>
        %masked_cumsum3A_1357 = tpu.scan <sum>, %convert_element_type3A_1354 masked %broadcast_in_dim3A_1356 : vector<16xi32>, vector<16xi1> -> vector<16xi32>
        %add3A_1358 = arith.addi %add3A_1337, %masked_cumsum3A_1357 : vector<16xi32>
        %sub3A_1359 = arith.constant 1 : i32
        %sub3A_1360 = vector.broadcast %sub3A_1359 : i32 to vector<16xi32>
        %sub3A_1361 = arith.subi %add3A_1358, %sub3A_1360 : vector<16xi32>
        tpu.vector_store_idx %arg10[%sub3A_1361], %get3A_1346 masked %eq3A_1353 : memref<2048xi32, #tpu.memory_space<vmem>>[vector<16xi32>], vector<16xi32>, vector<16xi1>
        %all_reduce_population_count3A_1362 = tpu.all_reduce %eq3A_1353 {dim = 0 : i64, kind = #tpu.reduction_kind<sum>} : vector<16xi1> -> vector<16xi32>
        %add3A_1363 = arith.addi %add3A_1337, %all_reduce_population_count3A_1362 : vector<16xi32>
        %mul3A_1364 = arith.constant 16 : i32
        %mul3A_1365 = arith.muli %scan3A_1052, %mul3A_1364 : i32
        %add3A_1366 = arith.constant 12 : i32
        %add3A_1367 = arith.addi %mul3A_1365, %add3A_1366 : i32
        %mul3A_1368 = arith.constant 16 : i32
        %mul3A_1369 = arith.muli %add3A_1367, %mul3A_1368 : i32
        %add3A_1370 = arith.addi %mul3A_31, %mul3A_1369 : i32
        %get3A_1371 = arith.index_cast %add3A_1370 : i32 to index
        %get3A_1372 = tpu.vector_load %arg5[%get3A_1371] {strides = array<i32>} : memref<65536xi32, #tpu.memory_space<vmem>>, vector<16xi32>,
        %shift_right_arithmetic3A_1373 = arith.constant 24 : i32
        %shift_right_arithmetic3A_1374 = vector.broadcast %shift_right_arithmetic3A_1373 : i32 to vector<16xi32>
        %shift_right_arithmetic3A_1375 = arith.shrsi %get3A_1372, %shift_right_arithmetic3A_1374 : vector<16xi32>
        %and3A_1376 = arith.constant 255 : i32
        %and3A_1377 = vector.broadcast %and3A_1376 : i32 to vector<16xi32>
        %and3A_1378 = arith.andi %shift_right_arithmetic3A_1375, %and3A_1377 : vector<16xi32>
        %eq3A_1379 = arith.cmpi eq, %and3A_1378, %add3A_259 : vector<16xi32>
        %convert_element_type3A_1380 = arith.extui %eq3A_1379 : vector<16xi1> to vector<16xi32>
        %broadcast_in_dim3A_1381 = arith.constant true
        %broadcast_in_dim3A_1382 = vector.broadcast %broadcast_in_dim3A_1381 : i1 to vector<16xi1>
        %masked_cumsum3A_1383 = tpu.scan <sum>, %convert_element_type3A_1380 masked %broadcast_in_dim3A_1382 : vector<16xi32>, vector<16xi1> -> vector<16xi32>
        %add3A_1384 = arith.addi %add3A_1363, %masked_cumsum3A_1383 : vector<16xi32>
        %sub3A_1385 = arith.constant 1 : i32
        %sub3A_1386 = vector.broadcast %sub3A_1385 : i32 to vector<16xi32>
        %sub3A_1387 = arith.subi %add3A_1384, %sub3A_1386 : vector<16xi32>
        tpu.vector_store_idx %arg10[%sub3A_1387], %get3A_1372 masked %eq3A_1379 : memref<2048xi32, #tpu.memory_space<vmem>>[vector<16xi32>], vector<16xi32>, vector<16xi1>
        %all_reduce_population_count3A_1388 = tpu.all_reduce %eq3A_1379 {dim = 0 : i64, kind = #tpu.reduction_kind<sum>} : vector<16xi1> -> vector<16xi32>
        %add3A_1389 = arith.addi %add3A_1363, %all_reduce_population_count3A_1388 : vector<16xi32>
        %mul3A_1390 = arith.constant 16 : i32
        %mul3A_1391 = arith.muli %scan3A_1052, %mul3A_1390 : i32
        %add3A_1392 = arith.constant 13 : i32
        %add3A_1393 = arith.addi %mul3A_1391, %add3A_1392 : i32
        %mul3A_1394 = arith.constant 16 : i32
        %mul3A_1395 = arith.muli %add3A_1393, %mul3A_1394 : i32
        %add3A_1396 = arith.addi %mul3A_31, %mul3A_1395 : i32
        %get3A_1397 = arith.index_cast %add3A_1396 : i32 to index
        %get3A_1398 = tpu.vector_load %arg5[%get3A_1397] {strides = array<i32>} : memref<65536xi32, #tpu.memory_space<vmem>>, vector<16xi32>,
        %shift_right_arithmetic3A_1399 = arith.constant 24 : i32
        %shift_right_arithmetic3A_1400 = vector.broadcast %shift_right_arithmetic3A_1399 : i32 to vector<16xi32>
        %shift_right_arithmetic3A_1401 = arith.shrsi %get3A_1398, %shift_right_arithmetic3A_1400 : vector<16xi32>
        %and3A_1402 = arith.constant 255 : i32
        %and3A_1403 = vector.broadcast %and3A_1402 : i32 to vector<16xi32>
        %and3A_1404 = arith.andi %shift_right_arithmetic3A_1401, %and3A_1403 : vector<16xi32>
        %eq3A_1405 = arith.cmpi eq, %and3A_1404, %add3A_259 : vector<16xi32>
        %convert_element_type3A_1406 = arith.extui %eq3A_1405 : vector<16xi1> to vector<16xi32>
        %broadcast_in_dim3A_1407 = arith.constant true
        %broadcast_in_dim3A_1408 = vector.broadcast %broadcast_in_dim3A_1407 : i1 to vector<16xi1>
        %masked_cumsum3A_1409 = tpu.scan <sum>, %convert_element_type3A_1406 masked %broadcast_in_dim3A_1408 : vector<16xi32>, vector<16xi1> -> vector<16xi32>
        %add3A_1410 = arith.addi %add3A_1389, %masked_cumsum3A_1409 : vector<16xi32>
        %sub3A_1411 = arith.constant 1 : i32
        %sub3A_1412 = vector.broadcast %sub3A_1411 : i32 to vector<16xi32>
        %sub3A_1413 = arith.subi %add3A_1410, %sub3A_1412 : vector<16xi32>
        tpu.vector_store_idx %arg10[%sub3A_1413], %get3A_1398 masked %eq3A_1405 : memref<2048xi32, #tpu.memory_space<vmem>>[vector<16xi32>], vector<16xi32>, vector<16xi1>
        %all_reduce_population_count3A_1414 = tpu.all_reduce %eq3A_1405 {dim = 0 : i64, kind = #tpu.reduction_kind<sum>} : vector<16xi1> -> vector<16xi32>
        %add3A_1415 = arith.addi %add3A_1389, %all_reduce_population_count3A_1414 : vector<16xi32>
        %mul3A_1416 = arith.constant 16 : i32
        %mul3A_1417 = arith.muli %scan3A_1052, %mul3A_1416 : i32
        %add3A_1418 = arith.constant 14 : i32
        %add3A_1419 = arith.addi %mul3A_1417, %add3A_1418 : i32
        %mul3A_1420 = arith.constant 16 : i32
        %mul3A_1421 = arith.muli %add3A_1419, %mul3A_1420 : i32
        %add3A_1422 = arith.addi %mul3A_31, %mul3A_1421 : i32
        %get3A_1423 = arith.index_cast %add3A_1422 : i32 to index
        %get3A_1424 = tpu.vector_load %arg5[%get3A_1423] {strides = array<i32>} : memref<65536xi32, #tpu.memory_space<vmem>>, vector<16xi32>,
        %shift_right_arithmetic3A_1425 = arith.constant 24 : i32
        %shift_right_arithmetic3A_1426 = vector.broadcast %shift_right_arithmetic3A_1425 : i32 to vector<16xi32>
        %shift_right_arithmetic3A_1427 = arith.shrsi %get3A_1424, %shift_right_arithmetic3A_1426 : vector<16xi32>
        %and3A_1428 = arith.constant 255 : i32
        %and3A_1429 = vector.broadcast %and3A_1428 : i32 to vector<16xi32>
        %and3A_1430 = arith.andi %shift_right_arithmetic3A_1427, %and3A_1429 : vector<16xi32>
        %eq3A_1431 = arith.cmpi eq, %and3A_1430, %add3A_259 : vector<16xi32>
        %convert_element_type3A_1432 = arith.extui %eq3A_1431 : vector<16xi1> to vector<16xi32>
        %broadcast_in_dim3A_1433 = arith.constant true
        %broadcast_in_dim3A_1434 = vector.broadcast %broadcast_in_dim3A_1433 : i1 to vector<16xi1>
        %masked_cumsum3A_1435 = tpu.scan <sum>, %convert_element_type3A_1432 masked %broadcast_in_dim3A_1434 : vector<16xi32>, vector<16xi1> -> vector<16xi32>
        %add3A_1436 = arith.addi %add3A_1415, %masked_cumsum3A_1435 : vector<16xi32>
        %sub3A_1437 = arith.constant 1 : i32
        %sub3A_1438 = vector.broadcast %sub3A_1437 : i32 to vector<16xi32>
        %sub3A_1439 = arith.subi %add3A_1436, %sub3A_1438 : vector<16xi32>
        tpu.vector_store_idx %arg10[%sub3A_1439], %get3A_1424 masked %eq3A_1431 : memref<2048xi32, #tpu.memory_space<vmem>>[vector<16xi32>], vector<16xi32>, vector<16xi1>
        %all_reduce_population_count3A_1440 = tpu.all_reduce %eq3A_1431 {dim = 0 : i64, kind = #tpu.reduction_kind<sum>} : vector<16xi1> -> vector<16xi32>
        %add3A_1441 = arith.addi %add3A_1415, %all_reduce_population_count3A_1440 : vector<16xi32>
        %mul3A_1442 = arith.constant 16 : i32
        %mul3A_1443 = arith.muli %scan3A_1052, %mul3A_1442 : i32
        %add3A_1444 = arith.constant 15 : i32
        %add3A_1445 = arith.addi %mul3A_1443, %add3A_1444 : i32
        %mul3A_1446 = arith.constant 16 : i32
        %mul3A_1447 = arith.muli %add3A_1445, %mul3A_1446 : i32
        %add3A_1448 = arith.addi %mul3A_31, %mul3A_1447 : i32
        %get3A_1449 = arith.index_cast %add3A_1448 : i32 to index
        %get3A_1450 = tpu.vector_load %arg5[%get3A_1449] {strides = array<i32>} : memref<65536xi32, #tpu.memory_space<vmem>>, vector<16xi32>,
        %shift_right_arithmetic3A_1451 = arith.constant 24 : i32
        %shift_right_arithmetic3A_1452 = vector.broadcast %shift_right_arithmetic3A_1451 : i32 to vector<16xi32>
        %shift_right_arithmetic3A_1453 = arith.shrsi %get3A_1450, %shift_right_arithmetic3A_1452 : vector<16xi32>
        %and3A_1454 = arith.constant 255 : i32
        %and3A_1455 = vector.broadcast %and3A_1454 : i32 to vector<16xi32>
        %and3A_1456 = arith.andi %shift_right_arithmetic3A_1453, %and3A_1455 : vector<16xi32>
        %eq3A_1457 = arith.cmpi eq, %and3A_1456, %add3A_259 : vector<16xi32>
        %convert_element_type3A_1458 = arith.extui %eq3A_1457 : vector<16xi1> to vector<16xi32>
        %broadcast_in_dim3A_1459 = arith.constant true
        %broadcast_in_dim3A_1460 = vector.broadcast %broadcast_in_dim3A_1459 : i1 to vector<16xi1>
        %masked_cumsum3A_1461 = tpu.scan <sum>, %convert_element_type3A_1458 masked %broadcast_in_dim3A_1460 : vector<16xi32>, vector<16xi1> -> vector<16xi32>
        %add3A_1462 = arith.addi %add3A_1441, %masked_cumsum3A_1461 : vector<16xi32>
        %sub3A_1463 = arith.constant 1 : i32
        %sub3A_1464 = vector.broadcast %sub3A_1463 : i32 to vector<16xi32>
        %sub3A_1465 = arith.subi %add3A_1462, %sub3A_1464 : vector<16xi32>
        tpu.vector_store_idx %arg10[%sub3A_1465], %get3A_1450 masked %eq3A_1457 : memref<2048xi32, #tpu.memory_space<vmem>>[vector<16xi32>], vector<16xi32>, vector<16xi1>
        %all_reduce_population_count3A_1466 = tpu.all_reduce %eq3A_1457 {dim = 0 : i64, kind = #tpu.reduction_kind<sum>} : vector<16xi1> -> vector<16xi32>
        %add3A_1467 = arith.addi %add3A_1441, %all_reduce_population_count3A_1466 : vector<16xi32>
        scf.yield %add3A_1467 : vector<16xi32>
      }
      %scan3A_267 = arith.constant 8 : i32
      %slice3A_268 = vector.extract_strided_slice %scan3A_266 {offsets = [0], sizes = [1], strides = [1]} : vector<16xi32> to vector<1xi32>
      %squeeze3A_269 = vector.extract %slice3A_268[0] : i32 from vector<1xi32>
      %broadcast_in_dim3A_270 = vector.broadcast %squeeze3A_269 : i32 to vector<16xi32>
      %add3A_271 = arith.constant 15 : i32
      %add3A_272 = arith.addi %squeeze3A_269, %add3A_271 : i32
      %shift_right_arithmetic3A = arith.constant 4 : i32
      %shift_right_arithmetic3A_273 = arith.shrsi %add3A_272, %shift_right_arithmetic3A : i32
      %swap3A_274 = arith.constant 0 : index
      %swap3A_275 = tpu.vector_load %arg6[%swap3A_274] {strides = array<i32>} : memref<256xi32, #tpu.memory_space<vmem>>, vector<16xi32>,
      tpu.vector_store %arg6[%swap3A_274], %broadcast_in_dim3A_6 {strides = array<i32>} : memref<256xi32, #tpu.memory_space<vmem>>, vector<16xi32>,
      %swap3A_276 = arith.constant 16 : index
      %swap3A_277 = tpu.vector_load %arg6[%swap3A_276] {strides = array<i32>} : memref<256xi32, #tpu.memory_space<vmem>>, vector<16xi32>,
      tpu.vector_store %arg6[%swap3A_276], %broadcast_in_dim3A_6 {strides = array<i32>} : memref<256xi32, #tpu.memory_space<vmem>>, vector<16xi32>,
      %swap3A_278 = arith.constant 32 : index
      %swap3A_279 = tpu.vector_load %arg6[%swap3A_278] {strides = array<i32>} : memref<256xi32, #tpu.memory_space<vmem>>, vector<16xi32>,
      tpu.vector_store %arg6[%swap3A_278], %broadcast_in_dim3A_6 {strides = array<i32>} : memref<256xi32, #tpu.memory_space<vmem>>, vector<16xi32>,
      %swap3A_280 = arith.constant 48 : index
      %swap3A_281 = tpu.vector_load %arg6[%swap3A_280] {strides = array<i32>} : memref<256xi32, #tpu.memory_space<vmem>>, vector<16xi32>,
      tpu.vector_store %arg6[%swap3A_280], %broadcast_in_dim3A_6 {strides = array<i32>} : memref<256xi32, #tpu.memory_space<vmem>>, vector<16xi32>,
      %swap3A_282 = arith.constant 64 : index
      %swap3A_283 = tpu.vector_load %arg6[%swap3A_282] {strides = array<i32>} : memref<256xi32, #tpu.memory_space<vmem>>, vector<16xi32>,
      tpu.vector_store %arg6[%swap3A_282], %broadcast_in_dim3A_6 {strides = array<i32>} : memref<256xi32, #tpu.memory_space<vmem>>, vector<16xi32>,
      %swap3A_284 = arith.constant 80 : index
      %swap3A_285 = tpu.vector_load %arg6[%swap3A_284] {strides = array<i32>} : memref<256xi32, #tpu.memory_space<vmem>>, vector<16xi32>,
      tpu.vector_store %arg6[%swap3A_284], %broadcast_in_dim3A_6 {strides = array<i32>} : memref<256xi32, #tpu.memory_space<vmem>>, vector<16xi32>,
      %swap3A_286 = arith.constant 96 : index
      %swap3A_287 = tpu.vector_load %arg6[%swap3A_286] {strides = array<i32>} : memref<256xi32, #tpu.memory_space<vmem>>, vector<16xi32>,
      tpu.vector_store %arg6[%swap3A_286], %broadcast_in_dim3A_6 {strides = array<i32>} : memref<256xi32, #tpu.memory_space<vmem>>, vector<16xi32>,
      %swap3A_288 = arith.constant 112 : index
      %swap3A_289 = tpu.vector_load %arg6[%swap3A_288] {strides = array<i32>} : memref<256xi32, #tpu.memory_space<vmem>>, vector<16xi32>,
      tpu.vector_store %arg6[%swap3A_288], %broadcast_in_dim3A_6 {strides = array<i32>} : memref<256xi32, #tpu.memory_space<vmem>>, vector<16xi32>,
      %swap3A_290 = arith.constant 128 : index
      %swap3A_291 = tpu.vector_load %arg6[%swap3A_290] {strides = array<i32>} : memref<256xi32, #tpu.memory_space<vmem>>, vector<16xi32>,
      tpu.vector_store %arg6[%swap3A_290], %broadcast_in_dim3A_6 {strides = array<i32>} : memref<256xi32, #tpu.memory_space<vmem>>, vector<16xi32>,
      %swap3A_292 = arith.constant 144 : index
      %swap3A_293 = tpu.vector_load %arg6[%swap3A_292] {strides = array<i32>} : memref<256xi32, #tpu.memory_space<vmem>>, vector<16xi32>,
      tpu.vector_store %arg6[%swap3A_292], %broadcast_in_dim3A_6 {strides = array<i32>} : memref<256xi32, #tpu.memory_space<vmem>>, vector<16xi32>,
      %swap3A_294 = arith.constant 160 : index
      %swap3A_295 = tpu.vector_load %arg6[%swap3A_294] {strides = array<i32>} : memref<256xi32, #tpu.memory_space<vmem>>, vector<16xi32>,
      tpu.vector_store %arg6[%swap3A_294], %broadcast_in_dim3A_6 {strides = array<i32>} : memref<256xi32, #tpu.memory_space<vmem>>, vector<16xi32>,
      %swap3A_296 = arith.constant 176 : index
      %swap3A_297 = tpu.vector_load %arg6[%swap3A_296] {strides = array<i32>} : memref<256xi32, #tpu.memory_space<vmem>>, vector<16xi32>,
      tpu.vector_store %arg6[%swap3A_296], %broadcast_in_dim3A_6 {strides = array<i32>} : memref<256xi32, #tpu.memory_space<vmem>>, vector<16xi32>,
      %swap3A_298 = arith.constant 192 : index
      %swap3A_299 = tpu.vector_load %arg6[%swap3A_298] {strides = array<i32>} : memref<256xi32, #tpu.memory_space<vmem>>, vector<16xi32>,
      tpu.vector_store %arg6[%swap3A_298], %broadcast_in_dim3A_6 {strides = array<i32>} : memref<256xi32, #tpu.memory_space<vmem>>, vector<16xi32>,
      %swap3A_300 = arith.constant 208 : index
      %swap3A_301 = tpu.vector_load %arg6[%swap3A_300] {strides = array<i32>} : memref<256xi32, #tpu.memory_space<vmem>>, vector<16xi32>,
      tpu.vector_store %arg6[%swap3A_300], %broadcast_in_dim3A_6 {strides = array<i32>} : memref<256xi32, #tpu.memory_space<vmem>>, vector<16xi32>,
      %swap3A_302 = arith.constant 224 : index
      %swap3A_303 = tpu.vector_load %arg6[%swap3A_302] {strides = array<i32>} : memref<256xi32, #tpu.memory_space<vmem>>, vector<16xi32>,
      tpu.vector_store %arg6[%swap3A_302], %broadcast_in_dim3A_6 {strides = array<i32>} : memref<256xi32, #tpu.memory_space<vmem>>, vector<16xi32>,
      %swap3A_304 = arith.constant 240 : index
      %swap3A_305 = tpu.vector_load %arg6[%swap3A_304] {strides = array<i32>} : memref<256xi32, #tpu.memory_space<vmem>>, vector<16xi32>,
      tpu.vector_store %arg6[%swap3A_304], %broadcast_in_dim3A_6 {strides = array<i32>} : memref<256xi32, #tpu.memory_space<vmem>>, vector<16xi32>,
      %while3A = arith.constant 0 : i32
      %while3A_306 = arith.constant 0 : i32
      %while3A_307 = arith.subi %shift_right_arithmetic3A_273, %while3A : i32
      %while3A_308 = arith.addi %while3A, %while3A_307 : i32
      %while3A_309 = arith.constant 1 : i32
      %while3A_310 = arith.divsi %while3A_307, %while3A_309 : i32
      %while3A_311 = arith.muli %while3A_310, %while3A_309 : i32
      %while3A_312 = arith.addi %while3A, %while3A_311 : i32
      %while3A_313 = arith.constant 1 : i32
      %while3A_314 = scf.for %while3A_1052 = %while3A to %while3A_312 step %while3A_313 iter_args(%while3A_1053 = %while3A_306) -> (i32)  : i32 {
        %mul3A_1054 = arith.constant 16 : i32
        %mul3A_1055 = arith.muli %while3A_1052, %mul3A_1054 : i32
        %get3A_1056 = arith.index_cast %mul3A_1055 : i32 to index
        %get3A_1057 = tpu.vector_load %arg10[%get3A_1056] {strides = array<i32>} : memref<2048xi32, #tpu.memory_space<vmem>>, vector<16xi32>,
        %mul3A_1058 = arith.constant 16 : i32
        %mul3A_1059 = arith.muli %while3A_1052, %mul3A_1058 : i32
        %add3A_1060 = vector.broadcast %mul3A_1059 : i32 to vector<16xi32>
        %add3A_1061 = arith.addi %add3A_1060, %iota3A : vector<16xi32>
        %lt3A = arith.cmpi slt, %add3A_1061, %broadcast_in_dim3A_270 : vector<16xi32>
        %shift_right_arithmetic3A_1062 = arith.constant 16 : i32
        %shift_right_arithmetic3A_1063 = vector.broadcast %shift_right_arithmetic3A_1062 : i32 to vector<16xi32>
        %shift_right_arithmetic3A_1064 = arith.shrsi %get3A_1057, %shift_right_arithmetic3A_1063 : vector<16xi32>
        %and3A = arith.constant 255 : i32
        %and3A_1065 = vector.broadcast %and3A : i32 to vector<16xi32>
        %and3A_1066 = arith.andi %shift_right_arithmetic3A_1064, %and3A_1065 : vector<16xi32>
        tpu.vector_store_idx %arg6[%and3A_1066], %broadcast_in_dim3A_4 masked %lt3A {add = true} : memref<256xi32, #tpu.memory_space<vmem>>[vector<16xi32>], vector<16xi32>, vector<16xi1>
        %while3A_1067 = arith.constant 0 : i32
        scf.yield %while3A_1067 : i32
      }
      %while3A_315 = arith.constant 1 : i32
      %while3A_316 = scf.for %while3A_1052 = %while3A_312 to %while3A_308 step %while3A_315 iter_args(%while3A_1053 = %while3A_314) -> (i32)  : i32 {
        %mul3A_1054 = arith.constant 16 : i32
        %mul3A_1055 = arith.muli %while3A_1052, %mul3A_1054 : i32
        %get3A_1056 = arith.index_cast %mul3A_1055 : i32 to index
        %get3A_1057 = tpu.vector_load %arg10[%get3A_1056] {strides = array<i32>} : memref<2048xi32, #tpu.memory_space<vmem>>, vector<16xi32>,
        %mul3A_1058 = arith.constant 16 : i32
        %mul3A_1059 = arith.muli %while3A_1052, %mul3A_1058 : i32
        %add3A_1060 = vector.broadcast %mul3A_1059 : i32 to vector<16xi32>
        %add3A_1061 = arith.addi %add3A_1060, %iota3A : vector<16xi32>
        %lt3A = arith.cmpi slt, %add3A_1061, %broadcast_in_dim3A_270 : vector<16xi32>
        %shift_right_arithmetic3A_1062 = arith.constant 16 : i32
        %shift_right_arithmetic3A_1063 = vector.broadcast %shift_right_arithmetic3A_1062 : i32 to vector<16xi32>
        %shift_right_arithmetic3A_1064 = arith.shrsi %get3A_1057, %shift_right_arithmetic3A_1063 : vector<16xi32>
        %and3A = arith.constant 255 : i32
        %and3A_1065 = vector.broadcast %and3A : i32 to vector<16xi32>
        %and3A_1066 = arith.andi %shift_right_arithmetic3A_1064, %and3A_1065 : vector<16xi32>
        tpu.vector_store_idx %arg6[%and3A_1066], %broadcast_in_dim3A_4 masked %lt3A {add = true} : memref<256xi32, #tpu.memory_space<vmem>>[vector<16xi32>], vector<16xi32>, vector<16xi1>
        %while3A_1067 = arith.constant 0 : i32
        scf.yield %while3A_1067 : i32
      }
      %mul3A_317 = arith.constant 16 : i32
      %mul3A_318 = vector.broadcast %mul3A_317 : i32 to vector<16xi32>
      %mul3A_319 = arith.muli %iota3A, %mul3A_318 : vector<16xi32>
      %gather3A_320 = tpu.vector_load_idx %arg6[%mul3A_319] : memref<256xi32, #tpu.memory_space<vmem>>[vector<16xi32>], vector<16xi32>,
      %mul3A_321 = arith.constant 16 : i32
      %mul3A_322 = vector.broadcast %mul3A_321 : i32 to vector<16xi32>
      %mul3A_323 = arith.muli %iota3A, %mul3A_322 : vector<16xi32>
      %add3A_324 = arith.constant 1 : i32
      %add3A_325 = vector.broadcast %add3A_324 : i32 to vector<16xi32>
      %add3A_326 = arith.addi %mul3A_323, %add3A_325 : vector<16xi32>
      %gather3A_327 = tpu.vector_load_idx %arg6[%add3A_326] : memref<256xi32, #tpu.memory_space<vmem>>[vector<16xi32>], vector<16xi32>,
      %add3A_328 = arith.addi %gather3A_320, %gather3A_327 : vector<16xi32>
      %mul3A_329 = arith.constant 16 : i32
      %mul3A_330 = vector.broadcast %mul3A_329 : i32 to vector<16xi32>
      %mul3A_331 = arith.muli %iota3A, %mul3A_330 : vector<16xi32>
      %add3A_332 = arith.constant 2 : i32
      %add3A_333 = vector.broadcast %add3A_332 : i32 to vector<16xi32>
      %add3A_334 = arith.addi %mul3A_331, %add3A_333 : vector<16xi32>
      %gather3A_335 = tpu.vector_load_idx %arg6[%add3A_334] : memref<256xi32, #tpu.memory_space<vmem>>[vector<16xi32>], vector<16xi32>,
      %add3A_336 = arith.addi %add3A_328, %gather3A_335 : vector<16xi32>
      %mul3A_337 = arith.constant 16 : i32
      %mul3A_338 = vector.broadcast %mul3A_337 : i32 to vector<16xi32>
      %mul3A_339 = arith.muli %iota3A, %mul3A_338 : vector<16xi32>
      %add3A_340 = arith.constant 3 : i32
      %add3A_341 = vector.broadcast %add3A_340 : i32 to vector<16xi32>
      %add3A_342 = arith.addi %mul3A_339, %add3A_341 : vector<16xi32>
      %gather3A_343 = tpu.vector_load_idx %arg6[%add3A_342] : memref<256xi32, #tpu.memory_space<vmem>>[vector<16xi32>], vector<16xi32>,
      %add3A_344 = arith.addi %add3A_336, %gather3A_343 : vector<16xi32>
      %mul3A_345 = arith.constant 16 : i32
      %mul3A_346 = vector.broadcast %mul3A_345 : i32 to vector<16xi32>
      %mul3A_347 = arith.muli %iota3A, %mul3A_346 : vector<16xi32>
      %add3A_348 = arith.constant 4 : i32
      %add3A_349 = vector.broadcast %add3A_348 : i32 to vector<16xi32>
      %add3A_350 = arith.addi %mul3A_347, %add3A_349 : vector<16xi32>
      %gather3A_351 = tpu.vector_load_idx %arg6[%add3A_350] : memref<256xi32, #tpu.memory_space<vmem>>[vector<16xi32>], vector<16xi32>,
      %add3A_352 = arith.addi %add3A_344, %gather3A_351 : vector<16xi32>
      %mul3A_353 = arith.constant 16 : i32
      %mul3A_354 = vector.broadcast %mul3A_353 : i32 to vector<16xi32>
      %mul3A_355 = arith.muli %iota3A, %mul3A_354 : vector<16xi32>
      %add3A_356 = arith.constant 5 : i32
      %add3A_357 = vector.broadcast %add3A_356 : i32 to vector<16xi32>
      %add3A_358 = arith.addi %mul3A_355, %add3A_357 : vector<16xi32>
      %gather3A_359 = tpu.vector_load_idx %arg6[%add3A_358] : memref<256xi32, #tpu.memory_space<vmem>>[vector<16xi32>], vector<16xi32>,
      %add3A_360 = arith.addi %add3A_352, %gather3A_359 : vector<16xi32>
      %mul3A_361 = arith.constant 16 : i32
      %mul3A_362 = vector.broadcast %mul3A_361 : i32 to vector<16xi32>
      %mul3A_363 = arith.muli %iota3A, %mul3A_362 : vector<16xi32>
      %add3A_364 = arith.constant 6 : i32
      %add3A_365 = vector.broadcast %add3A_364 : i32 to vector<16xi32>
      %add3A_366 = arith.addi %mul3A_363, %add3A_365 : vector<16xi32>
      %gather3A_367 = tpu.vector_load_idx %arg6[%add3A_366] : memref<256xi32, #tpu.memory_space<vmem>>[vector<16xi32>], vector<16xi32>,
      %add3A_368 = arith.addi %add3A_360, %gather3A_367 : vector<16xi32>
      %mul3A_369 = arith.constant 16 : i32
      %mul3A_370 = vector.broadcast %mul3A_369 : i32 to vector<16xi32>
      %mul3A_371 = arith.muli %iota3A, %mul3A_370 : vector<16xi32>
      %add3A_372 = arith.constant 7 : i32
      %add3A_373 = vector.broadcast %add3A_372 : i32 to vector<16xi32>
      %add3A_374 = arith.addi %mul3A_371, %add3A_373 : vector<16xi32>
      %gather3A_375 = tpu.vector_load_idx %arg6[%add3A_374] : memref<256xi32, #tpu.memory_space<vmem>>[vector<16xi32>], vector<16xi32>,
      %add3A_376 = arith.addi %add3A_368, %gather3A_375 : vector<16xi32>
      %mul3A_377 = arith.constant 16 : i32
      %mul3A_378 = vector.broadcast %mul3A_377 : i32 to vector<16xi32>
      %mul3A_379 = arith.muli %iota3A, %mul3A_378 : vector<16xi32>
      %add3A_380 = arith.constant 8 : i32
      %add3A_381 = vector.broadcast %add3A_380 : i32 to vector<16xi32>
      %add3A_382 = arith.addi %mul3A_379, %add3A_381 : vector<16xi32>
      %gather3A_383 = tpu.vector_load_idx %arg6[%add3A_382] : memref<256xi32, #tpu.memory_space<vmem>>[vector<16xi32>], vector<16xi32>,
      %add3A_384 = arith.addi %add3A_376, %gather3A_383 : vector<16xi32>
      %mul3A_385 = arith.constant 16 : i32
      %mul3A_386 = vector.broadcast %mul3A_385 : i32 to vector<16xi32>
      %mul3A_387 = arith.muli %iota3A, %mul3A_386 : vector<16xi32>
      %add3A_388 = arith.constant 9 : i32
      %add3A_389 = vector.broadcast %add3A_388 : i32 to vector<16xi32>
      %add3A_390 = arith.addi %mul3A_387, %add3A_389 : vector<16xi32>
      %gather3A_391 = tpu.vector_load_idx %arg6[%add3A_390] : memref<256xi32, #tpu.memory_space<vmem>>[vector<16xi32>], vector<16xi32>,
      %add3A_392 = arith.addi %add3A_384, %gather3A_391 : vector<16xi32>
      %mul3A_393 = arith.constant 16 : i32
      %mul3A_394 = vector.broadcast %mul3A_393 : i32 to vector<16xi32>
      %mul3A_395 = arith.muli %iota3A, %mul3A_394 : vector<16xi32>
      %add3A_396 = arith.constant 10 : i32
      %add3A_397 = vector.broadcast %add3A_396 : i32 to vector<16xi32>
      %add3A_398 = arith.addi %mul3A_395, %add3A_397 : vector<16xi32>
      %gather3A_399 = tpu.vector_load_idx %arg6[%add3A_398] : memref<256xi32, #tpu.memory_space<vmem>>[vector<16xi32>], vector<16xi32>,
      %add3A_400 = arith.addi %add3A_392, %gather3A_399 : vector<16xi32>
      %mul3A_401 = arith.constant 16 : i32
      %mul3A_402 = vector.broadcast %mul3A_401 : i32 to vector<16xi32>
      %mul3A_403 = arith.muli %iota3A, %mul3A_402 : vector<16xi32>
      %add3A_404 = arith.constant 11 : i32
      %add3A_405 = vector.broadcast %add3A_404 : i32 to vector<16xi32>
      %add3A_406 = arith.addi %mul3A_403, %add3A_405 : vector<16xi32>
      %gather3A_407 = tpu.vector_load_idx %arg6[%add3A_406] : memref<256xi32, #tpu.memory_space<vmem>>[vector<16xi32>], vector<16xi32>,
      %add3A_408 = arith.addi %add3A_400, %gather3A_407 : vector<16xi32>
      %mul3A_409 = arith.constant 16 : i32
      %mul3A_410 = vector.broadcast %mul3A_409 : i32 to vector<16xi32>
      %mul3A_411 = arith.muli %iota3A, %mul3A_410 : vector<16xi32>
      %add3A_412 = arith.constant 12 : i32
      %add3A_413 = vector.broadcast %add3A_412 : i32 to vector<16xi32>
      %add3A_414 = arith.addi %mul3A_411, %add3A_413 : vector<16xi32>
      %gather3A_415 = tpu.vector_load_idx %arg6[%add3A_414] : memref<256xi32, #tpu.memory_space<vmem>>[vector<16xi32>], vector<16xi32>,
      %add3A_416 = arith.addi %add3A_408, %gather3A_415 : vector<16xi32>
      %mul3A_417 = arith.constant 16 : i32
      %mul3A_418 = vector.broadcast %mul3A_417 : i32 to vector<16xi32>
      %mul3A_419 = arith.muli %iota3A, %mul3A_418 : vector<16xi32>
      %add3A_420 = arith.constant 13 : i32
      %add3A_421 = vector.broadcast %add3A_420 : i32 to vector<16xi32>
      %add3A_422 = arith.addi %mul3A_419, %add3A_421 : vector<16xi32>
      %gather3A_423 = tpu.vector_load_idx %arg6[%add3A_422] : memref<256xi32, #tpu.memory_space<vmem>>[vector<16xi32>], vector<16xi32>,
      %add3A_424 = arith.addi %add3A_416, %gather3A_423 : vector<16xi32>
      %mul3A_425 = arith.constant 16 : i32
      %mul3A_426 = vector.broadcast %mul3A_425 : i32 to vector<16xi32>
      %mul3A_427 = arith.muli %iota3A, %mul3A_426 : vector<16xi32>
      %add3A_428 = arith.constant 14 : i32
      %add3A_429 = vector.broadcast %add3A_428 : i32 to vector<16xi32>
      %add3A_430 = arith.addi %mul3A_427, %add3A_429 : vector<16xi32>
      %gather3A_431 = tpu.vector_load_idx %arg6[%add3A_430] : memref<256xi32, #tpu.memory_space<vmem>>[vector<16xi32>], vector<16xi32>,
      %add3A_432 = arith.addi %add3A_424, %gather3A_431 : vector<16xi32>
      %mul3A_433 = arith.constant 16 : i32
      %mul3A_434 = vector.broadcast %mul3A_433 : i32 to vector<16xi32>
      %mul3A_435 = arith.muli %iota3A, %mul3A_434 : vector<16xi32>
      %add3A_436 = arith.constant 15 : i32
      %add3A_437 = vector.broadcast %add3A_436 : i32 to vector<16xi32>
      %add3A_438 = arith.addi %mul3A_435, %add3A_437 : vector<16xi32>
      %gather3A_439 = tpu.vector_load_idx %arg6[%add3A_438] : memref<256xi32, #tpu.memory_space<vmem>>[vector<16xi32>], vector<16xi32>,
      %add3A_440 = arith.addi %add3A_432, %gather3A_439 : vector<16xi32>
      %rev3A_441 = arith.constant 15 : i32
      %rev3A_442 = vector.broadcast %rev3A_441 : i32 to vector<16xi32>
      %rev3A_443 = tpu.iota {dimensions = array<i32: 0>} : vector<16xi32>
      %rev3A_444 = arith.subi %rev3A_442, %rev3A_443 : vector<16xi32>
      %rev3A_445 = tpu.dynamic_gather %add3A_440[%rev3A_444] in [0] : vector<16xi32>, vector<16xi32> -> vector<16xi32>
      %broadcast_in_dim3A_446 = arith.constant true
      %broadcast_in_dim3A_447 = vector.broadcast %broadcast_in_dim3A_446 : i1 to vector<16xi1>
      %masked_cumsum3A_448 = tpu.scan <sum>, %rev3A_445 masked %broadcast_in_dim3A_447 : vector<16xi32>, vector<16xi1> -> vector<16xi32>
      %rev3A_449 = arith.constant 15 : i32
      %rev3A_450 = vector.broadcast %rev3A_449 : i32 to vector<16xi32>
      %rev3A_451 = tpu.iota {dimensions = array<i32: 0>} : vector<16xi32>
      %rev3A_452 = arith.subi %rev3A_450, %rev3A_451 : vector<16xi32>
      %rev3A_453 = tpu.dynamic_gather %masked_cumsum3A_448[%rev3A_452] in [0] : vector<16xi32>, vector<16xi32> -> vector<16xi32>
      %ge3A_454 = arith.cmpi sge, %rev3A_453, %sub3A_249 : vector<16xi32>
      %all_reduce_population_count3A_455 = tpu.all_reduce %ge3A_454 {dim = 0 : i64, kind = #tpu.reduction_kind<sum>} : vector<16xi1> -> vector<16xi32>
      %swap3A_456 = arith.constant 0 : index
      %swap3A_457 = tpu.vector_load %arg7[%swap3A_456] {strides = array<i32>} : memref<16xi32, #tpu.memory_space<vmem>>, vector<16xi32>,
      tpu.vector_store %arg7[%swap3A_456], %rev3A_453 {strides = array<i32>} : memref<16xi32, #tpu.memory_space<vmem>>, vector<16xi32>,
      %min3A_458 = arith.constant 15 : i32
      %min3A_459 = vector.broadcast %min3A_458 : i32 to vector<16xi32>
      %min3A_460 = arith.minsi %all_reduce_population_count3A_455, %min3A_459 : vector<16xi32>
      %gather3A_461 = tpu.vector_load_idx %arg7[%min3A_460] : memref<16xi32, #tpu.memory_space<vmem>>[vector<16xi32>], vector<16xi32>,
      %ge3A_462 = arith.constant 16 : i32
      %ge3A_463 = vector.broadcast %ge3A_462 : i32 to vector<16xi32>
      %ge3A_464 = arith.cmpi sge, %all_reduce_population_count3A_455, %ge3A_463 : vector<16xi32>
      %jit3A_465 = arith.constant 0 : i32
      %broadcast_in_dim3A_466 = vector.broadcast %jit3A_465 : i32 to vector<16xi32>
      %select_n3A_467 = arith.select %ge3A_464, %broadcast_in_dim3A_466, %gather3A_461 : vector<16xi1>, vector<16xi32>
      %sub3A_468 = arith.subi %sub3A_249, %select_n3A_467 : vector<16xi32>
      %sub3A_469 = arith.constant 1 : i32
      %sub3A_470 = vector.broadcast %sub3A_469 : i32 to vector<16xi32>
      %sub3A_471 = arith.subi %all_reduce_population_count3A_455, %sub3A_470 : vector<16xi32>
      %mul3A_472 = arith.constant 16 : i32
      %mul3A_473 = vector.broadcast %mul3A_472 : i32 to vector<16xi32>
      %mul3A_474 = arith.muli %sub3A_471, %mul3A_473 : vector<16xi32>
      %add3A_475 = arith.addi %mul3A_474, %iota3A : vector<16xi32>
      %gather3A_476 = tpu.vector_load_idx %arg6[%add3A_475] : memref<256xi32, #tpu.memory_space<vmem>>[vector<16xi32>], vector<16xi32>,
      %rev3A_477 = arith.constant 15 : i32
      %rev3A_478 = vector.broadcast %rev3A_477 : i32 to vector<16xi32>
      %rev3A_479 = tpu.iota {dimensions = array<i32: 0>} : vector<16xi32>
      %rev3A_480 = arith.subi %rev3A_478, %rev3A_479 : vector<16xi32>
      %rev3A_481 = tpu.dynamic_gather %gather3A_476[%rev3A_480] in [0] : vector<16xi32>, vector<16xi32> -> vector<16xi32>
      %broadcast_in_dim3A_482 = arith.constant true
      %broadcast_in_dim3A_483 = vector.broadcast %broadcast_in_dim3A_482 : i1 to vector<16xi1>
      %masked_cumsum3A_484 = tpu.scan <sum>, %rev3A_481 masked %broadcast_in_dim3A_483 : vector<16xi32>, vector<16xi1> -> vector<16xi32>
      %rev3A_485 = arith.constant 15 : i32
      %rev3A_486 = vector.broadcast %rev3A_485 : i32 to vector<16xi32>
      %rev3A_487 = tpu.iota {dimensions = array<i32: 0>} : vector<16xi32>
      %rev3A_488 = arith.subi %rev3A_486, %rev3A_487 : vector<16xi32>
      %rev3A_489 = tpu.dynamic_gather %masked_cumsum3A_484[%rev3A_488] in [0] : vector<16xi32>, vector<16xi32> -> vector<16xi32>
      %ge3A_490 = arith.cmpi sge, %rev3A_489, %sub3A_468 : vector<16xi32>
      %all_reduce_population_count3A_491 = tpu.all_reduce %ge3A_490 {dim = 0 : i64, kind = #tpu.reduction_kind<sum>} : vector<16xi1> -> vector<16xi32>
      %swap3A_492 = arith.constant 0 : index
      %swap3A_493 = tpu.vector_load %arg7[%swap3A_492] {strides = array<i32>} : memref<16xi32, #tpu.memory_space<vmem>>, vector<16xi32>,
      tpu.vector_store %arg7[%swap3A_492], %rev3A_489 {strides = array<i32>} : memref<16xi32, #tpu.memory_space<vmem>>, vector<16xi32>,
      %min3A_494 = arith.constant 15 : i32
      %min3A_495 = vector.broadcast %min3A_494 : i32 to vector<16xi32>
      %min3A_496 = arith.minsi %all_reduce_population_count3A_491, %min3A_495 : vector<16xi32>
      %gather3A_497 = tpu.vector_load_idx %arg7[%min3A_496] : memref<16xi32, #tpu.memory_space<vmem>>[vector<16xi32>], vector<16xi32>,
      %ge3A_498 = arith.constant 16 : i32
      %ge3A_499 = vector.broadcast %ge3A_498 : i32 to vector<16xi32>
      %ge3A_500 = arith.cmpi sge, %all_reduce_population_count3A_491, %ge3A_499 : vector<16xi32>
      %jit3A_501 = arith.constant 0 : i32
      %broadcast_in_dim3A_502 = vector.broadcast %jit3A_501 : i32 to vector<16xi32>
      %select_n3A_503 = arith.select %ge3A_500, %broadcast_in_dim3A_502, %gather3A_497 : vector<16xi1>, vector<16xi32>
      %sub3A_504 = arith.subi %sub3A_468, %select_n3A_503 : vector<16xi32>
      %sub3A_505 = arith.constant 1 : i32
      %sub3A_506 = vector.broadcast %sub3A_505 : i32 to vector<16xi32>
      %sub3A_507 = arith.subi %all_reduce_population_count3A_455, %sub3A_506 : vector<16xi32>
      %mul3A_508 = arith.constant 16 : i32
      %mul3A_509 = vector.broadcast %mul3A_508 : i32 to vector<16xi32>
      %mul3A_510 = arith.muli %sub3A_507, %mul3A_509 : vector<16xi32>
      %sub3A_511 = arith.constant 1 : i32
      %sub3A_512 = vector.broadcast %sub3A_511 : i32 to vector<16xi32>
      %sub3A_513 = arith.subi %all_reduce_population_count3A_491, %sub3A_512 : vector<16xi32>
      %add3A_514 = arith.addi %mul3A_510, %sub3A_513 : vector<16xi32>
      %shift_left3A_515 = arith.constant 16 : i32
      %shift_left3A_516 = vector.broadcast %shift_left3A_515 : i32 to vector<16xi32>
      %shift_left3A_517 = arith.shli %add3A_514, %shift_left3A_516 : vector<16xi32>
      %or3A = arith.ori %shift_left3A_261, %shift_left3A_517 : vector<16xi32>
      %while3A_518 = arith.constant 0 : i32
      %while3A_519 = arith.subi %shift_right_arithmetic3A_273, %while3A_518 : i32
      %while3A_520 = arith.addi %while3A_518, %while3A_519 : i32
      %while3A_521 = arith.constant 1 : i32
      %while3A_522 = arith.divsi %while3A_519, %while3A_521 : i32
      %while3A_523 = arith.muli %while3A_522, %while3A_521 : i32
      %while3A_524 = arith.addi %while3A_518, %while3A_523 : i32
      %while3A_525 = arith.constant 1 : i32
      %while3A_526 = scf.for %while3A_1052 = %while3A_518 to %while3A_524 step %while3A_525 iter_args(%while3A_1053 = %broadcast_in_dim3A_6) -> (vector<16xi32>)  : i32 {
        %mul3A_1054 = arith.constant 16 : i32
        %mul3A_1055 = arith.muli %while3A_1052, %mul3A_1054 : i32
        %get3A_1056 = arith.index_cast %mul3A_1055 : i32 to index
        %get3A_1057 = tpu.vector_load %arg10[%get3A_1056] {strides = array<i32>} : memref<2048xi32, #tpu.memory_space<vmem>>, vector<16xi32>,
        %mul3A_1058 = arith.constant 16 : i32
        %mul3A_1059 = arith.muli %while3A_1052, %mul3A_1058 : i32
        %add3A_1060 = vector.broadcast %mul3A_1059 : i32 to vector<16xi32>
        %add3A_1061 = arith.addi %add3A_1060, %iota3A : vector<16xi32>
        %lt3A = arith.cmpi slt, %add3A_1061, %broadcast_in_dim3A_270 : vector<16xi32>
        %shift_right_arithmetic3A_1062 = arith.constant 16 : i32
        %shift_right_arithmetic3A_1063 = vector.broadcast %shift_right_arithmetic3A_1062 : i32 to vector<16xi32>
        %shift_right_arithmetic3A_1064 = arith.shrsi %get3A_1057, %shift_right_arithmetic3A_1063 : vector<16xi32>
        %and3A = arith.constant 255 : i32
        %and3A_1065 = vector.broadcast %and3A : i32 to vector<16xi32>
        %and3A_1066 = arith.andi %shift_right_arithmetic3A_1064, %and3A_1065 : vector<16xi32>
        %eq3A_1067 = arith.cmpi eq, %and3A_1066, %add3A_514 : vector<16xi32>
        %and3A_1068 = arith.andi %lt3A, %eq3A_1067 : vector<16xi1>
        %convert_element_type3A = arith.extui %and3A_1068 : vector<16xi1> to vector<16xi32>
        %broadcast_in_dim3A_1069 = arith.constant true
        %broadcast_in_dim3A_1070 = vector.broadcast %broadcast_in_dim3A_1069 : i1 to vector<16xi1>
        %masked_cumsum3A_1071 = tpu.scan <sum>, %convert_element_type3A masked %broadcast_in_dim3A_1070 : vector<16xi32>, vector<16xi1> -> vector<16xi32>
        %add3A_1072 = arith.addi %while3A_1053, %masked_cumsum3A_1071 : vector<16xi32>
        %sub3A_1073 = arith.constant 1 : i32
        %sub3A_1074 = vector.broadcast %sub3A_1073 : i32 to vector<16xi32>
        %sub3A_1075 = arith.subi %add3A_1072, %sub3A_1074 : vector<16xi32>
        tpu.vector_store_idx %arg11[%sub3A_1075], %get3A_1057 masked %and3A_1068 : memref<2048xi32, #tpu.memory_space<vmem>>[vector<16xi32>], vector<16xi32>, vector<16xi1>
        %all_reduce_population_count3A_1076 = tpu.all_reduce %and3A_1068 {dim = 0 : i64, kind = #tpu.reduction_kind<sum>} : vector<16xi1> -> vector<16xi32>
        %add3A_1077 = arith.addi %while3A_1053, %all_reduce_population_count3A_1076 : vector<16xi32>
        scf.yield %add3A_1077 : vector<16xi32>
      }
      %while3A_527 = arith.constant 1 : i32
      %while3A_528 = scf.for %while3A_1052 = %while3A_524 to %while3A_520 step %while3A_527 iter_args(%while3A_1053 = %while3A_526) -> (vector<16xi32>)  : i32 {
        %mul3A_1054 = arith.constant 16 : i32
        %mul3A_1055 = arith.muli %while3A_1052, %mul3A_1054 : i32
        %get3A_1056 = arith.index_cast %mul3A_1055 : i32 to index
        %get3A_1057 = tpu.vector_load %arg10[%get3A_1056] {strides = array<i32>} : memref<2048xi32, #tpu.memory_space<vmem>>, vector<16xi32>,
        %mul3A_1058 = arith.constant 16 : i32
        %mul3A_1059 = arith.muli %while3A_1052, %mul3A_1058 : i32
        %add3A_1060 = vector.broadcast %mul3A_1059 : i32 to vector<16xi32>
        %add3A_1061 = arith.addi %add3A_1060, %iota3A : vector<16xi32>
        %lt3A = arith.cmpi slt, %add3A_1061, %broadcast_in_dim3A_270 : vector<16xi32>
        %shift_right_arithmetic3A_1062 = arith.constant 16 : i32
        %shift_right_arithmetic3A_1063 = vector.broadcast %shift_right_arithmetic3A_1062 : i32 to vector<16xi32>
        %shift_right_arithmetic3A_1064 = arith.shrsi %get3A_1057, %shift_right_arithmetic3A_1063 : vector<16xi32>
        %and3A = arith.constant 255 : i32
        %and3A_1065 = vector.broadcast %and3A : i32 to vector<16xi32>
        %and3A_1066 = arith.andi %shift_right_arithmetic3A_1064, %and3A_1065 : vector<16xi32>
        %eq3A_1067 = arith.cmpi eq, %and3A_1066, %add3A_514 : vector<16xi32>
        %and3A_1068 = arith.andi %lt3A, %eq3A_1067 : vector<16xi1>
        %convert_element_type3A = arith.extui %and3A_1068 : vector<16xi1> to vector<16xi32>
        %broadcast_in_dim3A_1069 = arith.constant true
        %broadcast_in_dim3A_1070 = vector.broadcast %broadcast_in_dim3A_1069 : i1 to vector<16xi1>
        %masked_cumsum3A_1071 = tpu.scan <sum>, %convert_element_type3A masked %broadcast_in_dim3A_1070 : vector<16xi32>, vector<16xi1> -> vector<16xi32>
        %add3A_1072 = arith.addi %while3A_1053, %masked_cumsum3A_1071 : vector<16xi32>
        %sub3A_1073 = arith.constant 1 : i32
        %sub3A_1074 = vector.broadcast %sub3A_1073 : i32 to vector<16xi32>
        %sub3A_1075 = arith.subi %add3A_1072, %sub3A_1074 : vector<16xi32>
        tpu.vector_store_idx %arg11[%sub3A_1075], %get3A_1057 masked %and3A_1068 : memref<2048xi32, #tpu.memory_space<vmem>>[vector<16xi32>], vector<16xi32>, vector<16xi1>
        %all_reduce_population_count3A_1076 = tpu.all_reduce %and3A_1068 {dim = 0 : i64, kind = #tpu.reduction_kind<sum>} : vector<16xi1> -> vector<16xi32>
        %add3A_1077 = arith.addi %while3A_1053, %all_reduce_population_count3A_1076 : vector<16xi32>
        scf.yield %add3A_1077 : vector<16xi32>
      }
      %slice3A_529 = vector.extract_strided_slice %while3A_528 {offsets = [0], sizes = [1], strides = [1]} : vector<16xi32> to vector<1xi32>
      %squeeze3A_530 = vector.extract %slice3A_529[0] : i32 from vector<1xi32>
      %broadcast_in_dim3A_531 = vector.broadcast %squeeze3A_530 : i32 to vector<16xi32>
      %add3A_532 = arith.constant 15 : i32
      %add3A_533 = arith.addi %squeeze3A_530, %add3A_532 : i32
      %shift_right_arithmetic3A_534 = arith.constant 4 : i32
      %shift_right_arithmetic3A_535 = arith.shrsi %add3A_533, %shift_right_arithmetic3A_534 : i32
      %swap3A_536 = arith.constant 0 : index
      %swap3A_537 = tpu.vector_load %arg6[%swap3A_536] {strides = array<i32>} : memref<256xi32, #tpu.memory_space<vmem>>, vector<16xi32>,
      tpu.vector_store %arg6[%swap3A_536], %broadcast_in_dim3A_6 {strides = array<i32>} : memref<256xi32, #tpu.memory_space<vmem>>, vector<16xi32>,
      %swap3A_538 = arith.constant 16 : index
      %swap3A_539 = tpu.vector_load %arg6[%swap3A_538] {strides = array<i32>} : memref<256xi32, #tpu.memory_space<vmem>>, vector<16xi32>,
      tpu.vector_store %arg6[%swap3A_538], %broadcast_in_dim3A_6 {strides = array<i32>} : memref<256xi32, #tpu.memory_space<vmem>>, vector<16xi32>,
      %swap3A_540 = arith.constant 32 : index
      %swap3A_541 = tpu.vector_load %arg6[%swap3A_540] {strides = array<i32>} : memref<256xi32, #tpu.memory_space<vmem>>, vector<16xi32>,
      tpu.vector_store %arg6[%swap3A_540], %broadcast_in_dim3A_6 {strides = array<i32>} : memref<256xi32, #tpu.memory_space<vmem>>, vector<16xi32>,
      %swap3A_542 = arith.constant 48 : index
      %swap3A_543 = tpu.vector_load %arg6[%swap3A_542] {strides = array<i32>} : memref<256xi32, #tpu.memory_space<vmem>>, vector<16xi32>,
      tpu.vector_store %arg6[%swap3A_542], %broadcast_in_dim3A_6 {strides = array<i32>} : memref<256xi32, #tpu.memory_space<vmem>>, vector<16xi32>,
      %swap3A_544 = arith.constant 64 : index
      %swap3A_545 = tpu.vector_load %arg6[%swap3A_544] {strides = array<i32>} : memref<256xi32, #tpu.memory_space<vmem>>, vector<16xi32>,
      tpu.vector_store %arg6[%swap3A_544], %broadcast_in_dim3A_6 {strides = array<i32>} : memref<256xi32, #tpu.memory_space<vmem>>, vector<16xi32>,
      %swap3A_546 = arith.constant 80 : index
      %swap3A_547 = tpu.vector_load %arg6[%swap3A_546] {strides = array<i32>} : memref<256xi32, #tpu.memory_space<vmem>>, vector<16xi32>,
      tpu.vector_store %arg6[%swap3A_546], %broadcast_in_dim3A_6 {strides = array<i32>} : memref<256xi32, #tpu.memory_space<vmem>>, vector<16xi32>,
      %swap3A_548 = arith.constant 96 : index
      %swap3A_549 = tpu.vector_load %arg6[%swap3A_548] {strides = array<i32>} : memref<256xi32, #tpu.memory_space<vmem>>, vector<16xi32>,
      tpu.vector_store %arg6[%swap3A_548], %broadcast_in_dim3A_6 {strides = array<i32>} : memref<256xi32, #tpu.memory_space<vmem>>, vector<16xi32>,
      %swap3A_550 = arith.constant 112 : index
      %swap3A_551 = tpu.vector_load %arg6[%swap3A_550] {strides = array<i32>} : memref<256xi32, #tpu.memory_space<vmem>>, vector<16xi32>,
      tpu.vector_store %arg6[%swap3A_550], %broadcast_in_dim3A_6 {strides = array<i32>} : memref<256xi32, #tpu.memory_space<vmem>>, vector<16xi32>,
      %swap3A_552 = arith.constant 128 : index
      %swap3A_553 = tpu.vector_load %arg6[%swap3A_552] {strides = array<i32>} : memref<256xi32, #tpu.memory_space<vmem>>, vector<16xi32>,
      tpu.vector_store %arg6[%swap3A_552], %broadcast_in_dim3A_6 {strides = array<i32>} : memref<256xi32, #tpu.memory_space<vmem>>, vector<16xi32>,
      %swap3A_554 = arith.constant 144 : index
      %swap3A_555 = tpu.vector_load %arg6[%swap3A_554] {strides = array<i32>} : memref<256xi32, #tpu.memory_space<vmem>>, vector<16xi32>,
      tpu.vector_store %arg6[%swap3A_554], %broadcast_in_dim3A_6 {strides = array<i32>} : memref<256xi32, #tpu.memory_space<vmem>>, vector<16xi32>,
      %swap3A_556 = arith.constant 160 : index
      %swap3A_557 = tpu.vector_load %arg6[%swap3A_556] {strides = array<i32>} : memref<256xi32, #tpu.memory_space<vmem>>, vector<16xi32>,
      tpu.vector_store %arg6[%swap3A_556], %broadcast_in_dim3A_6 {strides = array<i32>} : memref<256xi32, #tpu.memory_space<vmem>>, vector<16xi32>,
      %swap3A_558 = arith.constant 176 : index
      %swap3A_559 = tpu.vector_load %arg6[%swap3A_558] {strides = array<i32>} : memref<256xi32, #tpu.memory_space<vmem>>, vector<16xi32>,
      tpu.vector_store %arg6[%swap3A_558], %broadcast_in_dim3A_6 {strides = array<i32>} : memref<256xi32, #tpu.memory_space<vmem>>, vector<16xi32>,
      %swap3A_560 = arith.constant 192 : index
      %swap3A_561 = tpu.vector_load %arg6[%swap3A_560] {strides = array<i32>} : memref<256xi32, #tpu.memory_space<vmem>>, vector<16xi32>,
      tpu.vector_store %arg6[%swap3A_560], %broadcast_in_dim3A_6 {strides = array<i32>} : memref<256xi32, #tpu.memory_space<vmem>>, vector<16xi32>,
      %swap3A_562 = arith.constant 208 : index
      %swap3A_563 = tpu.vector_load %arg6[%swap3A_562] {strides = array<i32>} : memref<256xi32, #tpu.memory_space<vmem>>, vector<16xi32>,
      tpu.vector_store %arg6[%swap3A_562], %broadcast_in_dim3A_6 {strides = array<i32>} : memref<256xi32, #tpu.memory_space<vmem>>, vector<16xi32>,
      %swap3A_564 = arith.constant 224 : index
      %swap3A_565 = tpu.vector_load %arg6[%swap3A_564] {strides = array<i32>} : memref<256xi32, #tpu.memory_space<vmem>>, vector<16xi32>,
      tpu.vector_store %arg6[%swap3A_564], %broadcast_in_dim3A_6 {strides = array<i32>} : memref<256xi32, #tpu.memory_space<vmem>>, vector<16xi32>,
      %swap3A_566 = arith.constant 240 : index
      %swap3A_567 = tpu.vector_load %arg6[%swap3A_566] {strides = array<i32>} : memref<256xi32, #tpu.memory_space<vmem>>, vector<16xi32>,
      tpu.vector_store %arg6[%swap3A_566], %broadcast_in_dim3A_6 {strides = array<i32>} : memref<256xi32, #tpu.memory_space<vmem>>, vector<16xi32>,
      %while3A_568 = arith.constant 0 : i32
      %while3A_569 = arith.constant 0 : i32
      %while3A_570 = arith.subi %shift_right_arithmetic3A_535, %while3A_568 : i32
      %while3A_571 = arith.addi %while3A_568, %while3A_570 : i32
      %while3A_572 = arith.constant 1 : i32
      %while3A_573 = arith.divsi %while3A_570, %while3A_572 : i32
      %while3A_574 = arith.muli %while3A_573, %while3A_572 : i32
      %while3A_575 = arith.addi %while3A_568, %while3A_574 : i32
      %while3A_576 = arith.constant 1 : i32
      %while3A_577 = scf.for %while3A_1052 = %while3A_568 to %while3A_575 step %while3A_576 iter_args(%while3A_1053 = %while3A_569) -> (i32)  : i32 {
        %mul3A_1054 = arith.constant 16 : i32
        %mul3A_1055 = arith.muli %while3A_1052, %mul3A_1054 : i32
        %get3A_1056 = arith.index_cast %mul3A_1055 : i32 to index
        %get3A_1057 = tpu.vector_load %arg11[%get3A_1056] {strides = array<i32>} : memref<2048xi32, #tpu.memory_space<vmem>>, vector<16xi32>,
        %mul3A_1058 = arith.constant 16 : i32
        %mul3A_1059 = arith.muli %while3A_1052, %mul3A_1058 : i32
        %add3A_1060 = vector.broadcast %mul3A_1059 : i32 to vector<16xi32>
        %add3A_1061 = arith.addi %add3A_1060, %iota3A : vector<16xi32>
        %lt3A = arith.cmpi slt, %add3A_1061, %broadcast_in_dim3A_531 : vector<16xi32>
        %shift_right_arithmetic3A_1062 = arith.constant 8 : i32
        %shift_right_arithmetic3A_1063 = vector.broadcast %shift_right_arithmetic3A_1062 : i32 to vector<16xi32>
        %shift_right_arithmetic3A_1064 = arith.shrsi %get3A_1057, %shift_right_arithmetic3A_1063 : vector<16xi32>
        %and3A = arith.constant 255 : i32
        %and3A_1065 = vector.broadcast %and3A : i32 to vector<16xi32>
        %and3A_1066 = arith.andi %shift_right_arithmetic3A_1064, %and3A_1065 : vector<16xi32>
        tpu.vector_store_idx %arg6[%and3A_1066], %broadcast_in_dim3A_4 masked %lt3A {add = true} : memref<256xi32, #tpu.memory_space<vmem>>[vector<16xi32>], vector<16xi32>, vector<16xi1>
        %while3A_1067 = arith.constant 0 : i32
        scf.yield %while3A_1067 : i32
      }
      %while3A_578 = arith.constant 1 : i32
      %while3A_579 = scf.for %while3A_1052 = %while3A_575 to %while3A_571 step %while3A_578 iter_args(%while3A_1053 = %while3A_577) -> (i32)  : i32 {
        %mul3A_1054 = arith.constant 16 : i32
        %mul3A_1055 = arith.muli %while3A_1052, %mul3A_1054 : i32
        %get3A_1056 = arith.index_cast %mul3A_1055 : i32 to index
        %get3A_1057 = tpu.vector_load %arg11[%get3A_1056] {strides = array<i32>} : memref<2048xi32, #tpu.memory_space<vmem>>, vector<16xi32>,
        %mul3A_1058 = arith.constant 16 : i32
        %mul3A_1059 = arith.muli %while3A_1052, %mul3A_1058 : i32
        %add3A_1060 = vector.broadcast %mul3A_1059 : i32 to vector<16xi32>
        %add3A_1061 = arith.addi %add3A_1060, %iota3A : vector<16xi32>
        %lt3A = arith.cmpi slt, %add3A_1061, %broadcast_in_dim3A_531 : vector<16xi32>
        %shift_right_arithmetic3A_1062 = arith.constant 8 : i32
        %shift_right_arithmetic3A_1063 = vector.broadcast %shift_right_arithmetic3A_1062 : i32 to vector<16xi32>
        %shift_right_arithmetic3A_1064 = arith.shrsi %get3A_1057, %shift_right_arithmetic3A_1063 : vector<16xi32>
        %and3A = arith.constant 255 : i32
        %and3A_1065 = vector.broadcast %and3A : i32 to vector<16xi32>
        %and3A_1066 = arith.andi %shift_right_arithmetic3A_1064, %and3A_1065 : vector<16xi32>
        tpu.vector_store_idx %arg6[%and3A_1066], %broadcast_in_dim3A_4 masked %lt3A {add = true} : memref<256xi32, #tpu.memory_space<vmem>>[vector<16xi32>], vector<16xi32>, vector<16xi1>
        %while3A_1067 = arith.constant 0 : i32
        scf.yield %while3A_1067 : i32
      }
      %mul3A_580 = arith.constant 16 : i32
      %mul3A_581 = vector.broadcast %mul3A_580 : i32 to vector<16xi32>
      %mul3A_582 = arith.muli %iota3A, %mul3A_581 : vector<16xi32>
      %gather3A_583 = tpu.vector_load_idx %arg6[%mul3A_582] : memref<256xi32, #tpu.memory_space<vmem>>[vector<16xi32>], vector<16xi32>,
      %mul3A_584 = arith.constant 16 : i32
      %mul3A_585 = vector.broadcast %mul3A_584 : i32 to vector<16xi32>
      %mul3A_586 = arith.muli %iota3A, %mul3A_585 : vector<16xi32>
      %add3A_587 = arith.constant 1 : i32
      %add3A_588 = vector.broadcast %add3A_587 : i32 to vector<16xi32>
      %add3A_589 = arith.addi %mul3A_586, %add3A_588 : vector<16xi32>
      %gather3A_590 = tpu.vector_load_idx %arg6[%add3A_589] : memref<256xi32, #tpu.memory_space<vmem>>[vector<16xi32>], vector<16xi32>,
      %add3A_591 = arith.addi %gather3A_583, %gather3A_590 : vector<16xi32>
      %mul3A_592 = arith.constant 16 : i32
      %mul3A_593 = vector.broadcast %mul3A_592 : i32 to vector<16xi32>
      %mul3A_594 = arith.muli %iota3A, %mul3A_593 : vector<16xi32>
      %add3A_595 = arith.constant 2 : i32
      %add3A_596 = vector.broadcast %add3A_595 : i32 to vector<16xi32>
      %add3A_597 = arith.addi %mul3A_594, %add3A_596 : vector<16xi32>
      %gather3A_598 = tpu.vector_load_idx %arg6[%add3A_597] : memref<256xi32, #tpu.memory_space<vmem>>[vector<16xi32>], vector<16xi32>,
      %add3A_599 = arith.addi %add3A_591, %gather3A_598 : vector<16xi32>
      %mul3A_600 = arith.constant 16 : i32
      %mul3A_601 = vector.broadcast %mul3A_600 : i32 to vector<16xi32>
      %mul3A_602 = arith.muli %iota3A, %mul3A_601 : vector<16xi32>
      %add3A_603 = arith.constant 3 : i32
      %add3A_604 = vector.broadcast %add3A_603 : i32 to vector<16xi32>
      %add3A_605 = arith.addi %mul3A_602, %add3A_604 : vector<16xi32>
      %gather3A_606 = tpu.vector_load_idx %arg6[%add3A_605] : memref<256xi32, #tpu.memory_space<vmem>>[vector<16xi32>], vector<16xi32>,
      %add3A_607 = arith.addi %add3A_599, %gather3A_606 : vector<16xi32>
      %mul3A_608 = arith.constant 16 : i32
      %mul3A_609 = vector.broadcast %mul3A_608 : i32 to vector<16xi32>
      %mul3A_610 = arith.muli %iota3A, %mul3A_609 : vector<16xi32>
      %add3A_611 = arith.constant 4 : i32
      %add3A_612 = vector.broadcast %add3A_611 : i32 to vector<16xi32>
      %add3A_613 = arith.addi %mul3A_610, %add3A_612 : vector<16xi32>
      %gather3A_614 = tpu.vector_load_idx %arg6[%add3A_613] : memref<256xi32, #tpu.memory_space<vmem>>[vector<16xi32>], vector<16xi32>,
      %add3A_615 = arith.addi %add3A_607, %gather3A_614 : vector<16xi32>
      %mul3A_616 = arith.constant 16 : i32
      %mul3A_617 = vector.broadcast %mul3A_616 : i32 to vector<16xi32>
      %mul3A_618 = arith.muli %iota3A, %mul3A_617 : vector<16xi32>
      %add3A_619 = arith.constant 5 : i32
      %add3A_620 = vector.broadcast %add3A_619 : i32 to vector<16xi32>
      %add3A_621 = arith.addi %mul3A_618, %add3A_620 : vector<16xi32>
      %gather3A_622 = tpu.vector_load_idx %arg6[%add3A_621] : memref<256xi32, #tpu.memory_space<vmem>>[vector<16xi32>], vector<16xi32>,
      %add3A_623 = arith.addi %add3A_615, %gather3A_622 : vector<16xi32>
      %mul3A_624 = arith.constant 16 : i32
      %mul3A_625 = vector.broadcast %mul3A_624 : i32 to vector<16xi32>
      %mul3A_626 = arith.muli %iota3A, %mul3A_625 : vector<16xi32>
      %add3A_627 = arith.constant 6 : i32
      %add3A_628 = vector.broadcast %add3A_627 : i32 to vector<16xi32>
      %add3A_629 = arith.addi %mul3A_626, %add3A_628 : vector<16xi32>
      %gather3A_630 = tpu.vector_load_idx %arg6[%add3A_629] : memref<256xi32, #tpu.memory_space<vmem>>[vector<16xi32>], vector<16xi32>,
      %add3A_631 = arith.addi %add3A_623, %gather3A_630 : vector<16xi32>
      %mul3A_632 = arith.constant 16 : i32
      %mul3A_633 = vector.broadcast %mul3A_632 : i32 to vector<16xi32>
      %mul3A_634 = arith.muli %iota3A, %mul3A_633 : vector<16xi32>
      %add3A_635 = arith.constant 7 : i32
      %add3A_636 = vector.broadcast %add3A_635 : i32 to vector<16xi32>
      %add3A_637 = arith.addi %mul3A_634, %add3A_636 : vector<16xi32>
      %gather3A_638 = tpu.vector_load_idx %arg6[%add3A_637] : memref<256xi32, #tpu.memory_space<vmem>>[vector<16xi32>], vector<16xi32>,
      %add3A_639 = arith.addi %add3A_631, %gather3A_638 : vector<16xi32>
      %mul3A_640 = arith.constant 16 : i32
      %mul3A_641 = vector.broadcast %mul3A_640 : i32 to vector<16xi32>
      %mul3A_642 = arith.muli %iota3A, %mul3A_641 : vector<16xi32>
      %add3A_643 = arith.constant 8 : i32
      %add3A_644 = vector.broadcast %add3A_643 : i32 to vector<16xi32>
      %add3A_645 = arith.addi %mul3A_642, %add3A_644 : vector<16xi32>
      %gather3A_646 = tpu.vector_load_idx %arg6[%add3A_645] : memref<256xi32, #tpu.memory_space<vmem>>[vector<16xi32>], vector<16xi32>,
      %add3A_647 = arith.addi %add3A_639, %gather3A_646 : vector<16xi32>
      %mul3A_648 = arith.constant 16 : i32
      %mul3A_649 = vector.broadcast %mul3A_648 : i32 to vector<16xi32>
      %mul3A_650 = arith.muli %iota3A, %mul3A_649 : vector<16xi32>
      %add3A_651 = arith.constant 9 : i32
      %add3A_652 = vector.broadcast %add3A_651 : i32 to vector<16xi32>
      %add3A_653 = arith.addi %mul3A_650, %add3A_652 : vector<16xi32>
      %gather3A_654 = tpu.vector_load_idx %arg6[%add3A_653] : memref<256xi32, #tpu.memory_space<vmem>>[vector<16xi32>], vector<16xi32>,
      %add3A_655 = arith.addi %add3A_647, %gather3A_654 : vector<16xi32>
      %mul3A_656 = arith.constant 16 : i32
      %mul3A_657 = vector.broadcast %mul3A_656 : i32 to vector<16xi32>
      %mul3A_658 = arith.muli %iota3A, %mul3A_657 : vector<16xi32>
      %add3A_659 = arith.constant 10 : i32
      %add3A_660 = vector.broadcast %add3A_659 : i32 to vector<16xi32>
      %add3A_661 = arith.addi %mul3A_658, %add3A_660 : vector<16xi32>
      %gather3A_662 = tpu.vector_load_idx %arg6[%add3A_661] : memref<256xi32, #tpu.memory_space<vmem>>[vector<16xi32>], vector<16xi32>,
      %add3A_663 = arith.addi %add3A_655, %gather3A_662 : vector<16xi32>
      %mul3A_664 = arith.constant 16 : i32
      %mul3A_665 = vector.broadcast %mul3A_664 : i32 to vector<16xi32>
      %mul3A_666 = arith.muli %iota3A, %mul3A_665 : vector<16xi32>
      %add3A_667 = arith.constant 11 : i32
      %add3A_668 = vector.broadcast %add3A_667 : i32 to vector<16xi32>
      %add3A_669 = arith.addi %mul3A_666, %add3A_668 : vector<16xi32>
      %gather3A_670 = tpu.vector_load_idx %arg6[%add3A_669] : memref<256xi32, #tpu.memory_space<vmem>>[vector<16xi32>], vector<16xi32>,
      %add3A_671 = arith.addi %add3A_663, %gather3A_670 : vector<16xi32>
      %mul3A_672 = arith.constant 16 : i32
      %mul3A_673 = vector.broadcast %mul3A_672 : i32 to vector<16xi32>
      %mul3A_674 = arith.muli %iota3A, %mul3A_673 : vector<16xi32>
      %add3A_675 = arith.constant 12 : i32
      %add3A_676 = vector.broadcast %add3A_675 : i32 to vector<16xi32>
      %add3A_677 = arith.addi %mul3A_674, %add3A_676 : vector<16xi32>
      %gather3A_678 = tpu.vector_load_idx %arg6[%add3A_677] : memref<256xi32, #tpu.memory_space<vmem>>[vector<16xi32>], vector<16xi32>,
      %add3A_679 = arith.addi %add3A_671, %gather3A_678 : vector<16xi32>
      %mul3A_680 = arith.constant 16 : i32
      %mul3A_681 = vector.broadcast %mul3A_680 : i32 to vector<16xi32>
      %mul3A_682 = arith.muli %iota3A, %mul3A_681 : vector<16xi32>
      %add3A_683 = arith.constant 13 : i32
      %add3A_684 = vector.broadcast %add3A_683 : i32 to vector<16xi32>
      %add3A_685 = arith.addi %mul3A_682, %add3A_684 : vector<16xi32>
      %gather3A_686 = tpu.vector_load_idx %arg6[%add3A_685] : memref<256xi32, #tpu.memory_space<vmem>>[vector<16xi32>], vector<16xi32>,
      %add3A_687 = arith.addi %add3A_679, %gather3A_686 : vector<16xi32>
      %mul3A_688 = arith.constant 16 : i32
      %mul3A_689 = vector.broadcast %mul3A_688 : i32 to vector<16xi32>
      %mul3A_690 = arith.muli %iota3A, %mul3A_689 : vector<16xi32>
      %add3A_691 = arith.constant 14 : i32
      %add3A_692 = vector.broadcast %add3A_691 : i32 to vector<16xi32>
      %add3A_693 = arith.addi %mul3A_690, %add3A_692 : vector<16xi32>
      %gather3A_694 = tpu.vector_load_idx %arg6[%add3A_693] : memref<256xi32, #tpu.memory_space<vmem>>[vector<16xi32>], vector<16xi32>,
      %add3A_695 = arith.addi %add3A_687, %gather3A_694 : vector<16xi32>
      %mul3A_696 = arith.constant 16 : i32
      %mul3A_697 = vector.broadcast %mul3A_696 : i32 to vector<16xi32>
      %mul3A_698 = arith.muli %iota3A, %mul3A_697 : vector<16xi32>
      %add3A_699 = arith.constant 15 : i32
      %add3A_700 = vector.broadcast %add3A_699 : i32 to vector<16xi32>
      %add3A_701 = arith.addi %mul3A_698, %add3A_700 : vector<16xi32>
      %gather3A_702 = tpu.vector_load_idx %arg6[%add3A_701] : memref<256xi32, #tpu.memory_space<vmem>>[vector<16xi32>], vector<16xi32>,
      %add3A_703 = arith.addi %add3A_695, %gather3A_702 : vector<16xi32>
      %rev3A_704 = arith.constant 15 : i32
      %rev3A_705 = vector.broadcast %rev3A_704 : i32 to vector<16xi32>
      %rev3A_706 = tpu.iota {dimensions = array<i32: 0>} : vector<16xi32>
      %rev3A_707 = arith.subi %rev3A_705, %rev3A_706 : vector<16xi32>
      %rev3A_708 = tpu.dynamic_gather %add3A_703[%rev3A_707] in [0] : vector<16xi32>, vector<16xi32> -> vector<16xi32>
      %broadcast_in_dim3A_709 = arith.constant true
      %broadcast_in_dim3A_710 = vector.broadcast %broadcast_in_dim3A_709 : i1 to vector<16xi1>
      %masked_cumsum3A_711 = tpu.scan <sum>, %rev3A_708 masked %broadcast_in_dim3A_710 : vector<16xi32>, vector<16xi1> -> vector<16xi32>
      %rev3A_712 = arith.constant 15 : i32
      %rev3A_713 = vector.broadcast %rev3A_712 : i32 to vector<16xi32>
      %rev3A_714 = tpu.iota {dimensions = array<i32: 0>} : vector<16xi32>
      %rev3A_715 = arith.subi %rev3A_713, %rev3A_714 : vector<16xi32>
      %rev3A_716 = tpu.dynamic_gather %masked_cumsum3A_711[%rev3A_715] in [0] : vector<16xi32>, vector<16xi32> -> vector<16xi32>
      %ge3A_717 = arith.cmpi sge, %rev3A_716, %sub3A_504 : vector<16xi32>
      %all_reduce_population_count3A_718 = tpu.all_reduce %ge3A_717 {dim = 0 : i64, kind = #tpu.reduction_kind<sum>} : vector<16xi1> -> vector<16xi32>
      %swap3A_719 = arith.constant 0 : index
      %swap3A_720 = tpu.vector_load %arg7[%swap3A_719] {strides = array<i32>} : memref<16xi32, #tpu.memory_space<vmem>>, vector<16xi32>,
      tpu.vector_store %arg7[%swap3A_719], %rev3A_716 {strides = array<i32>} : memref<16xi32, #tpu.memory_space<vmem>>, vector<16xi32>,
      %min3A_721 = arith.constant 15 : i32
      %min3A_722 = vector.broadcast %min3A_721 : i32 to vector<16xi32>
      %min3A_723 = arith.minsi %all_reduce_population_count3A_718, %min3A_722 : vector<16xi32>
      %gather3A_724 = tpu.vector_load_idx %arg7[%min3A_723] : memref<16xi32, #tpu.memory_space<vmem>>[vector<16xi32>], vector<16xi32>,
      %ge3A_725 = arith.constant 16 : i32
      %ge3A_726 = vector.broadcast %ge3A_725 : i32 to vector<16xi32>
      %ge3A_727 = arith.cmpi sge, %all_reduce_population_count3A_718, %ge3A_726 : vector<16xi32>
      %jit3A_728 = arith.constant 0 : i32
      %broadcast_in_dim3A_729 = vector.broadcast %jit3A_728 : i32 to vector<16xi32>
      %select_n3A_730 = arith.select %ge3A_727, %broadcast_in_dim3A_729, %gather3A_724 : vector<16xi1>, vector<16xi32>
      %sub3A_731 = arith.subi %sub3A_504, %select_n3A_730 : vector<16xi32>
      %sub3A_732 = arith.constant 1 : i32
      %sub3A_733 = vector.broadcast %sub3A_732 : i32 to vector<16xi32>
      %sub3A_734 = arith.subi %all_reduce_population_count3A_718, %sub3A_733 : vector<16xi32>
      %mul3A_735 = arith.constant 16 : i32
      %mul3A_736 = vector.broadcast %mul3A_735 : i32 to vector<16xi32>
      %mul3A_737 = arith.muli %sub3A_734, %mul3A_736 : vector<16xi32>
      %add3A_738 = arith.addi %mul3A_737, %iota3A : vector<16xi32>
      %gather3A_739 = tpu.vector_load_idx %arg6[%add3A_738] : memref<256xi32, #tpu.memory_space<vmem>>[vector<16xi32>], vector<16xi32>,
      %rev3A_740 = arith.constant 15 : i32
      %rev3A_741 = vector.broadcast %rev3A_740 : i32 to vector<16xi32>
      %rev3A_742 = tpu.iota {dimensions = array<i32: 0>} : vector<16xi32>
      %rev3A_743 = arith.subi %rev3A_741, %rev3A_742 : vector<16xi32>
      %rev3A_744 = tpu.dynamic_gather %gather3A_739[%rev3A_743] in [0] : vector<16xi32>, vector<16xi32> -> vector<16xi32>
      %broadcast_in_dim3A_745 = arith.constant true
      %broadcast_in_dim3A_746 = vector.broadcast %broadcast_in_dim3A_745 : i1 to vector<16xi1>
      %masked_cumsum3A_747 = tpu.scan <sum>, %rev3A_744 masked %broadcast_in_dim3A_746 : vector<16xi32>, vector<16xi1> -> vector<16xi32>
      %rev3A_748 = arith.constant 15 : i32
      %rev3A_749 = vector.broadcast %rev3A_748 : i32 to vector<16xi32>
      %rev3A_750 = tpu.iota {dimensions = array<i32: 0>} : vector<16xi32>
      %rev3A_751 = arith.subi %rev3A_749, %rev3A_750 : vector<16xi32>
      %rev3A_752 = tpu.dynamic_gather %masked_cumsum3A_747[%rev3A_751] in [0] : vector<16xi32>, vector<16xi32> -> vector<16xi32>
      %ge3A_753 = arith.cmpi sge, %rev3A_752, %sub3A_731 : vector<16xi32>
      %all_reduce_population_count3A_754 = tpu.all_reduce %ge3A_753 {dim = 0 : i64, kind = #tpu.reduction_kind<sum>} : vector<16xi1> -> vector<16xi32>
      %swap3A_755 = arith.constant 0 : index
      %swap3A_756 = tpu.vector_load %arg7[%swap3A_755] {strides = array<i32>} : memref<16xi32, #tpu.memory_space<vmem>>, vector<16xi32>,
      tpu.vector_store %arg7[%swap3A_755], %rev3A_752 {strides = array<i32>} : memref<16xi32, #tpu.memory_space<vmem>>, vector<16xi32>,
      %min3A_757 = arith.constant 15 : i32
      %min3A_758 = vector.broadcast %min3A_757 : i32 to vector<16xi32>
      %min3A_759 = arith.minsi %all_reduce_population_count3A_754, %min3A_758 : vector<16xi32>
      %gather3A_760 = tpu.vector_load_idx %arg7[%min3A_759] : memref<16xi32, #tpu.memory_space<vmem>>[vector<16xi32>], vector<16xi32>,
      %ge3A_761 = arith.constant 16 : i32
      %ge3A_762 = vector.broadcast %ge3A_761 : i32 to vector<16xi32>
      %ge3A_763 = arith.cmpi sge, %all_reduce_population_count3A_754, %ge3A_762 : vector<16xi32>
      %jit3A_764 = arith.constant 0 : i32
      %broadcast_in_dim3A_765 = vector.broadcast %jit3A_764 : i32 to vector<16xi32>
      %select_n3A_766 = arith.select %ge3A_763, %broadcast_in_dim3A_765, %gather3A_760 : vector<16xi1>, vector<16xi32>
      %sub3A_767 = arith.subi %sub3A_731, %select_n3A_766 : vector<16xi32>
      %sub3A_768 = arith.constant 1 : i32
      %sub3A_769 = vector.broadcast %sub3A_768 : i32 to vector<16xi32>
      %sub3A_770 = arith.subi %all_reduce_population_count3A_718, %sub3A_769 : vector<16xi32>
      %mul3A_771 = arith.constant 16 : i32
      %mul3A_772 = vector.broadcast %mul3A_771 : i32 to vector<16xi32>
      %mul3A_773 = arith.muli %sub3A_770, %mul3A_772 : vector<16xi32>
      %sub3A_774 = arith.constant 1 : i32
      %sub3A_775 = vector.broadcast %sub3A_774 : i32 to vector<16xi32>
      %sub3A_776 = arith.subi %all_reduce_population_count3A_754, %sub3A_775 : vector<16xi32>
      %add3A_777 = arith.addi %mul3A_773, %sub3A_776 : vector<16xi32>
      %shift_left3A_778 = arith.constant 8 : i32
      %shift_left3A_779 = vector.broadcast %shift_left3A_778 : i32 to vector<16xi32>
      %shift_left3A_780 = arith.shli %add3A_777, %shift_left3A_779 : vector<16xi32>
      %or3A_781 = arith.ori %or3A, %shift_left3A_780 : vector<16xi32>
      %while3A_782 = arith.constant 0 : i32
      %while3A_783 = arith.subi %shift_right_arithmetic3A_535, %while3A_782 : i32
      %while3A_784 = arith.addi %while3A_782, %while3A_783 : i32
      %while3A_785 = arith.constant 1 : i32
      %while3A_786 = arith.divsi %while3A_783, %while3A_785 : i32
      %while3A_787 = arith.muli %while3A_786, %while3A_785 : i32
      %while3A_788 = arith.addi %while3A_782, %while3A_787 : i32
      %while3A_789 = arith.constant 1 : i32
      %while3A_790 = scf.for %while3A_1052 = %while3A_782 to %while3A_788 step %while3A_789 iter_args(%while3A_1053 = %broadcast_in_dim3A_6) -> (vector<16xi32>)  : i32 {
        %mul3A_1054 = arith.constant 16 : i32
        %mul3A_1055 = arith.muli %while3A_1052, %mul3A_1054 : i32
        %get3A_1056 = arith.index_cast %mul3A_1055 : i32 to index
        %get3A_1057 = tpu.vector_load %arg11[%get3A_1056] {strides = array<i32>} : memref<2048xi32, #tpu.memory_space<vmem>>, vector<16xi32>,
        %mul3A_1058 = arith.constant 16 : i32
        %mul3A_1059 = arith.muli %while3A_1052, %mul3A_1058 : i32
        %add3A_1060 = vector.broadcast %mul3A_1059 : i32 to vector<16xi32>
        %add3A_1061 = arith.addi %add3A_1060, %iota3A : vector<16xi32>
        %lt3A = arith.cmpi slt, %add3A_1061, %broadcast_in_dim3A_531 : vector<16xi32>
        %shift_right_arithmetic3A_1062 = arith.constant 8 : i32
        %shift_right_arithmetic3A_1063 = vector.broadcast %shift_right_arithmetic3A_1062 : i32 to vector<16xi32>
        %shift_right_arithmetic3A_1064 = arith.shrsi %get3A_1057, %shift_right_arithmetic3A_1063 : vector<16xi32>
        %and3A = arith.constant 255 : i32
        %and3A_1065 = vector.broadcast %and3A : i32 to vector<16xi32>
        %and3A_1066 = arith.andi %shift_right_arithmetic3A_1064, %and3A_1065 : vector<16xi32>
        %eq3A_1067 = arith.cmpi eq, %and3A_1066, %add3A_777 : vector<16xi32>
        %and3A_1068 = arith.andi %lt3A, %eq3A_1067 : vector<16xi1>
        %convert_element_type3A = arith.extui %and3A_1068 : vector<16xi1> to vector<16xi32>
        %broadcast_in_dim3A_1069 = arith.constant true
        %broadcast_in_dim3A_1070 = vector.broadcast %broadcast_in_dim3A_1069 : i1 to vector<16xi1>
        %masked_cumsum3A_1071 = tpu.scan <sum>, %convert_element_type3A masked %broadcast_in_dim3A_1070 : vector<16xi32>, vector<16xi1> -> vector<16xi32>
        %add3A_1072 = arith.addi %while3A_1053, %masked_cumsum3A_1071 : vector<16xi32>
        %sub3A_1073 = arith.constant 1 : i32
        %sub3A_1074 = vector.broadcast %sub3A_1073 : i32 to vector<16xi32>
        %sub3A_1075 = arith.subi %add3A_1072, %sub3A_1074 : vector<16xi32>
        tpu.vector_store_idx %arg10[%sub3A_1075], %get3A_1057 masked %and3A_1068 : memref<2048xi32, #tpu.memory_space<vmem>>[vector<16xi32>], vector<16xi32>, vector<16xi1>
        %all_reduce_population_count3A_1076 = tpu.all_reduce %and3A_1068 {dim = 0 : i64, kind = #tpu.reduction_kind<sum>} : vector<16xi1> -> vector<16xi32>
        %add3A_1077 = arith.addi %while3A_1053, %all_reduce_population_count3A_1076 : vector<16xi32>
        scf.yield %add3A_1077 : vector<16xi32>
      }
      %while3A_791 = arith.constant 1 : i32
      %while3A_792 = scf.for %while3A_1052 = %while3A_788 to %while3A_784 step %while3A_791 iter_args(%while3A_1053 = %while3A_790) -> (vector<16xi32>)  : i32 {
        %mul3A_1054 = arith.constant 16 : i32
        %mul3A_1055 = arith.muli %while3A_1052, %mul3A_1054 : i32
        %get3A_1056 = arith.index_cast %mul3A_1055 : i32 to index
        %get3A_1057 = tpu.vector_load %arg11[%get3A_1056] {strides = array<i32>} : memref<2048xi32, #tpu.memory_space<vmem>>, vector<16xi32>,
        %mul3A_1058 = arith.constant 16 : i32
        %mul3A_1059 = arith.muli %while3A_1052, %mul3A_1058 : i32
        %add3A_1060 = vector.broadcast %mul3A_1059 : i32 to vector<16xi32>
        %add3A_1061 = arith.addi %add3A_1060, %iota3A : vector<16xi32>
        %lt3A = arith.cmpi slt, %add3A_1061, %broadcast_in_dim3A_531 : vector<16xi32>
        %shift_right_arithmetic3A_1062 = arith.constant 8 : i32
        %shift_right_arithmetic3A_1063 = vector.broadcast %shift_right_arithmetic3A_1062 : i32 to vector<16xi32>
        %shift_right_arithmetic3A_1064 = arith.shrsi %get3A_1057, %shift_right_arithmetic3A_1063 : vector<16xi32>
        %and3A = arith.constant 255 : i32
        %and3A_1065 = vector.broadcast %and3A : i32 to vector<16xi32>
        %and3A_1066 = arith.andi %shift_right_arithmetic3A_1064, %and3A_1065 : vector<16xi32>
        %eq3A_1067 = arith.cmpi eq, %and3A_1066, %add3A_777 : vector<16xi32>
        %and3A_1068 = arith.andi %lt3A, %eq3A_1067 : vector<16xi1>
        %convert_element_type3A = arith.extui %and3A_1068 : vector<16xi1> to vector<16xi32>
        %broadcast_in_dim3A_1069 = arith.constant true
        %broadcast_in_dim3A_1070 = vector.broadcast %broadcast_in_dim3A_1069 : i1 to vector<16xi1>
        %masked_cumsum3A_1071 = tpu.scan <sum>, %convert_element_type3A masked %broadcast_in_dim3A_1070 : vector<16xi32>, vector<16xi1> -> vector<16xi32>
        %add3A_1072 = arith.addi %while3A_1053, %masked_cumsum3A_1071 : vector<16xi32>
        %sub3A_1073 = arith.constant 1 : i32
        %sub3A_1074 = vector.broadcast %sub3A_1073 : i32 to vector<16xi32>
        %sub3A_1075 = arith.subi %add3A_1072, %sub3A_1074 : vector<16xi32>
        tpu.vector_store_idx %arg10[%sub3A_1075], %get3A_1057 masked %and3A_1068 : memref<2048xi32, #tpu.memory_space<vmem>>[vector<16xi32>], vector<16xi32>, vector<16xi1>
        %all_reduce_population_count3A_1076 = tpu.all_reduce %and3A_1068 {dim = 0 : i64, kind = #tpu.reduction_kind<sum>} : vector<16xi1> -> vector<16xi32>
        %add3A_1077 = arith.addi %while3A_1053, %all_reduce_population_count3A_1076 : vector<16xi32>
        scf.yield %add3A_1077 : vector<16xi32>
      }
      %slice3A_793 = vector.extract_strided_slice %while3A_792 {offsets = [0], sizes = [1], strides = [1]} : vector<16xi32> to vector<1xi32>
      %squeeze3A_794 = vector.extract %slice3A_793[0] : i32 from vector<1xi32>
      %broadcast_in_dim3A_795 = vector.broadcast %squeeze3A_794 : i32 to vector<16xi32>
      %add3A_796 = arith.constant 15 : i32
      %add3A_797 = arith.addi %squeeze3A_794, %add3A_796 : i32
      %shift_right_arithmetic3A_798 = arith.constant 4 : i32
      %shift_right_arithmetic3A_799 = arith.shrsi %add3A_797, %shift_right_arithmetic3A_798 : i32
      %swap3A_800 = arith.constant 0 : index
      %swap3A_801 = tpu.vector_load %arg6[%swap3A_800] {strides = array<i32>} : memref<256xi32, #tpu.memory_space<vmem>>, vector<16xi32>,
      tpu.vector_store %arg6[%swap3A_800], %broadcast_in_dim3A_6 {strides = array<i32>} : memref<256xi32, #tpu.memory_space<vmem>>, vector<16xi32>,
      %swap3A_802 = arith.constant 16 : index
      %swap3A_803 = tpu.vector_load %arg6[%swap3A_802] {strides = array<i32>} : memref<256xi32, #tpu.memory_space<vmem>>, vector<16xi32>,
      tpu.vector_store %arg6[%swap3A_802], %broadcast_in_dim3A_6 {strides = array<i32>} : memref<256xi32, #tpu.memory_space<vmem>>, vector<16xi32>,
      %swap3A_804 = arith.constant 32 : index
      %swap3A_805 = tpu.vector_load %arg6[%swap3A_804] {strides = array<i32>} : memref<256xi32, #tpu.memory_space<vmem>>, vector<16xi32>,
      tpu.vector_store %arg6[%swap3A_804], %broadcast_in_dim3A_6 {strides = array<i32>} : memref<256xi32, #tpu.memory_space<vmem>>, vector<16xi32>,
      %swap3A_806 = arith.constant 48 : index
      %swap3A_807 = tpu.vector_load %arg6[%swap3A_806] {strides = array<i32>} : memref<256xi32, #tpu.memory_space<vmem>>, vector<16xi32>,
      tpu.vector_store %arg6[%swap3A_806], %broadcast_in_dim3A_6 {strides = array<i32>} : memref<256xi32, #tpu.memory_space<vmem>>, vector<16xi32>,
      %swap3A_808 = arith.constant 64 : index
      %swap3A_809 = tpu.vector_load %arg6[%swap3A_808] {strides = array<i32>} : memref<256xi32, #tpu.memory_space<vmem>>, vector<16xi32>,
      tpu.vector_store %arg6[%swap3A_808], %broadcast_in_dim3A_6 {strides = array<i32>} : memref<256xi32, #tpu.memory_space<vmem>>, vector<16xi32>,
      %swap3A_810 = arith.constant 80 : index
      %swap3A_811 = tpu.vector_load %arg6[%swap3A_810] {strides = array<i32>} : memref<256xi32, #tpu.memory_space<vmem>>, vector<16xi32>,
      tpu.vector_store %arg6[%swap3A_810], %broadcast_in_dim3A_6 {strides = array<i32>} : memref<256xi32, #tpu.memory_space<vmem>>, vector<16xi32>,
      %swap3A_812 = arith.constant 96 : index
      %swap3A_813 = tpu.vector_load %arg6[%swap3A_812] {strides = array<i32>} : memref<256xi32, #tpu.memory_space<vmem>>, vector<16xi32>,
      tpu.vector_store %arg6[%swap3A_812], %broadcast_in_dim3A_6 {strides = array<i32>} : memref<256xi32, #tpu.memory_space<vmem>>, vector<16xi32>,
      %swap3A_814 = arith.constant 112 : index
      %swap3A_815 = tpu.vector_load %arg6[%swap3A_814] {strides = array<i32>} : memref<256xi32, #tpu.memory_space<vmem>>, vector<16xi32>,
      tpu.vector_store %arg6[%swap3A_814], %broadcast_in_dim3A_6 {strides = array<i32>} : memref<256xi32, #tpu.memory_space<vmem>>, vector<16xi32>,
      %swap3A_816 = arith.constant 128 : index
      %swap3A_817 = tpu.vector_load %arg6[%swap3A_816] {strides = array<i32>} : memref<256xi32, #tpu.memory_space<vmem>>, vector<16xi32>,
      tpu.vector_store %arg6[%swap3A_816], %broadcast_in_dim3A_6 {strides = array<i32>} : memref<256xi32, #tpu.memory_space<vmem>>, vector<16xi32>,
      %swap3A_818 = arith.constant 144 : index
      %swap3A_819 = tpu.vector_load %arg6[%swap3A_818] {strides = array<i32>} : memref<256xi32, #tpu.memory_space<vmem>>, vector<16xi32>,
      tpu.vector_store %arg6[%swap3A_818], %broadcast_in_dim3A_6 {strides = array<i32>} : memref<256xi32, #tpu.memory_space<vmem>>, vector<16xi32>,
      %swap3A_820 = arith.constant 160 : index
      %swap3A_821 = tpu.vector_load %arg6[%swap3A_820] {strides = array<i32>} : memref<256xi32, #tpu.memory_space<vmem>>, vector<16xi32>,
      tpu.vector_store %arg6[%swap3A_820], %broadcast_in_dim3A_6 {strides = array<i32>} : memref<256xi32, #tpu.memory_space<vmem>>, vector<16xi32>,
      %swap3A_822 = arith.constant 176 : index
      %swap3A_823 = tpu.vector_load %arg6[%swap3A_822] {strides = array<i32>} : memref<256xi32, #tpu.memory_space<vmem>>, vector<16xi32>,
      tpu.vector_store %arg6[%swap3A_822], %broadcast_in_dim3A_6 {strides = array<i32>} : memref<256xi32, #tpu.memory_space<vmem>>, vector<16xi32>,
      %swap3A_824 = arith.constant 192 : index
      %swap3A_825 = tpu.vector_load %arg6[%swap3A_824] {strides = array<i32>} : memref<256xi32, #tpu.memory_space<vmem>>, vector<16xi32>,
      tpu.vector_store %arg6[%swap3A_824], %broadcast_in_dim3A_6 {strides = array<i32>} : memref<256xi32, #tpu.memory_space<vmem>>, vector<16xi32>,
      %swap3A_826 = arith.constant 208 : index
      %swap3A_827 = tpu.vector_load %arg6[%swap3A_826] {strides = array<i32>} : memref<256xi32, #tpu.memory_space<vmem>>, vector<16xi32>,
      tpu.vector_store %arg6[%swap3A_826], %broadcast_in_dim3A_6 {strides = array<i32>} : memref<256xi32, #tpu.memory_space<vmem>>, vector<16xi32>,
      %swap3A_828 = arith.constant 224 : index
      %swap3A_829 = tpu.vector_load %arg6[%swap3A_828] {strides = array<i32>} : memref<256xi32, #tpu.memory_space<vmem>>, vector<16xi32>,
      tpu.vector_store %arg6[%swap3A_828], %broadcast_in_dim3A_6 {strides = array<i32>} : memref<256xi32, #tpu.memory_space<vmem>>, vector<16xi32>,
      %swap3A_830 = arith.constant 240 : index
      %swap3A_831 = tpu.vector_load %arg6[%swap3A_830] {strides = array<i32>} : memref<256xi32, #tpu.memory_space<vmem>>, vector<16xi32>,
      tpu.vector_store %arg6[%swap3A_830], %broadcast_in_dim3A_6 {strides = array<i32>} : memref<256xi32, #tpu.memory_space<vmem>>, vector<16xi32>,
      %while3A_832 = arith.constant 0 : i32
      %while3A_833 = arith.constant 0 : i32
      %while3A_834 = arith.subi %shift_right_arithmetic3A_799, %while3A_832 : i32
      %while3A_835 = arith.addi %while3A_832, %while3A_834 : i32
      %while3A_836 = arith.constant 1 : i32
      %while3A_837 = arith.divsi %while3A_834, %while3A_836 : i32
      %while3A_838 = arith.muli %while3A_837, %while3A_836 : i32
      %while3A_839 = arith.addi %while3A_832, %while3A_838 : i32
      %while3A_840 = arith.constant 1 : i32
      %while3A_841 = scf.for %while3A_1052 = %while3A_832 to %while3A_839 step %while3A_840 iter_args(%while3A_1053 = %while3A_833) -> (i32)  : i32 {
        %mul3A_1054 = arith.constant 16 : i32
        %mul3A_1055 = arith.muli %while3A_1052, %mul3A_1054 : i32
        %get3A_1056 = arith.index_cast %mul3A_1055 : i32 to index
        %get3A_1057 = tpu.vector_load %arg10[%get3A_1056] {strides = array<i32>} : memref<2048xi32, #tpu.memory_space<vmem>>, vector<16xi32>,
        %mul3A_1058 = arith.constant 16 : i32
        %mul3A_1059 = arith.muli %while3A_1052, %mul3A_1058 : i32
        %add3A_1060 = vector.broadcast %mul3A_1059 : i32 to vector<16xi32>
        %add3A_1061 = arith.addi %add3A_1060, %iota3A : vector<16xi32>
        %lt3A = arith.cmpi slt, %add3A_1061, %broadcast_in_dim3A_795 : vector<16xi32>
        %shift_right_arithmetic3A_1062 = arith.constant 0 : i32
        %shift_right_arithmetic3A_1063 = vector.broadcast %shift_right_arithmetic3A_1062 : i32 to vector<16xi32>
        %shift_right_arithmetic3A_1064 = arith.shrsi %get3A_1057, %shift_right_arithmetic3A_1063 : vector<16xi32>
        %and3A = arith.constant 255 : i32
        %and3A_1065 = vector.broadcast %and3A : i32 to vector<16xi32>
        %and3A_1066 = arith.andi %shift_right_arithmetic3A_1064, %and3A_1065 : vector<16xi32>
        tpu.vector_store_idx %arg6[%and3A_1066], %broadcast_in_dim3A_4 masked %lt3A {add = true} : memref<256xi32, #tpu.memory_space<vmem>>[vector<16xi32>], vector<16xi32>, vector<16xi1>
        %while3A_1067 = arith.constant 0 : i32
        scf.yield %while3A_1067 : i32
      }
      %while3A_842 = arith.constant 1 : i32
      %while3A_843 = scf.for %while3A_1052 = %while3A_839 to %while3A_835 step %while3A_842 iter_args(%while3A_1053 = %while3A_841) -> (i32)  : i32 {
        %mul3A_1054 = arith.constant 16 : i32
        %mul3A_1055 = arith.muli %while3A_1052, %mul3A_1054 : i32
        %get3A_1056 = arith.index_cast %mul3A_1055 : i32 to index
        %get3A_1057 = tpu.vector_load %arg10[%get3A_1056] {strides = array<i32>} : memref<2048xi32, #tpu.memory_space<vmem>>, vector<16xi32>,
        %mul3A_1058 = arith.constant 16 : i32
        %mul3A_1059 = arith.muli %while3A_1052, %mul3A_1058 : i32
        %add3A_1060 = vector.broadcast %mul3A_1059 : i32 to vector<16xi32>
        %add3A_1061 = arith.addi %add3A_1060, %iota3A : vector<16xi32>
        %lt3A = arith.cmpi slt, %add3A_1061, %broadcast_in_dim3A_795 : vector<16xi32>
        %shift_right_arithmetic3A_1062 = arith.constant 0 : i32
        %shift_right_arithmetic3A_1063 = vector.broadcast %shift_right_arithmetic3A_1062 : i32 to vector<16xi32>
        %shift_right_arithmetic3A_1064 = arith.shrsi %get3A_1057, %shift_right_arithmetic3A_1063 : vector<16xi32>
        %and3A = arith.constant 255 : i32
        %and3A_1065 = vector.broadcast %and3A : i32 to vector<16xi32>
        %and3A_1066 = arith.andi %shift_right_arithmetic3A_1064, %and3A_1065 : vector<16xi32>
        tpu.vector_store_idx %arg6[%and3A_1066], %broadcast_in_dim3A_4 masked %lt3A {add = true} : memref<256xi32, #tpu.memory_space<vmem>>[vector<16xi32>], vector<16xi32>, vector<16xi1>
        %while3A_1067 = arith.constant 0 : i32
        scf.yield %while3A_1067 : i32
      }
      %mul3A_844 = arith.constant 16 : i32
      %mul3A_845 = vector.broadcast %mul3A_844 : i32 to vector<16xi32>
      %mul3A_846 = arith.muli %iota3A, %mul3A_845 : vector<16xi32>
      %gather3A_847 = tpu.vector_load_idx %arg6[%mul3A_846] : memref<256xi32, #tpu.memory_space<vmem>>[vector<16xi32>], vector<16xi32>,
      %mul3A_848 = arith.constant 16 : i32
      %mul3A_849 = vector.broadcast %mul3A_848 : i32 to vector<16xi32>
      %mul3A_850 = arith.muli %iota3A, %mul3A_849 : vector<16xi32>
      %add3A_851 = arith.constant 1 : i32
      %add3A_852 = vector.broadcast %add3A_851 : i32 to vector<16xi32>
      %add3A_853 = arith.addi %mul3A_850, %add3A_852 : vector<16xi32>
      %gather3A_854 = tpu.vector_load_idx %arg6[%add3A_853] : memref<256xi32, #tpu.memory_space<vmem>>[vector<16xi32>], vector<16xi32>,
      %add3A_855 = arith.addi %gather3A_847, %gather3A_854 : vector<16xi32>
      %mul3A_856 = arith.constant 16 : i32
      %mul3A_857 = vector.broadcast %mul3A_856 : i32 to vector<16xi32>
      %mul3A_858 = arith.muli %iota3A, %mul3A_857 : vector<16xi32>
      %add3A_859 = arith.constant 2 : i32
      %add3A_860 = vector.broadcast %add3A_859 : i32 to vector<16xi32>
      %add3A_861 = arith.addi %mul3A_858, %add3A_860 : vector<16xi32>
      %gather3A_862 = tpu.vector_load_idx %arg6[%add3A_861] : memref<256xi32, #tpu.memory_space<vmem>>[vector<16xi32>], vector<16xi32>,
      %add3A_863 = arith.addi %add3A_855, %gather3A_862 : vector<16xi32>
      %mul3A_864 = arith.constant 16 : i32
      %mul3A_865 = vector.broadcast %mul3A_864 : i32 to vector<16xi32>
      %mul3A_866 = arith.muli %iota3A, %mul3A_865 : vector<16xi32>
      %add3A_867 = arith.constant 3 : i32
      %add3A_868 = vector.broadcast %add3A_867 : i32 to vector<16xi32>
      %add3A_869 = arith.addi %mul3A_866, %add3A_868 : vector<16xi32>
      %gather3A_870 = tpu.vector_load_idx %arg6[%add3A_869] : memref<256xi32, #tpu.memory_space<vmem>>[vector<16xi32>], vector<16xi32>,
      %add3A_871 = arith.addi %add3A_863, %gather3A_870 : vector<16xi32>
      %mul3A_872 = arith.constant 16 : i32
      %mul3A_873 = vector.broadcast %mul3A_872 : i32 to vector<16xi32>
      %mul3A_874 = arith.muli %iota3A, %mul3A_873 : vector<16xi32>
      %add3A_875 = arith.constant 4 : i32
      %add3A_876 = vector.broadcast %add3A_875 : i32 to vector<16xi32>
      %add3A_877 = arith.addi %mul3A_874, %add3A_876 : vector<16xi32>
      %gather3A_878 = tpu.vector_load_idx %arg6[%add3A_877] : memref<256xi32, #tpu.memory_space<vmem>>[vector<16xi32>], vector<16xi32>,
      %add3A_879 = arith.addi %add3A_871, %gather3A_878 : vector<16xi32>
      %mul3A_880 = arith.constant 16 : i32
      %mul3A_881 = vector.broadcast %mul3A_880 : i32 to vector<16xi32>
      %mul3A_882 = arith.muli %iota3A, %mul3A_881 : vector<16xi32>
      %add3A_883 = arith.constant 5 : i32
      %add3A_884 = vector.broadcast %add3A_883 : i32 to vector<16xi32>
      %add3A_885 = arith.addi %mul3A_882, %add3A_884 : vector<16xi32>
      %gather3A_886 = tpu.vector_load_idx %arg6[%add3A_885] : memref<256xi32, #tpu.memory_space<vmem>>[vector<16xi32>], vector<16xi32>,
      %add3A_887 = arith.addi %add3A_879, %gather3A_886 : vector<16xi32>
      %mul3A_888 = arith.constant 16 : i32
      %mul3A_889 = vector.broadcast %mul3A_888 : i32 to vector<16xi32>
      %mul3A_890 = arith.muli %iota3A, %mul3A_889 : vector<16xi32>
      %add3A_891 = arith.constant 6 : i32
      %add3A_892 = vector.broadcast %add3A_891 : i32 to vector<16xi32>
      %add3A_893 = arith.addi %mul3A_890, %add3A_892 : vector<16xi32>
      %gather3A_894 = tpu.vector_load_idx %arg6[%add3A_893] : memref<256xi32, #tpu.memory_space<vmem>>[vector<16xi32>], vector<16xi32>,
      %add3A_895 = arith.addi %add3A_887, %gather3A_894 : vector<16xi32>
      %mul3A_896 = arith.constant 16 : i32
      %mul3A_897 = vector.broadcast %mul3A_896 : i32 to vector<16xi32>
      %mul3A_898 = arith.muli %iota3A, %mul3A_897 : vector<16xi32>
      %add3A_899 = arith.constant 7 : i32
      %add3A_900 = vector.broadcast %add3A_899 : i32 to vector<16xi32>
      %add3A_901 = arith.addi %mul3A_898, %add3A_900 : vector<16xi32>
      %gather3A_902 = tpu.vector_load_idx %arg6[%add3A_901] : memref<256xi32, #tpu.memory_space<vmem>>[vector<16xi32>], vector<16xi32>,
      %add3A_903 = arith.addi %add3A_895, %gather3A_902 : vector<16xi32>
      %mul3A_904 = arith.constant 16 : i32
      %mul3A_905 = vector.broadcast %mul3A_904 : i32 to vector<16xi32>
      %mul3A_906 = arith.muli %iota3A, %mul3A_905 : vector<16xi32>
      %add3A_907 = arith.constant 8 : i32
      %add3A_908 = vector.broadcast %add3A_907 : i32 to vector<16xi32>
      %add3A_909 = arith.addi %mul3A_906, %add3A_908 : vector<16xi32>
      %gather3A_910 = tpu.vector_load_idx %arg6[%add3A_909] : memref<256xi32, #tpu.memory_space<vmem>>[vector<16xi32>], vector<16xi32>,
      %add3A_911 = arith.addi %add3A_903, %gather3A_910 : vector<16xi32>
      %mul3A_912 = arith.constant 16 : i32
      %mul3A_913 = vector.broadcast %mul3A_912 : i32 to vector<16xi32>
      %mul3A_914 = arith.muli %iota3A, %mul3A_913 : vector<16xi32>
      %add3A_915 = arith.constant 9 : i32
      %add3A_916 = vector.broadcast %add3A_915 : i32 to vector<16xi32>
      %add3A_917 = arith.addi %mul3A_914, %add3A_916 : vector<16xi32>
      %gather3A_918 = tpu.vector_load_idx %arg6[%add3A_917] : memref<256xi32, #tpu.memory_space<vmem>>[vector<16xi32>], vector<16xi32>,
      %add3A_919 = arith.addi %add3A_911, %gather3A_918 : vector<16xi32>
      %mul3A_920 = arith.constant 16 : i32
      %mul3A_921 = vector.broadcast %mul3A_920 : i32 to vector<16xi32>
      %mul3A_922 = arith.muli %iota3A, %mul3A_921 : vector<16xi32>
      %add3A_923 = arith.constant 10 : i32
      %add3A_924 = vector.broadcast %add3A_923 : i32 to vector<16xi32>
      %add3A_925 = arith.addi %mul3A_922, %add3A_924 : vector<16xi32>
      %gather3A_926 = tpu.vector_load_idx %arg6[%add3A_925] : memref<256xi32, #tpu.memory_space<vmem>>[vector<16xi32>], vector<16xi32>,
      %add3A_927 = arith.addi %add3A_919, %gather3A_926 : vector<16xi32>
      %mul3A_928 = arith.constant 16 : i32
      %mul3A_929 = vector.broadcast %mul3A_928 : i32 to vector<16xi32>
      %mul3A_930 = arith.muli %iota3A, %mul3A_929 : vector<16xi32>
      %add3A_931 = arith.constant 11 : i32
      %add3A_932 = vector.broadcast %add3A_931 : i32 to vector<16xi32>
      %add3A_933 = arith.addi %mul3A_930, %add3A_932 : vector<16xi32>
      %gather3A_934 = tpu.vector_load_idx %arg6[%add3A_933] : memref<256xi32, #tpu.memory_space<vmem>>[vector<16xi32>], vector<16xi32>,
      %add3A_935 = arith.addi %add3A_927, %gather3A_934 : vector<16xi32>
      %mul3A_936 = arith.constant 16 : i32
      %mul3A_937 = vector.broadcast %mul3A_936 : i32 to vector<16xi32>
      %mul3A_938 = arith.muli %iota3A, %mul3A_937 : vector<16xi32>
      %add3A_939 = arith.constant 12 : i32
      %add3A_940 = vector.broadcast %add3A_939 : i32 to vector<16xi32>
      %add3A_941 = arith.addi %mul3A_938, %add3A_940 : vector<16xi32>
      %gather3A_942 = tpu.vector_load_idx %arg6[%add3A_941] : memref<256xi32, #tpu.memory_space<vmem>>[vector<16xi32>], vector<16xi32>,
      %add3A_943 = arith.addi %add3A_935, %gather3A_942 : vector<16xi32>
      %mul3A_944 = arith.constant 16 : i32
      %mul3A_945 = vector.broadcast %mul3A_944 : i32 to vector<16xi32>
      %mul3A_946 = arith.muli %iota3A, %mul3A_945 : vector<16xi32>
      %add3A_947 = arith.constant 13 : i32
      %add3A_948 = vector.broadcast %add3A_947 : i32 to vector<16xi32>
      %add3A_949 = arith.addi %mul3A_946, %add3A_948 : vector<16xi32>
      %gather3A_950 = tpu.vector_load_idx %arg6[%add3A_949] : memref<256xi32, #tpu.memory_space<vmem>>[vector<16xi32>], vector<16xi32>,
      %add3A_951 = arith.addi %add3A_943, %gather3A_950 : vector<16xi32>
      %mul3A_952 = arith.constant 16 : i32
      %mul3A_953 = vector.broadcast %mul3A_952 : i32 to vector<16xi32>
      %mul3A_954 = arith.muli %iota3A, %mul3A_953 : vector<16xi32>
      %add3A_955 = arith.constant 14 : i32
      %add3A_956 = vector.broadcast %add3A_955 : i32 to vector<16xi32>
      %add3A_957 = arith.addi %mul3A_954, %add3A_956 : vector<16xi32>
      %gather3A_958 = tpu.vector_load_idx %arg6[%add3A_957] : memref<256xi32, #tpu.memory_space<vmem>>[vector<16xi32>], vector<16xi32>,
      %add3A_959 = arith.addi %add3A_951, %gather3A_958 : vector<16xi32>
      %mul3A_960 = arith.constant 16 : i32
      %mul3A_961 = vector.broadcast %mul3A_960 : i32 to vector<16xi32>
      %mul3A_962 = arith.muli %iota3A, %mul3A_961 : vector<16xi32>
      %add3A_963 = arith.constant 15 : i32
      %add3A_964 = vector.broadcast %add3A_963 : i32 to vector<16xi32>
      %add3A_965 = arith.addi %mul3A_962, %add3A_964 : vector<16xi32>
      %gather3A_966 = tpu.vector_load_idx %arg6[%add3A_965] : memref<256xi32, #tpu.memory_space<vmem>>[vector<16xi32>], vector<16xi32>,
      %add3A_967 = arith.addi %add3A_959, %gather3A_966 : vector<16xi32>
      %rev3A_968 = arith.constant 15 : i32
      %rev3A_969 = vector.broadcast %rev3A_968 : i32 to vector<16xi32>
      %rev3A_970 = tpu.iota {dimensions = array<i32: 0>} : vector<16xi32>
      %rev3A_971 = arith.subi %rev3A_969, %rev3A_970 : vector<16xi32>
      %rev3A_972 = tpu.dynamic_gather %add3A_967[%rev3A_971] in [0] : vector<16xi32>, vector<16xi32> -> vector<16xi32>
      %broadcast_in_dim3A_973 = arith.constant true
      %broadcast_in_dim3A_974 = vector.broadcast %broadcast_in_dim3A_973 : i1 to vector<16xi1>
      %masked_cumsum3A_975 = tpu.scan <sum>, %rev3A_972 masked %broadcast_in_dim3A_974 : vector<16xi32>, vector<16xi1> -> vector<16xi32>
      %rev3A_976 = arith.constant 15 : i32
      %rev3A_977 = vector.broadcast %rev3A_976 : i32 to vector<16xi32>
      %rev3A_978 = tpu.iota {dimensions = array<i32: 0>} : vector<16xi32>
      %rev3A_979 = arith.subi %rev3A_977, %rev3A_978 : vector<16xi32>
      %rev3A_980 = tpu.dynamic_gather %masked_cumsum3A_975[%rev3A_979] in [0] : vector<16xi32>, vector<16xi32> -> vector<16xi32>
      %ge3A_981 = arith.cmpi sge, %rev3A_980, %sub3A_767 : vector<16xi32>
      %all_reduce_population_count3A_982 = tpu.all_reduce %ge3A_981 {dim = 0 : i64, kind = #tpu.reduction_kind<sum>} : vector<16xi1> -> vector<16xi32>
      %swap3A_983 = arith.constant 0 : index
      %swap3A_984 = tpu.vector_load %arg7[%swap3A_983] {strides = array<i32>} : memref<16xi32, #tpu.memory_space<vmem>>, vector<16xi32>,
      tpu.vector_store %arg7[%swap3A_983], %rev3A_980 {strides = array<i32>} : memref<16xi32, #tpu.memory_space<vmem>>, vector<16xi32>,
      %min3A_985 = arith.constant 15 : i32
      %min3A_986 = vector.broadcast %min3A_985 : i32 to vector<16xi32>
      %min3A_987 = arith.minsi %all_reduce_population_count3A_982, %min3A_986 : vector<16xi32>
      %gather3A_988 = tpu.vector_load_idx %arg7[%min3A_987] : memref<16xi32, #tpu.memory_space<vmem>>[vector<16xi32>], vector<16xi32>,
      %ge3A_989 = arith.constant 16 : i32
      %ge3A_990 = vector.broadcast %ge3A_989 : i32 to vector<16xi32>
      %ge3A_991 = arith.cmpi sge, %all_reduce_population_count3A_982, %ge3A_990 : vector<16xi32>
      %jit3A_992 = arith.constant 0 : i32
      %broadcast_in_dim3A_993 = vector.broadcast %jit3A_992 : i32 to vector<16xi32>
      %select_n3A_994 = arith.select %ge3A_991, %broadcast_in_dim3A_993, %gather3A_988 : vector<16xi1>, vector<16xi32>
      %sub3A_995 = arith.subi %sub3A_767, %select_n3A_994 : vector<16xi32>
      %sub3A_996 = arith.constant 1 : i32
      %sub3A_997 = vector.broadcast %sub3A_996 : i32 to vector<16xi32>
      %sub3A_998 = arith.subi %all_reduce_population_count3A_982, %sub3A_997 : vector<16xi32>
      %mul3A_999 = arith.constant 16 : i32
      %mul3A_1000 = vector.broadcast %mul3A_999 : i32 to vector<16xi32>
      %mul3A_1001 = arith.muli %sub3A_998, %mul3A_1000 : vector<16xi32>
      %add3A_1002 = arith.addi %mul3A_1001, %iota3A : vector<16xi32>
      %gather3A_1003 = tpu.vector_load_idx %arg6[%add3A_1002] : memref<256xi32, #tpu.memory_space<vmem>>[vector<16xi32>], vector<16xi32>,
      %rev3A_1004 = arith.constant 15 : i32
      %rev3A_1005 = vector.broadcast %rev3A_1004 : i32 to vector<16xi32>
      %rev3A_1006 = tpu.iota {dimensions = array<i32: 0>} : vector<16xi32>
      %rev3A_1007 = arith.subi %rev3A_1005, %rev3A_1006 : vector<16xi32>
      %rev3A_1008 = tpu.dynamic_gather %gather3A_1003[%rev3A_1007] in [0] : vector<16xi32>, vector<16xi32> -> vector<16xi32>
      %broadcast_in_dim3A_1009 = arith.constant true
      %broadcast_in_dim3A_1010 = vector.broadcast %broadcast_in_dim3A_1009 : i1 to vector<16xi1>
      %masked_cumsum3A_1011 = tpu.scan <sum>, %rev3A_1008 masked %broadcast_in_dim3A_1010 : vector<16xi32>, vector<16xi1> -> vector<16xi32>
      %rev3A_1012 = arith.constant 15 : i32
      %rev3A_1013 = vector.broadcast %rev3A_1012 : i32 to vector<16xi32>
      %rev3A_1014 = tpu.iota {dimensions = array<i32: 0>} : vector<16xi32>
      %rev3A_1015 = arith.subi %rev3A_1013, %rev3A_1014 : vector<16xi32>
      %rev3A_1016 = tpu.dynamic_gather %masked_cumsum3A_1011[%rev3A_1015] in [0] : vector<16xi32>, vector<16xi32> -> vector<16xi32>
      %ge3A_1017 = arith.cmpi sge, %rev3A_1016, %sub3A_995 : vector<16xi32>
      %all_reduce_population_count3A_1018 = tpu.all_reduce %ge3A_1017 {dim = 0 : i64, kind = #tpu.reduction_kind<sum>} : vector<16xi1> -> vector<16xi32>
      %swap3A_1019 = arith.constant 0 : index
      %swap3A_1020 = tpu.vector_load %arg7[%swap3A_1019] {strides = array<i32>} : memref<16xi32, #tpu.memory_space<vmem>>, vector<16xi32>,
      tpu.vector_store %arg7[%swap3A_1019], %rev3A_1016 {strides = array<i32>} : memref<16xi32, #tpu.memory_space<vmem>>, vector<16xi32>,
      %min3A_1021 = arith.constant 15 : i32
      %min3A_1022 = vector.broadcast %min3A_1021 : i32 to vector<16xi32>
      %min3A_1023 = arith.minsi %all_reduce_population_count3A_1018, %min3A_1022 : vector<16xi32>
      %gather3A_1024 = tpu.vector_load_idx %arg7[%min3A_1023] : memref<16xi32, #tpu.memory_space<vmem>>[vector<16xi32>], vector<16xi32>,
      %ge3A_1025 = arith.constant 16 : i32
      %ge3A_1026 = vector.broadcast %ge3A_1025 : i32 to vector<16xi32>
      %ge3A_1027 = arith.cmpi sge, %all_reduce_population_count3A_1018, %ge3A_1026 : vector<16xi32>
      %jit3A_1028 = arith.constant 0 : i32
      %broadcast_in_dim3A_1029 = vector.broadcast %jit3A_1028 : i32 to vector<16xi32>
      %select_n3A_1030 = arith.select %ge3A_1027, %broadcast_in_dim3A_1029, %gather3A_1024 : vector<16xi1>, vector<16xi32>
      %sub3A_1031 = arith.subi %sub3A_995, %select_n3A_1030 : vector<16xi32>
      %sub3A_1032 = arith.constant 1 : i32
      %sub3A_1033 = vector.broadcast %sub3A_1032 : i32 to vector<16xi32>
      %sub3A_1034 = arith.subi %all_reduce_population_count3A_982, %sub3A_1033 : vector<16xi32>
      %mul3A_1035 = arith.constant 16 : i32
      %mul3A_1036 = vector.broadcast %mul3A_1035 : i32 to vector<16xi32>
      %mul3A_1037 = arith.muli %sub3A_1034, %mul3A_1036 : vector<16xi32>
      %sub3A_1038 = arith.constant 1 : i32
      %sub3A_1039 = vector.broadcast %sub3A_1038 : i32 to vector<16xi32>
      %sub3A_1040 = arith.subi %all_reduce_population_count3A_1018, %sub3A_1039 : vector<16xi32>
      %add3A_1041 = arith.addi %mul3A_1037, %sub3A_1040 : vector<16xi32>
      %shift_left3A_1042 = arith.constant 0 : i32
      %shift_left3A_1043 = vector.broadcast %shift_left3A_1042 : i32 to vector<16xi32>
      %shift_left3A_1044 = arith.shli %add3A_1041, %shift_left3A_1043 : vector<16xi32>
      %or3A_1045 = arith.ori %or3A_781, %shift_left3A_1044 : vector<16xi32>
      %add3A_1046 = arith.constant 0 : i32
      %add3A_1047 = arith.addi %add3A_1046, %scan3A_28 : i32
      %broadcast_in_dim3A_1048 = vector.broadcast %add3A_1047 : i32 to vector<16xi32>
      %eq3A = arith.constant 0 : i32
      %eq3A_1049 = vector.broadcast %eq3A : i32 to vector<16xi32>
      %eq3A_1050 = arith.cmpi eq, %iota3A, %eq3A_1049 : vector<16xi32>
      tpu.vector_store_idx %arg9[%broadcast_in_dim3A_1048], %or3A_1045 masked %eq3A_1050 : memref<64xi32, #tpu.memory_space<vmem>>[vector<16xi32>], vector<16xi32>, vector<16xi1>
      %scan3A_1051 = arith.constant 0 : i32
      scf.yield %scan3A_1051 : i32
    }
    %scan3A_16 = arith.constant 32 : i32
    %add3A_17 = arith.constant 32 : i32
    %add3A_18 = arith.addi %mul3A_2, %add3A_17 : i32
    %mul3A_19 = arith.constant 2048 : i32
    %mul3A_20 = arith.muli %add3A_18, %mul3A_19 : i32
    "tpu.region"() ({
      %run_scoped3A = tpu.sem_alloc : memref<!tpu.dma_semaphore, #tpu.memory_space<semaphore_mem>>
      %dma_start3A = tpu.memref_slice %arg2[%mul3A_20] : memref<4194304xi32, #tpu.memory_space<hbm>> -> memref<65536xi32, #tpu.memory_space<hbm>>
      %dma_start3A_28 = tpu.memref_slice %arg2[%mul3A_20] : memref<4194304xi32, #tpu.memory_space<hbm>> -> memref<65536xi32, #tpu.memory_space<hbm>>
      tpu.enqueue_dma source(%dma_start3A_28 : memref<65536xi32, #tpu.memory_space<hbm>>) target(%arg5 : memref<65536xi32, #tpu.memory_space<vmem>>) target_semaphore(%run_scoped3A : memref<!tpu.dma_semaphore, #tpu.memory_space<semaphore_mem>>)
      %dma_wait3A = tpu.memref_slice %arg2[%mul3A_20] : memref<4194304xi32, #tpu.memory_space<hbm>> -> memref<65536xi32, #tpu.memory_space<hbm>>
      %dma_wait3A_29 = tpu.memref_slice %arg2[%mul3A_20] : memref<4194304xi32, #tpu.memory_space<hbm>> -> memref<65536xi32, #tpu.memory_space<hbm>>
      tpu.wait_dma2 semaphore(%run_scoped3A : memref<!tpu.dma_semaphore, #tpu.memory_space<semaphore_mem>>) src(%dma_wait3A_29 : memref<65536xi32, #tpu.memory_space<hbm>>) dst(%arg5 : memref<65536xi32, #tpu.memory_space<vmem>>)
      tpu.yield
    }) : () -> ()
    %scan3A_21 = arith.constant 0 : i32
    %scan3A_22 = arith.constant 0 : i32
    %scan3A_23 = arith.constant 32 : i32
    %scan3A_24 = arith.addi %scan3A_22, %scan3A_23 : i32
    %scan3A_25 = arith.constant 1 : i32
    %scan3A_26 = scf.for %scan3A_28 = %scan3A_22 to %scan3A_24 step %scan3A_25 iter_args(%scan3A_29 = %scan3A_21) -> (i32)  : i32 {
      %mul3A_30 = arith.constant 2048 : i32
      %mul3A_31 = arith.muli %scan3A_28, %mul3A_30 : i32
      %swap3A = arith.constant 0 : index
      %swap3A_32 = tpu.vector_load %arg6[%swap3A] {strides = array<i32>} : memref<256xi32, #tpu.memory_space<vmem>>, vector<16xi32>,
      tpu.vector_store %arg6[%swap3A], %broadcast_in_dim3A_6 {strides = array<i32>} : memref<256xi32, #tpu.memory_space<vmem>>, vector<16xi32>,
      %swap3A_33 = arith.constant 16 : index
      %swap3A_34 = tpu.vector_load %arg6[%swap3A_33] {strides = array<i32>} : memref<256xi32, #tpu.memory_space<vmem>>, vector<16xi32>,
      tpu.vector_store %arg6[%swap3A_33], %broadcast_in_dim3A_6 {strides = array<i32>} : memref<256xi32, #tpu.memory_space<vmem>>, vector<16xi32>,
      %swap3A_35 = arith.constant 32 : index
      %swap3A_36 = tpu.vector_load %arg6[%swap3A_35] {strides = array<i32>} : memref<256xi32, #tpu.memory_space<vmem>>, vector<16xi32>,
      tpu.vector_store %arg6[%swap3A_35], %broadcast_in_dim3A_6 {strides = array<i32>} : memref<256xi32, #tpu.memory_space<vmem>>, vector<16xi32>,
      %swap3A_37 = arith.constant 48 : index
      %swap3A_38 = tpu.vector_load %arg6[%swap3A_37] {strides = array<i32>} : memref<256xi32, #tpu.memory_space<vmem>>, vector<16xi32>,
      tpu.vector_store %arg6[%swap3A_37], %broadcast_in_dim3A_6 {strides = array<i32>} : memref<256xi32, #tpu.memory_space<vmem>>, vector<16xi32>,
      %swap3A_39 = arith.constant 64 : index
      %swap3A_40 = tpu.vector_load %arg6[%swap3A_39] {strides = array<i32>} : memref<256xi32, #tpu.memory_space<vmem>>, vector<16xi32>,
      tpu.vector_store %arg6[%swap3A_39], %broadcast_in_dim3A_6 {strides = array<i32>} : memref<256xi32, #tpu.memory_space<vmem>>, vector<16xi32>,
      %swap3A_41 = arith.constant 80 : index
      %swap3A_42 = tpu.vector_load %arg6[%swap3A_41] {strides = array<i32>} : memref<256xi32, #tpu.memory_space<vmem>>, vector<16xi32>,
      tpu.vector_store %arg6[%swap3A_41], %broadcast_in_dim3A_6 {strides = array<i32>} : memref<256xi32, #tpu.memory_space<vmem>>, vector<16xi32>,
      %swap3A_43 = arith.constant 96 : index
      %swap3A_44 = tpu.vector_load %arg6[%swap3A_43] {strides = array<i32>} : memref<256xi32, #tpu.memory_space<vmem>>, vector<16xi32>,
      tpu.vector_store %arg6[%swap3A_43], %broadcast_in_dim3A_6 {strides = array<i32>} : memref<256xi32, #tpu.memory_space<vmem>>, vector<16xi32>,
      %swap3A_45 = arith.constant 112 : index
      %swap3A_46 = tpu.vector_load %arg6[%swap3A_45] {strides = array<i32>} : memref<256xi32, #tpu.memory_space<vmem>>, vector<16xi32>,
      tpu.vector_store %arg6[%swap3A_45], %broadcast_in_dim3A_6 {strides = array<i32>} : memref<256xi32, #tpu.memory_space<vmem>>, vector<16xi32>,
      %swap3A_47 = arith.constant 128 : index
      %swap3A_48 = tpu.vector_load %arg6[%swap3A_47] {strides = array<i32>} : memref<256xi32, #tpu.memory_space<vmem>>, vector<16xi32>,
      tpu.vector_store %arg6[%swap3A_47], %broadcast_in_dim3A_6 {strides = array<i32>} : memref<256xi32, #tpu.memory_space<vmem>>, vector<16xi32>,
      %swap3A_49 = arith.constant 144 : index
      %swap3A_50 = tpu.vector_load %arg6[%swap3A_49] {strides = array<i32>} : memref<256xi32, #tpu.memory_space<vmem>>, vector<16xi32>,
      tpu.vector_store %arg6[%swap3A_49], %broadcast_in_dim3A_6 {strides = array<i32>} : memref<256xi32, #tpu.memory_space<vmem>>, vector<16xi32>,
      %swap3A_51 = arith.constant 160 : index
      %swap3A_52 = tpu.vector_load %arg6[%swap3A_51] {strides = array<i32>} : memref<256xi32, #tpu.memory_space<vmem>>, vector<16xi32>,
      tpu.vector_store %arg6[%swap3A_51], %broadcast_in_dim3A_6 {strides = array<i32>} : memref<256xi32, #tpu.memory_space<vmem>>, vector<16xi32>,
      %swap3A_53 = arith.constant 176 : index
      %swap3A_54 = tpu.vector_load %arg6[%swap3A_53] {strides = array<i32>} : memref<256xi32, #tpu.memory_space<vmem>>, vector<16xi32>,
      tpu.vector_store %arg6[%swap3A_53], %broadcast_in_dim3A_6 {strides = array<i32>} : memref<256xi32, #tpu.memory_space<vmem>>, vector<16xi32>,
      %swap3A_55 = arith.constant 192 : index
      %swap3A_56 = tpu.vector_load %arg6[%swap3A_55] {strides = array<i32>} : memref<256xi32, #tpu.memory_space<vmem>>, vector<16xi32>,
      tpu.vector_store %arg6[%swap3A_55], %broadcast_in_dim3A_6 {strides = array<i32>} : memref<256xi32, #tpu.memory_space<vmem>>, vector<16xi32>,
      %swap3A_57 = arith.constant 208 : index
      %swap3A_58 = tpu.vector_load %arg6[%swap3A_57] {strides = array<i32>} : memref<256xi32, #tpu.memory_space<vmem>>, vector<16xi32>,
      tpu.vector_store %arg6[%swap3A_57], %broadcast_in_dim3A_6 {strides = array<i32>} : memref<256xi32, #tpu.memory_space<vmem>>, vector<16xi32>,
      %swap3A_59 = arith.constant 224 : index
      %swap3A_60 = tpu.vector_load %arg6[%swap3A_59] {strides = array<i32>} : memref<256xi32, #tpu.memory_space<vmem>>, vector<16xi32>,
      tpu.vector_store %arg6[%swap3A_59], %broadcast_in_dim3A_6 {strides = array<i32>} : memref<256xi32, #tpu.memory_space<vmem>>, vector<16xi32>,
      %swap3A_61 = arith.constant 240 : index
      %swap3A_62 = tpu.vector_load %arg6[%swap3A_61] {strides = array<i32>} : memref<256xi32, #tpu.memory_space<vmem>>, vector<16xi32>,
      tpu.vector_store %arg6[%swap3A_61], %broadcast_in_dim3A_6 {strides = array<i32>} : memref<256xi32, #tpu.memory_space<vmem>>, vector<16xi32>,
      %scan3A_63 = arith.constant 0 : i32
      %scan3A_64 = arith.constant 0 : i32
      %scan3A_65 = arith.constant 8 : i32
      %scan3A_66 = arith.addi %scan3A_64, %scan3A_65 : i32
      %scan3A_67 = arith.constant 1 : i32
      %scan3A_68 = scf.for %scan3A_1052 = %scan3A_64 to %scan3A_66 step %scan3A_67 iter_args(%scan3A_1053 = %scan3A_63) -> (i32)  : i32 {
        %mul3A_1054 = arith.constant 16 : i32
        %mul3A_1055 = arith.muli %scan3A_1052, %mul3A_1054 : i32
        %add3A_1056 = arith.constant 0 : i32
        %add3A_1057 = arith.addi %mul3A_1055, %add3A_1056 : i32
        %mul3A_1058 = arith.constant 16 : i32
        %mul3A_1059 = arith.muli %add3A_1057, %mul3A_1058 : i32
        %add3A_1060 = arith.addi %mul3A_31, %mul3A_1059 : i32
        %get3A_1061 = arith.index_cast %add3A_1060 : i32 to index
        %get3A_1062 = tpu.vector_load %arg5[%get3A_1061] {strides = array<i32>} : memref<65536xi32, #tpu.memory_space<vmem>>, vector<16xi32>,
        %shift_right_arithmetic3A_1063 = arith.constant 24 : i32
        %shift_right_arithmetic3A_1064 = vector.broadcast %shift_right_arithmetic3A_1063 : i32 to vector<16xi32>
        %shift_right_arithmetic3A_1065 = arith.shrsi %get3A_1062, %shift_right_arithmetic3A_1064 : vector<16xi32>
        %and3A = arith.constant 255 : i32
        %and3A_1066 = vector.broadcast %and3A : i32 to vector<16xi32>
        %and3A_1067 = arith.andi %shift_right_arithmetic3A_1065, %and3A_1066 : vector<16xi32>
        tpu.vector_store_idx %arg6[%and3A_1067], %broadcast_in_dim3A_4 {add = true} : memref<256xi32, #tpu.memory_space<vmem>>[vector<16xi32>], vector<16xi32>,
        %mul3A_1068 = arith.constant 16 : i32
        %mul3A_1069 = arith.muli %scan3A_1052, %mul3A_1068 : i32
        %add3A_1070 = arith.constant 1 : i32
        %add3A_1071 = arith.addi %mul3A_1069, %add3A_1070 : i32
        %mul3A_1072 = arith.constant 16 : i32
        %mul3A_1073 = arith.muli %add3A_1071, %mul3A_1072 : i32
        %add3A_1074 = arith.addi %mul3A_31, %mul3A_1073 : i32
        %get3A_1075 = arith.index_cast %add3A_1074 : i32 to index
        %get3A_1076 = tpu.vector_load %arg5[%get3A_1075] {strides = array<i32>} : memref<65536xi32, #tpu.memory_space<vmem>>, vector<16xi32>,
        %shift_right_arithmetic3A_1077 = arith.constant 24 : i32
        %shift_right_arithmetic3A_1078 = vector.broadcast %shift_right_arithmetic3A_1077 : i32 to vector<16xi32>
        %shift_right_arithmetic3A_1079 = arith.shrsi %get3A_1076, %shift_right_arithmetic3A_1078 : vector<16xi32>
        %and3A_1080 = arith.constant 255 : i32
        %and3A_1081 = vector.broadcast %and3A_1080 : i32 to vector<16xi32>
        %and3A_1082 = arith.andi %shift_right_arithmetic3A_1079, %and3A_1081 : vector<16xi32>
        tpu.vector_store_idx %arg6[%and3A_1082], %broadcast_in_dim3A_4 {add = true} : memref<256xi32, #tpu.memory_space<vmem>>[vector<16xi32>], vector<16xi32>,
        %mul3A_1083 = arith.constant 16 : i32
        %mul3A_1084 = arith.muli %scan3A_1052, %mul3A_1083 : i32
        %add3A_1085 = arith.constant 2 : i32
        %add3A_1086 = arith.addi %mul3A_1084, %add3A_1085 : i32
        %mul3A_1087 = arith.constant 16 : i32
        %mul3A_1088 = arith.muli %add3A_1086, %mul3A_1087 : i32
        %add3A_1089 = arith.addi %mul3A_31, %mul3A_1088 : i32
        %get3A_1090 = arith.index_cast %add3A_1089 : i32 to index
        %get3A_1091 = tpu.vector_load %arg5[%get3A_1090] {strides = array<i32>} : memref<65536xi32, #tpu.memory_space<vmem>>, vector<16xi32>,
        %shift_right_arithmetic3A_1092 = arith.constant 24 : i32
        %shift_right_arithmetic3A_1093 = vector.broadcast %shift_right_arithmetic3A_1092 : i32 to vector<16xi32>
        %shift_right_arithmetic3A_1094 = arith.shrsi %get3A_1091, %shift_right_arithmetic3A_1093 : vector<16xi32>
        %and3A_1095 = arith.constant 255 : i32
        %and3A_1096 = vector.broadcast %and3A_1095 : i32 to vector<16xi32>
        %and3A_1097 = arith.andi %shift_right_arithmetic3A_1094, %and3A_1096 : vector<16xi32>
        tpu.vector_store_idx %arg6[%and3A_1097], %broadcast_in_dim3A_4 {add = true} : memref<256xi32, #tpu.memory_space<vmem>>[vector<16xi32>], vector<16xi32>,
        %mul3A_1098 = arith.constant 16 : i32
        %mul3A_1099 = arith.muli %scan3A_1052, %mul3A_1098 : i32
        %add3A_1100 = arith.constant 3 : i32
        %add3A_1101 = arith.addi %mul3A_1099, %add3A_1100 : i32
        %mul3A_1102 = arith.constant 16 : i32
        %mul3A_1103 = arith.muli %add3A_1101, %mul3A_1102 : i32
        %add3A_1104 = arith.addi %mul3A_31, %mul3A_1103 : i32
        %get3A_1105 = arith.index_cast %add3A_1104 : i32 to index
        %get3A_1106 = tpu.vector_load %arg5[%get3A_1105] {strides = array<i32>} : memref<65536xi32, #tpu.memory_space<vmem>>, vector<16xi32>,
        %shift_right_arithmetic3A_1107 = arith.constant 24 : i32
        %shift_right_arithmetic3A_1108 = vector.broadcast %shift_right_arithmetic3A_1107 : i32 to vector<16xi32>
        %shift_right_arithmetic3A_1109 = arith.shrsi %get3A_1106, %shift_right_arithmetic3A_1108 : vector<16xi32>
        %and3A_1110 = arith.constant 255 : i32
        %and3A_1111 = vector.broadcast %and3A_1110 : i32 to vector<16xi32>
        %and3A_1112 = arith.andi %shift_right_arithmetic3A_1109, %and3A_1111 : vector<16xi32>
        tpu.vector_store_idx %arg6[%and3A_1112], %broadcast_in_dim3A_4 {add = true} : memref<256xi32, #tpu.memory_space<vmem>>[vector<16xi32>], vector<16xi32>,
        %mul3A_1113 = arith.constant 16 : i32
        %mul3A_1114 = arith.muli %scan3A_1052, %mul3A_1113 : i32
        %add3A_1115 = arith.constant 4 : i32
        %add3A_1116 = arith.addi %mul3A_1114, %add3A_1115 : i32
        %mul3A_1117 = arith.constant 16 : i32
        %mul3A_1118 = arith.muli %add3A_1116, %mul3A_1117 : i32
        %add3A_1119 = arith.addi %mul3A_31, %mul3A_1118 : i32
        %get3A_1120 = arith.index_cast %add3A_1119 : i32 to index
        %get3A_1121 = tpu.vector_load %arg5[%get3A_1120] {strides = array<i32>} : memref<65536xi32, #tpu.memory_space<vmem>>, vector<16xi32>,
        %shift_right_arithmetic3A_1122 = arith.constant 24 : i32
        %shift_right_arithmetic3A_1123 = vector.broadcast %shift_right_arithmetic3A_1122 : i32 to vector<16xi32>
        %shift_right_arithmetic3A_1124 = arith.shrsi %get3A_1121, %shift_right_arithmetic3A_1123 : vector<16xi32>
        %and3A_1125 = arith.constant 255 : i32
        %and3A_1126 = vector.broadcast %and3A_1125 : i32 to vector<16xi32>
        %and3A_1127 = arith.andi %shift_right_arithmetic3A_1124, %and3A_1126 : vector<16xi32>
        tpu.vector_store_idx %arg6[%and3A_1127], %broadcast_in_dim3A_4 {add = true} : memref<256xi32, #tpu.memory_space<vmem>>[vector<16xi32>], vector<16xi32>,
        %mul3A_1128 = arith.constant 16 : i32
        %mul3A_1129 = arith.muli %scan3A_1052, %mul3A_1128 : i32
        %add3A_1130 = arith.constant 5 : i32
        %add3A_1131 = arith.addi %mul3A_1129, %add3A_1130 : i32
        %mul3A_1132 = arith.constant 16 : i32
        %mul3A_1133 = arith.muli %add3A_1131, %mul3A_1132 : i32
        %add3A_1134 = arith.addi %mul3A_31, %mul3A_1133 : i32
        %get3A_1135 = arith.index_cast %add3A_1134 : i32 to index
        %get3A_1136 = tpu.vector_load %arg5[%get3A_1135] {strides = array<i32>} : memref<65536xi32, #tpu.memory_space<vmem>>, vector<16xi32>,
        %shift_right_arithmetic3A_1137 = arith.constant 24 : i32
        %shift_right_arithmetic3A_1138 = vector.broadcast %shift_right_arithmetic3A_1137 : i32 to vector<16xi32>
        %shift_right_arithmetic3A_1139 = arith.shrsi %get3A_1136, %shift_right_arithmetic3A_1138 : vector<16xi32>
        %and3A_1140 = arith.constant 255 : i32
        %and3A_1141 = vector.broadcast %and3A_1140 : i32 to vector<16xi32>
        %and3A_1142 = arith.andi %shift_right_arithmetic3A_1139, %and3A_1141 : vector<16xi32>
        tpu.vector_store_idx %arg6[%and3A_1142], %broadcast_in_dim3A_4 {add = true} : memref<256xi32, #tpu.memory_space<vmem>>[vector<16xi32>], vector<16xi32>,
        %mul3A_1143 = arith.constant 16 : i32
        %mul3A_1144 = arith.muli %scan3A_1052, %mul3A_1143 : i32
        %add3A_1145 = arith.constant 6 : i32
        %add3A_1146 = arith.addi %mul3A_1144, %add3A_1145 : i32
        %mul3A_1147 = arith.constant 16 : i32
        %mul3A_1148 = arith.muli %add3A_1146, %mul3A_1147 : i32
        %add3A_1149 = arith.addi %mul3A_31, %mul3A_1148 : i32
        %get3A_1150 = arith.index_cast %add3A_1149 : i32 to index
        %get3A_1151 = tpu.vector_load %arg5[%get3A_1150] {strides = array<i32>} : memref<65536xi32, #tpu.memory_space<vmem>>, vector<16xi32>,
        %shift_right_arithmetic3A_1152 = arith.constant 24 : i32
        %shift_right_arithmetic3A_1153 = vector.broadcast %shift_right_arithmetic3A_1152 : i32 to vector<16xi32>
        %shift_right_arithmetic3A_1154 = arith.shrsi %get3A_1151, %shift_right_arithmetic3A_1153 : vector<16xi32>
        %and3A_1155 = arith.constant 255 : i32
        %and3A_1156 = vector.broadcast %and3A_1155 : i32 to vector<16xi32>
        %and3A_1157 = arith.andi %shift_right_arithmetic3A_1154, %and3A_1156 : vector<16xi32>
        tpu.vector_store_idx %arg6[%and3A_1157], %broadcast_in_dim3A_4 {add = true} : memref<256xi32, #tpu.memory_space<vmem>>[vector<16xi32>], vector<16xi32>,
        %mul3A_1158 = arith.constant 16 : i32
        %mul3A_1159 = arith.muli %scan3A_1052, %mul3A_1158 : i32
        %add3A_1160 = arith.constant 7 : i32
        %add3A_1161 = arith.addi %mul3A_1159, %add3A_1160 : i32
        %mul3A_1162 = arith.constant 16 : i32
        %mul3A_1163 = arith.muli %add3A_1161, %mul3A_1162 : i32
        %add3A_1164 = arith.addi %mul3A_31, %mul3A_1163 : i32
        %get3A_1165 = arith.index_cast %add3A_1164 : i32 to index
        %get3A_1166 = tpu.vector_load %arg5[%get3A_1165] {strides = array<i32>} : memref<65536xi32, #tpu.memory_space<vmem>>, vector<16xi32>,
        %shift_right_arithmetic3A_1167 = arith.constant 24 : i32
        %shift_right_arithmetic3A_1168 = vector.broadcast %shift_right_arithmetic3A_1167 : i32 to vector<16xi32>
        %shift_right_arithmetic3A_1169 = arith.shrsi %get3A_1166, %shift_right_arithmetic3A_1168 : vector<16xi32>
        %and3A_1170 = arith.constant 255 : i32
        %and3A_1171 = vector.broadcast %and3A_1170 : i32 to vector<16xi32>
        %and3A_1172 = arith.andi %shift_right_arithmetic3A_1169, %and3A_1171 : vector<16xi32>
        tpu.vector_store_idx %arg6[%and3A_1172], %broadcast_in_dim3A_4 {add = true} : memref<256xi32, #tpu.memory_space<vmem>>[vector<16xi32>], vector<16xi32>,
        %mul3A_1173 = arith.constant 16 : i32
        %mul3A_1174 = arith.muli %scan3A_1052, %mul3A_1173 : i32
        %add3A_1175 = arith.constant 8 : i32
        %add3A_1176 = arith.addi %mul3A_1174, %add3A_1175 : i32
        %mul3A_1177 = arith.constant 16 : i32
        %mul3A_1178 = arith.muli %add3A_1176, %mul3A_1177 : i32
        %add3A_1179 = arith.addi %mul3A_31, %mul3A_1178 : i32
        %get3A_1180 = arith.index_cast %add3A_1179 : i32 to index
        %get3A_1181 = tpu.vector_load %arg5[%get3A_1180] {strides = array<i32>} : memref<65536xi32, #tpu.memory_space<vmem>>, vector<16xi32>,
        %shift_right_arithmetic3A_1182 = arith.constant 24 : i32
        %shift_right_arithmetic3A_1183 = vector.broadcast %shift_right_arithmetic3A_1182 : i32 to vector<16xi32>
        %shift_right_arithmetic3A_1184 = arith.shrsi %get3A_1181, %shift_right_arithmetic3A_1183 : vector<16xi32>
        %and3A_1185 = arith.constant 255 : i32
        %and3A_1186 = vector.broadcast %and3A_1185 : i32 to vector<16xi32>
        %and3A_1187 = arith.andi %shift_right_arithmetic3A_1184, %and3A_1186 : vector<16xi32>
        tpu.vector_store_idx %arg6[%and3A_1187], %broadcast_in_dim3A_4 {add = true} : memref<256xi32, #tpu.memory_space<vmem>>[vector<16xi32>], vector<16xi32>,
        %mul3A_1188 = arith.constant 16 : i32
        %mul3A_1189 = arith.muli %scan3A_1052, %mul3A_1188 : i32
        %add3A_1190 = arith.constant 9 : i32
        %add3A_1191 = arith.addi %mul3A_1189, %add3A_1190 : i32
        %mul3A_1192 = arith.constant 16 : i32
        %mul3A_1193 = arith.muli %add3A_1191, %mul3A_1192 : i32
        %add3A_1194 = arith.addi %mul3A_31, %mul3A_1193 : i32
        %get3A_1195 = arith.index_cast %add3A_1194 : i32 to index
        %get3A_1196 = tpu.vector_load %arg5[%get3A_1195] {strides = array<i32>} : memref<65536xi32, #tpu.memory_space<vmem>>, vector<16xi32>,
        %shift_right_arithmetic3A_1197 = arith.constant 24 : i32
        %shift_right_arithmetic3A_1198 = vector.broadcast %shift_right_arithmetic3A_1197 : i32 to vector<16xi32>
        %shift_right_arithmetic3A_1199 = arith.shrsi %get3A_1196, %shift_right_arithmetic3A_1198 : vector<16xi32>
        %and3A_1200 = arith.constant 255 : i32
        %and3A_1201 = vector.broadcast %and3A_1200 : i32 to vector<16xi32>
        %and3A_1202 = arith.andi %shift_right_arithmetic3A_1199, %and3A_1201 : vector<16xi32>
        tpu.vector_store_idx %arg6[%and3A_1202], %broadcast_in_dim3A_4 {add = true} : memref<256xi32, #tpu.memory_space<vmem>>[vector<16xi32>], vector<16xi32>,
        %mul3A_1203 = arith.constant 16 : i32
        %mul3A_1204 = arith.muli %scan3A_1052, %mul3A_1203 : i32
        %add3A_1205 = arith.constant 10 : i32
        %add3A_1206 = arith.addi %mul3A_1204, %add3A_1205 : i32
        %mul3A_1207 = arith.constant 16 : i32
        %mul3A_1208 = arith.muli %add3A_1206, %mul3A_1207 : i32
        %add3A_1209 = arith.addi %mul3A_31, %mul3A_1208 : i32
        %get3A_1210 = arith.index_cast %add3A_1209 : i32 to index
        %get3A_1211 = tpu.vector_load %arg5[%get3A_1210] {strides = array<i32>} : memref<65536xi32, #tpu.memory_space<vmem>>, vector<16xi32>,
        %shift_right_arithmetic3A_1212 = arith.constant 24 : i32
        %shift_right_arithmetic3A_1213 = vector.broadcast %shift_right_arithmetic3A_1212 : i32 to vector<16xi32>
        %shift_right_arithmetic3A_1214 = arith.shrsi %get3A_1211, %shift_right_arithmetic3A_1213 : vector<16xi32>
        %and3A_1215 = arith.constant 255 : i32
        %and3A_1216 = vector.broadcast %and3A_1215 : i32 to vector<16xi32>
        %and3A_1217 = arith.andi %shift_right_arithmetic3A_1214, %and3A_1216 : vector<16xi32>
        tpu.vector_store_idx %arg6[%and3A_1217], %broadcast_in_dim3A_4 {add = true} : memref<256xi32, #tpu.memory_space<vmem>>[vector<16xi32>], vector<16xi32>,
        %mul3A_1218 = arith.constant 16 : i32
        %mul3A_1219 = arith.muli %scan3A_1052, %mul3A_1218 : i32
        %add3A_1220 = arith.constant 11 : i32
        %add3A_1221 = arith.addi %mul3A_1219, %add3A_1220 : i32
        %mul3A_1222 = arith.constant 16 : i32
        %mul3A_1223 = arith.muli %add3A_1221, %mul3A_1222 : i32
        %add3A_1224 = arith.addi %mul3A_31, %mul3A_1223 : i32
        %get3A_1225 = arith.index_cast %add3A_1224 : i32 to index
        %get3A_1226 = tpu.vector_load %arg5[%get3A_1225] {strides = array<i32>} : memref<65536xi32, #tpu.memory_space<vmem>>, vector<16xi32>,
        %shift_right_arithmetic3A_1227 = arith.constant 24 : i32
        %shift_right_arithmetic3A_1228 = vector.broadcast %shift_right_arithmetic3A_1227 : i32 to vector<16xi32>
        %shift_right_arithmetic3A_1229 = arith.shrsi %get3A_1226, %shift_right_arithmetic3A_1228 : vector<16xi32>
        %and3A_1230 = arith.constant 255 : i32
        %and3A_1231 = vector.broadcast %and3A_1230 : i32 to vector<16xi32>
        %and3A_1232 = arith.andi %shift_right_arithmetic3A_1229, %and3A_1231 : vector<16xi32>
        tpu.vector_store_idx %arg6[%and3A_1232], %broadcast_in_dim3A_4 {add = true} : memref<256xi32, #tpu.memory_space<vmem>>[vector<16xi32>], vector<16xi32>,
        %mul3A_1233 = arith.constant 16 : i32
        %mul3A_1234 = arith.muli %scan3A_1052, %mul3A_1233 : i32
        %add3A_1235 = arith.constant 12 : i32
        %add3A_1236 = arith.addi %mul3A_1234, %add3A_1235 : i32
        %mul3A_1237 = arith.constant 16 : i32
        %mul3A_1238 = arith.muli %add3A_1236, %mul3A_1237 : i32
        %add3A_1239 = arith.addi %mul3A_31, %mul3A_1238 : i32
        %get3A_1240 = arith.index_cast %add3A_1239 : i32 to index
        %get3A_1241 = tpu.vector_load %arg5[%get3A_1240] {strides = array<i32>} : memref<65536xi32, #tpu.memory_space<vmem>>, vector<16xi32>,
        %shift_right_arithmetic3A_1242 = arith.constant 24 : i32
        %shift_right_arithmetic3A_1243 = vector.broadcast %shift_right_arithmetic3A_1242 : i32 to vector<16xi32>
        %shift_right_arithmetic3A_1244 = arith.shrsi %get3A_1241, %shift_right_arithmetic3A_1243 : vector<16xi32>
        %and3A_1245 = arith.constant 255 : i32
        %and3A_1246 = vector.broadcast %and3A_1245 : i32 to vector<16xi32>
        %and3A_1247 = arith.andi %shift_right_arithmetic3A_1244, %and3A_1246 : vector<16xi32>
        tpu.vector_store_idx %arg6[%and3A_1247], %broadcast_in_dim3A_4 {add = true} : memref<256xi32, #tpu.memory_space<vmem>>[vector<16xi32>], vector<16xi32>,
        %mul3A_1248 = arith.constant 16 : i32
        %mul3A_1249 = arith.muli %scan3A_1052, %mul3A_1248 : i32
        %add3A_1250 = arith.constant 13 : i32
        %add3A_1251 = arith.addi %mul3A_1249, %add3A_1250 : i32
        %mul3A_1252 = arith.constant 16 : i32
        %mul3A_1253 = arith.muli %add3A_1251, %mul3A_1252 : i32
        %add3A_1254 = arith.addi %mul3A_31, %mul3A_1253 : i32
        %get3A_1255 = arith.index_cast %add3A_1254 : i32 to index
        %get3A_1256 = tpu.vector_load %arg5[%get3A_1255] {strides = array<i32>} : memref<65536xi32, #tpu.memory_space<vmem>>, vector<16xi32>,
        %shift_right_arithmetic3A_1257 = arith.constant 24 : i32
        %shift_right_arithmetic3A_1258 = vector.broadcast %shift_right_arithmetic3A_1257 : i32 to vector<16xi32>
        %shift_right_arithmetic3A_1259 = arith.shrsi %get3A_1256, %shift_right_arithmetic3A_1258 : vector<16xi32>
        %and3A_1260 = arith.constant 255 : i32
        %and3A_1261 = vector.broadcast %and3A_1260 : i32 to vector<16xi32>
        %and3A_1262 = arith.andi %shift_right_arithmetic3A_1259, %and3A_1261 : vector<16xi32>
        tpu.vector_store_idx %arg6[%and3A_1262], %broadcast_in_dim3A_4 {add = true} : memref<256xi32, #tpu.memory_space<vmem>>[vector<16xi32>], vector<16xi32>,
        %mul3A_1263 = arith.constant 16 : i32
        %mul3A_1264 = arith.muli %scan3A_1052, %mul3A_1263 : i32
        %add3A_1265 = arith.constant 14 : i32
        %add3A_1266 = arith.addi %mul3A_1264, %add3A_1265 : i32
        %mul3A_1267 = arith.constant 16 : i32
        %mul3A_1268 = arith.muli %add3A_1266, %mul3A_1267 : i32
        %add3A_1269 = arith.addi %mul3A_31, %mul3A_1268 : i32
        %get3A_1270 = arith.index_cast %add3A_1269 : i32 to index
        %get3A_1271 = tpu.vector_load %arg5[%get3A_1270] {strides = array<i32>} : memref<65536xi32, #tpu.memory_space<vmem>>, vector<16xi32>,
        %shift_right_arithmetic3A_1272 = arith.constant 24 : i32
        %shift_right_arithmetic3A_1273 = vector.broadcast %shift_right_arithmetic3A_1272 : i32 to vector<16xi32>
        %shift_right_arithmetic3A_1274 = arith.shrsi %get3A_1271, %shift_right_arithmetic3A_1273 : vector<16xi32>
        %and3A_1275 = arith.constant 255 : i32
        %and3A_1276 = vector.broadcast %and3A_1275 : i32 to vector<16xi32>
        %and3A_1277 = arith.andi %shift_right_arithmetic3A_1274, %and3A_1276 : vector<16xi32>
        tpu.vector_store_idx %arg6[%and3A_1277], %broadcast_in_dim3A_4 {add = true} : memref<256xi32, #tpu.memory_space<vmem>>[vector<16xi32>], vector<16xi32>,
        %mul3A_1278 = arith.constant 16 : i32
        %mul3A_1279 = arith.muli %scan3A_1052, %mul3A_1278 : i32
        %add3A_1280 = arith.constant 15 : i32
        %add3A_1281 = arith.addi %mul3A_1279, %add3A_1280 : i32
        %mul3A_1282 = arith.constant 16 : i32
        %mul3A_1283 = arith.muli %add3A_1281, %mul3A_1282 : i32
        %add3A_1284 = arith.addi %mul3A_31, %mul3A_1283 : i32
        %get3A_1285 = arith.index_cast %add3A_1284 : i32 to index
        %get3A_1286 = tpu.vector_load %arg5[%get3A_1285] {strides = array<i32>} : memref<65536xi32, #tpu.memory_space<vmem>>, vector<16xi32>,
        %shift_right_arithmetic3A_1287 = arith.constant 24 : i32
        %shift_right_arithmetic3A_1288 = vector.broadcast %shift_right_arithmetic3A_1287 : i32 to vector<16xi32>
        %shift_right_arithmetic3A_1289 = arith.shrsi %get3A_1286, %shift_right_arithmetic3A_1288 : vector<16xi32>
        %and3A_1290 = arith.constant 255 : i32
        %and3A_1291 = vector.broadcast %and3A_1290 : i32 to vector<16xi32>
        %and3A_1292 = arith.andi %shift_right_arithmetic3A_1289, %and3A_1291 : vector<16xi32>
        tpu.vector_store_idx %arg6[%and3A_1292], %broadcast_in_dim3A_4 {add = true} : memref<256xi32, #tpu.memory_space<vmem>>[vector<16xi32>], vector<16xi32>,
        %scan3A_1293 = arith.constant 0 : i32
        scf.yield %scan3A_1293 : i32
      }
      %scan3A_69 = arith.constant 8 : i32
      %broadcast_in_dim3A_70 = vector.broadcast %squeeze3A : i32 to vector<16xi32>
      %mul3A_71 = arith.constant 16 : i32
      %mul3A_72 = vector.broadcast %mul3A_71 : i32 to vector<16xi32>
      %mul3A_73 = arith.muli %iota3A, %mul3A_72 : vector<16xi32>
      %gather3A = tpu.vector_load_idx %arg6[%mul3A_73] : memref<256xi32, #tpu.memory_space<vmem>>[vector<16xi32>], vector<16xi32>,
      %mul3A_74 = arith.constant 16 : i32
      %mul3A_75 = vector.broadcast %mul3A_74 : i32 to vector<16xi32>
      %mul3A_76 = arith.muli %iota3A, %mul3A_75 : vector<16xi32>
      %add3A_77 = arith.constant 1 : i32
      %add3A_78 = vector.broadcast %add3A_77 : i32 to vector<16xi32>
      %add3A_79 = arith.addi %mul3A_76, %add3A_78 : vector<16xi32>
      %gather3A_80 = tpu.vector_load_idx %arg6[%add3A_79] : memref<256xi32, #tpu.memory_space<vmem>>[vector<16xi32>], vector<16xi32>,
      %add3A_81 = arith.addi %gather3A, %gather3A_80 : vector<16xi32>
      %mul3A_82 = arith.constant 16 : i32
      %mul3A_83 = vector.broadcast %mul3A_82 : i32 to vector<16xi32>
      %mul3A_84 = arith.muli %iota3A, %mul3A_83 : vector<16xi32>
      %add3A_85 = arith.constant 2 : i32
      %add3A_86 = vector.broadcast %add3A_85 : i32 to vector<16xi32>
      %add3A_87 = arith.addi %mul3A_84, %add3A_86 : vector<16xi32>
      %gather3A_88 = tpu.vector_load_idx %arg6[%add3A_87] : memref<256xi32, #tpu.memory_space<vmem>>[vector<16xi32>], vector<16xi32>,
      %add3A_89 = arith.addi %add3A_81, %gather3A_88 : vector<16xi32>
      %mul3A_90 = arith.constant 16 : i32
      %mul3A_91 = vector.broadcast %mul3A_90 : i32 to vector<16xi32>
      %mul3A_92 = arith.muli %iota3A, %mul3A_91 : vector<16xi32>
      %add3A_93 = arith.constant 3 : i32
      %add3A_94 = vector.broadcast %add3A_93 : i32 to vector<16xi32>
      %add3A_95 = arith.addi %mul3A_92, %add3A_94 : vector<16xi32>
      %gather3A_96 = tpu.vector_load_idx %arg6[%add3A_95] : memref<256xi32, #tpu.memory_space<vmem>>[vector<16xi32>], vector<16xi32>,
      %add3A_97 = arith.addi %add3A_89, %gather3A_96 : vector<16xi32>
      %mul3A_98 = arith.constant 16 : i32
      %mul3A_99 = vector.broadcast %mul3A_98 : i32 to vector<16xi32>
      %mul3A_100 = arith.muli %iota3A, %mul3A_99 : vector<16xi32>
      %add3A_101 = arith.constant 4 : i32
      %add3A_102 = vector.broadcast %add3A_101 : i32 to vector<16xi32>
      %add3A_103 = arith.addi %mul3A_100, %add3A_102 : vector<16xi32>
      %gather3A_104 = tpu.vector_load_idx %arg6[%add3A_103] : memref<256xi32, #tpu.memory_space<vmem>>[vector<16xi32>], vector<16xi32>,
      %add3A_105 = arith.addi %add3A_97, %gather3A_104 : vector<16xi32>
      %mul3A_106 = arith.constant 16 : i32
      %mul3A_107 = vector.broadcast %mul3A_106 : i32 to vector<16xi32>
      %mul3A_108 = arith.muli %iota3A, %mul3A_107 : vector<16xi32>
      %add3A_109 = arith.constant 5 : i32
      %add3A_110 = vector.broadcast %add3A_109 : i32 to vector<16xi32>
      %add3A_111 = arith.addi %mul3A_108, %add3A_110 : vector<16xi32>
      %gather3A_112 = tpu.vector_load_idx %arg6[%add3A_111] : memref<256xi32, #tpu.memory_space<vmem>>[vector<16xi32>], vector<16xi32>,
      %add3A_113 = arith.addi %add3A_105, %gather3A_112 : vector<16xi32>
      %mul3A_114 = arith.constant 16 : i32
      %mul3A_115 = vector.broadcast %mul3A_114 : i32 to vector<16xi32>
      %mul3A_116 = arith.muli %iota3A, %mul3A_115 : vector<16xi32>
      %add3A_117 = arith.constant 6 : i32
      %add3A_118 = vector.broadcast %add3A_117 : i32 to vector<16xi32>
      %add3A_119 = arith.addi %mul3A_116, %add3A_118 : vector<16xi32>
      %gather3A_120 = tpu.vector_load_idx %arg6[%add3A_119] : memref<256xi32, #tpu.memory_space<vmem>>[vector<16xi32>], vector<16xi32>,
      %add3A_121 = arith.addi %add3A_113, %gather3A_120 : vector<16xi32>
      %mul3A_122 = arith.constant 16 : i32
      %mul3A_123 = vector.broadcast %mul3A_122 : i32 to vector<16xi32>
      %mul3A_124 = arith.muli %iota3A, %mul3A_123 : vector<16xi32>
      %add3A_125 = arith.constant 7 : i32
      %add3A_126 = vector.broadcast %add3A_125 : i32 to vector<16xi32>
      %add3A_127 = arith.addi %mul3A_124, %add3A_126 : vector<16xi32>
      %gather3A_128 = tpu.vector_load_idx %arg6[%add3A_127] : memref<256xi32, #tpu.memory_space<vmem>>[vector<16xi32>], vector<16xi32>,
      %add3A_129 = arith.addi %add3A_121, %gather3A_128 : vector<16xi32>
      %mul3A_130 = arith.constant 16 : i32
      %mul3A_131 = vector.broadcast %mul3A_130 : i32 to vector<16xi32>
      %mul3A_132 = arith.muli %iota3A, %mul3A_131 : vector<16xi32>
      %add3A_133 = arith.constant 8 : i32
      %add3A_134 = vector.broadcast %add3A_133 : i32 to vector<16xi32>
      %add3A_135 = arith.addi %mul3A_132, %add3A_134 : vector<16xi32>
      %gather3A_136 = tpu.vector_load_idx %arg6[%add3A_135] : memref<256xi32, #tpu.memory_space<vmem>>[vector<16xi32>], vector<16xi32>,
      %add3A_137 = arith.addi %add3A_129, %gather3A_136 : vector<16xi32>
      %mul3A_138 = arith.constant 16 : i32
      %mul3A_139 = vector.broadcast %mul3A_138 : i32 to vector<16xi32>
      %mul3A_140 = arith.muli %iota3A, %mul3A_139 : vector<16xi32>
      %add3A_141 = arith.constant 9 : i32
      %add3A_142 = vector.broadcast %add3A_141 : i32 to vector<16xi32>
      %add3A_143 = arith.addi %mul3A_140, %add3A_142 : vector<16xi32>
      %gather3A_144 = tpu.vector_load_idx %arg6[%add3A_143] : memref<256xi32, #tpu.memory_space<vmem>>[vector<16xi32>], vector<16xi32>,
      %add3A_145 = arith.addi %add3A_137, %gather3A_144 : vector<16xi32>
      %mul3A_146 = arith.constant 16 : i32
      %mul3A_147 = vector.broadcast %mul3A_146 : i32 to vector<16xi32>
      %mul3A_148 = arith.muli %iota3A, %mul3A_147 : vector<16xi32>
      %add3A_149 = arith.constant 10 : i32
      %add3A_150 = vector.broadcast %add3A_149 : i32 to vector<16xi32>
      %add3A_151 = arith.addi %mul3A_148, %add3A_150 : vector<16xi32>
      %gather3A_152 = tpu.vector_load_idx %arg6[%add3A_151] : memref<256xi32, #tpu.memory_space<vmem>>[vector<16xi32>], vector<16xi32>,
      %add3A_153 = arith.addi %add3A_145, %gather3A_152 : vector<16xi32>
      %mul3A_154 = arith.constant 16 : i32
      %mul3A_155 = vector.broadcast %mul3A_154 : i32 to vector<16xi32>
      %mul3A_156 = arith.muli %iota3A, %mul3A_155 : vector<16xi32>
      %add3A_157 = arith.constant 11 : i32
      %add3A_158 = vector.broadcast %add3A_157 : i32 to vector<16xi32>
      %add3A_159 = arith.addi %mul3A_156, %add3A_158 : vector<16xi32>
      %gather3A_160 = tpu.vector_load_idx %arg6[%add3A_159] : memref<256xi32, #tpu.memory_space<vmem>>[vector<16xi32>], vector<16xi32>,
      %add3A_161 = arith.addi %add3A_153, %gather3A_160 : vector<16xi32>
      %mul3A_162 = arith.constant 16 : i32
      %mul3A_163 = vector.broadcast %mul3A_162 : i32 to vector<16xi32>
      %mul3A_164 = arith.muli %iota3A, %mul3A_163 : vector<16xi32>
      %add3A_165 = arith.constant 12 : i32
      %add3A_166 = vector.broadcast %add3A_165 : i32 to vector<16xi32>
      %add3A_167 = arith.addi %mul3A_164, %add3A_166 : vector<16xi32>
      %gather3A_168 = tpu.vector_load_idx %arg6[%add3A_167] : memref<256xi32, #tpu.memory_space<vmem>>[vector<16xi32>], vector<16xi32>,
      %add3A_169 = arith.addi %add3A_161, %gather3A_168 : vector<16xi32>
      %mul3A_170 = arith.constant 16 : i32
      %mul3A_171 = vector.broadcast %mul3A_170 : i32 to vector<16xi32>
      %mul3A_172 = arith.muli %iota3A, %mul3A_171 : vector<16xi32>
      %add3A_173 = arith.constant 13 : i32
      %add3A_174 = vector.broadcast %add3A_173 : i32 to vector<16xi32>
      %add3A_175 = arith.addi %mul3A_172, %add3A_174 : vector<16xi32>
      %gather3A_176 = tpu.vector_load_idx %arg6[%add3A_175] : memref<256xi32, #tpu.memory_space<vmem>>[vector<16xi32>], vector<16xi32>,
      %add3A_177 = arith.addi %add3A_169, %gather3A_176 : vector<16xi32>
      %mul3A_178 = arith.constant 16 : i32
      %mul3A_179 = vector.broadcast %mul3A_178 : i32 to vector<16xi32>
      %mul3A_180 = arith.muli %iota3A, %mul3A_179 : vector<16xi32>
      %add3A_181 = arith.constant 14 : i32
      %add3A_182 = vector.broadcast %add3A_181 : i32 to vector<16xi32>
      %add3A_183 = arith.addi %mul3A_180, %add3A_182 : vector<16xi32>
      %gather3A_184 = tpu.vector_load_idx %arg6[%add3A_183] : memref<256xi32, #tpu.memory_space<vmem>>[vector<16xi32>], vector<16xi32>,
      %add3A_185 = arith.addi %add3A_177, %gather3A_184 : vector<16xi32>
      %mul3A_186 = arith.constant 16 : i32
      %mul3A_187 = vector.broadcast %mul3A_186 : i32 to vector<16xi32>
      %mul3A_188 = arith.muli %iota3A, %mul3A_187 : vector<16xi32>
      %add3A_189 = arith.constant 15 : i32
      %add3A_190 = vector.broadcast %add3A_189 : i32 to vector<16xi32>
      %add3A_191 = arith.addi %mul3A_188, %add3A_190 : vector<16xi32>
      %gather3A_192 = tpu.vector_load_idx %arg6[%add3A_191] : memref<256xi32, #tpu.memory_space<vmem>>[vector<16xi32>], vector<16xi32>,
      %add3A_193 = arith.addi %add3A_185, %gather3A_192 : vector<16xi32>
      %rev3A = arith.constant 15 : i32
      %rev3A_194 = vector.broadcast %rev3A : i32 to vector<16xi32>
      %rev3A_195 = tpu.iota {dimensions = array<i32: 0>} : vector<16xi32>
      %rev3A_196 = arith.subi %rev3A_194, %rev3A_195 : vector<16xi32>
      %rev3A_197 = tpu.dynamic_gather %add3A_193[%rev3A_196] in [0] : vector<16xi32>, vector<16xi32> -> vector<16xi32>
      %broadcast_in_dim3A_198 = arith.constant true
      %broadcast_in_dim3A_199 = vector.broadcast %broadcast_in_dim3A_198 : i1 to vector<16xi1>
      %masked_cumsum3A = tpu.scan <sum>, %rev3A_197 masked %broadcast_in_dim3A_199 : vector<16xi32>, vector<16xi1> -> vector<16xi32>
      %rev3A_200 = arith.constant 15 : i32
      %rev3A_201 = vector.broadcast %rev3A_200 : i32 to vector<16xi32>
      %rev3A_202 = tpu.iota {dimensions = array<i32: 0>} : vector<16xi32>
      %rev3A_203 = arith.subi %rev3A_201, %rev3A_202 : vector<16xi32>
      %rev3A_204 = tpu.dynamic_gather %masked_cumsum3A[%rev3A_203] in [0] : vector<16xi32>, vector<16xi32> -> vector<16xi32>
      %ge3A = arith.cmpi sge, %rev3A_204, %broadcast_in_dim3A_70 : vector<16xi32>
      %all_reduce_population_count3A = tpu.all_reduce %ge3A {dim = 0 : i64, kind = #tpu.reduction_kind<sum>} : vector<16xi1> -> vector<16xi32>
      %swap3A_205 = arith.constant 0 : index
      %swap3A_206 = tpu.vector_load %arg7[%swap3A_205] {strides = array<i32>} : memref<16xi32, #tpu.memory_space<vmem>>, vector<16xi32>,
      tpu.vector_store %arg7[%swap3A_205], %rev3A_204 {strides = array<i32>} : memref<16xi32, #tpu.memory_space<vmem>>, vector<16xi32>,
      %min3A = arith.constant 15 : i32
      %min3A_207 = vector.broadcast %min3A : i32 to vector<16xi32>
      %min3A_208 = arith.minsi %all_reduce_population_count3A, %min3A_207 : vector<16xi32>
      %gather3A_209 = tpu.vector_load_idx %arg7[%min3A_208] : memref<16xi32, #tpu.memory_space<vmem>>[vector<16xi32>], vector<16xi32>,
      %ge3A_210 = arith.constant 16 : i32
      %ge3A_211 = vector.broadcast %ge3A_210 : i32 to vector<16xi32>
      %ge3A_212 = arith.cmpi sge, %all_reduce_population_count3A, %ge3A_211 : vector<16xi32>
      %jit3A = arith.constant 0 : i32
      %broadcast_in_dim3A_213 = vector.broadcast %jit3A : i32 to vector<16xi32>
      %select_n3A = arith.select %ge3A_212, %broadcast_in_dim3A_213, %gather3A_209 : vector<16xi1>, vector<16xi32>
      %sub3A = arith.subi %broadcast_in_dim3A_70, %select_n3A : vector<16xi32>
      %sub3A_214 = arith.constant 1 : i32
      %sub3A_215 = vector.broadcast %sub3A_214 : i32 to vector<16xi32>
      %sub3A_216 = arith.subi %all_reduce_population_count3A, %sub3A_215 : vector<16xi32>
      %mul3A_217 = arith.constant 16 : i32
      %mul3A_218 = vector.broadcast %mul3A_217 : i32 to vector<16xi32>
      %mul3A_219 = arith.muli %sub3A_216, %mul3A_218 : vector<16xi32>
      %add3A_220 = arith.addi %mul3A_219, %iota3A : vector<16xi32>
      %gather3A_221 = tpu.vector_load_idx %arg6[%add3A_220] : memref<256xi32, #tpu.memory_space<vmem>>[vector<16xi32>], vector<16xi32>,
      %rev3A_222 = arith.constant 15 : i32
      %rev3A_223 = vector.broadcast %rev3A_222 : i32 to vector<16xi32>
      %rev3A_224 = tpu.iota {dimensions = array<i32: 0>} : vector<16xi32>
      %rev3A_225 = arith.subi %rev3A_223, %rev3A_224 : vector<16xi32>
      %rev3A_226 = tpu.dynamic_gather %gather3A_221[%rev3A_225] in [0] : vector<16xi32>, vector<16xi32> -> vector<16xi32>
      %broadcast_in_dim3A_227 = arith.constant true
      %broadcast_in_dim3A_228 = vector.broadcast %broadcast_in_dim3A_227 : i1 to vector<16xi1>
      %masked_cumsum3A_229 = tpu.scan <sum>, %rev3A_226 masked %broadcast_in_dim3A_228 : vector<16xi32>, vector<16xi1> -> vector<16xi32>
      %rev3A_230 = arith.constant 15 : i32
      %rev3A_231 = vector.broadcast %rev3A_230 : i32 to vector<16xi32>
      %rev3A_232 = tpu.iota {dimensions = array<i32: 0>} : vector<16xi32>
      %rev3A_233 = arith.subi %rev3A_231, %rev3A_232 : vector<16xi32>
      %rev3A_234 = tpu.dynamic_gather %masked_cumsum3A_229[%rev3A_233] in [0] : vector<16xi32>, vector<16xi32> -> vector<16xi32>
      %ge3A_235 = arith.cmpi sge, %rev3A_234, %sub3A : vector<16xi32>
      %all_reduce_population_count3A_236 = tpu.all_reduce %ge3A_235 {dim = 0 : i64, kind = #tpu.reduction_kind<sum>} : vector<16xi1> -> vector<16xi32>
      %swap3A_237 = arith.constant 0 : index
      %swap3A_238 = tpu.vector_load %arg7[%swap3A_237] {strides = array<i32>} : memref<16xi32, #tpu.memory_space<vmem>>, vector<16xi32>,
      tpu.vector_store %arg7[%swap3A_237], %rev3A_234 {strides = array<i32>} : memref<16xi32, #tpu.memory_space<vmem>>, vector<16xi32>,
      %min3A_239 = arith.constant 15 : i32
      %min3A_240 = vector.broadcast %min3A_239 : i32 to vector<16xi32>
      %min3A_241 = arith.minsi %all_reduce_population_count3A_236, %min3A_240 : vector<16xi32>
      %gather3A_242 = tpu.vector_load_idx %arg7[%min3A_241] : memref<16xi32, #tpu.memory_space<vmem>>[vector<16xi32>], vector<16xi32>,
      %ge3A_243 = arith.constant 16 : i32
      %ge3A_244 = vector.broadcast %ge3A_243 : i32 to vector<16xi32>
      %ge3A_245 = arith.cmpi sge, %all_reduce_population_count3A_236, %ge3A_244 : vector<16xi32>
      %jit3A_246 = arith.constant 0 : i32
      %broadcast_in_dim3A_247 = vector.broadcast %jit3A_246 : i32 to vector<16xi32>
      %select_n3A_248 = arith.select %ge3A_245, %broadcast_in_dim3A_247, %gather3A_242 : vector<16xi1>, vector<16xi32>
      %sub3A_249 = arith.subi %sub3A, %select_n3A_248 : vector<16xi32>
      %sub3A_250 = arith.constant 1 : i32
      %sub3A_251 = vector.broadcast %sub3A_250 : i32 to vector<16xi32>
      %sub3A_252 = arith.subi %all_reduce_population_count3A, %sub3A_251 : vector<16xi32>
      %mul3A_253 = arith.constant 16 : i32
      %mul3A_254 = vector.broadcast %mul3A_253 : i32 to vector<16xi32>
      %mul3A_255 = arith.muli %sub3A_252, %mul3A_254 : vector<16xi32>
      %sub3A_256 = arith.constant 1 : i32
      %sub3A_257 = vector.broadcast %sub3A_256 : i32 to vector<16xi32>
      %sub3A_258 = arith.subi %all_reduce_population_count3A_236, %sub3A_257 : vector<16xi32>
      %add3A_259 = arith.addi %mul3A_255, %sub3A_258 : vector<16xi32>
      %shift_left3A = arith.constant 24 : i32
      %shift_left3A_260 = vector.broadcast %shift_left3A : i32 to vector<16xi32>
      %shift_left3A_261 = arith.shli %add3A_259, %shift_left3A_260 : vector<16xi32>
      %scan3A_262 = arith.constant 0 : i32
      %scan3A_263 = arith.constant 8 : i32
      %scan3A_264 = arith.addi %scan3A_262, %scan3A_263 : i32
      %scan3A_265 = arith.constant 1 : i32
      %scan3A_266 = scf.for %scan3A_1052 = %scan3A_262 to %scan3A_264 step %scan3A_265 iter_args(%scan3A_1053 = %broadcast_in_dim3A_6) -> (vector<16xi32>)  : i32 {
        %mul3A_1054 = arith.constant 16 : i32
        %mul3A_1055 = arith.muli %scan3A_1052, %mul3A_1054 : i32
        %add3A_1056 = arith.constant 0 : i32
        %add3A_1057 = arith.addi %mul3A_1055, %add3A_1056 : i32
        %mul3A_1058 = arith.constant 16 : i32
        %mul3A_1059 = arith.muli %add3A_1057, %mul3A_1058 : i32
        %add3A_1060 = arith.addi %mul3A_31, %mul3A_1059 : i32
        %get3A_1061 = arith.index_cast %add3A_1060 : i32 to index
        %get3A_1062 = tpu.vector_load %arg5[%get3A_1061] {strides = array<i32>} : memref<65536xi32, #tpu.memory_space<vmem>>, vector<16xi32>,
        %shift_right_arithmetic3A_1063 = arith.constant 24 : i32
        %shift_right_arithmetic3A_1064 = vector.broadcast %shift_right_arithmetic3A_1063 : i32 to vector<16xi32>
        %shift_right_arithmetic3A_1065 = arith.shrsi %get3A_1062, %shift_right_arithmetic3A_1064 : vector<16xi32>
        %and3A = arith.constant 255 : i32
        %and3A_1066 = vector.broadcast %and3A : i32 to vector<16xi32>
        %and3A_1067 = arith.andi %shift_right_arithmetic3A_1065, %and3A_1066 : vector<16xi32>
        %eq3A_1068 = arith.cmpi eq, %and3A_1067, %add3A_259 : vector<16xi32>
        %convert_element_type3A = arith.extui %eq3A_1068 : vector<16xi1> to vector<16xi32>
        %broadcast_in_dim3A_1069 = arith.constant true
        %broadcast_in_dim3A_1070 = vector.broadcast %broadcast_in_dim3A_1069 : i1 to vector<16xi1>
        %masked_cumsum3A_1071 = tpu.scan <sum>, %convert_element_type3A masked %broadcast_in_dim3A_1070 : vector<16xi32>, vector<16xi1> -> vector<16xi32>
        %add3A_1072 = arith.addi %scan3A_1053, %masked_cumsum3A_1071 : vector<16xi32>
        %sub3A_1073 = arith.constant 1 : i32
        %sub3A_1074 = vector.broadcast %sub3A_1073 : i32 to vector<16xi32>
        %sub3A_1075 = arith.subi %add3A_1072, %sub3A_1074 : vector<16xi32>
        tpu.vector_store_idx %arg10[%sub3A_1075], %get3A_1062 masked %eq3A_1068 : memref<2048xi32, #tpu.memory_space<vmem>>[vector<16xi32>], vector<16xi32>, vector<16xi1>
        %all_reduce_population_count3A_1076 = tpu.all_reduce %eq3A_1068 {dim = 0 : i64, kind = #tpu.reduction_kind<sum>} : vector<16xi1> -> vector<16xi32>
        %add3A_1077 = arith.addi %scan3A_1053, %all_reduce_population_count3A_1076 : vector<16xi32>
        %mul3A_1078 = arith.constant 16 : i32
        %mul3A_1079 = arith.muli %scan3A_1052, %mul3A_1078 : i32
        %add3A_1080 = arith.constant 1 : i32
        %add3A_1081 = arith.addi %mul3A_1079, %add3A_1080 : i32
        %mul3A_1082 = arith.constant 16 : i32
        %mul3A_1083 = arith.muli %add3A_1081, %mul3A_1082 : i32
        %add3A_1084 = arith.addi %mul3A_31, %mul3A_1083 : i32
        %get3A_1085 = arith.index_cast %add3A_1084 : i32 to index
        %get3A_1086 = tpu.vector_load %arg5[%get3A_1085] {strides = array<i32>} : memref<65536xi32, #tpu.memory_space<vmem>>, vector<16xi32>,
        %shift_right_arithmetic3A_1087 = arith.constant 24 : i32
        %shift_right_arithmetic3A_1088 = vector.broadcast %shift_right_arithmetic3A_1087 : i32 to vector<16xi32>
        %shift_right_arithmetic3A_1089 = arith.shrsi %get3A_1086, %shift_right_arithmetic3A_1088 : vector<16xi32>
        %and3A_1090 = arith.constant 255 : i32
        %and3A_1091 = vector.broadcast %and3A_1090 : i32 to vector<16xi32>
        %and3A_1092 = arith.andi %shift_right_arithmetic3A_1089, %and3A_1091 : vector<16xi32>
        %eq3A_1093 = arith.cmpi eq, %and3A_1092, %add3A_259 : vector<16xi32>
        %convert_element_type3A_1094 = arith.extui %eq3A_1093 : vector<16xi1> to vector<16xi32>
        %broadcast_in_dim3A_1095 = arith.constant true
        %broadcast_in_dim3A_1096 = vector.broadcast %broadcast_in_dim3A_1095 : i1 to vector<16xi1>
        %masked_cumsum3A_1097 = tpu.scan <sum>, %convert_element_type3A_1094 masked %broadcast_in_dim3A_1096 : vector<16xi32>, vector<16xi1> -> vector<16xi32>
        %add3A_1098 = arith.addi %add3A_1077, %masked_cumsum3A_1097 : vector<16xi32>
        %sub3A_1099 = arith.constant 1 : i32
        %sub3A_1100 = vector.broadcast %sub3A_1099 : i32 to vector<16xi32>
        %sub3A_1101 = arith.subi %add3A_1098, %sub3A_1100 : vector<16xi32>
        tpu.vector_store_idx %arg10[%sub3A_1101], %get3A_1086 masked %eq3A_1093 : memref<2048xi32, #tpu.memory_space<vmem>>[vector<16xi32>], vector<16xi32>, vector<16xi1>
        %all_reduce_population_count3A_1102 = tpu.all_reduce %eq3A_1093 {dim = 0 : i64, kind = #tpu.reduction_kind<sum>} : vector<16xi1> -> vector<16xi32>
        %add3A_1103 = arith.addi %add3A_1077, %all_reduce_population_count3A_1102 : vector<16xi32>
        %mul3A_1104 = arith.constant 16 : i32
        %mul3A_1105 = arith.muli %scan3A_1052, %mul3A_1104 : i32
        %add3A_1106 = arith.constant 2 : i32
        %add3A_1107 = arith.addi %mul3A_1105, %add3A_1106 : i32
        %mul3A_1108 = arith.constant 16 : i32
        %mul3A_1109 = arith.muli %add3A_1107, %mul3A_1108 : i32
        %add3A_1110 = arith.addi %mul3A_31, %mul3A_1109 : i32
        %get3A_1111 = arith.index_cast %add3A_1110 : i32 to index
        %get3A_1112 = tpu.vector_load %arg5[%get3A_1111] {strides = array<i32>} : memref<65536xi32, #tpu.memory_space<vmem>>, vector<16xi32>,
        %shift_right_arithmetic3A_1113 = arith.constant 24 : i32
        %shift_right_arithmetic3A_1114 = vector.broadcast %shift_right_arithmetic3A_1113 : i32 to vector<16xi32>
        %shift_right_arithmetic3A_1115 = arith.shrsi %get3A_1112, %shift_right_arithmetic3A_1114 : vector<16xi32>
        %and3A_1116 = arith.constant 255 : i32
        %and3A_1117 = vector.broadcast %and3A_1116 : i32 to vector<16xi32>
        %and3A_1118 = arith.andi %shift_right_arithmetic3A_1115, %and3A_1117 : vector<16xi32>
        %eq3A_1119 = arith.cmpi eq, %and3A_1118, %add3A_259 : vector<16xi32>
        %convert_element_type3A_1120 = arith.extui %eq3A_1119 : vector<16xi1> to vector<16xi32>
        %broadcast_in_dim3A_1121 = arith.constant true
        %broadcast_in_dim3A_1122 = vector.broadcast %broadcast_in_dim3A_1121 : i1 to vector<16xi1>
        %masked_cumsum3A_1123 = tpu.scan <sum>, %convert_element_type3A_1120 masked %broadcast_in_dim3A_1122 : vector<16xi32>, vector<16xi1> -> vector<16xi32>
        %add3A_1124 = arith.addi %add3A_1103, %masked_cumsum3A_1123 : vector<16xi32>
        %sub3A_1125 = arith.constant 1 : i32
        %sub3A_1126 = vector.broadcast %sub3A_1125 : i32 to vector<16xi32>
        %sub3A_1127 = arith.subi %add3A_1124, %sub3A_1126 : vector<16xi32>
        tpu.vector_store_idx %arg10[%sub3A_1127], %get3A_1112 masked %eq3A_1119 : memref<2048xi32, #tpu.memory_space<vmem>>[vector<16xi32>], vector<16xi32>, vector<16xi1>
        %all_reduce_population_count3A_1128 = tpu.all_reduce %eq3A_1119 {dim = 0 : i64, kind = #tpu.reduction_kind<sum>} : vector<16xi1> -> vector<16xi32>
        %add3A_1129 = arith.addi %add3A_1103, %all_reduce_population_count3A_1128 : vector<16xi32>
        %mul3A_1130 = arith.constant 16 : i32
        %mul3A_1131 = arith.muli %scan3A_1052, %mul3A_1130 : i32
        %add3A_1132 = arith.constant 3 : i32
        %add3A_1133 = arith.addi %mul3A_1131, %add3A_1132 : i32
        %mul3A_1134 = arith.constant 16 : i32
        %mul3A_1135 = arith.muli %add3A_1133, %mul3A_1134 : i32
        %add3A_1136 = arith.addi %mul3A_31, %mul3A_1135 : i32
        %get3A_1137 = arith.index_cast %add3A_1136 : i32 to index
        %get3A_1138 = tpu.vector_load %arg5[%get3A_1137] {strides = array<i32>} : memref<65536xi32, #tpu.memory_space<vmem>>, vector<16xi32>,
        %shift_right_arithmetic3A_1139 = arith.constant 24 : i32
        %shift_right_arithmetic3A_1140 = vector.broadcast %shift_right_arithmetic3A_1139 : i32 to vector<16xi32>
        %shift_right_arithmetic3A_1141 = arith.shrsi %get3A_1138, %shift_right_arithmetic3A_1140 : vector<16xi32>
        %and3A_1142 = arith.constant 255 : i32
        %and3A_1143 = vector.broadcast %and3A_1142 : i32 to vector<16xi32>
        %and3A_1144 = arith.andi %shift_right_arithmetic3A_1141, %and3A_1143 : vector<16xi32>
        %eq3A_1145 = arith.cmpi eq, %and3A_1144, %add3A_259 : vector<16xi32>
        %convert_element_type3A_1146 = arith.extui %eq3A_1145 : vector<16xi1> to vector<16xi32>
        %broadcast_in_dim3A_1147 = arith.constant true
        %broadcast_in_dim3A_1148 = vector.broadcast %broadcast_in_dim3A_1147 : i1 to vector<16xi1>
        %masked_cumsum3A_1149 = tpu.scan <sum>, %convert_element_type3A_1146 masked %broadcast_in_dim3A_1148 : vector<16xi32>, vector<16xi1> -> vector<16xi32>
        %add3A_1150 = arith.addi %add3A_1129, %masked_cumsum3A_1149 : vector<16xi32>
        %sub3A_1151 = arith.constant 1 : i32
        %sub3A_1152 = vector.broadcast %sub3A_1151 : i32 to vector<16xi32>
        %sub3A_1153 = arith.subi %add3A_1150, %sub3A_1152 : vector<16xi32>
        tpu.vector_store_idx %arg10[%sub3A_1153], %get3A_1138 masked %eq3A_1145 : memref<2048xi32, #tpu.memory_space<vmem>>[vector<16xi32>], vector<16xi32>, vector<16xi1>
        %all_reduce_population_count3A_1154 = tpu.all_reduce %eq3A_1145 {dim = 0 : i64, kind = #tpu.reduction_kind<sum>} : vector<16xi1> -> vector<16xi32>
        %add3A_1155 = arith.addi %add3A_1129, %all_reduce_population_count3A_1154 : vector<16xi32>
        %mul3A_1156 = arith.constant 16 : i32
        %mul3A_1157 = arith.muli %scan3A_1052, %mul3A_1156 : i32
        %add3A_1158 = arith.constant 4 : i32
        %add3A_1159 = arith.addi %mul3A_1157, %add3A_1158 : i32
        %mul3A_1160 = arith.constant 16 : i32
        %mul3A_1161 = arith.muli %add3A_1159, %mul3A_1160 : i32
        %add3A_1162 = arith.addi %mul3A_31, %mul3A_1161 : i32
        %get3A_1163 = arith.index_cast %add3A_1162 : i32 to index
        %get3A_1164 = tpu.vector_load %arg5[%get3A_1163] {strides = array<i32>} : memref<65536xi32, #tpu.memory_space<vmem>>, vector<16xi32>,
        %shift_right_arithmetic3A_1165 = arith.constant 24 : i32
        %shift_right_arithmetic3A_1166 = vector.broadcast %shift_right_arithmetic3A_1165 : i32 to vector<16xi32>
        %shift_right_arithmetic3A_1167 = arith.shrsi %get3A_1164, %shift_right_arithmetic3A_1166 : vector<16xi32>
        %and3A_1168 = arith.constant 255 : i32
        %and3A_1169 = vector.broadcast %and3A_1168 : i32 to vector<16xi32>
        %and3A_1170 = arith.andi %shift_right_arithmetic3A_1167, %and3A_1169 : vector<16xi32>
        %eq3A_1171 = arith.cmpi eq, %and3A_1170, %add3A_259 : vector<16xi32>
        %convert_element_type3A_1172 = arith.extui %eq3A_1171 : vector<16xi1> to vector<16xi32>
        %broadcast_in_dim3A_1173 = arith.constant true
        %broadcast_in_dim3A_1174 = vector.broadcast %broadcast_in_dim3A_1173 : i1 to vector<16xi1>
        %masked_cumsum3A_1175 = tpu.scan <sum>, %convert_element_type3A_1172 masked %broadcast_in_dim3A_1174 : vector<16xi32>, vector<16xi1> -> vector<16xi32>
        %add3A_1176 = arith.addi %add3A_1155, %masked_cumsum3A_1175 : vector<16xi32>
        %sub3A_1177 = arith.constant 1 : i32
        %sub3A_1178 = vector.broadcast %sub3A_1177 : i32 to vector<16xi32>
        %sub3A_1179 = arith.subi %add3A_1176, %sub3A_1178 : vector<16xi32>
        tpu.vector_store_idx %arg10[%sub3A_1179], %get3A_1164 masked %eq3A_1171 : memref<2048xi32, #tpu.memory_space<vmem>>[vector<16xi32>], vector<16xi32>, vector<16xi1>
        %all_reduce_population_count3A_1180 = tpu.all_reduce %eq3A_1171 {dim = 0 : i64, kind = #tpu.reduction_kind<sum>} : vector<16xi1> -> vector<16xi32>
        %add3A_1181 = arith.addi %add3A_1155, %all_reduce_population_count3A_1180 : vector<16xi32>
        %mul3A_1182 = arith.constant 16 : i32
        %mul3A_1183 = arith.muli %scan3A_1052, %mul3A_1182 : i32
        %add3A_1184 = arith.constant 5 : i32
        %add3A_1185 = arith.addi %mul3A_1183, %add3A_1184 : i32
        %mul3A_1186 = arith.constant 16 : i32
        %mul3A_1187 = arith.muli %add3A_1185, %mul3A_1186 : i32
        %add3A_1188 = arith.addi %mul3A_31, %mul3A_1187 : i32
        %get3A_1189 = arith.index_cast %add3A_1188 : i32 to index
        %get3A_1190 = tpu.vector_load %arg5[%get3A_1189] {strides = array<i32>} : memref<65536xi32, #tpu.memory_space<vmem>>, vector<16xi32>,
        %shift_right_arithmetic3A_1191 = arith.constant 24 : i32
        %shift_right_arithmetic3A_1192 = vector.broadcast %shift_right_arithmetic3A_1191 : i32 to vector<16xi32>
        %shift_right_arithmetic3A_1193 = arith.shrsi %get3A_1190, %shift_right_arithmetic3A_1192 : vector<16xi32>
        %and3A_1194 = arith.constant 255 : i32
        %and3A_1195 = vector.broadcast %and3A_1194 : i32 to vector<16xi32>
        %and3A_1196 = arith.andi %shift_right_arithmetic3A_1193, %and3A_1195 : vector<16xi32>
        %eq3A_1197 = arith.cmpi eq, %and3A_1196, %add3A_259 : vector<16xi32>
        %convert_element_type3A_1198 = arith.extui %eq3A_1197 : vector<16xi1> to vector<16xi32>
        %broadcast_in_dim3A_1199 = arith.constant true
        %broadcast_in_dim3A_1200 = vector.broadcast %broadcast_in_dim3A_1199 : i1 to vector<16xi1>
        %masked_cumsum3A_1201 = tpu.scan <sum>, %convert_element_type3A_1198 masked %broadcast_in_dim3A_1200 : vector<16xi32>, vector<16xi1> -> vector<16xi32>
        %add3A_1202 = arith.addi %add3A_1181, %masked_cumsum3A_1201 : vector<16xi32>
        %sub3A_1203 = arith.constant 1 : i32
        %sub3A_1204 = vector.broadcast %sub3A_1203 : i32 to vector<16xi32>
        %sub3A_1205 = arith.subi %add3A_1202, %sub3A_1204 : vector<16xi32>
        tpu.vector_store_idx %arg10[%sub3A_1205], %get3A_1190 masked %eq3A_1197 : memref<2048xi32, #tpu.memory_space<vmem>>[vector<16xi32>], vector<16xi32>, vector<16xi1>
        %all_reduce_population_count3A_1206 = tpu.all_reduce %eq3A_1197 {dim = 0 : i64, kind = #tpu.reduction_kind<sum>} : vector<16xi1> -> vector<16xi32>
        %add3A_1207 = arith.addi %add3A_1181, %all_reduce_population_count3A_1206 : vector<16xi32>
        %mul3A_1208 = arith.constant 16 : i32
        %mul3A_1209 = arith.muli %scan3A_1052, %mul3A_1208 : i32
        %add3A_1210 = arith.constant 6 : i32
        %add3A_1211 = arith.addi %mul3A_1209, %add3A_1210 : i32
        %mul3A_1212 = arith.constant 16 : i32
        %mul3A_1213 = arith.muli %add3A_1211, %mul3A_1212 : i32
        %add3A_1214 = arith.addi %mul3A_31, %mul3A_1213 : i32
        %get3A_1215 = arith.index_cast %add3A_1214 : i32 to index
        %get3A_1216 = tpu.vector_load %arg5[%get3A_1215] {strides = array<i32>} : memref<65536xi32, #tpu.memory_space<vmem>>, vector<16xi32>,
        %shift_right_arithmetic3A_1217 = arith.constant 24 : i32
        %shift_right_arithmetic3A_1218 = vector.broadcast %shift_right_arithmetic3A_1217 : i32 to vector<16xi32>
        %shift_right_arithmetic3A_1219 = arith.shrsi %get3A_1216, %shift_right_arithmetic3A_1218 : vector<16xi32>
        %and3A_1220 = arith.constant 255 : i32
        %and3A_1221 = vector.broadcast %and3A_1220 : i32 to vector<16xi32>
        %and3A_1222 = arith.andi %shift_right_arithmetic3A_1219, %and3A_1221 : vector<16xi32>
        %eq3A_1223 = arith.cmpi eq, %and3A_1222, %add3A_259 : vector<16xi32>
        %convert_element_type3A_1224 = arith.extui %eq3A_1223 : vector<16xi1> to vector<16xi32>
        %broadcast_in_dim3A_1225 = arith.constant true
        %broadcast_in_dim3A_1226 = vector.broadcast %broadcast_in_dim3A_1225 : i1 to vector<16xi1>
        %masked_cumsum3A_1227 = tpu.scan <sum>, %convert_element_type3A_1224 masked %broadcast_in_dim3A_1226 : vector<16xi32>, vector<16xi1> -> vector<16xi32>
        %add3A_1228 = arith.addi %add3A_1207, %masked_cumsum3A_1227 : vector<16xi32>
        %sub3A_1229 = arith.constant 1 : i32
        %sub3A_1230 = vector.broadcast %sub3A_1229 : i32 to vector<16xi32>
        %sub3A_1231 = arith.subi %add3A_1228, %sub3A_1230 : vector<16xi32>
        tpu.vector_store_idx %arg10[%sub3A_1231], %get3A_1216 masked %eq3A_1223 : memref<2048xi32, #tpu.memory_space<vmem>>[vector<16xi32>], vector<16xi32>, vector<16xi1>
        %all_reduce_population_count3A_1232 = tpu.all_reduce %eq3A_1223 {dim = 0 : i64, kind = #tpu.reduction_kind<sum>} : vector<16xi1> -> vector<16xi32>
        %add3A_1233 = arith.addi %add3A_1207, %all_reduce_population_count3A_1232 : vector<16xi32>
        %mul3A_1234 = arith.constant 16 : i32
        %mul3A_1235 = arith.muli %scan3A_1052, %mul3A_1234 : i32
        %add3A_1236 = arith.constant 7 : i32
        %add3A_1237 = arith.addi %mul3A_1235, %add3A_1236 : i32
        %mul3A_1238 = arith.constant 16 : i32
        %mul3A_1239 = arith.muli %add3A_1237, %mul3A_1238 : i32
        %add3A_1240 = arith.addi %mul3A_31, %mul3A_1239 : i32
        %get3A_1241 = arith.index_cast %add3A_1240 : i32 to index
        %get3A_1242 = tpu.vector_load %arg5[%get3A_1241] {strides = array<i32>} : memref<65536xi32, #tpu.memory_space<vmem>>, vector<16xi32>,
        %shift_right_arithmetic3A_1243 = arith.constant 24 : i32
        %shift_right_arithmetic3A_1244 = vector.broadcast %shift_right_arithmetic3A_1243 : i32 to vector<16xi32>
        %shift_right_arithmetic3A_1245 = arith.shrsi %get3A_1242, %shift_right_arithmetic3A_1244 : vector<16xi32>
        %and3A_1246 = arith.constant 255 : i32
        %and3A_1247 = vector.broadcast %and3A_1246 : i32 to vector<16xi32>
        %and3A_1248 = arith.andi %shift_right_arithmetic3A_1245, %and3A_1247 : vector<16xi32>
        %eq3A_1249 = arith.cmpi eq, %and3A_1248, %add3A_259 : vector<16xi32>
        %convert_element_type3A_1250 = arith.extui %eq3A_1249 : vector<16xi1> to vector<16xi32>
        %broadcast_in_dim3A_1251 = arith.constant true
        %broadcast_in_dim3A_1252 = vector.broadcast %broadcast_in_dim3A_1251 : i1 to vector<16xi1>
        %masked_cumsum3A_1253 = tpu.scan <sum>, %convert_element_type3A_1250 masked %broadcast_in_dim3A_1252 : vector<16xi32>, vector<16xi1> -> vector<16xi32>
        %add3A_1254 = arith.addi %add3A_1233, %masked_cumsum3A_1253 : vector<16xi32>
        %sub3A_1255 = arith.constant 1 : i32
        %sub3A_1256 = vector.broadcast %sub3A_1255 : i32 to vector<16xi32>
        %sub3A_1257 = arith.subi %add3A_1254, %sub3A_1256 : vector<16xi32>
        tpu.vector_store_idx %arg10[%sub3A_1257], %get3A_1242 masked %eq3A_1249 : memref<2048xi32, #tpu.memory_space<vmem>>[vector<16xi32>], vector<16xi32>, vector<16xi1>
        %all_reduce_population_count3A_1258 = tpu.all_reduce %eq3A_1249 {dim = 0 : i64, kind = #tpu.reduction_kind<sum>} : vector<16xi1> -> vector<16xi32>
        %add3A_1259 = arith.addi %add3A_1233, %all_reduce_population_count3A_1258 : vector<16xi32>
        %mul3A_1260 = arith.constant 16 : i32
        %mul3A_1261 = arith.muli %scan3A_1052, %mul3A_1260 : i32
        %add3A_1262 = arith.constant 8 : i32
        %add3A_1263 = arith.addi %mul3A_1261, %add3A_1262 : i32
        %mul3A_1264 = arith.constant 16 : i32
        %mul3A_1265 = arith.muli %add3A_1263, %mul3A_1264 : i32
        %add3A_1266 = arith.addi %mul3A_31, %mul3A_1265 : i32
        %get3A_1267 = arith.index_cast %add3A_1266 : i32 to index
        %get3A_1268 = tpu.vector_load %arg5[%get3A_1267] {strides = array<i32>} : memref<65536xi32, #tpu.memory_space<vmem>>, vector<16xi32>,
        %shift_right_arithmetic3A_1269 = arith.constant 24 : i32
        %shift_right_arithmetic3A_1270 = vector.broadcast %shift_right_arithmetic3A_1269 : i32 to vector<16xi32>
        %shift_right_arithmetic3A_1271 = arith.shrsi %get3A_1268, %shift_right_arithmetic3A_1270 : vector<16xi32>
        %and3A_1272 = arith.constant 255 : i32
        %and3A_1273 = vector.broadcast %and3A_1272 : i32 to vector<16xi32>
        %and3A_1274 = arith.andi %shift_right_arithmetic3A_1271, %and3A_1273 : vector<16xi32>
        %eq3A_1275 = arith.cmpi eq, %and3A_1274, %add3A_259 : vector<16xi32>
        %convert_element_type3A_1276 = arith.extui %eq3A_1275 : vector<16xi1> to vector<16xi32>
        %broadcast_in_dim3A_1277 = arith.constant true
        %broadcast_in_dim3A_1278 = vector.broadcast %broadcast_in_dim3A_1277 : i1 to vector<16xi1>
        %masked_cumsum3A_1279 = tpu.scan <sum>, %convert_element_type3A_1276 masked %broadcast_in_dim3A_1278 : vector<16xi32>, vector<16xi1> -> vector<16xi32>
        %add3A_1280 = arith.addi %add3A_1259, %masked_cumsum3A_1279 : vector<16xi32>
        %sub3A_1281 = arith.constant 1 : i32
        %sub3A_1282 = vector.broadcast %sub3A_1281 : i32 to vector<16xi32>
        %sub3A_1283 = arith.subi %add3A_1280, %sub3A_1282 : vector<16xi32>
        tpu.vector_store_idx %arg10[%sub3A_1283], %get3A_1268 masked %eq3A_1275 : memref<2048xi32, #tpu.memory_space<vmem>>[vector<16xi32>], vector<16xi32>, vector<16xi1>
        %all_reduce_population_count3A_1284 = tpu.all_reduce %eq3A_1275 {dim = 0 : i64, kind = #tpu.reduction_kind<sum>} : vector<16xi1> -> vector<16xi32>
        %add3A_1285 = arith.addi %add3A_1259, %all_reduce_population_count3A_1284 : vector<16xi32>
        %mul3A_1286 = arith.constant 16 : i32
        %mul3A_1287 = arith.muli %scan3A_1052, %mul3A_1286 : i32
        %add3A_1288 = arith.constant 9 : i32
        %add3A_1289 = arith.addi %mul3A_1287, %add3A_1288 : i32
        %mul3A_1290 = arith.constant 16 : i32
        %mul3A_1291 = arith.muli %add3A_1289, %mul3A_1290 : i32
        %add3A_1292 = arith.addi %mul3A_31, %mul3A_1291 : i32
        %get3A_1293 = arith.index_cast %add3A_1292 : i32 to index
        %get3A_1294 = tpu.vector_load %arg5[%get3A_1293] {strides = array<i32>} : memref<65536xi32, #tpu.memory_space<vmem>>, vector<16xi32>,
        %shift_right_arithmetic3A_1295 = arith.constant 24 : i32
        %shift_right_arithmetic3A_1296 = vector.broadcast %shift_right_arithmetic3A_1295 : i32 to vector<16xi32>
        %shift_right_arithmetic3A_1297 = arith.shrsi %get3A_1294, %shift_right_arithmetic3A_1296 : vector<16xi32>
        %and3A_1298 = arith.constant 255 : i32
        %and3A_1299 = vector.broadcast %and3A_1298 : i32 to vector<16xi32>
        %and3A_1300 = arith.andi %shift_right_arithmetic3A_1297, %and3A_1299 : vector<16xi32>
        %eq3A_1301 = arith.cmpi eq, %and3A_1300, %add3A_259 : vector<16xi32>
        %convert_element_type3A_1302 = arith.extui %eq3A_1301 : vector<16xi1> to vector<16xi32>
        %broadcast_in_dim3A_1303 = arith.constant true
        %broadcast_in_dim3A_1304 = vector.broadcast %broadcast_in_dim3A_1303 : i1 to vector<16xi1>
        %masked_cumsum3A_1305 = tpu.scan <sum>, %convert_element_type3A_1302 masked %broadcast_in_dim3A_1304 : vector<16xi32>, vector<16xi1> -> vector<16xi32>
        %add3A_1306 = arith.addi %add3A_1285, %masked_cumsum3A_1305 : vector<16xi32>
        %sub3A_1307 = arith.constant 1 : i32
        %sub3A_1308 = vector.broadcast %sub3A_1307 : i32 to vector<16xi32>
        %sub3A_1309 = arith.subi %add3A_1306, %sub3A_1308 : vector<16xi32>
        tpu.vector_store_idx %arg10[%sub3A_1309], %get3A_1294 masked %eq3A_1301 : memref<2048xi32, #tpu.memory_space<vmem>>[vector<16xi32>], vector<16xi32>, vector<16xi1>
        %all_reduce_population_count3A_1310 = tpu.all_reduce %eq3A_1301 {dim = 0 : i64, kind = #tpu.reduction_kind<sum>} : vector<16xi1> -> vector<16xi32>
        %add3A_1311 = arith.addi %add3A_1285, %all_reduce_population_count3A_1310 : vector<16xi32>
        %mul3A_1312 = arith.constant 16 : i32
        %mul3A_1313 = arith.muli %scan3A_1052, %mul3A_1312 : i32
        %add3A_1314 = arith.constant 10 : i32
        %add3A_1315 = arith.addi %mul3A_1313, %add3A_1314 : i32
        %mul3A_1316 = arith.constant 16 : i32
        %mul3A_1317 = arith.muli %add3A_1315, %mul3A_1316 : i32
        %add3A_1318 = arith.addi %mul3A_31, %mul3A_1317 : i32
        %get3A_1319 = arith.index_cast %add3A_1318 : i32 to index
        %get3A_1320 = tpu.vector_load %arg5[%get3A_1319] {strides = array<i32>} : memref<65536xi32, #tpu.memory_space<vmem>>, vector<16xi32>,
        %shift_right_arithmetic3A_1321 = arith.constant 24 : i32
        %shift_right_arithmetic3A_1322 = vector.broadcast %shift_right_arithmetic3A_1321 : i32 to vector<16xi32>
        %shift_right_arithmetic3A_1323 = arith.shrsi %get3A_1320, %shift_right_arithmetic3A_1322 : vector<16xi32>
        %and3A_1324 = arith.constant 255 : i32
        %and3A_1325 = vector.broadcast %and3A_1324 : i32 to vector<16xi32>
        %and3A_1326 = arith.andi %shift_right_arithmetic3A_1323, %and3A_1325 : vector<16xi32>
        %eq3A_1327 = arith.cmpi eq, %and3A_1326, %add3A_259 : vector<16xi32>
        %convert_element_type3A_1328 = arith.extui %eq3A_1327 : vector<16xi1> to vector<16xi32>
        %broadcast_in_dim3A_1329 = arith.constant true
        %broadcast_in_dim3A_1330 = vector.broadcast %broadcast_in_dim3A_1329 : i1 to vector<16xi1>
        %masked_cumsum3A_1331 = tpu.scan <sum>, %convert_element_type3A_1328 masked %broadcast_in_dim3A_1330 : vector<16xi32>, vector<16xi1> -> vector<16xi32>
        %add3A_1332 = arith.addi %add3A_1311, %masked_cumsum3A_1331 : vector<16xi32>
        %sub3A_1333 = arith.constant 1 : i32
        %sub3A_1334 = vector.broadcast %sub3A_1333 : i32 to vector<16xi32>
        %sub3A_1335 = arith.subi %add3A_1332, %sub3A_1334 : vector<16xi32>
        tpu.vector_store_idx %arg10[%sub3A_1335], %get3A_1320 masked %eq3A_1327 : memref<2048xi32, #tpu.memory_space<vmem>>[vector<16xi32>], vector<16xi32>, vector<16xi1>
        %all_reduce_population_count3A_1336 = tpu.all_reduce %eq3A_1327 {dim = 0 : i64, kind = #tpu.reduction_kind<sum>} : vector<16xi1> -> vector<16xi32>
        %add3A_1337 = arith.addi %add3A_1311, %all_reduce_population_count3A_1336 : vector<16xi32>
        %mul3A_1338 = arith.constant 16 : i32
        %mul3A_1339 = arith.muli %scan3A_1052, %mul3A_1338 : i32
        %add3A_1340 = arith.constant 11 : i32
        %add3A_1341 = arith.addi %mul3A_1339, %add3A_1340 : i32
        %mul3A_1342 = arith.constant 16 : i32
        %mul3A_1343 = arith.muli %add3A_1341, %mul3A_1342 : i32
        %add3A_1344 = arith.addi %mul3A_31, %mul3A_1343 : i32
        %get3A_1345 = arith.index_cast %add3A_1344 : i32 to index
        %get3A_1346 = tpu.vector_load %arg5[%get3A_1345] {strides = array<i32>} : memref<65536xi32, #tpu.memory_space<vmem>>, vector<16xi32>,
        %shift_right_arithmetic3A_1347 = arith.constant 24 : i32
        %shift_right_arithmetic3A_1348 = vector.broadcast %shift_right_arithmetic3A_1347 : i32 to vector<16xi32>
        %shift_right_arithmetic3A_1349 = arith.shrsi %get3A_1346, %shift_right_arithmetic3A_1348 : vector<16xi32>
        %and3A_1350 = arith.constant 255 : i32
        %and3A_1351 = vector.broadcast %and3A_1350 : i32 to vector<16xi32>
        %and3A_1352 = arith.andi %shift_right_arithmetic3A_1349, %and3A_1351 : vector<16xi32>
        %eq3A_1353 = arith.cmpi eq, %and3A_1352, %add3A_259 : vector<16xi32>
        %convert_element_type3A_1354 = arith.extui %eq3A_1353 : vector<16xi1> to vector<16xi32>
        %broadcast_in_dim3A_1355 = arith.constant true
        %broadcast_in_dim3A_1356 = vector.broadcast %broadcast_in_dim3A_1355 : i1 to vector<16xi1>
        %masked_cumsum3A_1357 = tpu.scan <sum>, %convert_element_type3A_1354 masked %broadcast_in_dim3A_1356 : vector<16xi32>, vector<16xi1> -> vector<16xi32>
        %add3A_1358 = arith.addi %add3A_1337, %masked_cumsum3A_1357 : vector<16xi32>
        %sub3A_1359 = arith.constant 1 : i32
        %sub3A_1360 = vector.broadcast %sub3A_1359 : i32 to vector<16xi32>
        %sub3A_1361 = arith.subi %add3A_1358, %sub3A_1360 : vector<16xi32>
        tpu.vector_store_idx %arg10[%sub3A_1361], %get3A_1346 masked %eq3A_1353 : memref<2048xi32, #tpu.memory_space<vmem>>[vector<16xi32>], vector<16xi32>, vector<16xi1>
        %all_reduce_population_count3A_1362 = tpu.all_reduce %eq3A_1353 {dim = 0 : i64, kind = #tpu.reduction_kind<sum>} : vector<16xi1> -> vector<16xi32>
        %add3A_1363 = arith.addi %add3A_1337, %all_reduce_population_count3A_1362 : vector<16xi32>
        %mul3A_1364 = arith.constant 16 : i32
        %mul3A_1365 = arith.muli %scan3A_1052, %mul3A_1364 : i32
        %add3A_1366 = arith.constant 12 : i32
        %add3A_1367 = arith.addi %mul3A_1365, %add3A_1366 : i32
        %mul3A_1368 = arith.constant 16 : i32
        %mul3A_1369 = arith.muli %add3A_1367, %mul3A_1368 : i32
        %add3A_1370 = arith.addi %mul3A_31, %mul3A_1369 : i32
        %get3A_1371 = arith.index_cast %add3A_1370 : i32 to index
        %get3A_1372 = tpu.vector_load %arg5[%get3A_1371] {strides = array<i32>} : memref<65536xi32, #tpu.memory_space<vmem>>, vector<16xi32>,
        %shift_right_arithmetic3A_1373 = arith.constant 24 : i32
        %shift_right_arithmetic3A_1374 = vector.broadcast %shift_right_arithmetic3A_1373 : i32 to vector<16xi32>
        %shift_right_arithmetic3A_1375 = arith.shrsi %get3A_1372, %shift_right_arithmetic3A_1374 : vector<16xi32>
        %and3A_1376 = arith.constant 255 : i32
        %and3A_1377 = vector.broadcast %and3A_1376 : i32 to vector<16xi32>
        %and3A_1378 = arith.andi %shift_right_arithmetic3A_1375, %and3A_1377 : vector<16xi32>
        %eq3A_1379 = arith.cmpi eq, %and3A_1378, %add3A_259 : vector<16xi32>
        %convert_element_type3A_1380 = arith.extui %eq3A_1379 : vector<16xi1> to vector<16xi32>
        %broadcast_in_dim3A_1381 = arith.constant true
        %broadcast_in_dim3A_1382 = vector.broadcast %broadcast_in_dim3A_1381 : i1 to vector<16xi1>
        %masked_cumsum3A_1383 = tpu.scan <sum>, %convert_element_type3A_1380 masked %broadcast_in_dim3A_1382 : vector<16xi32>, vector<16xi1> -> vector<16xi32>
        %add3A_1384 = arith.addi %add3A_1363, %masked_cumsum3A_1383 : vector<16xi32>
        %sub3A_1385 = arith.constant 1 : i32
        %sub3A_1386 = vector.broadcast %sub3A_1385 : i32 to vector<16xi32>
        %sub3A_1387 = arith.subi %add3A_1384, %sub3A_1386 : vector<16xi32>
        tpu.vector_store_idx %arg10[%sub3A_1387], %get3A_1372 masked %eq3A_1379 : memref<2048xi32, #tpu.memory_space<vmem>>[vector<16xi32>], vector<16xi32>, vector<16xi1>
        %all_reduce_population_count3A_1388 = tpu.all_reduce %eq3A_1379 {dim = 0 : i64, kind = #tpu.reduction_kind<sum>} : vector<16xi1> -> vector<16xi32>
        %add3A_1389 = arith.addi %add3A_1363, %all_reduce_population_count3A_1388 : vector<16xi32>
        %mul3A_1390 = arith.constant 16 : i32
        %mul3A_1391 = arith.muli %scan3A_1052, %mul3A_1390 : i32
        %add3A_1392 = arith.constant 13 : i32
        %add3A_1393 = arith.addi %mul3A_1391, %add3A_1392 : i32
        %mul3A_1394 = arith.constant 16 : i32
        %mul3A_1395 = arith.muli %add3A_1393, %mul3A_1394 : i32
        %add3A_1396 = arith.addi %mul3A_31, %mul3A_1395 : i32
        %get3A_1397 = arith.index_cast %add3A_1396 : i32 to index
        %get3A_1398 = tpu.vector_load %arg5[%get3A_1397] {strides = array<i32>} : memref<65536xi32, #tpu.memory_space<vmem>>, vector<16xi32>,
        %shift_right_arithmetic3A_1399 = arith.constant 24 : i32
        %shift_right_arithmetic3A_1400 = vector.broadcast %shift_right_arithmetic3A_1399 : i32 to vector<16xi32>
        %shift_right_arithmetic3A_1401 = arith.shrsi %get3A_1398, %shift_right_arithmetic3A_1400 : vector<16xi32>
        %and3A_1402 = arith.constant 255 : i32
        %and3A_1403 = vector.broadcast %and3A_1402 : i32 to vector<16xi32>
        %and3A_1404 = arith.andi %shift_right_arithmetic3A_1401, %and3A_1403 : vector<16xi32>
        %eq3A_1405 = arith.cmpi eq, %and3A_1404, %add3A_259 : vector<16xi32>
        %convert_element_type3A_1406 = arith.extui %eq3A_1405 : vector<16xi1> to vector<16xi32>
        %broadcast_in_dim3A_1407 = arith.constant true
        %broadcast_in_dim3A_1408 = vector.broadcast %broadcast_in_dim3A_1407 : i1 to vector<16xi1>
        %masked_cumsum3A_1409 = tpu.scan <sum>, %convert_element_type3A_1406 masked %broadcast_in_dim3A_1408 : vector<16xi32>, vector<16xi1> -> vector<16xi32>
        %add3A_1410 = arith.addi %add3A_1389, %masked_cumsum3A_1409 : vector<16xi32>
        %sub3A_1411 = arith.constant 1 : i32
        %sub3A_1412 = vector.broadcast %sub3A_1411 : i32 to vector<16xi32>
        %sub3A_1413 = arith.subi %add3A_1410, %sub3A_1412 : vector<16xi32>
        tpu.vector_store_idx %arg10[%sub3A_1413], %get3A_1398 masked %eq3A_1405 : memref<2048xi32, #tpu.memory_space<vmem>>[vector<16xi32>], vector<16xi32>, vector<16xi1>
        %all_reduce_population_count3A_1414 = tpu.all_reduce %eq3A_1405 {dim = 0 : i64, kind = #tpu.reduction_kind<sum>} : vector<16xi1> -> vector<16xi32>
        %add3A_1415 = arith.addi %add3A_1389, %all_reduce_population_count3A_1414 : vector<16xi32>
        %mul3A_1416 = arith.constant 16 : i32
        %mul3A_1417 = arith.muli %scan3A_1052, %mul3A_1416 : i32
        %add3A_1418 = arith.constant 14 : i32
        %add3A_1419 = arith.addi %mul3A_1417, %add3A_1418 : i32
        %mul3A_1420 = arith.constant 16 : i32
        %mul3A_1421 = arith.muli %add3A_1419, %mul3A_1420 : i32
        %add3A_1422 = arith.addi %mul3A_31, %mul3A_1421 : i32
        %get3A_1423 = arith.index_cast %add3A_1422 : i32 to index
        %get3A_1424 = tpu.vector_load %arg5[%get3A_1423] {strides = array<i32>} : memref<65536xi32, #tpu.memory_space<vmem>>, vector<16xi32>,
        %shift_right_arithmetic3A_1425 = arith.constant 24 : i32
        %shift_right_arithmetic3A_1426 = vector.broadcast %shift_right_arithmetic3A_1425 : i32 to vector<16xi32>
        %shift_right_arithmetic3A_1427 = arith.shrsi %get3A_1424, %shift_right_arithmetic3A_1426 : vector<16xi32>
        %and3A_1428 = arith.constant 255 : i32
        %and3A_1429 = vector.broadcast %and3A_1428 : i32 to vector<16xi32>
        %and3A_1430 = arith.andi %shift_right_arithmetic3A_1427, %and3A_1429 : vector<16xi32>
        %eq3A_1431 = arith.cmpi eq, %and3A_1430, %add3A_259 : vector<16xi32>
        %convert_element_type3A_1432 = arith.extui %eq3A_1431 : vector<16xi1> to vector<16xi32>
        %broadcast_in_dim3A_1433 = arith.constant true
        %broadcast_in_dim3A_1434 = vector.broadcast %broadcast_in_dim3A_1433 : i1 to vector<16xi1>
        %masked_cumsum3A_1435 = tpu.scan <sum>, %convert_element_type3A_1432 masked %broadcast_in_dim3A_1434 : vector<16xi32>, vector<16xi1> -> vector<16xi32>
        %add3A_1436 = arith.addi %add3A_1415, %masked_cumsum3A_1435 : vector<16xi32>
        %sub3A_1437 = arith.constant 1 : i32
        %sub3A_1438 = vector.broadcast %sub3A_1437 : i32 to vector<16xi32>
        %sub3A_1439 = arith.subi %add3A_1436, %sub3A_1438 : vector<16xi32>
        tpu.vector_store_idx %arg10[%sub3A_1439], %get3A_1424 masked %eq3A_1431 : memref<2048xi32, #tpu.memory_space<vmem>>[vector<16xi32>], vector<16xi32>, vector<16xi1>
        %all_reduce_population_count3A_1440 = tpu.all_reduce %eq3A_1431 {dim = 0 : i64, kind = #tpu.reduction_kind<sum>} : vector<16xi1> -> vector<16xi32>
        %add3A_1441 = arith.addi %add3A_1415, %all_reduce_population_count3A_1440 : vector<16xi32>
        %mul3A_1442 = arith.constant 16 : i32
        %mul3A_1443 = arith.muli %scan3A_1052, %mul3A_1442 : i32
        %add3A_1444 = arith.constant 15 : i32
        %add3A_1445 = arith.addi %mul3A_1443, %add3A_1444 : i32
        %mul3A_1446 = arith.constant 16 : i32
        %mul3A_1447 = arith.muli %add3A_1445, %mul3A_1446 : i32
        %add3A_1448 = arith.addi %mul3A_31, %mul3A_1447 : i32
        %get3A_1449 = arith.index_cast %add3A_1448 : i32 to index
        %get3A_1450 = tpu.vector_load %arg5[%get3A_1449] {strides = array<i32>} : memref<65536xi32, #tpu.memory_space<vmem>>, vector<16xi32>,
        %shift_right_arithmetic3A_1451 = arith.constant 24 : i32
        %shift_right_arithmetic3A_1452 = vector.broadcast %shift_right_arithmetic3A_1451 : i32 to vector<16xi32>
        %shift_right_arithmetic3A_1453 = arith.shrsi %get3A_1450, %shift_right_arithmetic3A_1452 : vector<16xi32>
        %and3A_1454 = arith.constant 255 : i32
        %and3A_1455 = vector.broadcast %and3A_1454 : i32 to vector<16xi32>
        %and3A_1456 = arith.andi %shift_right_arithmetic3A_1453, %and3A_1455 : vector<16xi32>
        %eq3A_1457 = arith.cmpi eq, %and3A_1456, %add3A_259 : vector<16xi32>
        %convert_element_type3A_1458 = arith.extui %eq3A_1457 : vector<16xi1> to vector<16xi32>
        %broadcast_in_dim3A_1459 = arith.constant true
        %broadcast_in_dim3A_1460 = vector.broadcast %broadcast_in_dim3A_1459 : i1 to vector<16xi1>
        %masked_cumsum3A_1461 = tpu.scan <sum>, %convert_element_type3A_1458 masked %broadcast_in_dim3A_1460 : vector<16xi32>, vector<16xi1> -> vector<16xi32>
        %add3A_1462 = arith.addi %add3A_1441, %masked_cumsum3A_1461 : vector<16xi32>
        %sub3A_1463 = arith.constant 1 : i32
        %sub3A_1464 = vector.broadcast %sub3A_1463 : i32 to vector<16xi32>
        %sub3A_1465 = arith.subi %add3A_1462, %sub3A_1464 : vector<16xi32>
        tpu.vector_store_idx %arg10[%sub3A_1465], %get3A_1450 masked %eq3A_1457 : memref<2048xi32, #tpu.memory_space<vmem>>[vector<16xi32>], vector<16xi32>, vector<16xi1>
        %all_reduce_population_count3A_1466 = tpu.all_reduce %eq3A_1457 {dim = 0 : i64, kind = #tpu.reduction_kind<sum>} : vector<16xi1> -> vector<16xi32>
        %add3A_1467 = arith.addi %add3A_1441, %all_reduce_population_count3A_1466 : vector<16xi32>
        scf.yield %add3A_1467 : vector<16xi32>
      }
      %scan3A_267 = arith.constant 8 : i32
      %slice3A_268 = vector.extract_strided_slice %scan3A_266 {offsets = [0], sizes = [1], strides = [1]} : vector<16xi32> to vector<1xi32>
      %squeeze3A_269 = vector.extract %slice3A_268[0] : i32 from vector<1xi32>
      %broadcast_in_dim3A_270 = vector.broadcast %squeeze3A_269 : i32 to vector<16xi32>
      %add3A_271 = arith.constant 15 : i32
      %add3A_272 = arith.addi %squeeze3A_269, %add3A_271 : i32
      %shift_right_arithmetic3A = arith.constant 4 : i32
      %shift_right_arithmetic3A_273 = arith.shrsi %add3A_272, %shift_right_arithmetic3A : i32
      %swap3A_274 = arith.constant 0 : index
      %swap3A_275 = tpu.vector_load %arg6[%swap3A_274] {strides = array<i32>} : memref<256xi32, #tpu.memory_space<vmem>>, vector<16xi32>,
      tpu.vector_store %arg6[%swap3A_274], %broadcast_in_dim3A_6 {strides = array<i32>} : memref<256xi32, #tpu.memory_space<vmem>>, vector<16xi32>,
      %swap3A_276 = arith.constant 16 : index
      %swap3A_277 = tpu.vector_load %arg6[%swap3A_276] {strides = array<i32>} : memref<256xi32, #tpu.memory_space<vmem>>, vector<16xi32>,
      tpu.vector_store %arg6[%swap3A_276], %broadcast_in_dim3A_6 {strides = array<i32>} : memref<256xi32, #tpu.memory_space<vmem>>, vector<16xi32>,
      %swap3A_278 = arith.constant 32 : index
      %swap3A_279 = tpu.vector_load %arg6[%swap3A_278] {strides = array<i32>} : memref<256xi32, #tpu.memory_space<vmem>>, vector<16xi32>,
      tpu.vector_store %arg6[%swap3A_278], %broadcast_in_dim3A_6 {strides = array<i32>} : memref<256xi32, #tpu.memory_space<vmem>>, vector<16xi32>,
      %swap3A_280 = arith.constant 48 : index
      %swap3A_281 = tpu.vector_load %arg6[%swap3A_280] {strides = array<i32>} : memref<256xi32, #tpu.memory_space<vmem>>, vector<16xi32>,
      tpu.vector_store %arg6[%swap3A_280], %broadcast_in_dim3A_6 {strides = array<i32>} : memref<256xi32, #tpu.memory_space<vmem>>, vector<16xi32>,
      %swap3A_282 = arith.constant 64 : index
      %swap3A_283 = tpu.vector_load %arg6[%swap3A_282] {strides = array<i32>} : memref<256xi32, #tpu.memory_space<vmem>>, vector<16xi32>,
      tpu.vector_store %arg6[%swap3A_282], %broadcast_in_dim3A_6 {strides = array<i32>} : memref<256xi32, #tpu.memory_space<vmem>>, vector<16xi32>,
      %swap3A_284 = arith.constant 80 : index
      %swap3A_285 = tpu.vector_load %arg6[%swap3A_284] {strides = array<i32>} : memref<256xi32, #tpu.memory_space<vmem>>, vector<16xi32>,
      tpu.vector_store %arg6[%swap3A_284], %broadcast_in_dim3A_6 {strides = array<i32>} : memref<256xi32, #tpu.memory_space<vmem>>, vector<16xi32>,
      %swap3A_286 = arith.constant 96 : index
      %swap3A_287 = tpu.vector_load %arg6[%swap3A_286] {strides = array<i32>} : memref<256xi32, #tpu.memory_space<vmem>>, vector<16xi32>,
      tpu.vector_store %arg6[%swap3A_286], %broadcast_in_dim3A_6 {strides = array<i32>} : memref<256xi32, #tpu.memory_space<vmem>>, vector<16xi32>,
      %swap3A_288 = arith.constant 112 : index
      %swap3A_289 = tpu.vector_load %arg6[%swap3A_288] {strides = array<i32>} : memref<256xi32, #tpu.memory_space<vmem>>, vector<16xi32>,
      tpu.vector_store %arg6[%swap3A_288], %broadcast_in_dim3A_6 {strides = array<i32>} : memref<256xi32, #tpu.memory_space<vmem>>, vector<16xi32>,
      %swap3A_290 = arith.constant 128 : index
      %swap3A_291 = tpu.vector_load %arg6[%swap3A_290] {strides = array<i32>} : memref<256xi32, #tpu.memory_space<vmem>>, vector<16xi32>,
      tpu.vector_store %arg6[%swap3A_290], %broadcast_in_dim3A_6 {strides = array<i32>} : memref<256xi32, #tpu.memory_space<vmem>>, vector<16xi32>,
      %swap3A_292 = arith.constant 144 : index
      %swap3A_293 = tpu.vector_load %arg6[%swap3A_292] {strides = array<i32>} : memref<256xi32, #tpu.memory_space<vmem>>, vector<16xi32>,
      tpu.vector_store %arg6[%swap3A_292], %broadcast_in_dim3A_6 {strides = array<i32>} : memref<256xi32, #tpu.memory_space<vmem>>, vector<16xi32>,
      %swap3A_294 = arith.constant 160 : index
      %swap3A_295 = tpu.vector_load %arg6[%swap3A_294] {strides = array<i32>} : memref<256xi32, #tpu.memory_space<vmem>>, vector<16xi32>,
      tpu.vector_store %arg6[%swap3A_294], %broadcast_in_dim3A_6 {strides = array<i32>} : memref<256xi32, #tpu.memory_space<vmem>>, vector<16xi32>,
      %swap3A_296 = arith.constant 176 : index
      %swap3A_297 = tpu.vector_load %arg6[%swap3A_296] {strides = array<i32>} : memref<256xi32, #tpu.memory_space<vmem>>, vector<16xi32>,
      tpu.vector_store %arg6[%swap3A_296], %broadcast_in_dim3A_6 {strides = array<i32>} : memref<256xi32, #tpu.memory_space<vmem>>, vector<16xi32>,
      %swap3A_298 = arith.constant 192 : index
      %swap3A_299 = tpu.vector_load %arg6[%swap3A_298] {strides = array<i32>} : memref<256xi32, #tpu.memory_space<vmem>>, vector<16xi32>,
      tpu.vector_store %arg6[%swap3A_298], %broadcast_in_dim3A_6 {strides = array<i32>} : memref<256xi32, #tpu.memory_space<vmem>>, vector<16xi32>,
      %swap3A_300 = arith.constant 208 : index
      %swap3A_301 = tpu.vector_load %arg6[%swap3A_300] {strides = array<i32>} : memref<256xi32, #tpu.memory_space<vmem>>, vector<16xi32>,
      tpu.vector_store %arg6[%swap3A_300], %broadcast_in_dim3A_6 {strides = array<i32>} : memref<256xi32, #tpu.memory_space<vmem>>, vector<16xi32>,
      %swap3A_302 = arith.constant 224 : index
      %swap3A_303 = tpu.vector_load %arg6[%swap3A_302] {strides = array<i32>} : memref<256xi32, #tpu.memory_space<vmem>>, vector<16xi32>,
      tpu.vector_store %arg6[%swap3A_302], %broadcast_in_dim3A_6 {strides = array<i32>} : memref<256xi32, #tpu.memory_space<vmem>>, vector<16xi32>,
      %swap3A_304 = arith.constant 240 : index
      %swap3A_305 = tpu.vector_load %arg6[%swap3A_304] {strides = array<i32>} : memref<256xi32, #tpu.memory_space<vmem>>, vector<16xi32>,
      tpu.vector_store %arg6[%swap3A_304], %broadcast_in_dim3A_6 {strides = array<i32>} : memref<256xi32, #tpu.memory_space<vmem>>, vector<16xi32>,
      %while3A = arith.constant 0 : i32
      %while3A_306 = arith.constant 0 : i32
      %while3A_307 = arith.subi %shift_right_arithmetic3A_273, %while3A : i32
      %while3A_308 = arith.addi %while3A, %while3A_307 : i32
      %while3A_309 = arith.constant 1 : i32
      %while3A_310 = arith.divsi %while3A_307, %while3A_309 : i32
      %while3A_311 = arith.muli %while3A_310, %while3A_309 : i32
      %while3A_312 = arith.addi %while3A, %while3A_311 : i32
      %while3A_313 = arith.constant 1 : i32
      %while3A_314 = scf.for %while3A_1052 = %while3A to %while3A_312 step %while3A_313 iter_args(%while3A_1053 = %while3A_306) -> (i32)  : i32 {
        %mul3A_1054 = arith.constant 16 : i32
        %mul3A_1055 = arith.muli %while3A_1052, %mul3A_1054 : i32
        %get3A_1056 = arith.index_cast %mul3A_1055 : i32 to index
        %get3A_1057 = tpu.vector_load %arg10[%get3A_1056] {strides = array<i32>} : memref<2048xi32, #tpu.memory_space<vmem>>, vector<16xi32>,
        %mul3A_1058 = arith.constant 16 : i32
        %mul3A_1059 = arith.muli %while3A_1052, %mul3A_1058 : i32
        %add3A_1060 = vector.broadcast %mul3A_1059 : i32 to vector<16xi32>
        %add3A_1061 = arith.addi %add3A_1060, %iota3A : vector<16xi32>
        %lt3A = arith.cmpi slt, %add3A_1061, %broadcast_in_dim3A_270 : vector<16xi32>
        %shift_right_arithmetic3A_1062 = arith.constant 16 : i32
        %shift_right_arithmetic3A_1063 = vector.broadcast %shift_right_arithmetic3A_1062 : i32 to vector<16xi32>
        %shift_right_arithmetic3A_1064 = arith.shrsi %get3A_1057, %shift_right_arithmetic3A_1063 : vector<16xi32>
        %and3A = arith.constant 255 : i32
        %and3A_1065 = vector.broadcast %and3A : i32 to vector<16xi32>
        %and3A_1066 = arith.andi %shift_right_arithmetic3A_1064, %and3A_1065 : vector<16xi32>
        tpu.vector_store_idx %arg6[%and3A_1066], %broadcast_in_dim3A_4 masked %lt3A {add = true} : memref<256xi32, #tpu.memory_space<vmem>>[vector<16xi32>], vector<16xi32>, vector<16xi1>
        %while3A_1067 = arith.constant 0 : i32
        scf.yield %while3A_1067 : i32
      }
      %while3A_315 = arith.constant 1 : i32
      %while3A_316 = scf.for %while3A_1052 = %while3A_312 to %while3A_308 step %while3A_315 iter_args(%while3A_1053 = %while3A_314) -> (i32)  : i32 {
        %mul3A_1054 = arith.constant 16 : i32
        %mul3A_1055 = arith.muli %while3A_1052, %mul3A_1054 : i32
        %get3A_1056 = arith.index_cast %mul3A_1055 : i32 to index
        %get3A_1057 = tpu.vector_load %arg10[%get3A_1056] {strides = array<i32>} : memref<2048xi32, #tpu.memory_space<vmem>>, vector<16xi32>,
        %mul3A_1058 = arith.constant 16 : i32
        %mul3A_1059 = arith.muli %while3A_1052, %mul3A_1058 : i32
        %add3A_1060 = vector.broadcast %mul3A_1059 : i32 to vector<16xi32>
        %add3A_1061 = arith.addi %add3A_1060, %iota3A : vector<16xi32>
        %lt3A = arith.cmpi slt, %add3A_1061, %broadcast_in_dim3A_270 : vector<16xi32>
        %shift_right_arithmetic3A_1062 = arith.constant 16 : i32
        %shift_right_arithmetic3A_1063 = vector.broadcast %shift_right_arithmetic3A_1062 : i32 to vector<16xi32>
        %shift_right_arithmetic3A_1064 = arith.shrsi %get3A_1057, %shift_right_arithmetic3A_1063 : vector<16xi32>
        %and3A = arith.constant 255 : i32
        %and3A_1065 = vector.broadcast %and3A : i32 to vector<16xi32>
        %and3A_1066 = arith.andi %shift_right_arithmetic3A_1064, %and3A_1065 : vector<16xi32>
        tpu.vector_store_idx %arg6[%and3A_1066], %broadcast_in_dim3A_4 masked %lt3A {add = true} : memref<256xi32, #tpu.memory_space<vmem>>[vector<16xi32>], vector<16xi32>, vector<16xi1>
        %while3A_1067 = arith.constant 0 : i32
        scf.yield %while3A_1067 : i32
      }
      %mul3A_317 = arith.constant 16 : i32
      %mul3A_318 = vector.broadcast %mul3A_317 : i32 to vector<16xi32>
      %mul3A_319 = arith.muli %iota3A, %mul3A_318 : vector<16xi32>
      %gather3A_320 = tpu.vector_load_idx %arg6[%mul3A_319] : memref<256xi32, #tpu.memory_space<vmem>>[vector<16xi32>], vector<16xi32>,
      %mul3A_321 = arith.constant 16 : i32
      %mul3A_322 = vector.broadcast %mul3A_321 : i32 to vector<16xi32>
      %mul3A_323 = arith.muli %iota3A, %mul3A_322 : vector<16xi32>
      %add3A_324 = arith.constant 1 : i32
      %add3A_325 = vector.broadcast %add3A_324 : i32 to vector<16xi32>
      %add3A_326 = arith.addi %mul3A_323, %add3A_325 : vector<16xi32>
      %gather3A_327 = tpu.vector_load_idx %arg6[%add3A_326] : memref<256xi32, #tpu.memory_space<vmem>>[vector<16xi32>], vector<16xi32>,
      %add3A_328 = arith.addi %gather3A_320, %gather3A_327 : vector<16xi32>
      %mul3A_329 = arith.constant 16 : i32
      %mul3A_330 = vector.broadcast %mul3A_329 : i32 to vector<16xi32>
      %mul3A_331 = arith.muli %iota3A, %mul3A_330 : vector<16xi32>
      %add3A_332 = arith.constant 2 : i32
      %add3A_333 = vector.broadcast %add3A_332 : i32 to vector<16xi32>
      %add3A_334 = arith.addi %mul3A_331, %add3A_333 : vector<16xi32>
      %gather3A_335 = tpu.vector_load_idx %arg6[%add3A_334] : memref<256xi32, #tpu.memory_space<vmem>>[vector<16xi32>], vector<16xi32>,
      %add3A_336 = arith.addi %add3A_328, %gather3A_335 : vector<16xi32>
      %mul3A_337 = arith.constant 16 : i32
      %mul3A_338 = vector.broadcast %mul3A_337 : i32 to vector<16xi32>
      %mul3A_339 = arith.muli %iota3A, %mul3A_338 : vector<16xi32>
      %add3A_340 = arith.constant 3 : i32
      %add3A_341 = vector.broadcast %add3A_340 : i32 to vector<16xi32>
      %add3A_342 = arith.addi %mul3A_339, %add3A_341 : vector<16xi32>
      %gather3A_343 = tpu.vector_load_idx %arg6[%add3A_342] : memref<256xi32, #tpu.memory_space<vmem>>[vector<16xi32>], vector<16xi32>,
      %add3A_344 = arith.addi %add3A_336, %gather3A_343 : vector<16xi32>
      %mul3A_345 = arith.constant 16 : i32
      %mul3A_346 = vector.broadcast %mul3A_345 : i32 to vector<16xi32>
      %mul3A_347 = arith.muli %iota3A, %mul3A_346 : vector<16xi32>
      %add3A_348 = arith.constant 4 : i32
      %add3A_349 = vector.broadcast %add3A_348 : i32 to vector<16xi32>
      %add3A_350 = arith.addi %mul3A_347, %add3A_349 : vector<16xi32>
      %gather3A_351 = tpu.vector_load_idx %arg6[%add3A_350] : memref<256xi32, #tpu.memory_space<vmem>>[vector<16xi32>], vector<16xi32>,
      %add3A_352 = arith.addi %add3A_344, %gather3A_351 : vector<16xi32>
      %mul3A_353 = arith.constant 16 : i32
      %mul3A_354 = vector.broadcast %mul3A_353 : i32 to vector<16xi32>
      %mul3A_355 = arith.muli %iota3A, %mul3A_354 : vector<16xi32>
      %add3A_356 = arith.constant 5 : i32
      %add3A_357 = vector.broadcast %add3A_356 : i32 to vector<16xi32>
      %add3A_358 = arith.addi %mul3A_355, %add3A_357 : vector<16xi32>
      %gather3A_359 = tpu.vector_load_idx %arg6[%add3A_358] : memref<256xi32, #tpu.memory_space<vmem>>[vector<16xi32>], vector<16xi32>,
      %add3A_360 = arith.addi %add3A_352, %gather3A_359 : vector<16xi32>
      %mul3A_361 = arith.constant 16 : i32
      %mul3A_362 = vector.broadcast %mul3A_361 : i32 to vector<16xi32>
      %mul3A_363 = arith.muli %iota3A, %mul3A_362 : vector<16xi32>
      %add3A_364 = arith.constant 6 : i32
      %add3A_365 = vector.broadcast %add3A_364 : i32 to vector<16xi32>
      %add3A_366 = arith.addi %mul3A_363, %add3A_365 : vector<16xi32>
      %gather3A_367 = tpu.vector_load_idx %arg6[%add3A_366] : memref<256xi32, #tpu.memory_space<vmem>>[vector<16xi32>], vector<16xi32>,
      %add3A_368 = arith.addi %add3A_360, %gather3A_367 : vector<16xi32>
      %mul3A_369 = arith.constant 16 : i32
      %mul3A_370 = vector.broadcast %mul3A_369 : i32 to vector<16xi32>
      %mul3A_371 = arith.muli %iota3A, %mul3A_370 : vector<16xi32>
      %add3A_372 = arith.constant 7 : i32
      %add3A_373 = vector.broadcast %add3A_372 : i32 to vector<16xi32>
      %add3A_374 = arith.addi %mul3A_371, %add3A_373 : vector<16xi32>
      %gather3A_375 = tpu.vector_load_idx %arg6[%add3A_374] : memref<256xi32, #tpu.memory_space<vmem>>[vector<16xi32>], vector<16xi32>,
      %add3A_376 = arith.addi %add3A_368, %gather3A_375 : vector<16xi32>
      %mul3A_377 = arith.constant 16 : i32
      %mul3A_378 = vector.broadcast %mul3A_377 : i32 to vector<16xi32>
      %mul3A_379 = arith.muli %iota3A, %mul3A_378 : vector<16xi32>
      %add3A_380 = arith.constant 8 : i32
      %add3A_381 = vector.broadcast %add3A_380 : i32 to vector<16xi32>
      %add3A_382 = arith.addi %mul3A_379, %add3A_381 : vector<16xi32>
      %gather3A_383 = tpu.vector_load_idx %arg6[%add3A_382] : memref<256xi32, #tpu.memory_space<vmem>>[vector<16xi32>], vector<16xi32>,
      %add3A_384 = arith.addi %add3A_376, %gather3A_383 : vector<16xi32>
      %mul3A_385 = arith.constant 16 : i32
      %mul3A_386 = vector.broadcast %mul3A_385 : i32 to vector<16xi32>
      %mul3A_387 = arith.muli %iota3A, %mul3A_386 : vector<16xi32>
      %add3A_388 = arith.constant 9 : i32
      %add3A_389 = vector.broadcast %add3A_388 : i32 to vector<16xi32>
      %add3A_390 = arith.addi %mul3A_387, %add3A_389 : vector<16xi32>
      %gather3A_391 = tpu.vector_load_idx %arg6[%add3A_390] : memref<256xi32, #tpu.memory_space<vmem>>[vector<16xi32>], vector<16xi32>,
      %add3A_392 = arith.addi %add3A_384, %gather3A_391 : vector<16xi32>
      %mul3A_393 = arith.constant 16 : i32
      %mul3A_394 = vector.broadcast %mul3A_393 : i32 to vector<16xi32>
      %mul3A_395 = arith.muli %iota3A, %mul3A_394 : vector<16xi32>
      %add3A_396 = arith.constant 10 : i32
      %add3A_397 = vector.broadcast %add3A_396 : i32 to vector<16xi32>
      %add3A_398 = arith.addi %mul3A_395, %add3A_397 : vector<16xi32>
      %gather3A_399 = tpu.vector_load_idx %arg6[%add3A_398] : memref<256xi32, #tpu.memory_space<vmem>>[vector<16xi32>], vector<16xi32>,
      %add3A_400 = arith.addi %add3A_392, %gather3A_399 : vector<16xi32>
      %mul3A_401 = arith.constant 16 : i32
      %mul3A_402 = vector.broadcast %mul3A_401 : i32 to vector<16xi32>
      %mul3A_403 = arith.muli %iota3A, %mul3A_402 : vector<16xi32>
      %add3A_404 = arith.constant 11 : i32
      %add3A_405 = vector.broadcast %add3A_404 : i32 to vector<16xi32>
      %add3A_406 = arith.addi %mul3A_403, %add3A_405 : vector<16xi32>
      %gather3A_407 = tpu.vector_load_idx %arg6[%add3A_406] : memref<256xi32, #tpu.memory_space<vmem>>[vector<16xi32>], vector<16xi32>,
      %add3A_408 = arith.addi %add3A_400, %gather3A_407 : vector<16xi32>
      %mul3A_409 = arith.constant 16 : i32
      %mul3A_410 = vector.broadcast %mul3A_409 : i32 to vector<16xi32>
      %mul3A_411 = arith.muli %iota3A, %mul3A_410 : vector<16xi32>
      %add3A_412 = arith.constant 12 : i32
      %add3A_413 = vector.broadcast %add3A_412 : i32 to vector<16xi32>
      %add3A_414 = arith.addi %mul3A_411, %add3A_413 : vector<16xi32>
      %gather3A_415 = tpu.vector_load_idx %arg6[%add3A_414] : memref<256xi32, #tpu.memory_space<vmem>>[vector<16xi32>], vector<16xi32>,
      %add3A_416 = arith.addi %add3A_408, %gather3A_415 : vector<16xi32>
      %mul3A_417 = arith.constant 16 : i32
      %mul3A_418 = vector.broadcast %mul3A_417 : i32 to vector<16xi32>
      %mul3A_419 = arith.muli %iota3A, %mul3A_418 : vector<16xi32>
      %add3A_420 = arith.constant 13 : i32
      %add3A_421 = vector.broadcast %add3A_420 : i32 to vector<16xi32>
      %add3A_422 = arith.addi %mul3A_419, %add3A_421 : vector<16xi32>
      %gather3A_423 = tpu.vector_load_idx %arg6[%add3A_422] : memref<256xi32, #tpu.memory_space<vmem>>[vector<16xi32>], vector<16xi32>,
      %add3A_424 = arith.addi %add3A_416, %gather3A_423 : vector<16xi32>
      %mul3A_425 = arith.constant 16 : i32
      %mul3A_426 = vector.broadcast %mul3A_425 : i32 to vector<16xi32>
      %mul3A_427 = arith.muli %iota3A, %mul3A_426 : vector<16xi32>
      %add3A_428 = arith.constant 14 : i32
      %add3A_429 = vector.broadcast %add3A_428 : i32 to vector<16xi32>
      %add3A_430 = arith.addi %mul3A_427, %add3A_429 : vector<16xi32>
      %gather3A_431 = tpu.vector_load_idx %arg6[%add3A_430] : memref<256xi32, #tpu.memory_space<vmem>>[vector<16xi32>], vector<16xi32>,
      %add3A_432 = arith.addi %add3A_424, %gather3A_431 : vector<16xi32>
      %mul3A_433 = arith.constant 16 : i32
      %mul3A_434 = vector.broadcast %mul3A_433 : i32 to vector<16xi32>
      %mul3A_435 = arith.muli %iota3A, %mul3A_434 : vector<16xi32>
      %add3A_436 = arith.constant 15 : i32
      %add3A_437 = vector.broadcast %add3A_436 : i32 to vector<16xi32>
      %add3A_438 = arith.addi %mul3A_435, %add3A_437 : vector<16xi32>
      %gather3A_439 = tpu.vector_load_idx %arg6[%add3A_438] : memref<256xi32, #tpu.memory_space<vmem>>[vector<16xi32>], vector<16xi32>,
      %add3A_440 = arith.addi %add3A_432, %gather3A_439 : vector<16xi32>
      %rev3A_441 = arith.constant 15 : i32
      %rev3A_442 = vector.broadcast %rev3A_441 : i32 to vector<16xi32>
      %rev3A_443 = tpu.iota {dimensions = array<i32: 0>} : vector<16xi32>
      %rev3A_444 = arith.subi %rev3A_442, %rev3A_443 : vector<16xi32>
      %rev3A_445 = tpu.dynamic_gather %add3A_440[%rev3A_444] in [0] : vector<16xi32>, vector<16xi32> -> vector<16xi32>
      %broadcast_in_dim3A_446 = arith.constant true
      %broadcast_in_dim3A_447 = vector.broadcast %broadcast_in_dim3A_446 : i1 to vector<16xi1>
      %masked_cumsum3A_448 = tpu.scan <sum>, %rev3A_445 masked %broadcast_in_dim3A_447 : vector<16xi32>, vector<16xi1> -> vector<16xi32>
      %rev3A_449 = arith.constant 15 : i32
      %rev3A_450 = vector.broadcast %rev3A_449 : i32 to vector<16xi32>
      %rev3A_451 = tpu.iota {dimensions = array<i32: 0>} : vector<16xi32>
      %rev3A_452 = arith.subi %rev3A_450, %rev3A_451 : vector<16xi32>
      %rev3A_453 = tpu.dynamic_gather %masked_cumsum3A_448[%rev3A_452] in [0] : vector<16xi32>, vector<16xi32> -> vector<16xi32>
      %ge3A_454 = arith.cmpi sge, %rev3A_453, %sub3A_249 : vector<16xi32>
      %all_reduce_population_count3A_455 = tpu.all_reduce %ge3A_454 {dim = 0 : i64, kind = #tpu.reduction_kind<sum>} : vector<16xi1> -> vector<16xi32>
      %swap3A_456 = arith.constant 0 : index
      %swap3A_457 = tpu.vector_load %arg7[%swap3A_456] {strides = array<i32>} : memref<16xi32, #tpu.memory_space<vmem>>, vector<16xi32>,
      tpu.vector_store %arg7[%swap3A_456], %rev3A_453 {strides = array<i32>} : memref<16xi32, #tpu.memory_space<vmem>>, vector<16xi32>,
      %min3A_458 = arith.constant 15 : i32
      %min3A_459 = vector.broadcast %min3A_458 : i32 to vector<16xi32>
      %min3A_460 = arith.minsi %all_reduce_population_count3A_455, %min3A_459 : vector<16xi32>
      %gather3A_461 = tpu.vector_load_idx %arg7[%min3A_460] : memref<16xi32, #tpu.memory_space<vmem>>[vector<16xi32>], vector<16xi32>,
      %ge3A_462 = arith.constant 16 : i32
      %ge3A_463 = vector.broadcast %ge3A_462 : i32 to vector<16xi32>
      %ge3A_464 = arith.cmpi sge, %all_reduce_population_count3A_455, %ge3A_463 : vector<16xi32>
      %jit3A_465 = arith.constant 0 : i32
      %broadcast_in_dim3A_466 = vector.broadcast %jit3A_465 : i32 to vector<16xi32>
      %select_n3A_467 = arith.select %ge3A_464, %broadcast_in_dim3A_466, %gather3A_461 : vector<16xi1>, vector<16xi32>
      %sub3A_468 = arith.subi %sub3A_249, %select_n3A_467 : vector<16xi32>
      %sub3A_469 = arith.constant 1 : i32
      %sub3A_470 = vector.broadcast %sub3A_469 : i32 to vector<16xi32>
      %sub3A_471 = arith.subi %all_reduce_population_count3A_455, %sub3A_470 : vector<16xi32>
      %mul3A_472 = arith.constant 16 : i32
      %mul3A_473 = vector.broadcast %mul3A_472 : i32 to vector<16xi32>
      %mul3A_474 = arith.muli %sub3A_471, %mul3A_473 : vector<16xi32>
      %add3A_475 = arith.addi %mul3A_474, %iota3A : vector<16xi32>
      %gather3A_476 = tpu.vector_load_idx %arg6[%add3A_475] : memref<256xi32, #tpu.memory_space<vmem>>[vector<16xi32>], vector<16xi32>,
      %rev3A_477 = arith.constant 15 : i32
      %rev3A_478 = vector.broadcast %rev3A_477 : i32 to vector<16xi32>
      %rev3A_479 = tpu.iota {dimensions = array<i32: 0>} : vector<16xi32>
      %rev3A_480 = arith.subi %rev3A_478, %rev3A_479 : vector<16xi32>
      %rev3A_481 = tpu.dynamic_gather %gather3A_476[%rev3A_480] in [0] : vector<16xi32>, vector<16xi32> -> vector<16xi32>
      %broadcast_in_dim3A_482 = arith.constant true
      %broadcast_in_dim3A_483 = vector.broadcast %broadcast_in_dim3A_482 : i1 to vector<16xi1>
      %masked_cumsum3A_484 = tpu.scan <sum>, %rev3A_481 masked %broadcast_in_dim3A_483 : vector<16xi32>, vector<16xi1> -> vector<16xi32>
      %rev3A_485 = arith.constant 15 : i32
      %rev3A_486 = vector.broadcast %rev3A_485 : i32 to vector<16xi32>
      %rev3A_487 = tpu.iota {dimensions = array<i32: 0>} : vector<16xi32>
      %rev3A_488 = arith.subi %rev3A_486, %rev3A_487 : vector<16xi32>
      %rev3A_489 = tpu.dynamic_gather %masked_cumsum3A_484[%rev3A_488] in [0] : vector<16xi32>, vector<16xi32> -> vector<16xi32>
      %ge3A_490 = arith.cmpi sge, %rev3A_489, %sub3A_468 : vector<16xi32>
      %all_reduce_population_count3A_491 = tpu.all_reduce %ge3A_490 {dim = 0 : i64, kind = #tpu.reduction_kind<sum>} : vector<16xi1> -> vector<16xi32>
      %swap3A_492 = arith.constant 0 : index
      %swap3A_493 = tpu.vector_load %arg7[%swap3A_492] {strides = array<i32>} : memref<16xi32, #tpu.memory_space<vmem>>, vector<16xi32>,
      tpu.vector_store %arg7[%swap3A_492], %rev3A_489 {strides = array<i32>} : memref<16xi32, #tpu.memory_space<vmem>>, vector<16xi32>,
      %min3A_494 = arith.constant 15 : i32
      %min3A_495 = vector.broadcast %min3A_494 : i32 to vector<16xi32>
      %min3A_496 = arith.minsi %all_reduce_population_count3A_491, %min3A_495 : vector<16xi32>
      %gather3A_497 = tpu.vector_load_idx %arg7[%min3A_496] : memref<16xi32, #tpu.memory_space<vmem>>[vector<16xi32>], vector<16xi32>,
      %ge3A_498 = arith.constant 16 : i32
      %ge3A_499 = vector.broadcast %ge3A_498 : i32 to vector<16xi32>
      %ge3A_500 = arith.cmpi sge, %all_reduce_population_count3A_491, %ge3A_499 : vector<16xi32>
      %jit3A_501 = arith.constant 0 : i32
      %broadcast_in_dim3A_502 = vector.broadcast %jit3A_501 : i32 to vector<16xi32>
      %select_n3A_503 = arith.select %ge3A_500, %broadcast_in_dim3A_502, %gather3A_497 : vector<16xi1>, vector<16xi32>
      %sub3A_504 = arith.subi %sub3A_468, %select_n3A_503 : vector<16xi32>
      %sub3A_505 = arith.constant 1 : i32
      %sub3A_506 = vector.broadcast %sub3A_505 : i32 to vector<16xi32>
      %sub3A_507 = arith.subi %all_reduce_population_count3A_455, %sub3A_506 : vector<16xi32>
      %mul3A_508 = arith.constant 16 : i32
      %mul3A_509 = vector.broadcast %mul3A_508 : i32 to vector<16xi32>
      %mul3A_510 = arith.muli %sub3A_507, %mul3A_509 : vector<16xi32>
      %sub3A_511 = arith.constant 1 : i32
      %sub3A_512 = vector.broadcast %sub3A_511 : i32 to vector<16xi32>
      %sub3A_513 = arith.subi %all_reduce_population_count3A_491, %sub3A_512 : vector<16xi32>
      %add3A_514 = arith.addi %mul3A_510, %sub3A_513 : vector<16xi32>
      %shift_left3A_515 = arith.constant 16 : i32
      %shift_left3A_516 = vector.broadcast %shift_left3A_515 : i32 to vector<16xi32>
      %shift_left3A_517 = arith.shli %add3A_514, %shift_left3A_516 : vector<16xi32>
      %or3A = arith.ori %shift_left3A_261, %shift_left3A_517 : vector<16xi32>
      %while3A_518 = arith.constant 0 : i32
      %while3A_519 = arith.subi %shift_right_arithmetic3A_273, %while3A_518 : i32
      %while3A_520 = arith.addi %while3A_518, %while3A_519 : i32
      %while3A_521 = arith.constant 1 : i32
      %while3A_522 = arith.divsi %while3A_519, %while3A_521 : i32
      %while3A_523 = arith.muli %while3A_522, %while3A_521 : i32
      %while3A_524 = arith.addi %while3A_518, %while3A_523 : i32
      %while3A_525 = arith.constant 1 : i32
      %while3A_526 = scf.for %while3A_1052 = %while3A_518 to %while3A_524 step %while3A_525 iter_args(%while3A_1053 = %broadcast_in_dim3A_6) -> (vector<16xi32>)  : i32 {
        %mul3A_1054 = arith.constant 16 : i32
        %mul3A_1055 = arith.muli %while3A_1052, %mul3A_1054 : i32
        %get3A_1056 = arith.index_cast %mul3A_1055 : i32 to index
        %get3A_1057 = tpu.vector_load %arg10[%get3A_1056] {strides = array<i32>} : memref<2048xi32, #tpu.memory_space<vmem>>, vector<16xi32>,
        %mul3A_1058 = arith.constant 16 : i32
        %mul3A_1059 = arith.muli %while3A_1052, %mul3A_1058 : i32
        %add3A_1060 = vector.broadcast %mul3A_1059 : i32 to vector<16xi32>
        %add3A_1061 = arith.addi %add3A_1060, %iota3A : vector<16xi32>
        %lt3A = arith.cmpi slt, %add3A_1061, %broadcast_in_dim3A_270 : vector<16xi32>
        %shift_right_arithmetic3A_1062 = arith.constant 16 : i32
        %shift_right_arithmetic3A_1063 = vector.broadcast %shift_right_arithmetic3A_1062 : i32 to vector<16xi32>
        %shift_right_arithmetic3A_1064 = arith.shrsi %get3A_1057, %shift_right_arithmetic3A_1063 : vector<16xi32>
        %and3A = arith.constant 255 : i32
        %and3A_1065 = vector.broadcast %and3A : i32 to vector<16xi32>
        %and3A_1066 = arith.andi %shift_right_arithmetic3A_1064, %and3A_1065 : vector<16xi32>
        %eq3A_1067 = arith.cmpi eq, %and3A_1066, %add3A_514 : vector<16xi32>
        %and3A_1068 = arith.andi %lt3A, %eq3A_1067 : vector<16xi1>
        %convert_element_type3A = arith.extui %and3A_1068 : vector<16xi1> to vector<16xi32>
        %broadcast_in_dim3A_1069 = arith.constant true
        %broadcast_in_dim3A_1070 = vector.broadcast %broadcast_in_dim3A_1069 : i1 to vector<16xi1>
        %masked_cumsum3A_1071 = tpu.scan <sum>, %convert_element_type3A masked %broadcast_in_dim3A_1070 : vector<16xi32>, vector<16xi1> -> vector<16xi32>
        %add3A_1072 = arith.addi %while3A_1053, %masked_cumsum3A_1071 : vector<16xi32>
        %sub3A_1073 = arith.constant 1 : i32
        %sub3A_1074 = vector.broadcast %sub3A_1073 : i32 to vector<16xi32>
        %sub3A_1075 = arith.subi %add3A_1072, %sub3A_1074 : vector<16xi32>
        tpu.vector_store_idx %arg11[%sub3A_1075], %get3A_1057 masked %and3A_1068 : memref<2048xi32, #tpu.memory_space<vmem>>[vector<16xi32>], vector<16xi32>, vector<16xi1>
        %all_reduce_population_count3A_1076 = tpu.all_reduce %and3A_1068 {dim = 0 : i64, kind = #tpu.reduction_kind<sum>} : vector<16xi1> -> vector<16xi32>
        %add3A_1077 = arith.addi %while3A_1053, %all_reduce_population_count3A_1076 : vector<16xi32>
        scf.yield %add3A_1077 : vector<16xi32>
      }
      %while3A_527 = arith.constant 1 : i32
      %while3A_528 = scf.for %while3A_1052 = %while3A_524 to %while3A_520 step %while3A_527 iter_args(%while3A_1053 = %while3A_526) -> (vector<16xi32>)  : i32 {
        %mul3A_1054 = arith.constant 16 : i32
        %mul3A_1055 = arith.muli %while3A_1052, %mul3A_1054 : i32
        %get3A_1056 = arith.index_cast %mul3A_1055 : i32 to index
        %get3A_1057 = tpu.vector_load %arg10[%get3A_1056] {strides = array<i32>} : memref<2048xi32, #tpu.memory_space<vmem>>, vector<16xi32>,
        %mul3A_1058 = arith.constant 16 : i32
        %mul3A_1059 = arith.muli %while3A_1052, %mul3A_1058 : i32
        %add3A_1060 = vector.broadcast %mul3A_1059 : i32 to vector<16xi32>
        %add3A_1061 = arith.addi %add3A_1060, %iota3A : vector<16xi32>
        %lt3A = arith.cmpi slt, %add3A_1061, %broadcast_in_dim3A_270 : vector<16xi32>
        %shift_right_arithmetic3A_1062 = arith.constant 16 : i32
        %shift_right_arithmetic3A_1063 = vector.broadcast %shift_right_arithmetic3A_1062 : i32 to vector<16xi32>
        %shift_right_arithmetic3A_1064 = arith.shrsi %get3A_1057, %shift_right_arithmetic3A_1063 : vector<16xi32>
        %and3A = arith.constant 255 : i32
        %and3A_1065 = vector.broadcast %and3A : i32 to vector<16xi32>
        %and3A_1066 = arith.andi %shift_right_arithmetic3A_1064, %and3A_1065 : vector<16xi32>
        %eq3A_1067 = arith.cmpi eq, %and3A_1066, %add3A_514 : vector<16xi32>
        %and3A_1068 = arith.andi %lt3A, %eq3A_1067 : vector<16xi1>
        %convert_element_type3A = arith.extui %and3A_1068 : vector<16xi1> to vector<16xi32>
        %broadcast_in_dim3A_1069 = arith.constant true
        %broadcast_in_dim3A_1070 = vector.broadcast %broadcast_in_dim3A_1069 : i1 to vector<16xi1>
        %masked_cumsum3A_1071 = tpu.scan <sum>, %convert_element_type3A masked %broadcast_in_dim3A_1070 : vector<16xi32>, vector<16xi1> -> vector<16xi32>
        %add3A_1072 = arith.addi %while3A_1053, %masked_cumsum3A_1071 : vector<16xi32>
        %sub3A_1073 = arith.constant 1 : i32
        %sub3A_1074 = vector.broadcast %sub3A_1073 : i32 to vector<16xi32>
        %sub3A_1075 = arith.subi %add3A_1072, %sub3A_1074 : vector<16xi32>
        tpu.vector_store_idx %arg11[%sub3A_1075], %get3A_1057 masked %and3A_1068 : memref<2048xi32, #tpu.memory_space<vmem>>[vector<16xi32>], vector<16xi32>, vector<16xi1>
        %all_reduce_population_count3A_1076 = tpu.all_reduce %and3A_1068 {dim = 0 : i64, kind = #tpu.reduction_kind<sum>} : vector<16xi1> -> vector<16xi32>
        %add3A_1077 = arith.addi %while3A_1053, %all_reduce_population_count3A_1076 : vector<16xi32>
        scf.yield %add3A_1077 : vector<16xi32>
      }
      %slice3A_529 = vector.extract_strided_slice %while3A_528 {offsets = [0], sizes = [1], strides = [1]} : vector<16xi32> to vector<1xi32>
      %squeeze3A_530 = vector.extract %slice3A_529[0] : i32 from vector<1xi32>
      %broadcast_in_dim3A_531 = vector.broadcast %squeeze3A_530 : i32 to vector<16xi32>
      %add3A_532 = arith.constant 15 : i32
      %add3A_533 = arith.addi %squeeze3A_530, %add3A_532 : i32
      %shift_right_arithmetic3A_534 = arith.constant 4 : i32
      %shift_right_arithmetic3A_535 = arith.shrsi %add3A_533, %shift_right_arithmetic3A_534 : i32
      %swap3A_536 = arith.constant 0 : index
      %swap3A_537 = tpu.vector_load %arg6[%swap3A_536] {strides = array<i32>} : memref<256xi32, #tpu.memory_space<vmem>>, vector<16xi32>,
      tpu.vector_store %arg6[%swap3A_536], %broadcast_in_dim3A_6 {strides = array<i32>} : memref<256xi32, #tpu.memory_space<vmem>>, vector<16xi32>,
      %swap3A_538 = arith.constant 16 : index
      %swap3A_539 = tpu.vector_load %arg6[%swap3A_538] {strides = array<i32>} : memref<256xi32, #tpu.memory_space<vmem>>, vector<16xi32>,
      tpu.vector_store %arg6[%swap3A_538], %broadcast_in_dim3A_6 {strides = array<i32>} : memref<256xi32, #tpu.memory_space<vmem>>, vector<16xi32>,
      %swap3A_540 = arith.constant 32 : index
      %swap3A_541 = tpu.vector_load %arg6[%swap3A_540] {strides = array<i32>} : memref<256xi32, #tpu.memory_space<vmem>>, vector<16xi32>,
      tpu.vector_store %arg6[%swap3A_540], %broadcast_in_dim3A_6 {strides = array<i32>} : memref<256xi32, #tpu.memory_space<vmem>>, vector<16xi32>,
      %swap3A_542 = arith.constant 48 : index
      %swap3A_543 = tpu.vector_load %arg6[%swap3A_542] {strides = array<i32>} : memref<256xi32, #tpu.memory_space<vmem>>, vector<16xi32>,
      tpu.vector_store %arg6[%swap3A_542], %broadcast_in_dim3A_6 {strides = array<i32>} : memref<256xi32, #tpu.memory_space<vmem>>, vector<16xi32>,
      %swap3A_544 = arith.constant 64 : index
      %swap3A_545 = tpu.vector_load %arg6[%swap3A_544] {strides = array<i32>} : memref<256xi32, #tpu.memory_space<vmem>>, vector<16xi32>,
      tpu.vector_store %arg6[%swap3A_544], %broadcast_in_dim3A_6 {strides = array<i32>} : memref<256xi32, #tpu.memory_space<vmem>>, vector<16xi32>,
      %swap3A_546 = arith.constant 80 : index
      %swap3A_547 = tpu.vector_load %arg6[%swap3A_546] {strides = array<i32>} : memref<256xi32, #tpu.memory_space<vmem>>, vector<16xi32>,
      tpu.vector_store %arg6[%swap3A_546], %broadcast_in_dim3A_6 {strides = array<i32>} : memref<256xi32, #tpu.memory_space<vmem>>, vector<16xi32>,
      %swap3A_548 = arith.constant 96 : index
      %swap3A_549 = tpu.vector_load %arg6[%swap3A_548] {strides = array<i32>} : memref<256xi32, #tpu.memory_space<vmem>>, vector<16xi32>,
      tpu.vector_store %arg6[%swap3A_548], %broadcast_in_dim3A_6 {strides = array<i32>} : memref<256xi32, #tpu.memory_space<vmem>>, vector<16xi32>,
      %swap3A_550 = arith.constant 112 : index
      %swap3A_551 = tpu.vector_load %arg6[%swap3A_550] {strides = array<i32>} : memref<256xi32, #tpu.memory_space<vmem>>, vector<16xi32>,
      tpu.vector_store %arg6[%swap3A_550], %broadcast_in_dim3A_6 {strides = array<i32>} : memref<256xi32, #tpu.memory_space<vmem>>, vector<16xi32>,
      %swap3A_552 = arith.constant 128 : index
      %swap3A_553 = tpu.vector_load %arg6[%swap3A_552] {strides = array<i32>} : memref<256xi32, #tpu.memory_space<vmem>>, vector<16xi32>,
      tpu.vector_store %arg6[%swap3A_552], %broadcast_in_dim3A_6 {strides = array<i32>} : memref<256xi32, #tpu.memory_space<vmem>>, vector<16xi32>,
      %swap3A_554 = arith.constant 144 : index
      %swap3A_555 = tpu.vector_load %arg6[%swap3A_554] {strides = array<i32>} : memref<256xi32, #tpu.memory_space<vmem>>, vector<16xi32>,
      tpu.vector_store %arg6[%swap3A_554], %broadcast_in_dim3A_6 {strides = array<i32>} : memref<256xi32, #tpu.memory_space<vmem>>, vector<16xi32>,
      %swap3A_556 = arith.constant 160 : index
      %swap3A_557 = tpu.vector_load %arg6[%swap3A_556] {strides = array<i32>} : memref<256xi32, #tpu.memory_space<vmem>>, vector<16xi32>,
      tpu.vector_store %arg6[%swap3A_556], %broadcast_in_dim3A_6 {strides = array<i32>} : memref<256xi32, #tpu.memory_space<vmem>>, vector<16xi32>,
      %swap3A_558 = arith.constant 176 : index
      %swap3A_559 = tpu.vector_load %arg6[%swap3A_558] {strides = array<i32>} : memref<256xi32, #tpu.memory_space<vmem>>, vector<16xi32>,
      tpu.vector_store %arg6[%swap3A_558], %broadcast_in_dim3A_6 {strides = array<i32>} : memref<256xi32, #tpu.memory_space<vmem>>, vector<16xi32>,
      %swap3A_560 = arith.constant 192 : index
      %swap3A_561 = tpu.vector_load %arg6[%swap3A_560] {strides = array<i32>} : memref<256xi32, #tpu.memory_space<vmem>>, vector<16xi32>,
      tpu.vector_store %arg6[%swap3A_560], %broadcast_in_dim3A_6 {strides = array<i32>} : memref<256xi32, #tpu.memory_space<vmem>>, vector<16xi32>,
      %swap3A_562 = arith.constant 208 : index
      %swap3A_563 = tpu.vector_load %arg6[%swap3A_562] {strides = array<i32>} : memref<256xi32, #tpu.memory_space<vmem>>, vector<16xi32>,
      tpu.vector_store %arg6[%swap3A_562], %broadcast_in_dim3A_6 {strides = array<i32>} : memref<256xi32, #tpu.memory_space<vmem>>, vector<16xi32>,
      %swap3A_564 = arith.constant 224 : index
      %swap3A_565 = tpu.vector_load %arg6[%swap3A_564] {strides = array<i32>} : memref<256xi32, #tpu.memory_space<vmem>>, vector<16xi32>,
      tpu.vector_store %arg6[%swap3A_564], %broadcast_in_dim3A_6 {strides = array<i32>} : memref<256xi32, #tpu.memory_space<vmem>>, vector<16xi32>,
      %swap3A_566 = arith.constant 240 : index
      %swap3A_567 = tpu.vector_load %arg6[%swap3A_566] {strides = array<i32>} : memref<256xi32, #tpu.memory_space<vmem>>, vector<16xi32>,
      tpu.vector_store %arg6[%swap3A_566], %broadcast_in_dim3A_6 {strides = array<i32>} : memref<256xi32, #tpu.memory_space<vmem>>, vector<16xi32>,
      %while3A_568 = arith.constant 0 : i32
      %while3A_569 = arith.constant 0 : i32
      %while3A_570 = arith.subi %shift_right_arithmetic3A_535, %while3A_568 : i32
      %while3A_571 = arith.addi %while3A_568, %while3A_570 : i32
      %while3A_572 = arith.constant 1 : i32
      %while3A_573 = arith.divsi %while3A_570, %while3A_572 : i32
      %while3A_574 = arith.muli %while3A_573, %while3A_572 : i32
      %while3A_575 = arith.addi %while3A_568, %while3A_574 : i32
      %while3A_576 = arith.constant 1 : i32
      %while3A_577 = scf.for %while3A_1052 = %while3A_568 to %while3A_575 step %while3A_576 iter_args(%while3A_1053 = %while3A_569) -> (i32)  : i32 {
        %mul3A_1054 = arith.constant 16 : i32
        %mul3A_1055 = arith.muli %while3A_1052, %mul3A_1054 : i32
        %get3A_1056 = arith.index_cast %mul3A_1055 : i32 to index
        %get3A_1057 = tpu.vector_load %arg11[%get3A_1056] {strides = array<i32>} : memref<2048xi32, #tpu.memory_space<vmem>>, vector<16xi32>,
        %mul3A_1058 = arith.constant 16 : i32
        %mul3A_1059 = arith.muli %while3A_1052, %mul3A_1058 : i32
        %add3A_1060 = vector.broadcast %mul3A_1059 : i32 to vector<16xi32>
        %add3A_1061 = arith.addi %add3A_1060, %iota3A : vector<16xi32>
        %lt3A = arith.cmpi slt, %add3A_1061, %broadcast_in_dim3A_531 : vector<16xi32>
        %shift_right_arithmetic3A_1062 = arith.constant 8 : i32
        %shift_right_arithmetic3A_1063 = vector.broadcast %shift_right_arithmetic3A_1062 : i32 to vector<16xi32>
        %shift_right_arithmetic3A_1064 = arith.shrsi %get3A_1057, %shift_right_arithmetic3A_1063 : vector<16xi32>
        %and3A = arith.constant 255 : i32
        %and3A_1065 = vector.broadcast %and3A : i32 to vector<16xi32>
        %and3A_1066 = arith.andi %shift_right_arithmetic3A_1064, %and3A_1065 : vector<16xi32>
        tpu.vector_store_idx %arg6[%and3A_1066], %broadcast_in_dim3A_4 masked %lt3A {add = true} : memref<256xi32, #tpu.memory_space<vmem>>[vector<16xi32>], vector<16xi32>, vector<16xi1>
        %while3A_1067 = arith.constant 0 : i32
        scf.yield %while3A_1067 : i32
      }
      %while3A_578 = arith.constant 1 : i32
      %while3A_579 = scf.for %while3A_1052 = %while3A_575 to %while3A_571 step %while3A_578 iter_args(%while3A_1053 = %while3A_577) -> (i32)  : i32 {
        %mul3A_1054 = arith.constant 16 : i32
        %mul3A_1055 = arith.muli %while3A_1052, %mul3A_1054 : i32
        %get3A_1056 = arith.index_cast %mul3A_1055 : i32 to index
        %get3A_1057 = tpu.vector_load %arg11[%get3A_1056] {strides = array<i32>} : memref<2048xi32, #tpu.memory_space<vmem>>, vector<16xi32>,
        %mul3A_1058 = arith.constant 16 : i32
        %mul3A_1059 = arith.muli %while3A_1052, %mul3A_1058 : i32
        %add3A_1060 = vector.broadcast %mul3A_1059 : i32 to vector<16xi32>
        %add3A_1061 = arith.addi %add3A_1060, %iota3A : vector<16xi32>
        %lt3A = arith.cmpi slt, %add3A_1061, %broadcast_in_dim3A_531 : vector<16xi32>
        %shift_right_arithmetic3A_1062 = arith.constant 8 : i32
        %shift_right_arithmetic3A_1063 = vector.broadcast %shift_right_arithmetic3A_1062 : i32 to vector<16xi32>
        %shift_right_arithmetic3A_1064 = arith.shrsi %get3A_1057, %shift_right_arithmetic3A_1063 : vector<16xi32>
        %and3A = arith.constant 255 : i32
        %and3A_1065 = vector.broadcast %and3A : i32 to vector<16xi32>
        %and3A_1066 = arith.andi %shift_right_arithmetic3A_1064, %and3A_1065 : vector<16xi32>
        tpu.vector_store_idx %arg6[%and3A_1066], %broadcast_in_dim3A_4 masked %lt3A {add = true} : memref<256xi32, #tpu.memory_space<vmem>>[vector<16xi32>], vector<16xi32>, vector<16xi1>
        %while3A_1067 = arith.constant 0 : i32
        scf.yield %while3A_1067 : i32
      }
      %mul3A_580 = arith.constant 16 : i32
      %mul3A_581 = vector.broadcast %mul3A_580 : i32 to vector<16xi32>
      %mul3A_582 = arith.muli %iota3A, %mul3A_581 : vector<16xi32>
      %gather3A_583 = tpu.vector_load_idx %arg6[%mul3A_582] : memref<256xi32, #tpu.memory_space<vmem>>[vector<16xi32>], vector<16xi32>,
      %mul3A_584 = arith.constant 16 : i32
      %mul3A_585 = vector.broadcast %mul3A_584 : i32 to vector<16xi32>
      %mul3A_586 = arith.muli %iota3A, %mul3A_585 : vector<16xi32>
      %add3A_587 = arith.constant 1 : i32
      %add3A_588 = vector.broadcast %add3A_587 : i32 to vector<16xi32>
      %add3A_589 = arith.addi %mul3A_586, %add3A_588 : vector<16xi32>
      %gather3A_590 = tpu.vector_load_idx %arg6[%add3A_589] : memref<256xi32, #tpu.memory_space<vmem>>[vector<16xi32>], vector<16xi32>,
      %add3A_591 = arith.addi %gather3A_583, %gather3A_590 : vector<16xi32>
      %mul3A_592 = arith.constant 16 : i32
      %mul3A_593 = vector.broadcast %mul3A_592 : i32 to vector<16xi32>
      %mul3A_594 = arith.muli %iota3A, %mul3A_593 : vector<16xi32>
      %add3A_595 = arith.constant 2 : i32
      %add3A_596 = vector.broadcast %add3A_595 : i32 to vector<16xi32>
      %add3A_597 = arith.addi %mul3A_594, %add3A_596 : vector<16xi32>
      %gather3A_598 = tpu.vector_load_idx %arg6[%add3A_597] : memref<256xi32, #tpu.memory_space<vmem>>[vector<16xi32>], vector<16xi32>,
      %add3A_599 = arith.addi %add3A_591, %gather3A_598 : vector<16xi32>
      %mul3A_600 = arith.constant 16 : i32
      %mul3A_601 = vector.broadcast %mul3A_600 : i32 to vector<16xi32>
      %mul3A_602 = arith.muli %iota3A, %mul3A_601 : vector<16xi32>
      %add3A_603 = arith.constant 3 : i32
      %add3A_604 = vector.broadcast %add3A_603 : i32 to vector<16xi32>
      %add3A_605 = arith.addi %mul3A_602, %add3A_604 : vector<16xi32>
      %gather3A_606 = tpu.vector_load_idx %arg6[%add3A_605] : memref<256xi32, #tpu.memory_space<vmem>>[vector<16xi32>], vector<16xi32>,
      %add3A_607 = arith.addi %add3A_599, %gather3A_606 : vector<16xi32>
      %mul3A_608 = arith.constant 16 : i32
      %mul3A_609 = vector.broadcast %mul3A_608 : i32 to vector<16xi32>
      %mul3A_610 = arith.muli %iota3A, %mul3A_609 : vector<16xi32>
      %add3A_611 = arith.constant 4 : i32
      %add3A_612 = vector.broadcast %add3A_611 : i32 to vector<16xi32>
      %add3A_613 = arith.addi %mul3A_610, %add3A_612 : vector<16xi32>
      %gather3A_614 = tpu.vector_load_idx %arg6[%add3A_613] : memref<256xi32, #tpu.memory_space<vmem>>[vector<16xi32>], vector<16xi32>,
      %add3A_615 = arith.addi %add3A_607, %gather3A_614 : vector<16xi32>
      %mul3A_616 = arith.constant 16 : i32
      %mul3A_617 = vector.broadcast %mul3A_616 : i32 to vector<16xi32>
      %mul3A_618 = arith.muli %iota3A, %mul3A_617 : vector<16xi32>
      %add3A_619 = arith.constant 5 : i32
      %add3A_620 = vector.broadcast %add3A_619 : i32 to vector<16xi32>
      %add3A_621 = arith.addi %mul3A_618, %add3A_620 : vector<16xi32>
      %gather3A_622 = tpu.vector_load_idx %arg6[%add3A_621] : memref<256xi32, #tpu.memory_space<vmem>>[vector<16xi32>], vector<16xi32>,
      %add3A_623 = arith.addi %add3A_615, %gather3A_622 : vector<16xi32>
      %mul3A_624 = arith.constant 16 : i32
      %mul3A_625 = vector.broadcast %mul3A_624 : i32 to vector<16xi32>
      %mul3A_626 = arith.muli %iota3A, %mul3A_625 : vector<16xi32>
      %add3A_627 = arith.constant 6 : i32
      %add3A_628 = vector.broadcast %add3A_627 : i32 to vector<16xi32>
      %add3A_629 = arith.addi %mul3A_626, %add3A_628 : vector<16xi32>
      %gather3A_630 = tpu.vector_load_idx %arg6[%add3A_629] : memref<256xi32, #tpu.memory_space<vmem>>[vector<16xi32>], vector<16xi32>,
      %add3A_631 = arith.addi %add3A_623, %gather3A_630 : vector<16xi32>
      %mul3A_632 = arith.constant 16 : i32
      %mul3A_633 = vector.broadcast %mul3A_632 : i32 to vector<16xi32>
      %mul3A_634 = arith.muli %iota3A, %mul3A_633 : vector<16xi32>
      %add3A_635 = arith.constant 7 : i32
      %add3A_636 = vector.broadcast %add3A_635 : i32 to vector<16xi32>
      %add3A_637 = arith.addi %mul3A_634, %add3A_636 : vector<16xi32>
      %gather3A_638 = tpu.vector_load_idx %arg6[%add3A_637] : memref<256xi32, #tpu.memory_space<vmem>>[vector<16xi32>], vector<16xi32>,
      %add3A_639 = arith.addi %add3A_631, %gather3A_638 : vector<16xi32>
      %mul3A_640 = arith.constant 16 : i32
      %mul3A_641 = vector.broadcast %mul3A_640 : i32 to vector<16xi32>
      %mul3A_642 = arith.muli %iota3A, %mul3A_641 : vector<16xi32>
      %add3A_643 = arith.constant 8 : i32
      %add3A_644 = vector.broadcast %add3A_643 : i32 to vector<16xi32>
      %add3A_645 = arith.addi %mul3A_642, %add3A_644 : vector<16xi32>
      %gather3A_646 = tpu.vector_load_idx %arg6[%add3A_645] : memref<256xi32, #tpu.memory_space<vmem>>[vector<16xi32>], vector<16xi32>,
      %add3A_647 = arith.addi %add3A_639, %gather3A_646 : vector<16xi32>
      %mul3A_648 = arith.constant 16 : i32
      %mul3A_649 = vector.broadcast %mul3A_648 : i32 to vector<16xi32>
      %mul3A_650 = arith.muli %iota3A, %mul3A_649 : vector<16xi32>
      %add3A_651 = arith.constant 9 : i32
      %add3A_652 = vector.broadcast %add3A_651 : i32 to vector<16xi32>
      %add3A_653 = arith.addi %mul3A_650, %add3A_652 : vector<16xi32>
      %gather3A_654 = tpu.vector_load_idx %arg6[%add3A_653] : memref<256xi32, #tpu.memory_space<vmem>>[vector<16xi32>], vector<16xi32>,
      %add3A_655 = arith.addi %add3A_647, %gather3A_654 : vector<16xi32>
      %mul3A_656 = arith.constant 16 : i32
      %mul3A_657 = vector.broadcast %mul3A_656 : i32 to vector<16xi32>
      %mul3A_658 = arith.muli %iota3A, %mul3A_657 : vector<16xi32>
      %add3A_659 = arith.constant 10 : i32
      %add3A_660 = vector.broadcast %add3A_659 : i32 to vector<16xi32>
      %add3A_661 = arith.addi %mul3A_658, %add3A_660 : vector<16xi32>
      %gather3A_662 = tpu.vector_load_idx %arg6[%add3A_661] : memref<256xi32, #tpu.memory_space<vmem>>[vector<16xi32>], vector<16xi32>,
      %add3A_663 = arith.addi %add3A_655, %gather3A_662 : vector<16xi32>
      %mul3A_664 = arith.constant 16 : i32
      %mul3A_665 = vector.broadcast %mul3A_664 : i32 to vector<16xi32>
      %mul3A_666 = arith.muli %iota3A, %mul3A_665 : vector<16xi32>
      %add3A_667 = arith.constant 11 : i32
      %add3A_668 = vector.broadcast %add3A_667 : i32 to vector<16xi32>
      %add3A_669 = arith.addi %mul3A_666, %add3A_668 : vector<16xi32>
      %gather3A_670 = tpu.vector_load_idx %arg6[%add3A_669] : memref<256xi32, #tpu.memory_space<vmem>>[vector<16xi32>], vector<16xi32>,
      %add3A_671 = arith.addi %add3A_663, %gather3A_670 : vector<16xi32>
      %mul3A_672 = arith.constant 16 : i32
      %mul3A_673 = vector.broadcast %mul3A_672 : i32 to vector<16xi32>
      %mul3A_674 = arith.muli %iota3A, %mul3A_673 : vector<16xi32>
      %add3A_675 = arith.constant 12 : i32
      %add3A_676 = vector.broadcast %add3A_675 : i32 to vector<16xi32>
      %add3A_677 = arith.addi %mul3A_674, %add3A_676 : vector<16xi32>
      %gather3A_678 = tpu.vector_load_idx %arg6[%add3A_677] : memref<256xi32, #tpu.memory_space<vmem>>[vector<16xi32>], vector<16xi32>,
      %add3A_679 = arith.addi %add3A_671, %gather3A_678 : vector<16xi32>
      %mul3A_680 = arith.constant 16 : i32
      %mul3A_681 = vector.broadcast %mul3A_680 : i32 to vector<16xi32>
      %mul3A_682 = arith.muli %iota3A, %mul3A_681 : vector<16xi32>
      %add3A_683 = arith.constant 13 : i32
      %add3A_684 = vector.broadcast %add3A_683 : i32 to vector<16xi32>
      %add3A_685 = arith.addi %mul3A_682, %add3A_684 : vector<16xi32>
      %gather3A_686 = tpu.vector_load_idx %arg6[%add3A_685] : memref<256xi32, #tpu.memory_space<vmem>>[vector<16xi32>], vector<16xi32>,
      %add3A_687 = arith.addi %add3A_679, %gather3A_686 : vector<16xi32>
      %mul3A_688 = arith.constant 16 : i32
      %mul3A_689 = vector.broadcast %mul3A_688 : i32 to vector<16xi32>
      %mul3A_690 = arith.muli %iota3A, %mul3A_689 : vector<16xi32>
      %add3A_691 = arith.constant 14 : i32
      %add3A_692 = vector.broadcast %add3A_691 : i32 to vector<16xi32>
      %add3A_693 = arith.addi %mul3A_690, %add3A_692 : vector<16xi32>
      %gather3A_694 = tpu.vector_load_idx %arg6[%add3A_693] : memref<256xi32, #tpu.memory_space<vmem>>[vector<16xi32>], vector<16xi32>,
      %add3A_695 = arith.addi %add3A_687, %gather3A_694 : vector<16xi32>
      %mul3A_696 = arith.constant 16 : i32
      %mul3A_697 = vector.broadcast %mul3A_696 : i32 to vector<16xi32>
      %mul3A_698 = arith.muli %iota3A, %mul3A_697 : vector<16xi32>
      %add3A_699 = arith.constant 15 : i32
      %add3A_700 = vector.broadcast %add3A_699 : i32 to vector<16xi32>
      %add3A_701 = arith.addi %mul3A_698, %add3A_700 : vector<16xi32>
      %gather3A_702 = tpu.vector_load_idx %arg6[%add3A_701] : memref<256xi32, #tpu.memory_space<vmem>>[vector<16xi32>], vector<16xi32>,
      %add3A_703 = arith.addi %add3A_695, %gather3A_702 : vector<16xi32>
      %rev3A_704 = arith.constant 15 : i32
      %rev3A_705 = vector.broadcast %rev3A_704 : i32 to vector<16xi32>
      %rev3A_706 = tpu.iota {dimensions = array<i32: 0>} : vector<16xi32>
      %rev3A_707 = arith.subi %rev3A_705, %rev3A_706 : vector<16xi32>
      %rev3A_708 = tpu.dynamic_gather %add3A_703[%rev3A_707] in [0] : vector<16xi32>, vector<16xi32> -> vector<16xi32>
      %broadcast_in_dim3A_709 = arith.constant true
      %broadcast_in_dim3A_710 = vector.broadcast %broadcast_in_dim3A_709 : i1 to vector<16xi1>
      %masked_cumsum3A_711 = tpu.scan <sum>, %rev3A_708 masked %broadcast_in_dim3A_710 : vector<16xi32>, vector<16xi1> -> vector<16xi32>
      %rev3A_712 = arith.constant 15 : i32
      %rev3A_713 = vector.broadcast %rev3A_712 : i32 to vector<16xi32>
      %rev3A_714 = tpu.iota {dimensions = array<i32: 0>} : vector<16xi32>
      %rev3A_715 = arith.subi %rev3A_713, %rev3A_714 : vector<16xi32>
      %rev3A_716 = tpu.dynamic_gather %masked_cumsum3A_711[%rev3A_715] in [0] : vector<16xi32>, vector<16xi32> -> vector<16xi32>
      %ge3A_717 = arith.cmpi sge, %rev3A_716, %sub3A_504 : vector<16xi32>
      %all_reduce_population_count3A_718 = tpu.all_reduce %ge3A_717 {dim = 0 : i64, kind = #tpu.reduction_kind<sum>} : vector<16xi1> -> vector<16xi32>
      %swap3A_719 = arith.constant 0 : index
      %swap3A_720 = tpu.vector_load %arg7[%swap3A_719] {strides = array<i32>} : memref<16xi32, #tpu.memory_space<vmem>>, vector<16xi32>,
      tpu.vector_store %arg7[%swap3A_719], %rev3A_716 {strides = array<i32>} : memref<16xi32, #tpu.memory_space<vmem>>, vector<16xi32>,
      %min3A_721 = arith.constant 15 : i32
      %min3A_722 = vector.broadcast %min3A_721 : i32 to vector<16xi32>
      %min3A_723 = arith.minsi %all_reduce_population_count3A_718, %min3A_722 : vector<16xi32>
      %gather3A_724 = tpu.vector_load_idx %arg7[%min3A_723] : memref<16xi32, #tpu.memory_space<vmem>>[vector<16xi32>], vector<16xi32>,
      %ge3A_725 = arith.constant 16 : i32
      %ge3A_726 = vector.broadcast %ge3A_725 : i32 to vector<16xi32>
      %ge3A_727 = arith.cmpi sge, %all_reduce_population_count3A_718, %ge3A_726 : vector<16xi32>
      %jit3A_728 = arith.constant 0 : i32
      %broadcast_in_dim3A_729 = vector.broadcast %jit3A_728 : i32 to vector<16xi32>
      %select_n3A_730 = arith.select %ge3A_727, %broadcast_in_dim3A_729, %gather3A_724 : vector<16xi1>, vector<16xi32>
      %sub3A_731 = arith.subi %sub3A_504, %select_n3A_730 : vector<16xi32>
      %sub3A_732 = arith.constant 1 : i32
      %sub3A_733 = vector.broadcast %sub3A_732 : i32 to vector<16xi32>
      %sub3A_734 = arith.subi %all_reduce_population_count3A_718, %sub3A_733 : vector<16xi32>
      %mul3A_735 = arith.constant 16 : i32
      %mul3A_736 = vector.broadcast %mul3A_735 : i32 to vector<16xi32>
      %mul3A_737 = arith.muli %sub3A_734, %mul3A_736 : vector<16xi32>
      %add3A_738 = arith.addi %mul3A_737, %iota3A : vector<16xi32>
      %gather3A_739 = tpu.vector_load_idx %arg6[%add3A_738] : memref<256xi32, #tpu.memory_space<vmem>>[vector<16xi32>], vector<16xi32>,
      %rev3A_740 = arith.constant 15 : i32
      %rev3A_741 = vector.broadcast %rev3A_740 : i32 to vector<16xi32>
      %rev3A_742 = tpu.iota {dimensions = array<i32: 0>} : vector<16xi32>
      %rev3A_743 = arith.subi %rev3A_741, %rev3A_742 : vector<16xi32>
      %rev3A_744 = tpu.dynamic_gather %gather3A_739[%rev3A_743] in [0] : vector<16xi32>, vector<16xi32> -> vector<16xi32>
      %broadcast_in_dim3A_745 = arith.constant true
      %broadcast_in_dim3A_746 = vector.broadcast %broadcast_in_dim3A_745 : i1 to vector<16xi1>
      %masked_cumsum3A_747 = tpu.scan <sum>, %rev3A_744 masked %broadcast_in_dim3A_746 : vector<16xi32>, vector<16xi1> -> vector<16xi32>
      %rev3A_748 = arith.constant 15 : i32
      %rev3A_749 = vector.broadcast %rev3A_748 : i32 to vector<16xi32>
      %rev3A_750 = tpu.iota {dimensions = array<i32: 0>} : vector<16xi32>
      %rev3A_751 = arith.subi %rev3A_749, %rev3A_750 : vector<16xi32>
      %rev3A_752 = tpu.dynamic_gather %masked_cumsum3A_747[%rev3A_751] in [0] : vector<16xi32>, vector<16xi32> -> vector<16xi32>
      %ge3A_753 = arith.cmpi sge, %rev3A_752, %sub3A_731 : vector<16xi32>
      %all_reduce_population_count3A_754 = tpu.all_reduce %ge3A_753 {dim = 0 : i64, kind = #tpu.reduction_kind<sum>} : vector<16xi1> -> vector<16xi32>
      %swap3A_755 = arith.constant 0 : index
      %swap3A_756 = tpu.vector_load %arg7[%swap3A_755] {strides = array<i32>} : memref<16xi32, #tpu.memory_space<vmem>>, vector<16xi32>,
      tpu.vector_store %arg7[%swap3A_755], %rev3A_752 {strides = array<i32>} : memref<16xi32, #tpu.memory_space<vmem>>, vector<16xi32>,
      %min3A_757 = arith.constant 15 : i32
      %min3A_758 = vector.broadcast %min3A_757 : i32 to vector<16xi32>
      %min3A_759 = arith.minsi %all_reduce_population_count3A_754, %min3A_758 : vector<16xi32>
      %gather3A_760 = tpu.vector_load_idx %arg7[%min3A_759] : memref<16xi32, #tpu.memory_space<vmem>>[vector<16xi32>], vector<16xi32>,
      %ge3A_761 = arith.constant 16 : i32
      %ge3A_762 = vector.broadcast %ge3A_761 : i32 to vector<16xi32>
      %ge3A_763 = arith.cmpi sge, %all_reduce_population_count3A_754, %ge3A_762 : vector<16xi32>
      %jit3A_764 = arith.constant 0 : i32
      %broadcast_in_dim3A_765 = vector.broadcast %jit3A_764 : i32 to vector<16xi32>
      %select_n3A_766 = arith.select %ge3A_763, %broadcast_in_dim3A_765, %gather3A_760 : vector<16xi1>, vector<16xi32>
      %sub3A_767 = arith.subi %sub3A_731, %select_n3A_766 : vector<16xi32>
      %sub3A_768 = arith.constant 1 : i32
      %sub3A_769 = vector.broadcast %sub3A_768 : i32 to vector<16xi32>
      %sub3A_770 = arith.subi %all_reduce_population_count3A_718, %sub3A_769 : vector<16xi32>
      %mul3A_771 = arith.constant 16 : i32
      %mul3A_772 = vector.broadcast %mul3A_771 : i32 to vector<16xi32>
      %mul3A_773 = arith.muli %sub3A_770, %mul3A_772 : vector<16xi32>
      %sub3A_774 = arith.constant 1 : i32
      %sub3A_775 = vector.broadcast %sub3A_774 : i32 to vector<16xi32>
      %sub3A_776 = arith.subi %all_reduce_population_count3A_754, %sub3A_775 : vector<16xi32>
      %add3A_777 = arith.addi %mul3A_773, %sub3A_776 : vector<16xi32>
      %shift_left3A_778 = arith.constant 8 : i32
      %shift_left3A_779 = vector.broadcast %shift_left3A_778 : i32 to vector<16xi32>
      %shift_left3A_780 = arith.shli %add3A_777, %shift_left3A_779 : vector<16xi32>
      %or3A_781 = arith.ori %or3A, %shift_left3A_780 : vector<16xi32>
      %while3A_782 = arith.constant 0 : i32
      %while3A_783 = arith.subi %shift_right_arithmetic3A_535, %while3A_782 : i32
      %while3A_784 = arith.addi %while3A_782, %while3A_783 : i32
      %while3A_785 = arith.constant 1 : i32
      %while3A_786 = arith.divsi %while3A_783, %while3A_785 : i32
      %while3A_787 = arith.muli %while3A_786, %while3A_785 : i32
      %while3A_788 = arith.addi %while3A_782, %while3A_787 : i32
      %while3A_789 = arith.constant 1 : i32
      %while3A_790 = scf.for %while3A_1052 = %while3A_782 to %while3A_788 step %while3A_789 iter_args(%while3A_1053 = %broadcast_in_dim3A_6) -> (vector<16xi32>)  : i32 {
        %mul3A_1054 = arith.constant 16 : i32
        %mul3A_1055 = arith.muli %while3A_1052, %mul3A_1054 : i32
        %get3A_1056 = arith.index_cast %mul3A_1055 : i32 to index
        %get3A_1057 = tpu.vector_load %arg11[%get3A_1056] {strides = array<i32>} : memref<2048xi32, #tpu.memory_space<vmem>>, vector<16xi32>,
        %mul3A_1058 = arith.constant 16 : i32
        %mul3A_1059 = arith.muli %while3A_1052, %mul3A_1058 : i32
        %add3A_1060 = vector.broadcast %mul3A_1059 : i32 to vector<16xi32>
        %add3A_1061 = arith.addi %add3A_1060, %iota3A : vector<16xi32>
        %lt3A = arith.cmpi slt, %add3A_1061, %broadcast_in_dim3A_531 : vector<16xi32>
        %shift_right_arithmetic3A_1062 = arith.constant 8 : i32
        %shift_right_arithmetic3A_1063 = vector.broadcast %shift_right_arithmetic3A_1062 : i32 to vector<16xi32>
        %shift_right_arithmetic3A_1064 = arith.shrsi %get3A_1057, %shift_right_arithmetic3A_1063 : vector<16xi32>
        %and3A = arith.constant 255 : i32
        %and3A_1065 = vector.broadcast %and3A : i32 to vector<16xi32>
        %and3A_1066 = arith.andi %shift_right_arithmetic3A_1064, %and3A_1065 : vector<16xi32>
        %eq3A_1067 = arith.cmpi eq, %and3A_1066, %add3A_777 : vector<16xi32>
        %and3A_1068 = arith.andi %lt3A, %eq3A_1067 : vector<16xi1>
        %convert_element_type3A = arith.extui %and3A_1068 : vector<16xi1> to vector<16xi32>
        %broadcast_in_dim3A_1069 = arith.constant true
        %broadcast_in_dim3A_1070 = vector.broadcast %broadcast_in_dim3A_1069 : i1 to vector<16xi1>
        %masked_cumsum3A_1071 = tpu.scan <sum>, %convert_element_type3A masked %broadcast_in_dim3A_1070 : vector<16xi32>, vector<16xi1> -> vector<16xi32>
        %add3A_1072 = arith.addi %while3A_1053, %masked_cumsum3A_1071 : vector<16xi32>
        %sub3A_1073 = arith.constant 1 : i32
        %sub3A_1074 = vector.broadcast %sub3A_1073 : i32 to vector<16xi32>
        %sub3A_1075 = arith.subi %add3A_1072, %sub3A_1074 : vector<16xi32>
        tpu.vector_store_idx %arg10[%sub3A_1075], %get3A_1057 masked %and3A_1068 : memref<2048xi32, #tpu.memory_space<vmem>>[vector<16xi32>], vector<16xi32>, vector<16xi1>
        %all_reduce_population_count3A_1076 = tpu.all_reduce %and3A_1068 {dim = 0 : i64, kind = #tpu.reduction_kind<sum>} : vector<16xi1> -> vector<16xi32>
        %add3A_1077 = arith.addi %while3A_1053, %all_reduce_population_count3A_1076 : vector<16xi32>
        scf.yield %add3A_1077 : vector<16xi32>
      }
      %while3A_791 = arith.constant 1 : i32
      %while3A_792 = scf.for %while3A_1052 = %while3A_788 to %while3A_784 step %while3A_791 iter_args(%while3A_1053 = %while3A_790) -> (vector<16xi32>)  : i32 {
        %mul3A_1054 = arith.constant 16 : i32
        %mul3A_1055 = arith.muli %while3A_1052, %mul3A_1054 : i32
        %get3A_1056 = arith.index_cast %mul3A_1055 : i32 to index
        %get3A_1057 = tpu.vector_load %arg11[%get3A_1056] {strides = array<i32>} : memref<2048xi32, #tpu.memory_space<vmem>>, vector<16xi32>,
        %mul3A_1058 = arith.constant 16 : i32
        %mul3A_1059 = arith.muli %while3A_1052, %mul3A_1058 : i32
        %add3A_1060 = vector.broadcast %mul3A_1059 : i32 to vector<16xi32>
        %add3A_1061 = arith.addi %add3A_1060, %iota3A : vector<16xi32>
        %lt3A = arith.cmpi slt, %add3A_1061, %broadcast_in_dim3A_531 : vector<16xi32>
        %shift_right_arithmetic3A_1062 = arith.constant 8 : i32
        %shift_right_arithmetic3A_1063 = vector.broadcast %shift_right_arithmetic3A_1062 : i32 to vector<16xi32>
        %shift_right_arithmetic3A_1064 = arith.shrsi %get3A_1057, %shift_right_arithmetic3A_1063 : vector<16xi32>
        %and3A = arith.constant 255 : i32
        %and3A_1065 = vector.broadcast %and3A : i32 to vector<16xi32>
        %and3A_1066 = arith.andi %shift_right_arithmetic3A_1064, %and3A_1065 : vector<16xi32>
        %eq3A_1067 = arith.cmpi eq, %and3A_1066, %add3A_777 : vector<16xi32>
        %and3A_1068 = arith.andi %lt3A, %eq3A_1067 : vector<16xi1>
        %convert_element_type3A = arith.extui %and3A_1068 : vector<16xi1> to vector<16xi32>
        %broadcast_in_dim3A_1069 = arith.constant true
        %broadcast_in_dim3A_1070 = vector.broadcast %broadcast_in_dim3A_1069 : i1 to vector<16xi1>
        %masked_cumsum3A_1071 = tpu.scan <sum>, %convert_element_type3A masked %broadcast_in_dim3A_1070 : vector<16xi32>, vector<16xi1> -> vector<16xi32>
        %add3A_1072 = arith.addi %while3A_1053, %masked_cumsum3A_1071 : vector<16xi32>
        %sub3A_1073 = arith.constant 1 : i32
        %sub3A_1074 = vector.broadcast %sub3A_1073 : i32 to vector<16xi32>
        %sub3A_1075 = arith.subi %add3A_1072, %sub3A_1074 : vector<16xi32>
        tpu.vector_store_idx %arg10[%sub3A_1075], %get3A_1057 masked %and3A_1068 : memref<2048xi32, #tpu.memory_space<vmem>>[vector<16xi32>], vector<16xi32>, vector<16xi1>
        %all_reduce_population_count3A_1076 = tpu.all_reduce %and3A_1068 {dim = 0 : i64, kind = #tpu.reduction_kind<sum>} : vector<16xi1> -> vector<16xi32>
        %add3A_1077 = arith.addi %while3A_1053, %all_reduce_population_count3A_1076 : vector<16xi32>
        scf.yield %add3A_1077 : vector<16xi32>
      }
      %slice3A_793 = vector.extract_strided_slice %while3A_792 {offsets = [0], sizes = [1], strides = [1]} : vector<16xi32> to vector<1xi32>
      %squeeze3A_794 = vector.extract %slice3A_793[0] : i32 from vector<1xi32>
      %broadcast_in_dim3A_795 = vector.broadcast %squeeze3A_794 : i32 to vector<16xi32>
      %add3A_796 = arith.constant 15 : i32
      %add3A_797 = arith.addi %squeeze3A_794, %add3A_796 : i32
      %shift_right_arithmetic3A_798 = arith.constant 4 : i32
      %shift_right_arithmetic3A_799 = arith.shrsi %add3A_797, %shift_right_arithmetic3A_798 : i32
      %swap3A_800 = arith.constant 0 : index
      %swap3A_801 = tpu.vector_load %arg6[%swap3A_800] {strides = array<i32>} : memref<256xi32, #tpu.memory_space<vmem>>, vector<16xi32>,
      tpu.vector_store %arg6[%swap3A_800], %broadcast_in_dim3A_6 {strides = array<i32>} : memref<256xi32, #tpu.memory_space<vmem>>, vector<16xi32>,
      %swap3A_802 = arith.constant 16 : index
      %swap3A_803 = tpu.vector_load %arg6[%swap3A_802] {strides = array<i32>} : memref<256xi32, #tpu.memory_space<vmem>>, vector<16xi32>,
      tpu.vector_store %arg6[%swap3A_802], %broadcast_in_dim3A_6 {strides = array<i32>} : memref<256xi32, #tpu.memory_space<vmem>>, vector<16xi32>,
      %swap3A_804 = arith.constant 32 : index
      %swap3A_805 = tpu.vector_load %arg6[%swap3A_804] {strides = array<i32>} : memref<256xi32, #tpu.memory_space<vmem>>, vector<16xi32>,
      tpu.vector_store %arg6[%swap3A_804], %broadcast_in_dim3A_6 {strides = array<i32>} : memref<256xi32, #tpu.memory_space<vmem>>, vector<16xi32>,
      %swap3A_806 = arith.constant 48 : index
      %swap3A_807 = tpu.vector_load %arg6[%swap3A_806] {strides = array<i32>} : memref<256xi32, #tpu.memory_space<vmem>>, vector<16xi32>,
      tpu.vector_store %arg6[%swap3A_806], %broadcast_in_dim3A_6 {strides = array<i32>} : memref<256xi32, #tpu.memory_space<vmem>>, vector<16xi32>,
      %swap3A_808 = arith.constant 64 : index
      %swap3A_809 = tpu.vector_load %arg6[%swap3A_808] {strides = array<i32>} : memref<256xi32, #tpu.memory_space<vmem>>, vector<16xi32>,
      tpu.vector_store %arg6[%swap3A_808], %broadcast_in_dim3A_6 {strides = array<i32>} : memref<256xi32, #tpu.memory_space<vmem>>, vector<16xi32>,
      %swap3A_810 = arith.constant 80 : index
      %swap3A_811 = tpu.vector_load %arg6[%swap3A_810] {strides = array<i32>} : memref<256xi32, #tpu.memory_space<vmem>>, vector<16xi32>,
      tpu.vector_store %arg6[%swap3A_810], %broadcast_in_dim3A_6 {strides = array<i32>} : memref<256xi32, #tpu.memory_space<vmem>>, vector<16xi32>,
      %swap3A_812 = arith.constant 96 : index
      %swap3A_813 = tpu.vector_load %arg6[%swap3A_812] {strides = array<i32>} : memref<256xi32, #tpu.memory_space<vmem>>, vector<16xi32>,
      tpu.vector_store %arg6[%swap3A_812], %broadcast_in_dim3A_6 {strides = array<i32>} : memref<256xi32, #tpu.memory_space<vmem>>, vector<16xi32>,
      %swap3A_814 = arith.constant 112 : index
      %swap3A_815 = tpu.vector_load %arg6[%swap3A_814] {strides = array<i32>} : memref<256xi32, #tpu.memory_space<vmem>>, vector<16xi32>,
      tpu.vector_store %arg6[%swap3A_814], %broadcast_in_dim3A_6 {strides = array<i32>} : memref<256xi32, #tpu.memory_space<vmem>>, vector<16xi32>,
      %swap3A_816 = arith.constant 128 : index
      %swap3A_817 = tpu.vector_load %arg6[%swap3A_816] {strides = array<i32>} : memref<256xi32, #tpu.memory_space<vmem>>, vector<16xi32>,
      tpu.vector_store %arg6[%swap3A_816], %broadcast_in_dim3A_6 {strides = array<i32>} : memref<256xi32, #tpu.memory_space<vmem>>, vector<16xi32>,
      %swap3A_818 = arith.constant 144 : index
      %swap3A_819 = tpu.vector_load %arg6[%swap3A_818] {strides = array<i32>} : memref<256xi32, #tpu.memory_space<vmem>>, vector<16xi32>,
      tpu.vector_store %arg6[%swap3A_818], %broadcast_in_dim3A_6 {strides = array<i32>} : memref<256xi32, #tpu.memory_space<vmem>>, vector<16xi32>,
      %swap3A_820 = arith.constant 160 : index
      %swap3A_821 = tpu.vector_load %arg6[%swap3A_820] {strides = array<i32>} : memref<256xi32, #tpu.memory_space<vmem>>, vector<16xi32>,
      tpu.vector_store %arg6[%swap3A_820], %broadcast_in_dim3A_6 {strides = array<i32>} : memref<256xi32, #tpu.memory_space<vmem>>, vector<16xi32>,
      %swap3A_822 = arith.constant 176 : index
      %swap3A_823 = tpu.vector_load %arg6[%swap3A_822] {strides = array<i32>} : memref<256xi32, #tpu.memory_space<vmem>>, vector<16xi32>,
      tpu.vector_store %arg6[%swap3A_822], %broadcast_in_dim3A_6 {strides = array<i32>} : memref<256xi32, #tpu.memory_space<vmem>>, vector<16xi32>,
      %swap3A_824 = arith.constant 192 : index
      %swap3A_825 = tpu.vector_load %arg6[%swap3A_824] {strides = array<i32>} : memref<256xi32, #tpu.memory_space<vmem>>, vector<16xi32>,
      tpu.vector_store %arg6[%swap3A_824], %broadcast_in_dim3A_6 {strides = array<i32>} : memref<256xi32, #tpu.memory_space<vmem>>, vector<16xi32>,
      %swap3A_826 = arith.constant 208 : index
      %swap3A_827 = tpu.vector_load %arg6[%swap3A_826] {strides = array<i32>} : memref<256xi32, #tpu.memory_space<vmem>>, vector<16xi32>,
      tpu.vector_store %arg6[%swap3A_826], %broadcast_in_dim3A_6 {strides = array<i32>} : memref<256xi32, #tpu.memory_space<vmem>>, vector<16xi32>,
      %swap3A_828 = arith.constant 224 : index
      %swap3A_829 = tpu.vector_load %arg6[%swap3A_828] {strides = array<i32>} : memref<256xi32, #tpu.memory_space<vmem>>, vector<16xi32>,
      tpu.vector_store %arg6[%swap3A_828], %broadcast_in_dim3A_6 {strides = array<i32>} : memref<256xi32, #tpu.memory_space<vmem>>, vector<16xi32>,
      %swap3A_830 = arith.constant 240 : index
      %swap3A_831 = tpu.vector_load %arg6[%swap3A_830] {strides = array<i32>} : memref<256xi32, #tpu.memory_space<vmem>>, vector<16xi32>,
      tpu.vector_store %arg6[%swap3A_830], %broadcast_in_dim3A_6 {strides = array<i32>} : memref<256xi32, #tpu.memory_space<vmem>>, vector<16xi32>,
      %while3A_832 = arith.constant 0 : i32
      %while3A_833 = arith.constant 0 : i32
      %while3A_834 = arith.subi %shift_right_arithmetic3A_799, %while3A_832 : i32
      %while3A_835 = arith.addi %while3A_832, %while3A_834 : i32
      %while3A_836 = arith.constant 1 : i32
      %while3A_837 = arith.divsi %while3A_834, %while3A_836 : i32
      %while3A_838 = arith.muli %while3A_837, %while3A_836 : i32
      %while3A_839 = arith.addi %while3A_832, %while3A_838 : i32
      %while3A_840 = arith.constant 1 : i32
      %while3A_841 = scf.for %while3A_1052 = %while3A_832 to %while3A_839 step %while3A_840 iter_args(%while3A_1053 = %while3A_833) -> (i32)  : i32 {
        %mul3A_1054 = arith.constant 16 : i32
        %mul3A_1055 = arith.muli %while3A_1052, %mul3A_1054 : i32
        %get3A_1056 = arith.index_cast %mul3A_1055 : i32 to index
        %get3A_1057 = tpu.vector_load %arg10[%get3A_1056] {strides = array<i32>} : memref<2048xi32, #tpu.memory_space<vmem>>, vector<16xi32>,
        %mul3A_1058 = arith.constant 16 : i32
        %mul3A_1059 = arith.muli %while3A_1052, %mul3A_1058 : i32
        %add3A_1060 = vector.broadcast %mul3A_1059 : i32 to vector<16xi32>
        %add3A_1061 = arith.addi %add3A_1060, %iota3A : vector<16xi32>
        %lt3A = arith.cmpi slt, %add3A_1061, %broadcast_in_dim3A_795 : vector<16xi32>
        %shift_right_arithmetic3A_1062 = arith.constant 0 : i32
        %shift_right_arithmetic3A_1063 = vector.broadcast %shift_right_arithmetic3A_1062 : i32 to vector<16xi32>
        %shift_right_arithmetic3A_1064 = arith.shrsi %get3A_1057, %shift_right_arithmetic3A_1063 : vector<16xi32>
        %and3A = arith.constant 255 : i32
        %and3A_1065 = vector.broadcast %and3A : i32 to vector<16xi32>
        %and3A_1066 = arith.andi %shift_right_arithmetic3A_1064, %and3A_1065 : vector<16xi32>
        tpu.vector_store_idx %arg6[%and3A_1066], %broadcast_in_dim3A_4 masked %lt3A {add = true} : memref<256xi32, #tpu.memory_space<vmem>>[vector<16xi32>], vector<16xi32>, vector<16xi1>
        %while3A_1067 = arith.constant 0 : i32
        scf.yield %while3A_1067 : i32
      }
      %while3A_842 = arith.constant 1 : i32
      %while3A_843 = scf.for %while3A_1052 = %while3A_839 to %while3A_835 step %while3A_842 iter_args(%while3A_1053 = %while3A_841) -> (i32)  : i32 {
        %mul3A_1054 = arith.constant 16 : i32
        %mul3A_1055 = arith.muli %while3A_1052, %mul3A_1054 : i32
        %get3A_1056 = arith.index_cast %mul3A_1055 : i32 to index
        %get3A_1057 = tpu.vector_load %arg10[%get3A_1056] {strides = array<i32>} : memref<2048xi32, #tpu.memory_space<vmem>>, vector<16xi32>,
        %mul3A_1058 = arith.constant 16 : i32
        %mul3A_1059 = arith.muli %while3A_1052, %mul3A_1058 : i32
        %add3A_1060 = vector.broadcast %mul3A_1059 : i32 to vector<16xi32>
        %add3A_1061 = arith.addi %add3A_1060, %iota3A : vector<16xi32>
        %lt3A = arith.cmpi slt, %add3A_1061, %broadcast_in_dim3A_795 : vector<16xi32>
        %shift_right_arithmetic3A_1062 = arith.constant 0 : i32
        %shift_right_arithmetic3A_1063 = vector.broadcast %shift_right_arithmetic3A_1062 : i32 to vector<16xi32>
        %shift_right_arithmetic3A_1064 = arith.shrsi %get3A_1057, %shift_right_arithmetic3A_1063 : vector<16xi32>
        %and3A = arith.constant 255 : i32
        %and3A_1065 = vector.broadcast %and3A : i32 to vector<16xi32>
        %and3A_1066 = arith.andi %shift_right_arithmetic3A_1064, %and3A_1065 : vector<16xi32>
        tpu.vector_store_idx %arg6[%and3A_1066], %broadcast_in_dim3A_4 masked %lt3A {add = true} : memref<256xi32, #tpu.memory_space<vmem>>[vector<16xi32>], vector<16xi32>, vector<16xi1>
        %while3A_1067 = arith.constant 0 : i32
        scf.yield %while3A_1067 : i32
      }
      %mul3A_844 = arith.constant 16 : i32
      %mul3A_845 = vector.broadcast %mul3A_844 : i32 to vector<16xi32>
      %mul3A_846 = arith.muli %iota3A, %mul3A_845 : vector<16xi32>
      %gather3A_847 = tpu.vector_load_idx %arg6[%mul3A_846] : memref<256xi32, #tpu.memory_space<vmem>>[vector<16xi32>], vector<16xi32>,
      %mul3A_848 = arith.constant 16 : i32
      %mul3A_849 = vector.broadcast %mul3A_848 : i32 to vector<16xi32>
      %mul3A_850 = arith.muli %iota3A, %mul3A_849 : vector<16xi32>
      %add3A_851 = arith.constant 1 : i32
      %add3A_852 = vector.broadcast %add3A_851 : i32 to vector<16xi32>
      %add3A_853 = arith.addi %mul3A_850, %add3A_852 : vector<16xi32>
      %gather3A_854 = tpu.vector_load_idx %arg6[%add3A_853] : memref<256xi32, #tpu.memory_space<vmem>>[vector<16xi32>], vector<16xi32>,
      %add3A_855 = arith.addi %gather3A_847, %gather3A_854 : vector<16xi32>
      %mul3A_856 = arith.constant 16 : i32
      %mul3A_857 = vector.broadcast %mul3A_856 : i32 to vector<16xi32>
      %mul3A_858 = arith.muli %iota3A, %mul3A_857 : vector<16xi32>
      %add3A_859 = arith.constant 2 : i32
      %add3A_860 = vector.broadcast %add3A_859 : i32 to vector<16xi32>
      %add3A_861 = arith.addi %mul3A_858, %add3A_860 : vector<16xi32>
      %gather3A_862 = tpu.vector_load_idx %arg6[%add3A_861] : memref<256xi32, #tpu.memory_space<vmem>>[vector<16xi32>], vector<16xi32>,
      %add3A_863 = arith.addi %add3A_855, %gather3A_862 : vector<16xi32>
      %mul3A_864 = arith.constant 16 : i32
      %mul3A_865 = vector.broadcast %mul3A_864 : i32 to vector<16xi32>
      %mul3A_866 = arith.muli %iota3A, %mul3A_865 : vector<16xi32>
      %add3A_867 = arith.constant 3 : i32
      %add3A_868 = vector.broadcast %add3A_867 : i32 to vector<16xi32>
      %add3A_869 = arith.addi %mul3A_866, %add3A_868 : vector<16xi32>
      %gather3A_870 = tpu.vector_load_idx %arg6[%add3A_869] : memref<256xi32, #tpu.memory_space<vmem>>[vector<16xi32>], vector<16xi32>,
      %add3A_871 = arith.addi %add3A_863, %gather3A_870 : vector<16xi32>
      %mul3A_872 = arith.constant 16 : i32
      %mul3A_873 = vector.broadcast %mul3A_872 : i32 to vector<16xi32>
      %mul3A_874 = arith.muli %iota3A, %mul3A_873 : vector<16xi32>
      %add3A_875 = arith.constant 4 : i32
      %add3A_876 = vector.broadcast %add3A_875 : i32 to vector<16xi32>
      %add3A_877 = arith.addi %mul3A_874, %add3A_876 : vector<16xi32>
      %gather3A_878 = tpu.vector_load_idx %arg6[%add3A_877] : memref<256xi32, #tpu.memory_space<vmem>>[vector<16xi32>], vector<16xi32>,
      %add3A_879 = arith.addi %add3A_871, %gather3A_878 : vector<16xi32>
      %mul3A_880 = arith.constant 16 : i32
      %mul3A_881 = vector.broadcast %mul3A_880 : i32 to vector<16xi32>
      %mul3A_882 = arith.muli %iota3A, %mul3A_881 : vector<16xi32>
      %add3A_883 = arith.constant 5 : i32
      %add3A_884 = vector.broadcast %add3A_883 : i32 to vector<16xi32>
      %add3A_885 = arith.addi %mul3A_882, %add3A_884 : vector<16xi32>
      %gather3A_886 = tpu.vector_load_idx %arg6[%add3A_885] : memref<256xi32, #tpu.memory_space<vmem>>[vector<16xi32>], vector<16xi32>,
      %add3A_887 = arith.addi %add3A_879, %gather3A_886 : vector<16xi32>
      %mul3A_888 = arith.constant 16 : i32
      %mul3A_889 = vector.broadcast %mul3A_888 : i32 to vector<16xi32>
      %mul3A_890 = arith.muli %iota3A, %mul3A_889 : vector<16xi32>
      %add3A_891 = arith.constant 6 : i32
      %add3A_892 = vector.broadcast %add3A_891 : i32 to vector<16xi32>
      %add3A_893 = arith.addi %mul3A_890, %add3A_892 : vector<16xi32>
      %gather3A_894 = tpu.vector_load_idx %arg6[%add3A_893] : memref<256xi32, #tpu.memory_space<vmem>>[vector<16xi32>], vector<16xi32>,
      %add3A_895 = arith.addi %add3A_887, %gather3A_894 : vector<16xi32>
      %mul3A_896 = arith.constant 16 : i32
      %mul3A_897 = vector.broadcast %mul3A_896 : i32 to vector<16xi32>
      %mul3A_898 = arith.muli %iota3A, %mul3A_897 : vector<16xi32>
      %add3A_899 = arith.constant 7 : i32
      %add3A_900 = vector.broadcast %add3A_899 : i32 to vector<16xi32>
      %add3A_901 = arith.addi %mul3A_898, %add3A_900 : vector<16xi32>
      %gather3A_902 = tpu.vector_load_idx %arg6[%add3A_901] : memref<256xi32, #tpu.memory_space<vmem>>[vector<16xi32>], vector<16xi32>,
      %add3A_903 = arith.addi %add3A_895, %gather3A_902 : vector<16xi32>
      %mul3A_904 = arith.constant 16 : i32
      %mul3A_905 = vector.broadcast %mul3A_904 : i32 to vector<16xi32>
      %mul3A_906 = arith.muli %iota3A, %mul3A_905 : vector<16xi32>
      %add3A_907 = arith.constant 8 : i32
      %add3A_908 = vector.broadcast %add3A_907 : i32 to vector<16xi32>
      %add3A_909 = arith.addi %mul3A_906, %add3A_908 : vector<16xi32>
      %gather3A_910 = tpu.vector_load_idx %arg6[%add3A_909] : memref<256xi32, #tpu.memory_space<vmem>>[vector<16xi32>], vector<16xi32>,
      %add3A_911 = arith.addi %add3A_903, %gather3A_910 : vector<16xi32>
      %mul3A_912 = arith.constant 16 : i32
      %mul3A_913 = vector.broadcast %mul3A_912 : i32 to vector<16xi32>
      %mul3A_914 = arith.muli %iota3A, %mul3A_913 : vector<16xi32>
      %add3A_915 = arith.constant 9 : i32
      %add3A_916 = vector.broadcast %add3A_915 : i32 to vector<16xi32>
      %add3A_917 = arith.addi %mul3A_914, %add3A_916 : vector<16xi32>
      %gather3A_918 = tpu.vector_load_idx %arg6[%add3A_917] : memref<256xi32, #tpu.memory_space<vmem>>[vector<16xi32>], vector<16xi32>,
      %add3A_919 = arith.addi %add3A_911, %gather3A_918 : vector<16xi32>
      %mul3A_920 = arith.constant 16 : i32
      %mul3A_921 = vector.broadcast %mul3A_920 : i32 to vector<16xi32>
      %mul3A_922 = arith.muli %iota3A, %mul3A_921 : vector<16xi32>
      %add3A_923 = arith.constant 10 : i32
      %add3A_924 = vector.broadcast %add3A_923 : i32 to vector<16xi32>
      %add3A_925 = arith.addi %mul3A_922, %add3A_924 : vector<16xi32>
      %gather3A_926 = tpu.vector_load_idx %arg6[%add3A_925] : memref<256xi32, #tpu.memory_space<vmem>>[vector<16xi32>], vector<16xi32>,
      %add3A_927 = arith.addi %add3A_919, %gather3A_926 : vector<16xi32>
      %mul3A_928 = arith.constant 16 : i32
      %mul3A_929 = vector.broadcast %mul3A_928 : i32 to vector<16xi32>
      %mul3A_930 = arith.muli %iota3A, %mul3A_929 : vector<16xi32>
      %add3A_931 = arith.constant 11 : i32
      %add3A_932 = vector.broadcast %add3A_931 : i32 to vector<16xi32>
      %add3A_933 = arith.addi %mul3A_930, %add3A_932 : vector<16xi32>
      %gather3A_934 = tpu.vector_load_idx %arg6[%add3A_933] : memref<256xi32, #tpu.memory_space<vmem>>[vector<16xi32>], vector<16xi32>,
      %add3A_935 = arith.addi %add3A_927, %gather3A_934 : vector<16xi32>
      %mul3A_936 = arith.constant 16 : i32
      %mul3A_937 = vector.broadcast %mul3A_936 : i32 to vector<16xi32>
      %mul3A_938 = arith.muli %iota3A, %mul3A_937 : vector<16xi32>
      %add3A_939 = arith.constant 12 : i32
      %add3A_940 = vector.broadcast %add3A_939 : i32 to vector<16xi32>
      %add3A_941 = arith.addi %mul3A_938, %add3A_940 : vector<16xi32>
      %gather3A_942 = tpu.vector_load_idx %arg6[%add3A_941] : memref<256xi32, #tpu.memory_space<vmem>>[vector<16xi32>], vector<16xi32>,
      %add3A_943 = arith.addi %add3A_935, %gather3A_942 : vector<16xi32>
      %mul3A_944 = arith.constant 16 : i32
      %mul3A_945 = vector.broadcast %mul3A_944 : i32 to vector<16xi32>
      %mul3A_946 = arith.muli %iota3A, %mul3A_945 : vector<16xi32>
      %add3A_947 = arith.constant 13 : i32
      %add3A_948 = vector.broadcast %add3A_947 : i32 to vector<16xi32>
      %add3A_949 = arith.addi %mul3A_946, %add3A_948 : vector<16xi32>
      %gather3A_950 = tpu.vector_load_idx %arg6[%add3A_949] : memref<256xi32, #tpu.memory_space<vmem>>[vector<16xi32>], vector<16xi32>,
      %add3A_951 = arith.addi %add3A_943, %gather3A_950 : vector<16xi32>
      %mul3A_952 = arith.constant 16 : i32
      %mul3A_953 = vector.broadcast %mul3A_952 : i32 to vector<16xi32>
      %mul3A_954 = arith.muli %iota3A, %mul3A_953 : vector<16xi32>
      %add3A_955 = arith.constant 14 : i32
      %add3A_956 = vector.broadcast %add3A_955 : i32 to vector<16xi32>
      %add3A_957 = arith.addi %mul3A_954, %add3A_956 : vector<16xi32>
      %gather3A_958 = tpu.vector_load_idx %arg6[%add3A_957] : memref<256xi32, #tpu.memory_space<vmem>>[vector<16xi32>], vector<16xi32>,
      %add3A_959 = arith.addi %add3A_951, %gather3A_958 : vector<16xi32>
      %mul3A_960 = arith.constant 16 : i32
      %mul3A_961 = vector.broadcast %mul3A_960 : i32 to vector<16xi32>
      %mul3A_962 = arith.muli %iota3A, %mul3A_961 : vector<16xi32>
      %add3A_963 = arith.constant 15 : i32
      %add3A_964 = vector.broadcast %add3A_963 : i32 to vector<16xi32>
      %add3A_965 = arith.addi %mul3A_962, %add3A_964 : vector<16xi32>
      %gather3A_966 = tpu.vector_load_idx %arg6[%add3A_965] : memref<256xi32, #tpu.memory_space<vmem>>[vector<16xi32>], vector<16xi32>,
      %add3A_967 = arith.addi %add3A_959, %gather3A_966 : vector<16xi32>
      %rev3A_968 = arith.constant 15 : i32
      %rev3A_969 = vector.broadcast %rev3A_968 : i32 to vector<16xi32>
      %rev3A_970 = tpu.iota {dimensions = array<i32: 0>} : vector<16xi32>
      %rev3A_971 = arith.subi %rev3A_969, %rev3A_970 : vector<16xi32>
      %rev3A_972 = tpu.dynamic_gather %add3A_967[%rev3A_971] in [0] : vector<16xi32>, vector<16xi32> -> vector<16xi32>
      %broadcast_in_dim3A_973 = arith.constant true
      %broadcast_in_dim3A_974 = vector.broadcast %broadcast_in_dim3A_973 : i1 to vector<16xi1>
      %masked_cumsum3A_975 = tpu.scan <sum>, %rev3A_972 masked %broadcast_in_dim3A_974 : vector<16xi32>, vector<16xi1> -> vector<16xi32>
      %rev3A_976 = arith.constant 15 : i32
      %rev3A_977 = vector.broadcast %rev3A_976 : i32 to vector<16xi32>
      %rev3A_978 = tpu.iota {dimensions = array<i32: 0>} : vector<16xi32>
      %rev3A_979 = arith.subi %rev3A_977, %rev3A_978 : vector<16xi32>
      %rev3A_980 = tpu.dynamic_gather %masked_cumsum3A_975[%rev3A_979] in [0] : vector<16xi32>, vector<16xi32> -> vector<16xi32>
      %ge3A_981 = arith.cmpi sge, %rev3A_980, %sub3A_767 : vector<16xi32>
      %all_reduce_population_count3A_982 = tpu.all_reduce %ge3A_981 {dim = 0 : i64, kind = #tpu.reduction_kind<sum>} : vector<16xi1> -> vector<16xi32>
      %swap3A_983 = arith.constant 0 : index
      %swap3A_984 = tpu.vector_load %arg7[%swap3A_983] {strides = array<i32>} : memref<16xi32, #tpu.memory_space<vmem>>, vector<16xi32>,
      tpu.vector_store %arg7[%swap3A_983], %rev3A_980 {strides = array<i32>} : memref<16xi32, #tpu.memory_space<vmem>>, vector<16xi32>,
      %min3A_985 = arith.constant 15 : i32
      %min3A_986 = vector.broadcast %min3A_985 : i32 to vector<16xi32>
      %min3A_987 = arith.minsi %all_reduce_population_count3A_982, %min3A_986 : vector<16xi32>
      %gather3A_988 = tpu.vector_load_idx %arg7[%min3A_987] : memref<16xi32, #tpu.memory_space<vmem>>[vector<16xi32>], vector<16xi32>,
      %ge3A_989 = arith.constant 16 : i32
      %ge3A_990 = vector.broadcast %ge3A_989 : i32 to vector<16xi32>
      %ge3A_991 = arith.cmpi sge, %all_reduce_population_count3A_982, %ge3A_990 : vector<16xi32>
      %jit3A_992 = arith.constant 0 : i32
      %broadcast_in_dim3A_993 = vector.broadcast %jit3A_992 : i32 to vector<16xi32>
      %select_n3A_994 = arith.select %ge3A_991, %broadcast_in_dim3A_993, %gather3A_988 : vector<16xi1>, vector<16xi32>
      %sub3A_995 = arith.subi %sub3A_767, %select_n3A_994 : vector<16xi32>
      %sub3A_996 = arith.constant 1 : i32
      %sub3A_997 = vector.broadcast %sub3A_996 : i32 to vector<16xi32>
      %sub3A_998 = arith.subi %all_reduce_population_count3A_982, %sub3A_997 : vector<16xi32>
      %mul3A_999 = arith.constant 16 : i32
      %mul3A_1000 = vector.broadcast %mul3A_999 : i32 to vector<16xi32>
      %mul3A_1001 = arith.muli %sub3A_998, %mul3A_1000 : vector<16xi32>
      %add3A_1002 = arith.addi %mul3A_1001, %iota3A : vector<16xi32>
      %gather3A_1003 = tpu.vector_load_idx %arg6[%add3A_1002] : memref<256xi32, #tpu.memory_space<vmem>>[vector<16xi32>], vector<16xi32>,
      %rev3A_1004 = arith.constant 15 : i32
      %rev3A_1005 = vector.broadcast %rev3A_1004 : i32 to vector<16xi32>
      %rev3A_1006 = tpu.iota {dimensions = array<i32: 0>} : vector<16xi32>
      %rev3A_1007 = arith.subi %rev3A_1005, %rev3A_1006 : vector<16xi32>
      %rev3A_1008 = tpu.dynamic_gather %gather3A_1003[%rev3A_1007] in [0] : vector<16xi32>, vector<16xi32> -> vector<16xi32>
      %broadcast_in_dim3A_1009 = arith.constant true
      %broadcast_in_dim3A_1010 = vector.broadcast %broadcast_in_dim3A_1009 : i1 to vector<16xi1>
      %masked_cumsum3A_1011 = tpu.scan <sum>, %rev3A_1008 masked %broadcast_in_dim3A_1010 : vector<16xi32>, vector<16xi1> -> vector<16xi32>
      %rev3A_1012 = arith.constant 15 : i32
      %rev3A_1013 = vector.broadcast %rev3A_1012 : i32 to vector<16xi32>
      %rev3A_1014 = tpu.iota {dimensions = array<i32: 0>} : vector<16xi32>
      %rev3A_1015 = arith.subi %rev3A_1013, %rev3A_1014 : vector<16xi32>
      %rev3A_1016 = tpu.dynamic_gather %masked_cumsum3A_1011[%rev3A_1015] in [0] : vector<16xi32>, vector<16xi32> -> vector<16xi32>
      %ge3A_1017 = arith.cmpi sge, %rev3A_1016, %sub3A_995 : vector<16xi32>
      %all_reduce_population_count3A_1018 = tpu.all_reduce %ge3A_1017 {dim = 0 : i64, kind = #tpu.reduction_kind<sum>} : vector<16xi1> -> vector<16xi32>
      %swap3A_1019 = arith.constant 0 : index
      %swap3A_1020 = tpu.vector_load %arg7[%swap3A_1019] {strides = array<i32>} : memref<16xi32, #tpu.memory_space<vmem>>, vector<16xi32>,
      tpu.vector_store %arg7[%swap3A_1019], %rev3A_1016 {strides = array<i32>} : memref<16xi32, #tpu.memory_space<vmem>>, vector<16xi32>,
      %min3A_1021 = arith.constant 15 : i32
      %min3A_1022 = vector.broadcast %min3A_1021 : i32 to vector<16xi32>
      %min3A_1023 = arith.minsi %all_reduce_population_count3A_1018, %min3A_1022 : vector<16xi32>
      %gather3A_1024 = tpu.vector_load_idx %arg7[%min3A_1023] : memref<16xi32, #tpu.memory_space<vmem>>[vector<16xi32>], vector<16xi32>,
      %ge3A_1025 = arith.constant 16 : i32
      %ge3A_1026 = vector.broadcast %ge3A_1025 : i32 to vector<16xi32>
      %ge3A_1027 = arith.cmpi sge, %all_reduce_population_count3A_1018, %ge3A_1026 : vector<16xi32>
      %jit3A_1028 = arith.constant 0 : i32
      %broadcast_in_dim3A_1029 = vector.broadcast %jit3A_1028 : i32 to vector<16xi32>
      %select_n3A_1030 = arith.select %ge3A_1027, %broadcast_in_dim3A_1029, %gather3A_1024 : vector<16xi1>, vector<16xi32>
      %sub3A_1031 = arith.subi %sub3A_995, %select_n3A_1030 : vector<16xi32>
      %sub3A_1032 = arith.constant 1 : i32
      %sub3A_1033 = vector.broadcast %sub3A_1032 : i32 to vector<16xi32>
      %sub3A_1034 = arith.subi %all_reduce_population_count3A_982, %sub3A_1033 : vector<16xi32>
      %mul3A_1035 = arith.constant 16 : i32
      %mul3A_1036 = vector.broadcast %mul3A_1035 : i32 to vector<16xi32>
      %mul3A_1037 = arith.muli %sub3A_1034, %mul3A_1036 : vector<16xi32>
      %sub3A_1038 = arith.constant 1 : i32
      %sub3A_1039 = vector.broadcast %sub3A_1038 : i32 to vector<16xi32>
      %sub3A_1040 = arith.subi %all_reduce_population_count3A_1018, %sub3A_1039 : vector<16xi32>
      %add3A_1041 = arith.addi %mul3A_1037, %sub3A_1040 : vector<16xi32>
      %shift_left3A_1042 = arith.constant 0 : i32
      %shift_left3A_1043 = vector.broadcast %shift_left3A_1042 : i32 to vector<16xi32>
      %shift_left3A_1044 = arith.shli %add3A_1041, %shift_left3A_1043 : vector<16xi32>
      %or3A_1045 = arith.ori %or3A_781, %shift_left3A_1044 : vector<16xi32>
      %add3A_1046 = arith.constant 32 : i32
      %add3A_1047 = arith.addi %add3A_1046, %scan3A_28 : i32
      %broadcast_in_dim3A_1048 = vector.broadcast %add3A_1047 : i32 to vector<16xi32>
      %eq3A = arith.constant 0 : i32
      %eq3A_1049 = vector.broadcast %eq3A : i32 to vector<16xi32>
      %eq3A_1050 = arith.cmpi eq, %iota3A, %eq3A_1049 : vector<16xi32>
      tpu.vector_store_idx %arg9[%broadcast_in_dim3A_1048], %or3A_1045 masked %eq3A_1050 : memref<64xi32, #tpu.memory_space<vmem>>[vector<16xi32>], vector<16xi32>, vector<16xi1>
      %scan3A_1051 = arith.constant 0 : i32
      scf.yield %scan3A_1051 : i32
    }
    %scan3A_27 = arith.constant 32 : i32
    "tpu.region"() ({
      %run_scoped3A = tpu.sem_alloc : memref<!tpu.dma_semaphore, #tpu.memory_space<semaphore_mem>>
      %dma_start3A = tpu.memref_slice %arg4[%mul3A_2] : memref<2048xi32, #tpu.memory_space<hbm>> -> memref<64xi32, #tpu.memory_space<hbm>>
      %dma_start3A_28 = tpu.memref_slice %arg4[%mul3A_2] : memref<2048xi32, #tpu.memory_space<hbm>> -> memref<64xi32, #tpu.memory_space<hbm>>
      tpu.enqueue_dma source(%arg9 : memref<64xi32, #tpu.memory_space<vmem>>) target(%dma_start3A_28 : memref<64xi32, #tpu.memory_space<hbm>>) target_semaphore(%run_scoped3A : memref<!tpu.dma_semaphore, #tpu.memory_space<semaphore_mem>>)
      %dma_wait3A = tpu.memref_slice %arg4[%mul3A_2] : memref<2048xi32, #tpu.memory_space<hbm>> -> memref<64xi32, #tpu.memory_space<hbm>>
      %dma_wait3A_29 = tpu.memref_slice %arg4[%mul3A_2] : memref<2048xi32, #tpu.memory_space<hbm>> -> memref<64xi32, #tpu.memory_space<hbm>>
      tpu.wait_dma2 semaphore(%run_scoped3A : memref<!tpu.dma_semaphore, #tpu.memory_space<semaphore_mem>>) src(%arg9 : memref<64xi32, #tpu.memory_space<vmem>>) dst(%dma_wait3A_29 : memref<64xi32, #tpu.memory_space<hbm>>)
      tpu.yield
    }) : () -> ()
    return
  }
}

module attributes {stable_mosaic.version = 14 : i64} {
  func.func @_proj_idx_body(%arg0: i32, %arg1: memref<512x2048xbf16, #tpu.memory_space<vmem>>, %arg2: memref<2048x512xbf16, #tpu.memory_space<vmem>>, %arg3: memref<512x512xf32, #tpu.memory_space<vmem>>, %arg4: memref<1x2048xf32, #tpu.memory_space<vmem>>) attributes {dimension_semantics = [#tpu.dimension_semantics<arbitrary>], iteration_bounds = array<i64: 4>, scalar_prefetch = 0 : i64, scratch_operands = 0 : i64, tpu.core_type = #tpu.core_type<tc>, window_params = [{transform_indices = @transform_0, window_bounds = array<i64: 512, 2048>}, {pipeline_mode = #tpu.pipeline_mode<synchronous>, transform_indices = @transform_1, window_bounds = array<i64: 2048, 512>}, {transform_indices = @transform_2, window_bounds = array<i64: 512, 512>}, {pipeline_mode = #tpu.pipeline_mode<synchronous>, transform_indices = @transform_3, window_bounds = array<i64: 1, 2048>}]} {
    %get3A = arith.constant 0 : index
    %get3A_0 = arith.constant 0 : index
    %get3A_1 = vector.load %arg1[%get3A, %get3A_0] : memref<512x2048xbf16, #tpu.memory_space<vmem>>, vector<512x2048xbf16>
    %get3A_2 = arith.constant 0 : index
    %get3A_3 = arith.constant 0 : index
    %get3A_4 = vector.load %arg2[%get3A_2, %get3A_3] : memref<2048x512xbf16, #tpu.memory_space<vmem>>, vector<2048x512xbf16>
    %dot_general3A = arith.constant dense<0.000000e+00> : vector<512x512xf32>
    %dot_general3A_5 = tpu.matmul %get3A_1, %get3A_4, %dot_general3A {dimension_numbers = #tpu.dot_dimension_numbers<[1], [0], [0], [1], [0, 0, 1, 1], [], []>, transpose_lhs_hint = false} : vector<512x2048xbf16>, vector<2048x512xbf16>, vector<512x512xf32> -> vector<512x512xf32>
    %swap3A = arith.constant 0 : index
    %swap3A_6 = arith.constant 0 : index
    %swap3A_7 = vector.load %arg3[%swap3A, %swap3A_6] : memref<512x512xf32, #tpu.memory_space<vmem>>, vector<512x512xf32>
    tpu.vector_store %arg3[%swap3A, %swap3A_6], %dot_general3A_5 {strides = array<i32>} : memref<512x512xf32, #tpu.memory_space<vmem>>, vector<512x512xf32>,
    %get3A_8 = arith.constant 0 : index
    %get3A_9 = arith.constant 0 : index
    %get3A_10 = vector.load %arg1[%get3A_8, %get3A_9] : memref<512x2048xbf16, #tpu.memory_space<vmem>>, vector<512x2048xbf16>
    %convert_element_type3A = arith.extf %get3A_10 : vector<512x2048xbf16> to vector<512x2048xf32>
    %reduce_sum3A = arith.constant dense<0.000000e+00> : vector<2048xf32>
    %reduce_sum3A_11 = vector.multi_reduction <add>, %convert_element_type3A, %reduce_sum3A [0] : vector<512x2048xf32> to vector<2048xf32>
    %broadcast_in_dim3A = vector.shape_cast %reduce_sum3A_11 : vector<2048xf32> to vector<1x2048xf32>
    %mul3A = arith.constant 4.8828125E-4 : f32
    %mul3A_12 = vector.broadcast %mul3A : f32 to vector<1x2048xf32>
    %mul3A_13 = arith.mulf %broadcast_in_dim3A, %mul3A_12 : vector<1x2048xf32>
    %eq3A = arith.constant 0 : i32
    %eq3A_14 = arith.cmpi eq, %arg0, %eq3A : i32
    %convert_element_type3A_15 = arith.extui %eq3A_14 : i1 to i32
    %cond3A = arith.constant 0 : i32
    %cond3A_16 = arith.cmpi ne, %convert_element_type3A_15, %cond3A : i32
    scf.if %cond3A_16 {
      %swap3A_21 = arith.constant 0 : index
      %swap3A_22 = arith.constant 0 : index
      %swap3A_23 = vector.load %arg4[%swap3A_21, %swap3A_22] : memref<1x2048xf32, #tpu.memory_space<vmem>>, vector<1x2048xf32>
      tpu.vector_store %arg4[%swap3A_21, %swap3A_22], %mul3A_13 {strides = array<i32>} : memref<1x2048xf32, #tpu.memory_space<vmem>>, vector<1x2048xf32>,
    } else {
    }
    %gt3A = arith.constant 0 : i32
    %gt3A_17 = arith.cmpi sgt, %arg0, %gt3A : i32
    %convert_element_type3A_18 = arith.extui %gt3A_17 : i1 to i32
    %cond3A_19 = arith.constant 0 : i32
    %cond3A_20 = arith.cmpi ne, %convert_element_type3A_18, %cond3A_19 : i32
    scf.if %cond3A_20 {
      %get3A_21 = arith.constant 0 : index
      %get3A_22 = arith.constant 0 : index
      %get3A_23 = vector.load %arg4[%get3A_21, %get3A_22] : memref<1x2048xf32, #tpu.memory_space<vmem>>, vector<1x2048xf32>
      %add3A = arith.addf %get3A_23, %mul3A_13 : vector<1x2048xf32>
      %swap3A_24 = arith.constant 0 : index
      %swap3A_25 = arith.constant 0 : index
      %swap3A_26 = vector.load %arg4[%swap3A_24, %swap3A_25] : memref<1x2048xf32, #tpu.memory_space<vmem>>, vector<1x2048xf32>
      tpu.vector_store %arg4[%swap3A_24, %swap3A_25], %add3A {strides = array<i32>} : memref<1x2048xf32, #tpu.memory_space<vmem>>, vector<1x2048xf32>,
    } else {
    }
    return
  }
  func.func @transform_0(%arg0: i32) -> (i32, i32) {
    %c0_i32 = arith.constant 0 : i32
    %c0_i32_0 = arith.constant 0 : i32
    return %arg0, %c0_i32 : i32, i32
  }
  func.func @transform_1(%arg0: i32) -> (i32, i32) {
    %c0_i32 = arith.constant 0 : i32
    %c0_i32_0 = arith.constant 0 : i32
    %c0_i32_1 = arith.constant 0 : i32
    return %c0_i32, %c0_i32_0 : i32, i32
  }
  func.func @transform_2(%arg0: i32) -> (i32, i32) {
    %c0_i32 = arith.constant 0 : i32
    %c0_i32_0 = arith.constant 0 : i32
    return %arg0, %c0_i32 : i32, i32
  }
  func.func @transform_3(%arg0: i32) -> (i32, i32) {
    %c0_i32 = arith.constant 0 : i32
    %c0_i32_0 = arith.constant 0 : i32
    %c0_i32_1 = arith.constant 0 : i32
    return %c0_i32, %c0_i32_0 : i32, i32
  }
}

module attributes {stable_mosaic.version = 14 : i64} {
  func.func @_scores_body(%arg0: i32, %arg1: memref<256x256xf32, #tpu.memory_space<vmem>>, %arg2: memref<2048x256xf32, #tpu.memory_space<vmem>>, %arg3: memref<1x256xf32, #tpu.memory_space<vmem>>, %arg4: memref<1x256xf32, #tpu.memory_space<vmem>>, %arg5: memref<4xf32, #tpu.memory_space<smem>>, %arg6: memref<1x2048xf32, #tpu.memory_space<vmem>>, %arg7: memref<2048x1xf32, #tpu.memory_space<vmem>>, %arg8: memref<1xf32, #tpu.memory_space<smem>>, %arg9: memref<256x2048xi32, #tpu.memory_space<vmem>>, %arg10: memref<1x128xi32, #tpu.memory_space<vmem>>) attributes {dimension_semantics = [#tpu.dimension_semantics<arbitrary>], iteration_bounds = array<i64: 8>, scalar_prefetch = 0 : i64, scratch_operands = 0 : i64, tpu.core_type = #tpu.core_type<tc>, window_params = [{transform_indices = @transform_0, window_bounds = array<i64: 256, 256>}, {pipeline_mode = #tpu.pipeline_mode<synchronous>, transform_indices = @transform_1, window_bounds = array<i64: 2048, 256>}, {pipeline_mode = #tpu.pipeline_mode<synchronous>, transform_indices = @transform_2, window_bounds = array<i64: 1, 256>}, {pipeline_mode = #tpu.pipeline_mode<synchronous>, transform_indices = @transform_3, window_bounds = array<i64: 1, 256>}, {transform_indices = @transform_4, window_bounds = array<i64: 4>}, {pipeline_mode = #tpu.pipeline_mode<synchronous>, transform_indices = @transform_5, window_bounds = array<i64: 1, 2048>}, {pipeline_mode = #tpu.pipeline_mode<synchronous>, transform_indices = @transform_6, window_bounds = array<i64: 2048, 1>}, {transform_indices = @transform_7, window_bounds = array<i64: 1>}, {transform_indices = @transform_8, window_bounds = array<i64: 256, 2048>}, {pipeline_mode = #tpu.pipeline_mode<synchronous>, transform_indices = @transform_9, window_bounds = array<i64: 1, 128>}]} {
    %broadcast_in_dim3A = arith.constant 0.000000e+00 : f32
    %broadcast_in_dim3A_0 = vector.broadcast %broadcast_in_dim3A : f32 to vector<256x2048xf32>
    %get3A = arith.constant 0 : index
    %get3A_1 = arith.constant 0 : index
    %get3A_2 = vector.load %arg1[%get3A, %get3A_1] : memref<256x256xf32, #tpu.memory_space<vmem>>, vector<256x64xf32>
    %get3A_3 = arith.constant 0 : index
    %get3A_4 = arith.constant 0 : index
    %get3A_5 = vector.load %arg3[%get3A_3, %get3A_4] : memref<1x256xf32, #tpu.memory_space<vmem>>, vector<1x64xf32>
    %add3A = vector.broadcast %get3A_5 : vector<1x64xf32> to vector<256x64xf32>
    %add3A_6 = arith.addf %get3A_2, %add3A : vector<256x64xf32>
    %get3A_7 = arith.constant 0 : index
    %get3A_8 = arith.constant 0 : index
    %get3A_9 = vector.load %arg2[%get3A_7, %get3A_8] : memref<2048x256xf32, #tpu.memory_space<vmem>>, vector<2048x64xf32>
    %get3A_10 = arith.constant 0 : index
    %get3A_11 = arith.constant 0 : index
    %get3A_12 = vector.load %arg4[%get3A_10, %get3A_11] : memref<1x256xf32, #tpu.memory_space<vmem>>, vector<1x64xf32>
    %add3A_13 = vector.broadcast %get3A_12 : vector<1x64xf32> to vector<2048x64xf32>
    %add3A_14 = arith.addf %get3A_9, %add3A_13 : vector<2048x64xf32>
    %convert_element_type3A = arith.truncf %add3A_6 : vector<256x64xf32> to vector<256x64xbf16>
    %convert_element_type3A_15 = arith.truncf %add3A_14 : vector<2048x64xf32> to vector<2048x64xbf16>
    %dot_general3A = arith.constant dense<0.000000e+00> : vector<256x2048xf32>
    %dot_general3A_16 = tpu.matmul %convert_element_type3A, %convert_element_type3A_15, %dot_general3A {dimension_numbers = #tpu.dot_dimension_numbers<[1], [1], [0], [0], [0, 0, 1, 0], [], []>, transpose_lhs_hint = false} : vector<256x64xbf16>, vector<2048x64xbf16>, vector<256x2048xf32> -> vector<256x2048xf32>
    %get3A_17 = arith.constant 0 : index
    %get3A_18 = memref.load %arg5[%get3A_17] : memref<4xf32, #tpu.memory_space<smem>>
    %max3A = arith.constant 0.000000e+00 : f32
    %max3A_19 = vector.broadcast %max3A : f32 to vector<256x2048xf32>
    %max3A_20 = arith.maximumf %dot_general3A_16, %max3A_19 : vector<256x2048xf32>
    %mul3A = vector.broadcast %get3A_18 : f32 to vector<256x2048xf32>
    %mul3A_21 = arith.mulf %mul3A, %max3A_20 : vector<256x2048xf32>
    %add3A_22 = arith.addf %broadcast_in_dim3A_0, %mul3A_21 : vector<256x2048xf32>
    %get3A_23 = arith.constant 0 : index
    %get3A_24 = arith.constant 64 : index
    %get3A_25 = vector.load %arg1[%get3A_23, %get3A_24] : memref<256x256xf32, #tpu.memory_space<vmem>>, vector<256x64xf32>
    %get3A_26 = arith.constant 0 : index
    %get3A_27 = arith.constant 64 : index
    %get3A_28 = vector.load %arg3[%get3A_26, %get3A_27] : memref<1x256xf32, #tpu.memory_space<vmem>>, vector<1x64xf32>
    %add3A_29 = vector.broadcast %get3A_28 : vector<1x64xf32> to vector<256x64xf32>
    %add3A_30 = arith.addf %get3A_25, %add3A_29 : vector<256x64xf32>
    %get3A_31 = arith.constant 0 : index
    %get3A_32 = arith.constant 64 : index
    %get3A_33 = vector.load %arg2[%get3A_31, %get3A_32] : memref<2048x256xf32, #tpu.memory_space<vmem>>, vector<2048x64xf32>
    %get3A_34 = arith.constant 0 : index
    %get3A_35 = arith.constant 64 : index
    %get3A_36 = vector.load %arg4[%get3A_34, %get3A_35] : memref<1x256xf32, #tpu.memory_space<vmem>>, vector<1x64xf32>
    %add3A_37 = vector.broadcast %get3A_36 : vector<1x64xf32> to vector<2048x64xf32>
    %add3A_38 = arith.addf %get3A_33, %add3A_37 : vector<2048x64xf32>
    %convert_element_type3A_39 = arith.truncf %add3A_30 : vector<256x64xf32> to vector<256x64xbf16>
    %convert_element_type3A_40 = arith.truncf %add3A_38 : vector<2048x64xf32> to vector<2048x64xbf16>
    %dot_general3A_41 = arith.constant dense<0.000000e+00> : vector<256x2048xf32>
    %dot_general3A_42 = tpu.matmul %convert_element_type3A_39, %convert_element_type3A_40, %dot_general3A_41 {dimension_numbers = #tpu.dot_dimension_numbers<[1], [1], [0], [0], [0, 0, 1, 0], [], []>, transpose_lhs_hint = false} : vector<256x64xbf16>, vector<2048x64xbf16>, vector<256x2048xf32> -> vector<256x2048xf32>
    %get3A_43 = arith.constant 1 : index
    %get3A_44 = memref.load %arg5[%get3A_43] : memref<4xf32, #tpu.memory_space<smem>>
    %max3A_45 = arith.constant 0.000000e+00 : f32
    %max3A_46 = vector.broadcast %max3A_45 : f32 to vector<256x2048xf32>
    %max3A_47 = arith.maximumf %dot_general3A_42, %max3A_46 : vector<256x2048xf32>
    %mul3A_48 = vector.broadcast %get3A_44 : f32 to vector<256x2048xf32>
    %mul3A_49 = arith.mulf %mul3A_48, %max3A_47 : vector<256x2048xf32>
    %add3A_50 = arith.addf %add3A_22, %mul3A_49 : vector<256x2048xf32>
    %get3A_51 = arith.constant 0 : index
    %get3A_52 = arith.constant 128 : index
    %get3A_53 = vector.load %arg1[%get3A_51, %get3A_52] : memref<256x256xf32, #tpu.memory_space<vmem>>, vector<256x64xf32>
    %get3A_54 = arith.constant 0 : index
    %get3A_55 = arith.constant 128 : index
    %get3A_56 = vector.load %arg3[%get3A_54, %get3A_55] : memref<1x256xf32, #tpu.memory_space<vmem>>, vector<1x64xf32>
    %add3A_57 = vector.broadcast %get3A_56 : vector<1x64xf32> to vector<256x64xf32>
    %add3A_58 = arith.addf %get3A_53, %add3A_57 : vector<256x64xf32>
    %get3A_59 = arith.constant 0 : index
    %get3A_60 = arith.constant 128 : index
    %get3A_61 = vector.load %arg2[%get3A_59, %get3A_60] : memref<2048x256xf32, #tpu.memory_space<vmem>>, vector<2048x64xf32>
    %get3A_62 = arith.constant 0 : index
    %get3A_63 = arith.constant 128 : index
    %get3A_64 = vector.load %arg4[%get3A_62, %get3A_63] : memref<1x256xf32, #tpu.memory_space<vmem>>, vector<1x64xf32>
    %add3A_65 = vector.broadcast %get3A_64 : vector<1x64xf32> to vector<2048x64xf32>
    %add3A_66 = arith.addf %get3A_61, %add3A_65 : vector<2048x64xf32>
    %convert_element_type3A_67 = arith.truncf %add3A_58 : vector<256x64xf32> to vector<256x64xbf16>
    %convert_element_type3A_68 = arith.truncf %add3A_66 : vector<2048x64xf32> to vector<2048x64xbf16>
    %dot_general3A_69 = arith.constant dense<0.000000e+00> : vector<256x2048xf32>
    %dot_general3A_70 = tpu.matmul %convert_element_type3A_67, %convert_element_type3A_68, %dot_general3A_69 {dimension_numbers = #tpu.dot_dimension_numbers<[1], [1], [0], [0], [0, 0, 1, 0], [], []>, transpose_lhs_hint = false} : vector<256x64xbf16>, vector<2048x64xbf16>, vector<256x2048xf32> -> vector<256x2048xf32>
    %get3A_71 = arith.constant 2 : index
    %get3A_72 = memref.load %arg5[%get3A_71] : memref<4xf32, #tpu.memory_space<smem>>
    %max3A_73 = arith.constant 0.000000e+00 : f32
    %max3A_74 = vector.broadcast %max3A_73 : f32 to vector<256x2048xf32>
    %max3A_75 = arith.maximumf %dot_general3A_70, %max3A_74 : vector<256x2048xf32>
    %mul3A_76 = vector.broadcast %get3A_72 : f32 to vector<256x2048xf32>
    %mul3A_77 = arith.mulf %mul3A_76, %max3A_75 : vector<256x2048xf32>
    %add3A_78 = arith.addf %add3A_50, %mul3A_77 : vector<256x2048xf32>
    %get3A_79 = arith.constant 0 : index
    %get3A_80 = arith.constant 192 : index
    %get3A_81 = vector.load %arg1[%get3A_79, %get3A_80] : memref<256x256xf32, #tpu.memory_space<vmem>>, vector<256x64xf32>
    %get3A_82 = arith.constant 0 : index
    %get3A_83 = arith.constant 192 : index
    %get3A_84 = vector.load %arg3[%get3A_82, %get3A_83] : memref<1x256xf32, #tpu.memory_space<vmem>>, vector<1x64xf32>
    %add3A_85 = vector.broadcast %get3A_84 : vector<1x64xf32> to vector<256x64xf32>
    %add3A_86 = arith.addf %get3A_81, %add3A_85 : vector<256x64xf32>
    %get3A_87 = arith.constant 0 : index
    %get3A_88 = arith.constant 192 : index
    %get3A_89 = vector.load %arg2[%get3A_87, %get3A_88] : memref<2048x256xf32, #tpu.memory_space<vmem>>, vector<2048x64xf32>
    %get3A_90 = arith.constant 0 : index
    %get3A_91 = arith.constant 192 : index
    %get3A_92 = vector.load %arg4[%get3A_90, %get3A_91] : memref<1x256xf32, #tpu.memory_space<vmem>>, vector<1x64xf32>
    %add3A_93 = vector.broadcast %get3A_92 : vector<1x64xf32> to vector<2048x64xf32>
    %add3A_94 = arith.addf %get3A_89, %add3A_93 : vector<2048x64xf32>
    %convert_element_type3A_95 = arith.truncf %add3A_86 : vector<256x64xf32> to vector<256x64xbf16>
    %convert_element_type3A_96 = arith.truncf %add3A_94 : vector<2048x64xf32> to vector<2048x64xbf16>
    %dot_general3A_97 = arith.constant dense<0.000000e+00> : vector<256x2048xf32>
    %dot_general3A_98 = tpu.matmul %convert_element_type3A_95, %convert_element_type3A_96, %dot_general3A_97 {dimension_numbers = #tpu.dot_dimension_numbers<[1], [1], [0], [0], [0, 0, 1, 0], [], []>, transpose_lhs_hint = false} : vector<256x64xbf16>, vector<2048x64xbf16>, vector<256x2048xf32> -> vector<256x2048xf32>
    %get3A_99 = arith.constant 3 : index
    %get3A_100 = memref.load %arg5[%get3A_99] : memref<4xf32, #tpu.memory_space<smem>>
    %max3A_101 = arith.constant 0.000000e+00 : f32
    %max3A_102 = vector.broadcast %max3A_101 : f32 to vector<256x2048xf32>
    %max3A_103 = arith.maximumf %dot_general3A_98, %max3A_102 : vector<256x2048xf32>
    %mul3A_104 = vector.broadcast %get3A_100 : f32 to vector<256x2048xf32>
    %mul3A_105 = arith.mulf %mul3A_104, %max3A_103 : vector<256x2048xf32>
    %add3A_106 = arith.addf %add3A_78, %mul3A_105 : vector<256x2048xf32>
    %get3A_107 = arith.constant 0 : index
    %get3A_108 = arith.constant 0 : index
    %get3A_109 = vector.load %arg6[%get3A_107, %get3A_108] : memref<1x2048xf32, #tpu.memory_space<vmem>>, vector<1x2048xf32>
    %get3A_110 = arith.constant 0 : index
    %get3A_111 = arith.constant 0 : index
    %get3A_112 = vector.load %arg7[%get3A_110, %get3A_111] : memref<2048x1xf32, #tpu.memory_space<vmem>>, vector<2048x1xf32>
    %convert_element_type3A_113 = arith.truncf %get3A_109 : vector<1x2048xf32> to vector<1x2048xbf16>
    %convert_element_type3A_114 = arith.truncf %get3A_112 : vector<2048x1xf32> to vector<2048x1xbf16>
    %dot_general3A_115 = arith.constant dense<0.000000e+00> : vector<1x1xf32>
    %dot_general3A_116 = tpu.matmul %convert_element_type3A_113, %convert_element_type3A_114, %dot_general3A_115 {dimension_numbers = #tpu.dot_dimension_numbers<[1], [0], [0], [1], [0, 0, 1, 1], [], []>, transpose_lhs_hint = false} : vector<1x2048xbf16>, vector<2048x1xbf16>, vector<1x1xf32> -> vector<1x1xf32>
    %squeeze3A = vector.extract %dot_general3A_116[0, 0] : f32 from vector<1x1xf32>
    %get3A_117 = arith.constant 0 : index
    %get3A_118 = memref.load %arg8[%get3A_117] : memref<1xf32, #tpu.memory_space<smem>>
    %add3A_119 = arith.addf %squeeze3A, %get3A_118 : f32
    %neg3A = arith.constant 0.000000e+00 : f32
    %neg3A_120 = arith.subf %neg3A, %add3A_119 : f32
    %exp3A = math.exp %neg3A_120 : f32
    %add3A_121 = arith.constant 1.000000e+00 : f32
    %add3A_122 = arith.addf %add3A_121, %exp3A : f32
    %div3A = arith.constant 1.000000e+00 : f32
    %div3A_123 = arith.divf %div3A, %add3A_122 : f32
    %mul3A_124 = arith.constant 2.048000e+03 : f32
    %mul3A_125 = arith.mulf %div3A_123, %mul3A_124 : f32
    %round3A = math.roundeven %mul3A_125 : f32
    %jit3A = arith.constant 1.000000e+00 : f32
    %jit3A_126 = arith.constant 2.048000e+03 : f32
    %max3A_127 = arith.maximumf %jit3A, %round3A : f32
    %min3A = arith.minimumf %jit3A_126, %max3A_127 : f32
    %convert_element_type3A_128 = arith.fptosi %min3A : f32 to i32
    %bitcast_convert_type3A = tpu.bitcast %add3A_106 : vector<256x2048xf32> -> vector<256x2048xi32>
    %shift_right_logical3A = arith.constant 31 : i32
    %shift_right_logical3A_129 = vector.broadcast %shift_right_logical3A : i32 to vector<256x2048xi32>
    %shift_right_logical3A_130 = arith.shrui %bitcast_convert_type3A, %shift_right_logical3A_129 : vector<256x2048xi32>
    %eq3A = arith.constant 1 : i32
    %eq3A_131 = vector.broadcast %eq3A : i32 to vector<256x2048xi32>
    %eq3A_132 = arith.cmpi eq, %shift_right_logical3A_130, %eq3A_131 : vector<256x2048xi32>
    %not3A = arith.constant dense<-1> : vector<256x2048xi32>
    %not3A_133 = arith.xori %bitcast_convert_type3A, %not3A : vector<256x2048xi32>
    %or3A = arith.constant -2147483648 : i32
    %or3A_134 = vector.broadcast %or3A : i32 to vector<256x2048xi32>
    %or3A_135 = arith.ori %bitcast_convert_type3A, %or3A_134 : vector<256x2048xi32>
    %select_n3A = arith.select %eq3A_132, %not3A_133, %or3A_135 : vector<256x2048xi1>, vector<256x2048xi32>
    %bitcast_convert_type3A_136 = tpu.bitcast %select_n3A : vector<256x2048xi32> -> vector<256x2048xi32>
    %swap3A = arith.constant 0 : index
    %swap3A_137 = arith.constant 0 : index
    %swap3A_138 = vector.load %arg9[%swap3A, %swap3A_137] : memref<256x2048xi32, #tpu.memory_space<vmem>>, vector<256x2048xi32>
    tpu.vector_store %arg9[%swap3A, %swap3A_137], %bitcast_convert_type3A_136 {strides = array<i32>} : memref<256x2048xi32, #tpu.memory_space<vmem>>, vector<256x2048xi32>,
    %broadcast_in_dim3A_139 = vector.broadcast %convert_element_type3A_128 : i32 to vector<1x128xi32>
    %swap3A_140 = arith.constant 0 : index
    %swap3A_141 = arith.constant 0 : index
    %swap3A_142 = vector.load %arg10[%swap3A_140, %swap3A_141] : memref<1x128xi32, #tpu.memory_space<vmem>>, vector<1x128xi32>
    tpu.vector_store %arg10[%swap3A_140, %swap3A_141], %broadcast_in_dim3A_139 {strides = array<i32>} : memref<1x128xi32, #tpu.memory_space<vmem>>, vector<1x128xi32>,
    return
  }
  func.func @transform_0(%arg0: i32) -> (i32, i32) {
    %c0_i32 = arith.constant 0 : i32
    %c0_i32_0 = arith.constant 0 : i32
    return %arg0, %c0_i32 : i32, i32
  }
  func.func @transform_1(%arg0: i32) -> (i32, i32) {
    %c0_i32 = arith.constant 0 : i32
    %c0_i32_0 = arith.constant 0 : i32
    %c0_i32_1 = arith.constant 0 : i32
    return %c0_i32, %c0_i32_0 : i32, i32
  }
  func.func @transform_2(%arg0: i32) -> (i32, i32) {
    %c0_i32 = arith.constant 0 : i32
    %c0_i32_0 = arith.constant 0 : i32
    %c0_i32_1 = arith.constant 0 : i32
    return %c0_i32, %c0_i32_0 : i32, i32
  }
  func.func @transform_3(%arg0: i32) -> (i32, i32) {
    %c0_i32 = arith.constant 0 : i32
    %c0_i32_0 = arith.constant 0 : i32
    %c0_i32_1 = arith.constant 0 : i32
    return %c0_i32, %c0_i32_0 : i32, i32
  }
  func.func @transform_4(%arg0: i32) -> i32 {
    %c0_i32 = arith.constant 0 : i32
    %c0_i32_0 = arith.constant 0 : i32
    return %c0_i32 : i32
  }
  func.func @transform_5(%arg0: i32) -> (i32, i32) {
    %c0_i32 = arith.constant 0 : i32
    %c0_i32_0 = arith.constant 0 : i32
    %c0_i32_1 = arith.constant 0 : i32
    return %c0_i32, %c0_i32_0 : i32, i32
  }
  func.func @transform_6(%arg0: i32) -> (i32, i32) {
    %c0_i32 = arith.constant 0 : i32
    %c0_i32_0 = arith.constant 0 : i32
    %c0_i32_1 = arith.constant 0 : i32
    return %c0_i32, %c0_i32_0 : i32, i32
  }
  func.func @transform_7(%arg0: i32) -> i32 {
    %c0_i32 = arith.constant 0 : i32
    %c0_i32_0 = arith.constant 0 : i32
    return %c0_i32 : i32
  }
  func.func @transform_8(%arg0: i32) -> (i32, i32) {
    %c0_i32 = arith.constant 0 : i32
    %c0_i32_0 = arith.constant 0 : i32
    return %arg0, %c0_i32 : i32, i32
  }
  func.func @transform_9(%arg0: i32) -> (i32, i32) {
    %c0_i32 = arith.constant 0 : i32
    %c0_i32_0 = arith.constant 0 : i32
    %c0_i32_1 = arith.constant 0 : i32
    return %c0_i32, %c0_i32_0 : i32, i32
  }
}

module attributes {stable_mosaic.version = 14 : i64} {
  func.func @_proj_qkv_body(%arg0: i32, %arg1: i32, %arg2: memref<512x2048xbf16, #tpu.memory_space<vmem>>, %arg3: memref<2048x512xbf16, #tpu.memory_space<vmem>>, %arg4: memref<512x512xbf16, #tpu.memory_space<vmem>>) attributes {dimension_semantics = [#tpu.dimension_semantics<arbitrary>, #tpu.dimension_semantics<arbitrary>], iteration_bounds = array<i64: 4, 12>, scalar_prefetch = 0 : i64, scratch_operands = 0 : i64, tpu.core_type = #tpu.core_type<tc>, window_params = [{transform_indices = @transform_0, window_bounds = array<i64: 512, 2048>}, {transform_indices = @transform_1, window_bounds = array<i64: 2048, 512>}, {transform_indices = @transform_2, window_bounds = array<i64: 512, 512>}]} {
    %get3A = arith.constant 0 : index
    %get3A_0 = arith.constant 0 : index
    %get3A_1 = vector.load %arg2[%get3A, %get3A_0] : memref<512x2048xbf16, #tpu.memory_space<vmem>>, vector<512x2048xbf16>
    %get3A_2 = arith.constant 0 : index
    %get3A_3 = arith.constant 0 : index
    %get3A_4 = vector.load %arg3[%get3A_2, %get3A_3] : memref<2048x512xbf16, #tpu.memory_space<vmem>>, vector<2048x512xbf16>
    %dot_general3A = arith.constant dense<0.000000e+00> : vector<512x512xf32>
    %dot_general3A_5 = tpu.matmul %get3A_1, %get3A_4, %dot_general3A {dimension_numbers = #tpu.dot_dimension_numbers<[1], [0], [0], [1], [0, 0, 1, 1], [], []>, transpose_lhs_hint = false} : vector<512x2048xbf16>, vector<2048x512xbf16>, vector<512x512xf32> -> vector<512x512xf32>
    %convert_element_type3A = arith.truncf %dot_general3A_5 : vector<512x512xf32> to vector<512x512xbf16>
    %swap3A = arith.constant 0 : index
    %swap3A_6 = arith.constant 0 : index
    %swap3A_7 = vector.load %arg4[%swap3A, %swap3A_6] : memref<512x512xbf16, #tpu.memory_space<vmem>>, vector<512x512xbf16>
    tpu.vector_store %arg4[%swap3A, %swap3A_6], %convert_element_type3A {strides = array<i32>} : memref<512x512xbf16, #tpu.memory_space<vmem>>, vector<512x512xbf16>,
    return
  }
  func.func @transform_0(%arg0: i32, %arg1: i32) -> (i32, i32) {
    %c0_i32 = arith.constant 0 : i32
    %c0_i32_0 = arith.constant 0 : i32
    return %arg0, %c0_i32 : i32, i32
  }
  func.func @transform_1(%arg0: i32, %arg1: i32) -> (i32, i32) {
    %c0_i32 = arith.constant 0 : i32
    %c0_i32_0 = arith.constant 0 : i32
    return %c0_i32, %arg1 : i32, i32
  }
  func.func @transform_2(%arg0: i32, %arg1: i32) -> (i32, i32) {
    %c0_i32 = arith.constant 0 : i32
    return %arg0, %arg1 : i32, i32
  }
}

module attributes {stable_mosaic.version = 14 : i64} {
  func.func @_attn_body(%arg0: i32, %arg1: i32, %arg2: memref<256x128xbf16, #tpu.memory_space<vmem>>, %arg3: memref<2048x128xbf16, #tpu.memory_space<vmem>>, %arg4: memref<2048x128xbf16, #tpu.memory_space<vmem>>, %arg5: memref<256x2048xi32, #tpu.memory_space<vmem>>, %arg6: memref<256x1xi32, #tpu.memory_space<vmem>>, %arg7: memref<256x128xbf16, #tpu.memory_space<vmem>>) attributes {dimension_semantics = [#tpu.dimension_semantics<arbitrary>, #tpu.dimension_semantics<arbitrary>], iteration_bounds = array<i64: 8, 16>, scalar_prefetch = 0 : i64, scratch_operands = 0 : i64, tpu.core_type = #tpu.core_type<tc>, window_params = [{transform_indices = @transform_0, window_bounds = array<i64: 256, 128>}, {transform_indices = @transform_1, window_bounds = array<i64: 2048, 128>}, {transform_indices = @transform_2, window_bounds = array<i64: 2048, 128>}, {transform_indices = @transform_3, window_bounds = array<i64: 256, 2048>}, {transform_indices = @transform_4, window_bounds = array<i64: 256, 1>}, {transform_indices = @transform_5, window_bounds = array<i64: 256, 128>}]} {
    %get3A = arith.constant 0 : index
    %get3A_0 = arith.constant 0 : index
    %get3A_1 = vector.load %arg5[%get3A, %get3A_0] : memref<256x2048xi32, #tpu.memory_space<vmem>>, vector<256x2048xi32>
    %bitcast_convert_type3A = tpu.bitcast %get3A_1 : vector<256x2048xi32> -> vector<256x2048xi32>
    %get3A_2 = arith.constant 0 : index
    %get3A_3 = arith.constant 0 : index
    %get3A_4 = vector.load %arg6[%get3A_2, %get3A_3] : memref<256x1xi32, #tpu.memory_space<vmem>>, vector<256x1xi32>
    %bitcast_convert_type3A_5 = tpu.bitcast %get3A_4 : vector<256x1xi32> -> vector<256x1xi32>
    %ge3A = vector.broadcast %bitcast_convert_type3A_5 : vector<256x1xi32> to vector<256x2048xi32>
    %ge3A_6 = arith.cmpi uge, %bitcast_convert_type3A, %ge3A : vector<256x2048xi32>
    %jit3A = arith.constant 0.000000e+00 : f32
    %jit3A_7 = arith.constant -1.000000e+09 : f32
    %broadcast_in_dim3A = vector.broadcast %jit3A : f32 to vector<256x2048xf32>
    %broadcast_in_dim3A_8 = vector.broadcast %jit3A_7 : f32 to vector<256x2048xf32>
    %select_n3A = arith.select %ge3A_6, %broadcast_in_dim3A, %broadcast_in_dim3A_8 : vector<256x2048xi1>, vector<256x2048xf32>
    %get3A_9 = arith.constant 0 : index
    %get3A_10 = arith.constant 0 : index
    %get3A_11 = vector.load %arg2[%get3A_9, %get3A_10] : memref<256x128xbf16, #tpu.memory_space<vmem>>, vector<256x128xbf16>
    %get3A_12 = arith.constant 0 : index
    %get3A_13 = arith.constant 0 : index
    %get3A_14 = vector.load %arg3[%get3A_12, %get3A_13] : memref<2048x128xbf16, #tpu.memory_space<vmem>>, vector<2048x128xbf16>
    %dot_general3A = arith.constant dense<0.000000e+00> : vector<256x2048xf32>
    %dot_general3A_15 = tpu.matmul %get3A_11, %get3A_14, %dot_general3A {dimension_numbers = #tpu.dot_dimension_numbers<[1], [1], [0], [0], [0, 0, 1, 0], [], []>, transpose_lhs_hint = false} : vector<256x128xbf16>, vector<2048x128xbf16>, vector<256x2048xf32> -> vector<256x2048xf32>
    %mul3A = arith.constant 0.0883883461 : f32
    %mul3A_16 = vector.broadcast %mul3A : f32 to vector<256x2048xf32>
    %mul3A_17 = arith.mulf %dot_general3A_15, %mul3A_16 : vector<256x2048xf32>
    %add3A = arith.addf %mul3A_17, %select_n3A : vector<256x2048xf32>
    %reduce_max3A = arith.constant dense<0xFF800000> : vector<256xf32>
    %reduce_max3A_18 = vector.multi_reduction <maximumf>, %add3A, %reduce_max3A [1] : vector<256x2048xf32> to vector<256xf32>
    %broadcast_in_dim3A_19 = vector.shape_cast %reduce_max3A_18 : vector<256xf32> to vector<256x1xf32>
    %sub3A = vector.broadcast %broadcast_in_dim3A_19 : vector<256x1xf32> to vector<256x2048xf32>
    %sub3A_20 = arith.subf %add3A, %sub3A : vector<256x2048xf32>
    %exp3A = math.exp %sub3A_20 : vector<256x2048xf32>
    %reduce_sum3A = arith.constant dense<0.000000e+00> : vector<256xf32>
    %reduce_sum3A_21 = vector.multi_reduction <add>, %exp3A, %reduce_sum3A [1] : vector<256x2048xf32> to vector<256xf32>
    %broadcast_in_dim3A_22 = vector.shape_cast %reduce_sum3A_21 : vector<256xf32> to vector<256x1xf32>
    %convert_element_type3A = arith.truncf %exp3A : vector<256x2048xf32> to vector<256x2048xbf16>
    %get3A_23 = arith.constant 0 : index
    %get3A_24 = arith.constant 0 : index
    %get3A_25 = vector.load %arg4[%get3A_23, %get3A_24] : memref<2048x128xbf16, #tpu.memory_space<vmem>>, vector<2048x128xbf16>
    %dot_general3A_26 = arith.constant dense<0.000000e+00> : vector<256x128xf32>
    %dot_general3A_27 = tpu.matmul %convert_element_type3A, %get3A_25, %dot_general3A_26 {dimension_numbers = #tpu.dot_dimension_numbers<[1], [0], [0], [1], [0, 0, 1, 1], [], []>, transpose_lhs_hint = false} : vector<256x2048xbf16>, vector<2048x128xbf16>, vector<256x128xf32> -> vector<256x128xf32>
    %div3A = arith.constant 1.000000e+00 : f32
    %div3A_28 = vector.broadcast %div3A : f32 to vector<256x1xf32>
    %div3A_29 = arith.divf %div3A_28, %broadcast_in_dim3A_22 : vector<256x1xf32>
    %mul3A_30 = vector.broadcast %div3A_29 : vector<256x1xf32> to vector<256x128xf32>
    %mul3A_31 = arith.mulf %dot_general3A_27, %mul3A_30 : vector<256x128xf32>
    %convert_element_type3A_32 = arith.truncf %mul3A_31 : vector<256x128xf32> to vector<256x128xbf16>
    %swap3A = arith.constant 0 : index
    %swap3A_33 = arith.constant 0 : index
    %swap3A_34 = vector.load %arg7[%swap3A, %swap3A_33] : memref<256x128xbf16, #tpu.memory_space<vmem>>, vector<256x128xbf16>
    tpu.vector_store %arg7[%swap3A, %swap3A_33], %convert_element_type3A_32 {strides = array<i32>} : memref<256x128xbf16, #tpu.memory_space<vmem>>, vector<256x128xbf16>,
    return
  }
  func.func @transform_0(%arg0: i32, %arg1: i32) -> (i32, i32) {
    %c0_i32 = arith.constant 0 : i32
    return %arg0, %arg1 : i32, i32
  }
  func.func @transform_1(%arg0: i32, %arg1: i32) -> (i32, i32) {
    %c0_i32 = arith.constant 0 : i32
    %c0_i32_0 = arith.constant 0 : i32
    return %c0_i32, %arg1 : i32, i32
  }
  func.func @transform_2(%arg0: i32, %arg1: i32) -> (i32, i32) {
    %c0_i32 = arith.constant 0 : i32
    %c0_i32_0 = arith.constant 0 : i32
    return %c0_i32, %arg1 : i32, i32
  }
  func.func @transform_3(%arg0: i32, %arg1: i32) -> (i32, i32) {
    %c0_i32 = arith.constant 0 : i32
    %c0_i32_0 = arith.constant 0 : i32
    return %arg0, %c0_i32 : i32, i32
  }
  func.func @transform_4(%arg0: i32, %arg1: i32) -> (i32, i32) {
    %c0_i32 = arith.constant 0 : i32
    %c0_i32_0 = arith.constant 0 : i32
    return %arg0, %c0_i32 : i32, i32
  }
  func.func @transform_5(%arg0: i32, %arg1: i32) -> (i32, i32) {
    %c0_i32 = arith.constant 0 : i32
    return %arg0, %arg1 : i32, i32
  }
}

module attributes {stable_mosaic.version = 14 : i64} {
  func.func @_oproj_body(%arg0: i32, %arg1: memref<256x2048xbf16, #tpu.memory_space<vmem>>, %arg2: memref<2048x2048xbf16, #tpu.memory_space<vmem>>, %arg3: memref<256x2048xf32, #tpu.memory_space<vmem>>) attributes {dimension_semantics = [#tpu.dimension_semantics<arbitrary>], iteration_bounds = array<i64: 8>, scalar_prefetch = 0 : i64, scratch_operands = 0 : i64, tpu.core_type = #tpu.core_type<tc>, window_params = [{transform_indices = @transform_0, window_bounds = array<i64: 256, 2048>}, {pipeline_mode = #tpu.pipeline_mode<synchronous>, transform_indices = @transform_1, window_bounds = array<i64: 2048, 2048>}, {transform_indices = @transform_2, window_bounds = array<i64: 256, 2048>}]} {
    %get3A = arith.constant 0 : index
    %get3A_0 = arith.constant 0 : index
    %get3A_1 = vector.load %arg1[%get3A, %get3A_0] : memref<256x2048xbf16, #tpu.memory_space<vmem>>, vector<256x2048xbf16>
    %get3A_2 = arith.constant 0 : index
    %get3A_3 = arith.constant 0 : index
    %get3A_4 = vector.load %arg2[%get3A_2, %get3A_3] : memref<2048x2048xbf16, #tpu.memory_space<vmem>>, vector<2048x2048xbf16>
    %dot_general3A = arith.constant dense<0.000000e+00> : vector<256x2048xf32>
    %dot_general3A_5 = tpu.matmul %get3A_1, %get3A_4, %dot_general3A {dimension_numbers = #tpu.dot_dimension_numbers<[1], [0], [0], [1], [0, 0, 1, 1], [], []>, transpose_lhs_hint = false} : vector<256x2048xbf16>, vector<2048x2048xbf16>, vector<256x2048xf32> -> vector<256x2048xf32>
    %swap3A = arith.constant 0 : index
    %swap3A_6 = arith.constant 0 : index
    %swap3A_7 = vector.load %arg3[%swap3A, %swap3A_6] : memref<256x2048xf32, #tpu.memory_space<vmem>>, vector<256x2048xf32>
    tpu.vector_store %arg3[%swap3A, %swap3A_6], %dot_general3A_5 {strides = array<i32>} : memref<256x2048xf32, #tpu.memory_space<vmem>>, vector<256x2048xf32>,
    return
  }
  func.func @transform_0(%arg0: i32) -> (i32, i32) {
    %c0_i32 = arith.constant 0 : i32
    %c0_i32_0 = arith.constant 0 : i32
    return %arg0, %c0_i32 : i32, i32
  }
  func.func @transform_1(%arg0: i32) -> (i32, i32) {
    %c0_i32 = arith.constant 0 : i32
    %c0_i32_0 = arith.constant 0 : i32
    %c0_i32_1 = arith.constant 0 : i32
    return %c0_i32, %c0_i32_0 : i32, i32
  }
  func.func @transform_2(%arg0: i32) -> (i32, i32) {
    %c0_i32 = arith.constant 0 : i32
    %c0_i32_0 = arith.constant 0 : i32
    return %arg0, %c0_i32 : i32, i32
  }
}

</mosaic_0001>

<sc_bundles>
// kernel: kernel.8.cloned.1.call-start
scs
__scs_entry_jumppad:
0x0: {  	(pc) =	sbr.rel $0x88, $3  }
0x1: {  	(tag) =	ssettag $0x0;
	lr =	simm.s32 $0x1  }
0x2: {  	[smem:$0x3F95] =	sst lr;
	_ =	strace $0xD0000000  }
0x3: {  	_ = 	snop  }
0x4: {  	_ = 	snop  }
0x5: {  	_ = 	snop  }
0x6: {  	_ = 	snop  }
0x7: {  	_ = 	snop  }
__scs_overlays_trampoline_lowered:
0x8: {  	[smem:$0x3FA4] =	sst s0  }
0x9: {  	[smem:$0x3FA5] =	sst s1  }
0xa: {  	[smem:$0x3FA6] =	sst s2  }
0xb: {  	[smem:$0x3FA7] =	sst s3  }
0xc: {  	[smem:$0x3FA8] =	sst s4  }
0xd: {  	[smem:$0x3FA9] =	sst s5  }
0xe: {  	[smem:$0x3FAA] =	sst s6  }
0xf: {  	[smem:$0x3FAB] =	sst s7  }
0x10: {  	[smem:$0x3FAC] =	sst s8  }
0x11: {  	[smem:$0x3FAD] =	sst s9;
	s0 =	simm.s32 @!p0 $0x0  }
0x12: {  	s1 =	sld [smem:$0x3F93];
	s0 =	simm.s32 @p0 $0x1  }
0x13: {  	[smem:$0x3FAE] =	sst s0;
	s0 =	simm.s32 @!p1 $0x0  }
0x14: {  	s2 =	sld [smem:$0x3F92];
	s0 =	simm.s32 @p1 $0x1  }
0x15: {  	[smem:$0x3FAF] =	sst s0;
	s0 =	simm.s32 @!p2 $0x0  }
0x16: {  	s3 =	sld [smem:$0x3FDB];
	s0 =	simm.s32 @p2 $0x1  }
0x17: {  	s4 =	simm.s32 $0x1BF5;
	[smem:$0x3FB1] =	sst s0  }
0x18: {  	s0 =	sld [smem:$0x3F94];
	_ =	swait.ge [sflag:s4], $0x0  }
0x19: {  	s7 =	sld [smem:$0x3F95]  }
0x1a: {  	s8 =	sadd.s32 $0xFFFFE003, lr  }
0x1b: {  	s9 =	sadd.s32 $0xFFFFFEF7, lr;
	s5 =	simm.s32 $0xFFFFFFFF;
	p2 =	slt.u32 s8, $0xFFFFF086  }
0x1c: {  	p1 =	slt.u32 s9, $0xF7A;
	s5 =	simm.s32 @!p2 $0x0  }
0x1d: {  	s5 =	simm.s32 @p1 $0x1;
	p0 =	seq.s32 s7, s2  }
0x1e: {  	s7 =	smul.u32 @!p0 $0xF7A, s2;
	p2 =	seq.s32 @!p0 s5, $0x0  }
0x1f: {  	s9 =	smul.u32 $0xF7A, s1;
	s8 =	simm.s32 @!p0 $0x1BF5;
	p2 =	por !p2, p0  }
0x20: {  	[sflag:s8] =	ssyncset.s32 @!p0 $0xFFFFF086;
	s6 =	sadd.s32 @!p0 s3, s7;
	s7 =	simm.s32 @!p0 $0x108  }
0x21: {  	s3 =	sadd.s32 s3, s9;
	s6 =	sadd.s32 @!p0 $0x88, s6;
	s7 =	simm.s32 @p2 $0x1082  }
0x22: {  	[simem:s7], [sflag:s8] =	dma.local @!p0 [hbm:s6], $0xF7A  }
0x23: {  	s9 =	sor.u32 $0xD0000000, s2;
	s6 =	simm.s32 $0x108;
	_ =	swait.ge @!p0 [sflag:s8], $0x0  }
0x24: {  	s3 =	sadd.s32 $0x88, s3;
	s6 =	simm.s32 @!p1 $0x1082;
	[sflag:s4] =	ssyncset.s32 $0xFFFFF086  }
0x25: {  	[simem:s6], [sflag:s4] =	dma.local [hbm:s3], $0xF7A  }
0x26: {  	[smem:$0x3F95] =	sst s1;
	(tag) =	ssettag s2;
	_ =	strace s9  }
0x27: {  	s1 =	sld [smem:$0x3FA5]  }
0x28: {  	s2 =	sld [smem:$0x3FA6]  }
0x29: {  	s4 =	sld [smem:$0x3FA8]  }
0x2a: {  	p0 =	seq.s32 s5, $0x0;
	s5 =	sld [smem:$0x3FA9]  }
0x2b: {  	s6 =	sld [smem:$0x3FAA]  }
0x2c: {  	s7 =	sld [smem:$0x3FAB]  }
0x2d: {  	s3 =	simm.s32 $0x108;
	s8 =	sld [smem:$0x3FAC]  }
0x2e: {  	s3 =	simm.s32 @!p0 $0x1082;
	s9 =	sld [smem:$0x3FAD]  }
0x2f: {  	lr =	sadd.s32 s0, s3;
	s0 =	sld [smem:$0x3FA4]  }
0x30: {  	s3 =	sld [smem:$0x3FA7]  }
0x31: {  	[smem:$0x3FB0] =	sst s10  }
0x32: {  	s10 =	sld [smem:$0x3FAE];
	_ =	sdelay $0x3  }
0x33: {  	p0 =	seq.s32 s10, $0x1;
	s10 =	sld [smem:$0x3FB0];
	_ =	sdelay $0x3  }
0x34: {  	[smem:$0x3FB0] =	sst s10  }
0x35: {  	s10 =	sld [smem:$0x3FAF];
	_ =	sdelay $0x3  }
0x36: {  	p1 =	seq.s32 s10, $0x1;
	s10 =	sld [smem:$0x3FB0];
	_ =	sdelay $0x3  }
0x37: {  	[smem:$0x3FB0] =	sst s10  }
0x38: {  	s10 =	sld [smem:$0x3FB1]  }
0x39: {  	_ = 	snop;
	(pc) =	sbr.ind lr, $3  }
0x3a: {  	_ = 	snop  }
0x3b: {  	_ = 	snop  }
0x3c: {  	p2 =	seq.s32 s10, $0x1;
	s10 =	sld [smem:$0x3FB0]  }
0x3d: {  	_ =	shalt  }
0x3e: {  	_ =	shalt  }
0x3f: {  	_ =	shalt  }
0x40: {  	_ =	shalt  }
0x41: {  	_ =	shalt  }
0x42: {  	_ =	shalt  }
0x43: {  	_ =	shalt  }
0x44: {  	_ =	shalt  }
0x45: {  	_ =	shalt  }
0x46: {  	_ =	shalt  }
0x47: {  	_ =	shalt  }
0x48: {  	_ =	shalt  }
0x49: {  	_ =	shalt  }
0x4a: {  	_ =	shalt  }
0x4b: {  	_ =	shalt  }
0x4c: {  	_ =	shalt  }
0x4d: {  	_ =	shalt  }
0x4e: {  	_ =	shalt  }
0x4f: {  	_ =	shalt  }
0x50: {  	_ =	shalt  }
0x51: {  	_ =	shalt  }
0x52: {  	_ =	shalt  }
0x53: {  	_ =	shalt  }
0x54: {  	_ =	shalt  }
0x55: {  	_ =	shalt  }
0x56: {  	_ =	shalt  }
0x57: {  	_ =	shalt  }
0x58: {  	_ =	shalt  }
0x59: {  	_ =	shalt  }
0x5a: {  	_ =	shalt  }
0x5b: {  	_ =	shalt  }
0x5c: {  	_ =	shalt  }
0x5d: {  	_ =	shalt  }
0x5e: {  	_ =	shalt  }
0x5f: {  	_ =	shalt  }
0x60: {  	_ =	shalt  }
0x61: {  	_ =	shalt  }
0x62: {  	_ =	shalt  }
0x63: {  	_ =	shalt  }
0x64: {  	_ =	shalt  }
0x65: {  	_ =	shalt  }
0x66: {  	_ =	shalt  }
0x67: {  	_ =	shalt  }
0x68: {  	_ =	shalt  }
0x69: {  	_ =	shalt  }
0x6a: {  	_ =	shalt  }
0x6b: {  	_ =	shalt  }
0x6c: {  	_ =	shalt  }
0x6d: {  	_ =	shalt  }
0x6e: {  	_ =	shalt  }
0x6f: {  	_ =	shalt  }
0x70: {  	_ =	shalt  }
0x71: {  	_ =	shalt  }
0x72: {  	_ =	shalt  }
0x73: {  	_ =	shalt  }
0x74: {  	_ =	shalt  }
0x75: {  	_ =	shalt  }
0x76: {  	_ =	shalt  }
0x77: {  	_ =	shalt  }
0x78: {  	_ =	shalt  }
0x79: {  	_ =	shalt  }
0x7a: {  	_ =	shalt  }
0x7b: {  	_ =	shalt  }
0x7c: {  	_ =	shalt  }
0x7d: {  	_ =	shalt  }
0x7e: {  	_ =	shalt  }
0x7f: {  	_ =	shalt  }
0x80: {  	_ =	shalt  }
0x81: {  	_ =	shalt  }
0x82: {  	_ =	shalt  }
0x83: {  	_ =	shalt  }
0x84: {  	_ =	shalt  }
0x85: {  	_ =	shalt  }
0x86: {  	_ =	shalt  }
0x87: {  	_ =	shalt  }
.Lfunc_end0:
.L_simem_size_0:
called_computation_lowered:
.L_overlay_start_0:
0x88: {  	s2 =	sld [smem:$0x3FD9]  }
0x89: {  	s3 =	sld [smem:$0x3FFE];
	_ =	sdelay $0x1  }
0x8a: {  	s1 =	srdreg.scid  }
0x8b: {  	s0 =	sand.u32 $0x1, s1  }
0x8c: {  	s16 =	sshll.u32 s0, $0xA;
	s2 =	sadd.s32 s3, s2  }
0x8d: {  	s2 =	sadd.s32 s2, s16  }
0x8e: {  	[smem:$0x3FBC] =	sst s2  }
0x8f: {  	_ = 	snop  }
0x90: {  	(tm) =	ssettm $0x1  }
0x91: {  	s17 =	sld [smem:$0x3FFB];
	_ =	sdelay $0x3  }
0x92: {  	_ =	strace s17  }
0x93: {  	s2 =	sld [smem:$0x3FFC];
	_ =	sdelay $0x3  }
0x94: {  	_ =	strace s2  }
0x95: {  	s2 =	sld [smem:$0x3FFD];
	_ =	sdelay $0x3  }
0x96: {  	_ =	strace s2  }
0x97: {  	_ =	strace $0x8FFFFFFF  }
0x98: {  	s18 =	sld [smem:$0x3FDB];
	_ =	sdelay $0x1  }
0x99: {  	s19 =	simm.s32 $_scs_section_size  }
0x9a: {  	s4 =	simm.s32 $_size__tile_overlayer_lowered;
	s5 =	simm.s32 $_tile_overlayer_lowered  }
0x9b: {  	s22 =	simm.s32 $0x1BFF;
	s21 =	sshll.u32 s5, $0x1;
	s2 =	sadd.s32 s19, s18  }
0x9c: {  	s6 =	simm.s32 $0x0;
	s20 =	sshll.u32 s4, $0x1;
	s4 =	sadd.s32 s21, s2  }
0x9d: {  	[timem:s6], [sflag:s22] =	dma.local [hbm:s4], s20  }
0x9e: {  	_ =	swait.ge [sflag:s22], s20  }
0x9f: {  	s3 =	ssub.s32 $0x0, s20;
	[sflag:s22] =	ssyncset.done $0x0  }
0xa0: {  	[sflag:s22] =	ssyncadd.s32 s3;
	_ =	sdelay $0x1  }
0xa1: {  	s23 =	simm.s32 $0x1B8B  }
0xa2: {  	_ =	swait.ge [sflag:s23], $0x1  }
0xa3: {  	[sflag:s23] =	ssyncset.done $0x0  }
0xa4: {  	s25 =	simm.s32 $0x1B8E;
	s24 =	sld [smem:$0x3FFE];
	[sflag:s23] =	ssyncadd.s32 $0xFFFFFFFF  }
0xa5: {  	s26 =	simm.s32 $execute0_lowered;
	[smem:$0x3FD2] =	sst s25  }
0xa6: {  	s4 =	sshll.u32 s26, $0x1;
	_ =	strace $0x80000046;
	[dreg:$0x1] =	wrdreg $0xFFFFFFFF  }
0xa7: {  	s28 =	simm.s32 $_size_execute0_lowered;
	s2 =	sadd.s32 s2, s4;
	[dreg:$0x0] =	wrdreg $0x0  }
0xa8: {  	s4 =	sshll.u32 s28, $0x1;
	[dreg:$0x2] =	wrdreg s2  }
0xa9: {  	[dreg:$0x3] =	wrdreg s4  }
0xaa: {  	[dreg:$0x4] =	wrdreg $0xC0  }
0xab: {  	_ =	task [dreg:s6], $0x5FFFF  }
0xac: {  	[dreg:$0x1] =	wrdreg $0xFFFFFFFF  }
0xad: {  	[dreg:$0x0] =	wrdreg $0x60  }
0xae: {  	[dreg:$0x2] =	wrdreg s24  }
0xaf: {  	[dreg:$0x3] =	wrdreg $0x9  }
0xb0: {  	_ =	task.clear_ibuf [dreg:s6], $0x4FFFF;
	_ =	strace $0x90000046  }
0xb1: {  	s29 =	simm.s32 $0x9;
	_ =	strace $0x80000048  }
0xb2: {  	_ =	swait.ge [sflag:s29], $0x1  }
0xb3: {  	[sflag:s29] =	ssyncadd.s32 $0xFFFFFFFF  }
0xb4: {  	_ =	strace $0x90000048  }
0xb5: {  	_ =	sfence  }
0xb6: {  	s30 =	sld [smem:$0x0];
	_ =	sdelay $0x2  }
0xb7: {  	s31 =	sshll.u32 s1, $0xD;
	s1 =	sshrl.u32 s1, $0x2  }
0xb8: {  	s3 =	sand.u32 $0x4000, s31;
	s1 =	sadd.s32 s1, s30  }
0xb9: {  	s0 =	sor.u32 s3, s0;
	s1 =	sshll.u32 s1, $0x11  }
0xba: {  	s0 =	sor.u32 s1, s0  }
0xbb: {  	s0 =	sadd.s32 $0x8F2B, s0  }
0xbc: {  	[sflag:s0] =	ssyncadd.remote.s32 $0x1  }
0xbd: {  	_ =	sfence.sel $0xFFFF  }
0xbe: {  	[dreg:$0x0] =	wrdreg $0xFFFFFFFF;
	(pc) =	sbr.abs _section_cstart, $3  }
0xbf: {  	[dreg:$0x1] =	wrdreg $0xFFFFFFFF  }
0xc0: {  	_ =	task.clear_ibuf [dreg:s6], $0x2FFFF;
	_ =	strace $0x9FFFFFFF  }
0xc1: {  	(tm) =	ssettm $0x7FFFFFFF  }
tec
execute0_lowered:
.L_overlay_start_1:
0x0: {  	(tag) =	ssettag $0x1  }
0x1: {  	s4 =	rddreg [dreg:$0x0]  }
0x2: {  	s0 =	rddreg [dreg:$0x1]  }
0x3: {  	s3 =	srdreg.scid;
	s1 =	stileid.u32  }
0x4: {  	s2 =	simm.s32 $0x0;
	v0 =	vlaneseq.u32;
	s10 =	simm.s32 $0x10000;
	s11 =	simm.s32 $0x10100  }
0x5: {  	s12 =	simm.s32 $0x10280;
	s13 =	simm.s32 $0x10A80;
	s14 =	simm.s32 $0x10200;
	v1 =	vmul.u32 $0x10, v0  }
0x6: {  	v2 =	vimm.s32 $0x0;
	v3 =	vimm.s32 $0x1;
	s3 =	sand.u32 $0x1, s3;
	s5 =	sshll.u32 s1, $0x1;
	[smem:$0x7FF] =	sst s2  }
0x7: {  	s15 =	simm.s32 $0x0;
	v19 =	vmul.u32 $0xFFFFFFFF, v0;
	v20 =	vor.u32 $0xFFFFFFF0, v0;
	s5 =	sor.u32 s3, s5;
	_ =	strace $0x80000047;
	v4 =	vor.u32 $0x1, v1  }
.Ltmp0:
0x8: {  	s7 =	ssub.s32 $0x2, s3;
	s3 =	sadd.s32 $0x81A00, s4;
	v5 =	vor.u32 $0x2, v1;
	v6 =	vor.u32 $0x3, v1;
	v7 =	vor.u32 $0x4, v1;
	(pc) =	sbr.rel .LBB2_1-.Ltmp0, $4  }
0x9: {  	s6 =	sshll.u32 s5, $0xE;
	s5 =	sshll.u32 s5, $0x3;
	s8 =	sshrl.u32 s7, $0x1;
	v8 =	vor.u32 $0x5, v1;
	v9 =	vor.u32 $0x6, v1;
	v10 =	vor.u32 $0x7, v1  }
0xa: {  	v11 =	vor.u32 $0x8, v1;
	v12 =	vor.u32 $0x9, v1;
	v13 =	vor.u32 $0xA, v1;
	s6 =	sadd.s32 s6, s4;
	s9 =	sadd.s32 s5, s4;
	s7 =	ssub.s32 s7, s8  }
0xb: {  	v14 =	vor.u32 $0xB, v1;
	v15 =	vor.u32 $0xC, v1;
	v16 =	vor.u32 $0xD, v1;
	s8 =	simm.s32 $0x10180;
	s4 =	sadd.s32 $0x1A00, s6;
	s5 =	sadd.s32 $0x3A00, s6  }
0xc: {  	v17 =	vor.u32 $0xE, v1;
	v18 =	vor.u32 $0xF, v1;
	v19 =	vadd.s32 $0xF, v19;
	s6 =	sadd.s32 $0x81C00, s9;
	s7 =	smax.u32 s7, $0x1;
	s9 =	simm.s32 $0x1  }
.LBB2_87:
0xd: {  	s15 =	sadd.s32 $0x1, s15  }
0xe: {  	p0 =	sne.s32 s15, s7  }
.Ltmp1:
0xf: {  	_ = 	snop;
	(pc) =	sbr.rel @!p0 .LBB2_88-.Ltmp1, $4  }
0x10: {  	[hbm4b:s6+s2] =	stream.linear.scatter [tilespmem:s14], [sflag:$0x1], $0x40, $0x38;
	[tilespmem:$0x11280] =	vst v63  }
0x11: {  	_ =	swait.ge [sflag:s9], $0x40  }
0x12: {  	[sflag:s9] =	ssyncset.done $0x0  }
0x13: {  	[sflag:s9] =	ssyncadd.s32 $0xFFFFFFC0  }
.LBB2_1:
0x14: {  	[tilespmem:s8], [sflag:$0x1] =	stream.linear.gather [hbm4b:s3+s2], $0x80, $0x38;
	[tilespmem:$0x11280] =	vst v63  }
0x15: {  	_ =	swait.ge [sflag:s9], $0x80  }
0x16: {  	[sflag:s9] =	ssyncset.done $0x0  }
.Ltmp2:
0x17: {  	[sflag:s9] =	ssyncadd.s32 $0xFFFFFF80;
	(pc) =	sbr.rel .LBB2_2-.Ltmp2, $4  }
0x18: {  	v21 =	vld.msk [tilespmem:$0x10180 ss:$0x0], $0xffff;
	[tilespmem:s2], [sflag:$0x1] =	stream.linear.gather [hbm4b:s4+s2], $0x10000, $0x38  }
0x19: {  	_ =	swait.ge [sflag:s9], $0x10000  }
0x1a: {  	[sflag:s9] =	ssyncset.done $0x0  }
0x1b: {  	s16 =	simm.s32 $0x80;
	s17 =	simm.s32 $0x0;
	[sflag:s9] =	ssyncadd.s32 $0xFFFF0000  }
.LBB2_38:
0x1c: {  	s19 =	simm.s32 $0x0  }
.LBB2_42:
0x1d: {  	s19 =	sadd.s32 @p0 $0x10, s19  }
0x1e: {  	s18 =	smov.u32 @p0 s19  }
0x1f: {  	v29 =	vor.u32 s18, v0  }
0x20: {  	vm1 =	vlt.s32 v29, v27  }
0x21: {  	v27 =	vand.u32 $0xFF, v28;
	_ =	sdelay $0x4  }
0x22: {  	[tilespmem:v27+s10+$0x0] =	vst.idx.add.s32.msk vm1, v3  }
.LBB2_43:
0x23: {  	_ =	sdelay $0x3  }
0x24: {  	v27 =	vld.idx.msk [tilespmem:v1+s10+$0x0], $0xffff  }
0x25: {  	v28 =	vld.idx.msk [tilespmem:v4+s10+$0x0], $0xffff  }
0x26: {  	v29 =	vld.idx.msk [tilespmem:v5+s10+$0x0], $0xffff  }
0x27: {  	v30 =	vld.idx.msk [tilespmem:v6+s10+$0x0], $0xffff  }
0x28: {  	v31 =	vld.idx.msk [tilespmem:v7+s10+$0x0], $0xffff  }
0x29: {  	v32 =	vld.idx.msk [tilespmem:v8+s10+$0x0], $0xffff  }
0x2a: {  	v50 =	vld.idx.msk [tilespmem:v9+s10+$0x0], $0xffff;
	v27 =	vadd.s32 v27, v28  }
0x2b: {  	v51 =	vld.idx.msk [tilespmem:v10+s10+$0x0], $0xffff;
	v27 =	vadd.s32 v29, v27  }
0x2c: {  	v52 =	vld.idx.msk [tilespmem:v11+s10+$0x0], $0xffff;
	v27 =	vadd.s32 v30, v27  }
0x2d: {  	v53 =	vld.idx.msk [tilespmem:v12+s10+$0x0], $0xffff;
	v27 =	vadd.s32 v31, v27  }
0x2e: {  	v54 =	vld.idx.msk [tilespmem:v13+s10+$0x0], $0xffff;
	v27 =	vadd.s32 v32, v27  }
0x2f: {  	v55 =	vld.idx.msk [tilespmem:v14+s10+$0x0], $0xffff;
	v27 =	vadd.s32 v50, v27  }
0x30: {  	v56 =	vld.idx.msk [tilespmem:v15+s10+$0x0], $0xffff;
	v27 =	vadd.s32 v51, v27  }
0x31: {  	v57 =	vld.idx.msk [tilespmem:v16+s10+$0x0], $0xffff;
	v27 =	vadd.s32 v52, v27  }
0x32: {  	v58 =	vld.idx.msk [tilespmem:v17+s10+$0x0], $0xffff;
	v27 =	vadd.s32 v53, v27  }
0x33: {  	v59 =	vld.idx.msk [tilespmem:v18+s10+$0x0], $0xffff;
	v27 =	vadd.s32 v54, v27  }
0x34: {  	v27 =	vadd.s32 v55, v27  }
0x35: {  	v27 =	vadd.s32 v56, v27  }
0x36: {  	v27 =	vadd.s32 v57, v27  }
0x37: {  	v27 =	vadd.s32 v58, v27  }
0x38: {  	v27 =	vadd.s32 v59, v27  }
0x39: {  	v27 =	vperm.xlane v27, v19;
	_ =	sdelay $0x1  }
0x3a: {  	(xrf0) =	vadd.scan.msk.s32 $0xffff, v27;
	_ =	sdelay $0x5  }
0x3b: {  	v27, _, _ =	vpop (xrf0)  }
0x3c: {  	v26 =	vsel vm0, $0x0, v26;
	v27 =	vperm.xlane v27, v19  }
0x3d: {  	v25 =	vsub.s32 v25, v26  }
0x3e: {  	vm14 =	vge.s32 v27, v25  }
0x3f: {  	v60 =	vmpcnt.ones.xlane vm14;
	_ =	sdelay $0x1  }
0x40: {  	v61 =	vshll.u32 v60, $0x4  }
0x41: {  	v62 =	vadd.s32 v20, v61;
	_ =	sdelay $0x3  }
0x42: {  	[tilespmem:$0x10100] =	vst v27  }
0x43: {  	v27 =	vld.idx.msk [tilespmem:v62+s10+$0x0], $0xffff;
	_ =	sdelay $0x2  }
0x44: {  	vm0 =	vgt.s32 v60, $0xF  }
0x45: {  	v26 =	vsel vm0, $0xF, v60  }
0x46: {  	v27 =	vperm.xlane v27, v19;
	_ =	sdelay $0x1  }
0x47: {  	(xrf0) =	vadd.scan.msk.s32 $0xffff, v27;
	_ =	sdelay $0x1  }
0x48: {  	v26 =	vld.idx.msk [tilespmem:v26+s11+$0x0], $0xffff;
	_ =	sdelay $0x3  }
0x49: {  	v27, _, _ =	vpop (xrf0)  }
0x4a: {  	v26 =	vsel vm0, $0x0, v26;
	v27 =	vperm.xlane v27, v19  }
0x4b: {  	v25 =	vsub.s32 v25, v26  }
0x4c: {  	v63 =	vmov s17;
	s17 =	sadd.s32 $0x1, s17;
	vm15 =	vge.s32 v27, v25  }
0x4d: {  	p0 =	sne.s32 s17, $0x20;
	v25 =	vmpcnt.ones.xlane vm15  }
.Ltmp3:
0x4e: {  	v22 =	vshll.u32 v22, $0x18;
	v23 =	vshll.u32 v23, $0x10;
	(pc) =	sbr.rel @!p0 .LBB2_44-.Ltmp3, $4  }
0x4f: {  	v24 =	vshll.u32 v24, $0x8;
	v22 =	vor.u32 v22, v23;
	v23 =	vadd.s32 v25, v61  }
0x50: {  	v22 =	vor.u32 v24, v22;
	v23 =	vadd.s32 $0xFFFFFFEF, v23  }
0x51: {  	[tilespmem:$0x10100] =	vst v27;
	v22 =	vor.u32 v23, v22  }
0x52: {  	s16 =	sadd.s32 $0x800, s16;
	[tilespmem:v63+s14+$0x0] =	vst.idx.msk $0x1, v22  }
.LBB2_2:
0x53: {  	[tilespmem:$0x10000] =	vst v2  }
0x54: {  	[tilespmem:$0x10010] =	vst v2  }
0x55: {  	[tilespmem:$0x10020] =	vst v2  }
0x56: {  	[tilespmem:$0x10030] =	vst v2  }
0x57: {  	[tilespmem:$0x10040] =	vst v2  }
0x58: {  	[tilespmem:$0x10050] =	vst v2  }
0x59: {  	[tilespmem:$0x10060] =	vst v2  }
0x5a: {  	[tilespmem:$0x10070] =	vst v2  }
0x5b: {  	[tilespmem:$0x10080] =	vst v2  }
0x5c: {  	[tilespmem:$0x10090] =	vst v2  }
0x5d: {  	[tilespmem:$0x100A0] =	vst v2  }
0x5e: {  	[tilespmem:$0x100B0] =	vst v2  }
0x5f: {  	[tilespmem:$0x100C0] =	vst v2;
	v26 =	vmov s16  }
0x60: {  	[tilespmem:$0x100D0] =	vst v2  }
0x61: {  	[tilespmem:$0x100E0] =	vst v2  }
0x62: {  	[tilespmem:$0x100F0] =	vst v2;
	s18 =	simm.s32 $0x0  }
.LBB2_3:
0x63: {  	s19 =	sshra.s32 s18, $0x2  }
0x64: {  	v22 =	vld.idx.msk [tilespmem:v26+s19+$0xFFFFFF80 ss:$0x1], $0xffff;
	_ =	sdelay $0x4  }
0x65: {  	v22 =	vshrl.u32 v22, $0x18;
	_ =	sdelay $0x4  }
0x66: {  	[tilespmem:v22+s10+$0x0] =	vst.idx.add.s32.msk $0xffff, v3  }
0x67: {  	v22 =	vld.idx.msk [tilespmem:v26+s19+$0xFFFFFF90 ss:$0x1], $0xffff;
	_ =	sdelay $0x4  }
0x68: {  	v22 =	vshrl.u32 v22, $0x18;
	_ =	sdelay $0x4  }
0x69: {  	[tilespmem:v22+s10+$0x0] =	vst.idx.add.s32.msk $0xffff, v3  }
0x6a: {  	v22 =	vld.idx.msk [tilespmem:v26+s19+$0xFFFFFFA0 ss:$0x1], $0xffff;
	_ =	sdelay $0x4  }
0x6b: {  	v22 =	vshrl.u32 v22, $0x18;
	_ =	sdelay $0x4  }
0x6c: {  	[tilespmem:v22+s10+$0x0] =	vst.idx.add.s32.msk $0xffff, v3  }
0x6d: {  	v22 =	vld.idx.msk [tilespmem:v26+s19+$0xFFFFFFB0 ss:$0x1], $0xffff;
	_ =	sdelay $0x4  }
0x6e: {  	v22 =	vshrl.u32 v22, $0x18;
	_ =	sdelay $0x4  }
0x6f: {  	[tilespmem:v22+s10+$0x0] =	vst.idx.add.s32.msk $0xffff, v3  }
0x70: {  	v22 =	vld.idx.msk [tilespmem:v26+s19+$0xFFFFFFC0 ss:$0x1], $0xffff;
	_ =	sdelay $0x4  }
0x71: {  	v22 =	vshrl.u32 v22, $0x18;
	_ =	sdelay $0x4  }
0x72: {  	[tilespmem:v22+s10+$0x0] =	vst.idx.add.s32.msk $0xffff, v3  }
0x73: {  	v22 =	vld.idx.msk [tilespmem:v26+s19+$0xFFFFFFD0 ss:$0x1], $0xffff;
	_ =	sdelay $0x4  }
0x74: {  	v22 =	vshrl.u32 v22, $0x18;
	_ =	sdelay $0x4  }
0x75: {  	[tilespmem:v22+s10+$0x0] =	vst.idx.add.s32.msk $0xffff, v3  }
0x76: {  	v22 =	vld.idx.msk [tilespmem:v26+s19+$0xFFFFFFE0 ss:$0x1], $0xffff;
	_ =	sdelay $0x4  }
0x77: {  	v22 =	vshrl.u32 v22, $0x18;
	_ =	sdelay $0x4  }
0x78: {  	[tilespmem:v22+s10+$0x0] =	vst.idx.add.s32.msk $0xffff, v3  }
0x79: {  	v22 =	vld.idx.msk [tilespmem:v26+s19+$0xFFFFFFF0 ss:$0x1], $0xffff;
	_ =	sdelay $0x4  }
0x7a: {  	v22 =	vshrl.u32 v22, $0x18;
	_ =	sdelay $0x4  }
0x7b: {  	[tilespmem:v22+s10+$0x0] =	vst.idx.add.s32.msk $0xffff, v3  }
0x7c: {  	v22 =	vld.idx.msk [tilespmem:v26+s19+$0x0 ss:$0x1], $0xffff;
	_ =	sdelay $0x4  }
0x7d: {  	v22 =	vshrl.u32 v22, $0x18;
	_ =	sdelay $0x4  }
0x7e: {  	[tilespmem:v22+s10+$0x0] =	vst.idx.add.s32.msk $0xffff, v3  }
0x7f: {  	v22 =	vld.idx.msk [tilespmem:v26+s19+$0x10 ss:$0x1], $0xffff;
	_ =	sdelay $0x4  }
0x80: {  	v22 =	vshrl.u32 v22, $0x18;
	_ =	sdelay $0x4  }
0x81: {  	[tilespmem:v22+s10+$0x0] =	vst.idx.add.s32.msk $0xffff, v3  }
0x82: {  	v22 =	vld.idx.msk [tilespmem:v26+s19+$0x20 ss:$0x1], $0xffff;
	_ =	sdelay $0x4  }
0x83: {  	v22 =	vshrl.u32 v22, $0x18;
	_ =	sdelay $0x4  }
0x84: {  	[tilespmem:v22+s10+$0x0] =	vst.idx.add.s32.msk $0xffff, v3  }
0x85: {  	v22 =	vld.idx.msk [tilespmem:v26+s19+$0x30 ss:$0x1], $0xffff;
	_ =	sdelay $0x4  }
0x86: {  	v22 =	vshrl.u32 v22, $0x18;
	_ =	sdelay $0x4  }
0x87: {  	[tilespmem:v22+s10+$0x0] =	vst.idx.add.s32.msk $0xffff, v3  }
0x88: {  	v22 =	vld.idx.msk [tilespmem:v26+s19+$0x40 ss:$0x1], $0xffff;
	_ =	sdelay $0x4  }
0x89: {  	v22 =	vshrl.u32 v22, $0x18;
	_ =	sdelay $0x4  }
0x8a: {  	[tilespmem:v22+s10+$0x0] =	vst.idx.add.s32.msk $0xffff, v3  }
0x8b: {  	v22 =	vld.idx.msk [tilespmem:v26+s19+$0x50 ss:$0x1], $0xffff;
	_ =	sdelay $0x4  }
0x8c: {  	v22 =	vshrl.u32 v22, $0x18;
	_ =	sdelay $0x4  }
0x8d: {  	[tilespmem:v22+s10+$0x0] =	vst.idx.add.s32.msk $0xffff, v3  }
0x8e: {  	v22 =	vld.idx.msk [tilespmem:v26+s19+$0x60 ss:$0x1], $0xffff;
	_ =	sdelay $0x4  }
0x8f: {  	v22 =	vshrl.u32 v22, $0x18;
	_ =	sdelay $0x4  }
0x90: {  	[tilespmem:v22+s10+$0x0] =	vst.idx.add.s32.msk $0xffff, v3  }
0x91: {  	v22 =	vld.idx.msk [tilespmem:v26+s19+$0x70 ss:$0x1], $0xffff;
	_ =	sdelay $0x4  }
0x92: {  	p0 =	sne.s32 s18, $0x1C00;
	v22 =	vshrl.u32 v22, $0x18  }
.Ltmp4:
0x93: {  	_ = 	snop;
	(pc) =	sbr.rel @p0 .LBB2_3-.Ltmp4, $2  }
0x94: {  	_ =	sdelay $0x2  }
0x95: {  	s18 =	sadd.s32 $0x400, s18;
	[tilespmem:v22+s10+$0x0] =	vst.idx.add.s32.msk $0xffff, v3  }
0x96: {  	_ =	sdelay $0x3  }
0x97: {  	v22 =	vld.idx.msk [tilespmem:v1+s10+$0x0], $0xffff  }
0x98: {  	v23 =	vld.idx.msk [tilespmem:v4+s10+$0x0], $0xffff  }
0x99: {  	v24 =	vld.idx.msk [tilespmem:v5+s10+$0x0], $0xffff  }
0x9a: {  	v25 =	vld.idx.msk [tilespmem:v6+s10+$0x0], $0xffff  }
0x9b: {  	v27 =	vld.idx.msk [tilespmem:v7+s10+$0x0], $0xffff  }
0x9c: {  	v28 =	vld.idx.msk [tilespmem:v8+s10+$0x0], $0xffff  }
0x9d: {  	v22 =	vadd.s32 v22, v23;
	v23 =	vld.idx.msk [tilespmem:v9+s10+$0x0], $0xffff  }
0x9e: {  	v22 =	vadd.s32 v24, v22;
	v24 =	vld.idx.msk [tilespmem:v10+s10+$0x0], $0xffff  }
0x9f: {  	v22 =	vadd.s32 v25, v22;
	v25 =	vld.idx.msk [tilespmem:v11+s10+$0x0], $0xffff  }
0xa0: {  	v22 =	vadd.s32 v27, v22;
	v27 =	vld.idx.msk [tilespmem:v12+s10+$0x0], $0xffff  }
0xa1: {  	v22 =	vadd.s32 v28, v22;
	v28 =	vld.idx.msk [tilespmem:v13+s10+$0x0], $0xffff  }
0xa2: {  	v22 =	vadd.s32 v23, v22;
	v23 =	vld.idx.msk [tilespmem:v14+s10+$0x0], $0xffff  }
0xa3: {  	v22 =	vadd.s32 v24, v22;
	v24 =	vld.idx.msk [tilespmem:v15+s10+$0x0], $0xffff  }
0xa4: {  	v22 =	vadd.s32 v25, v22;
	v25 =	vld.idx.msk [tilespmem:v16+s10+$0x0], $0xffff  }
0xa5: {  	v22 =	vadd.s32 v27, v22;
	v27 =	vld.idx.msk [tilespmem:v17+s10+$0x0], $0xffff  }
0xa6: {  	v22 =	vadd.s32 v28, v22;
	v28 =	vld.idx.msk [tilespmem:v18+s10+$0x0], $0xffff  }
0xa7: {  	v22 =	vadd.s32 v23, v22  }
0xa8: {  	v22 =	vadd.s32 v24, v22  }
0xa9: {  	v22 =	vadd.s32 v25, v22  }
0xaa: {  	v22 =	vadd.s32 v27, v22  }
0xab: {  	v22 =	vadd.s32 v28, v22  }
0xac: {  	v22 =	vperm.xlane v22, v19;
	_ =	sdelay $0x1  }
0xad: {  	(xrf0) =	vadd.scan.msk.s32 $0xffff, v22;
	_ =	sdelay $0x5  }
0xae: {  	v22, _, _ =	vpop (xrf0)  }
0xaf: {  	v22 =	vperm.xlane v22, v19;
	_ =	sdelay $0x1  }
0xb0: {  	vm0 =	vge.s32 v22, v21  }
0xb1: {  	v23 =	vmpcnt.ones.xlane vm0;
	_ =	sdelay $0x1  }
0xb2: {  	v25 =	vshll.u32 v23, $0x4  }
0xb3: {  	v24 =	vadd.s32 v20, v25;
	_ =	sdelay $0x3  }
0xb4: {  	[tilespmem:$0x10100] =	vst v22  }
0xb5: {  	v22 =	vld.idx.msk [tilespmem:v24+s10+$0x0], $0xffff;
	_ =	sdelay $0x2  }
0xb6: {  	vm0 =	vgt.s32 v23, $0xF  }
0xb7: {  	v23 =	vsel vm0, $0xF, v23  }
0xb8: {  	v22 =	vperm.xlane v22, v19;
	_ =	sdelay $0x1  }
0xb9: {  	(xrf0) =	vadd.scan.msk.s32 $0xffff, v22;
	_ =	sdelay $0x1  }
0xba: {  	v22 =	vld.idx.msk [tilespmem:v23+s11+$0x0], $0xffff;
	_ =	sdelay $0x3  }
0xbb: {  	v23, _, _ =	vpop (xrf0)  }
0xbc: {  	v22 =	vsel vm0, $0x0, v22;
	v27 =	vperm.xlane v23, v19  }
0xbd: {  	v23 =	vsub.s32 v21, v22  }
0xbe: {  	vm15 =	vge.s32 v27, v23  }
0xbf: {  	v24 =	vmpcnt.ones.xlane vm15;
	_ =	sdelay $0x1  }
0xc0: {  	vm0 =	vlt.s32 v24, $0xF  }
0xc1: {  	v22 =	vnsel vm0, $0xF, v24;
	_ =	sdelay $0x3  }
0xc2: {  	[tilespmem:$0x10100] =	vst v27;
	v28 =	vadd.s32 v24, v25  }
0xc3: {  	s18 =	simm.s32 $0x0;
	v27 =	vimm.s32 $0x0;
	v25 =	vld.idx.msk [tilespmem:v22+s11+$0x0], $0xffff;
	v22 =	vadd.s32 $0xFFFFFFEF, v28  }
.LBB2_5:
0xc4: {  	s19 =	sshra.s32 s18, $0x2  }
0xc5: {  	v28 =	vld.idx.msk [tilespmem:v26+s19+$0xFFFFFF80 ss:$0x1], $0xffff;
	_ =	sdelay $0x4  }
0xc6: {  	v29 =	vshrl.u32 v28, $0x18  }
0xc7: {  	vm0 =	veq.s32 v29, v22  }
0xc8: {  	v29 =	vsel vm0, $0x1, v2  }
0xc9: {  	(xrf0) =	vadd.scan.msk.s32 $0xffff, v29;
	_ =	sdelay $0x5  }
0xca: {  	v29, _, _ =	vpop (xrf0)  }
0xcb: {  	v29 =	vadd.s32 v29, v27  }
0xcc: {  	v29 =	vadd.s32 $0xFFFFFFFF, v29;
	_ =	sdelay $0x4  }
0xcd: {  	[tilespmem:v29+s12+$0x0] =	vst.idx.msk vm0, v28  }
0xce: {  	v28 =	vld.idx.msk [tilespmem:v26+s19+$0xFFFFFF90 ss:$0x1], $0xffff;
	_ =	sdelay $0x4  }
0xcf: {  	v29 =	vshrl.u32 v28, $0x18  }
0xd0: {  	vm1 =	veq.s32 v29, v22  }
0xd1: {  	v29 =	vsel vm1, $0x1, v2  }
0xd2: {  	(xrf0) =	vadd.scan.msk.s32 $0xffff, v29;
	_ =	sdelay $0x1  }
0xd3: {  	v29 =	vmpcnt.ones.xlane vm0;
	_ =	sdelay $0x3  }
0xd4: {  	v27 =	vadd.s32 v27, v29;
	v29, _, _ =	vpop (xrf0)  }
0xd5: {  	v29 =	vadd.s32 v29, v27  }
0xd6: {  	v29 =	vadd.s32 $0xFFFFFFFF, v29;
	_ =	sdelay $0x4  }
0xd7: {  	[tilespmem:v29+s12+$0x0] =	vst.idx.msk vm1, v28  }
0xd8: {  	v28 =	vld.idx.msk [tilespmem:v26+s19+$0xFFFFFFA0 ss:$0x1], $0xffff;
	_ =	sdelay $0x4  }
0xd9: {  	v29 =	vshrl.u32 v28, $0x18  }
0xda: {  	vm14 =	veq.s32 v29, v22  }
0xdb: {  	v29 =	vsel vm14, $0x1, v2  }
0xdc: {  	(xrf0) =	vadd.scan.msk.s32 $0xffff, v29;
	_ =	sdelay $0x1  }
0xdd: {  	v29 =	vmpcnt.ones.xlane vm1;
	_ =	sdelay $0x3  }
0xde: {  	v27 =	vadd.s32 v27, v29;
	v29, _, _ =	vpop (xrf0)  }
0xdf: {  	v29 =	vadd.s32 v29, v27  }
0xe0: {  	v29 =	vadd.s32 $0xFFFFFFFF, v29;
	_ =	sdelay $0x4  }
0xe1: {  	[tilespmem:v29+s12+$0x0] =	vst.idx.msk vm14, v28  }
0xe2: {  	v28 =	vld.idx.msk [tilespmem:v26+s19+$0xFFFFFFB0 ss:$0x1], $0xffff;
	_ =	sdelay $0x4  }
0xe3: {  	v29 =	vshrl.u32 v28, $0x18  }
0xe4: {  	vm15 =	veq.s32 v29, v22  }
0xe5: {  	v29 =	vsel vm15, $0x1, v2  }
0xe6: {  	(xrf0) =	vadd.scan.msk.s32 $0xffff, v29;
	_ =	sdelay $0x1  }
0xe7: {  	v29 =	vmpcnt.ones.xlane vm14;
	_ =	sdelay $0x3  }
0xe8: {  	v27 =	vadd.s32 v27, v29;
	v29, _, _ =	vpop (xrf0)  }
0xe9: {  	v29 =	vadd.s32 v29, v27  }
0xea: {  	v29 =	vadd.s32 $0xFFFFFFFF, v29;
	_ =	sdelay $0x4  }
0xeb: {  	[tilespmem:v29+s12+$0x0] =	vst.idx.msk vm15, v28  }
0xec: {  	v28 =	vld.idx.msk [tilespmem:v26+s19+$0xFFFFFFC0 ss:$0x1], $0xffff;
	_ =	sdelay $0x4  }
0xed: {  	v29 =	vshrl.u32 v28, $0x18  }
0xee: {  	vm4 =	veq.s32 v29, v22  }
0xef: {  	v29 =	vsel vm4, $0x1, v2  }
0xf0: {  	(xrf0) =	vadd.scan.msk.s32 $0xffff, v29;
	_ =	sdelay $0x1  }
0xf1: {  	v29 =	vmpcnt.ones.xlane vm15;
	_ =	sdelay $0x3  }
0xf2: {  	v27 =	vadd.s32 v27, v29;
	v29, _, _ =	vpop (xrf0)  }
0xf3: {  	v29 =	vadd.s32 v29, v27  }
0xf4: {  	v29 =	vadd.s32 $0xFFFFFFFF, v29;
	_ =	sdelay $0x4  }
0xf5: {  	[tilespmem:v29+s12+$0x0] =	vst.idx.msk vm4, v28  }
0xf6: {  	v28 =	vld.idx.msk [tilespmem:v26+s19+$0xFFFFFFD0 ss:$0x1], $0xffff;
	_ =	sdelay $0x4  }
0xf7: {  	v29 =	vshrl.u32 v28, $0x18  }
0xf8: {  	vm5 =	veq.s32 v29, v22  }
0xf9: {  	v29 =	vsel vm5, $0x1, v2  }
0xfa: {  	(xrf0) =	vadd.scan.msk.s32 $0xffff, v29;
	_ =	sdelay $0x1  }
0xfb: {  	v29 =	vmpcnt.ones.xlane vm4;
	_ =	sdelay $0x3  }
0xfc: {  	v27 =	vadd.s32 v27, v29;
	v29, _, _ =	vpop (xrf0)  }
0xfd: {  	v29 =	vadd.s32 v29, v27  }
0xfe: {  	v29 =	vadd.s32 $0xFFFFFFFF, v29;
	_ =	sdelay $0x4  }
0xff: {  	[tilespmem:v29+s12+$0x0] =	vst.idx.msk vm5, v28  }
0x100: {  	v28 =	vld.idx.msk [tilespmem:v26+s19+$0xFFFFFFE0 ss:$0x1], $0xffff;
	_ =	sdelay $0x4  }
0x101: {  	v29 =	vshrl.u32 v28, $0x18  }
0x102: {  	vm6 =	veq.s32 v29, v22  }
0x103: {  	v29 =	vsel vm6, $0x1, v2  }
0x104: {  	(xrf0) =	vadd.scan.msk.s32 $0xffff, v29;
	_ =	sdelay $0x1  }
0x105: {  	v29 =	vmpcnt.ones.xlane vm5;
	_ =	sdelay $0x3  }
0x106: {  	v27 =	vadd.s32 v27, v29;
	v29, _, _ =	vpop (xrf0)  }
0x107: {  	v29 =	vadd.s32 v29, v27  }
0x108: {  	v29 =	vadd.s32 $0xFFFFFFFF, v29;
	_ =	sdelay $0x4  }
0x109: {  	[tilespmem:v29+s12+$0x0] =	vst.idx.msk vm6, v28  }
0x10a: {  	v28 =	vld.idx.msk [tilespmem:v26+s19+$0xFFFFFFF0 ss:$0x1], $0xffff;
	_ =	sdelay $0x4  }
0x10b: {  	v29 =	vshrl.u32 v28, $0x18  }
0x10c: {  	vm7 =	veq.s32 v29, v22  }
0x10d: {  	v29 =	vsel vm7, $0x1, v2  }
0x10e: {  	(xrf0) =	vadd.scan.msk.s32 $0xffff, v29;
	_ =	sdelay $0x1  }
0x10f: {  	v29 =	vmpcnt.ones.xlane vm6;
	_ =	sdelay $0x3  }
0x110: {  	v27 =	vadd.s32 v27, v29;
	v29, _, _ =	vpop (xrf0)  }
0x111: {  	v29 =	vadd.s32 v29, v27  }
0x112: {  	v29 =	vadd.s32 $0xFFFFFFFF, v29;
	_ =	sdelay $0x4  }
0x113: {  	[tilespmem:v29+s12+$0x0] =	vst.idx.msk vm7, v28  }
0x114: {  	v28 =	vld.idx.msk [tilespmem:v26+s19+$0x0 ss:$0x1], $0xffff;
	_ =	sdelay $0x4  }
0x115: {  	v29 =	vshrl.u32 v28, $0x18  }
0x116: {  	vm8 =	veq.s32 v29, v22  }
0x117: {  	v29 =	vsel vm8, $0x1, v2  }
0x118: {  	(xrf0) =	vadd.scan.msk.s32 $0xffff, v29;
	_ =	sdelay $0x1  }
0x119: {  	v29 =	vmpcnt.ones.xlane vm7;
	_ =	sdelay $0x3  }
0x11a: {  	v27 =	vadd.s32 v27, v29;
	v29, _, _ =	vpop (xrf0)  }
0x11b: {  	v29 =	vadd.s32 v29, v27  }
0x11c: {  	v29 =	vadd.s32 $0xFFFFFFFF, v29;
	_ =	sdelay $0x4  }
0x11d: {  	[tilespmem:v29+s12+$0x0] =	vst.idx.msk vm8, v28  }
0x11e: {  	v28 =	vld.idx.msk [tilespmem:v26+s19+$0x10 ss:$0x1], $0xffff;
	_ =	sdelay $0x4  }
0x11f: {  	v29 =	vshrl.u32 v28, $0x18  }
0x120: {  	vm9 =	veq.s32 v29, v22  }
0x121: {  	v29 =	vsel vm9, $0x1, v2  }
0x122: {  	(xrf0) =	vadd.scan.msk.s32 $0xffff, v29;
	_ =	sdelay $0x1  }
0x123: {  	v29 =	vmpcnt.ones.xlane vm8;
	_ =	sdelay $0x3  }
0x124: {  	v27 =	vadd.s32 v27, v29;
	v29, _, _ =	vpop (xrf0)  }
0x125: {  	v29 =	vadd.s32 v29, v27  }
0x126: {  	v29 =	vadd.s32 $0xFFFFFFFF, v29;
	_ =	sdelay $0x4  }
0x127: {  	[tilespmem:v29+s12+$0x0] =	vst.idx.msk vm9, v28  }
0x128: {  	v28 =	vld.idx.msk [tilespmem:v26+s19+$0x20 ss:$0x1], $0xffff;
	_ =	sdelay $0x4  }
0x129: {  	v29 =	vshrl.u32 v28, $0x18  }
0x12a: {  	vm10 =	veq.s32 v29, v22  }
0x12b: {  	v29 =	vsel vm10, $0x1, v2  }
0x12c: {  	(xrf0) =	vadd.scan.msk.s32 $0xffff, v29;
	_ =	sdelay $0x1  }
0x12d: {  	v29 =	vmpcnt.ones.xlane vm9;
	_ =	sdelay $0x3  }
0x12e: {  	v27 =	vadd.s32 v27, v29;
	v29, _, _ =	vpop (xrf0)  }
0x12f: {  	v29 =	vadd.s32 v29, v27  }
0x130: {  	v29 =	vadd.s32 $0xFFFFFFFF, v29;
	_ =	sdelay $0x4  }
0x131: {  	[tilespmem:v29+s12+$0x0] =	vst.idx.msk vm10, v28  }
0x132: {  	v28 =	vld.idx.msk [tilespmem:v26+s19+$0x30 ss:$0x1], $0xffff;
	_ =	sdelay $0x4  }
0x133: {  	v29 =	vshrl.u32 v28, $0x18  }
0x134: {  	vm11 =	veq.s32 v29, v22  }
0x135: {  	v29 =	vsel vm11, $0x1, v2  }
0x136: {  	(xrf0) =	vadd.scan.msk.s32 $0xffff, v29;
	_ =	sdelay $0x1  }
0x137: {  	v29 =	vmpcnt.ones.xlane vm10;
	_ =	sdelay $0x3  }
0x138: {  	v27 =	vadd.s32 v27, v29;
	v29, _, _ =	vpop (xrf0)  }
0x139: {  	v29 =	vadd.s32 v29, v27  }
0x13a: {  	v29 =	vadd.s32 $0xFFFFFFFF, v29;
	_ =	sdelay $0x4  }
0x13b: {  	[tilespmem:v29+s12+$0x0] =	vst.idx.msk vm11, v28  }
0x13c: {  	v28 =	vld.idx.msk [tilespmem:v26+s19+$0x40 ss:$0x1], $0xffff;
	_ =	sdelay $0x4  }
0x13d: {  	v29 =	vshrl.u32 v28, $0x18  }
0x13e: {  	vm12 =	veq.s32 v29, v22  }
0x13f: {  	v29 =	vsel vm12, $0x1, v2  }
0x140: {  	(xrf0) =	vadd.scan.msk.s32 $0xffff, v29;
	_ =	sdelay $0x1  }
0x141: {  	v29 =	vmpcnt.ones.xlane vm11;
	_ =	sdelay $0x3  }
0x142: {  	v27 =	vadd.s32 v27, v29;
	v29, _, _ =	vpop (xrf0)  }
0x143: {  	v29 =	vadd.s32 v29, v27  }
0x144: {  	v29 =	vadd.s32 $0xFFFFFFFF, v29;
	_ =	sdelay $0x4  }
0x145: {  	[tilespmem:v29+s12+$0x0] =	vst.idx.msk vm12, v28  }
0x146: {  	v28 =	vld.idx.msk [tilespmem:v26+s19+$0x50 ss:$0x1], $0xffff;
	_ =	sdelay $0x4  }
0x147: {  	v29 =	vshrl.u32 v28, $0x18  }
0x148: {  	vm13 =	veq.s32 v29, v22  }
0x149: {  	v29 =	vsel vm13, $0x1, v2  }
0x14a: {  	(xrf0) =	vadd.scan.msk.s32 $0xffff, v29;
	_ =	sdelay $0x1  }
0x14b: {  	v29 =	vmpcnt.ones.xlane vm12;
	_ =	sdelay $0x3  }
0x14c: {  	v27 =	vadd.s32 v27, v29;
	v29, _, _ =	vpop (xrf0)  }
0x14d: {  	v29 =	vadd.s32 v29, v27  }
0x14e: {  	v29 =	vadd.s32 $0xFFFFFFFF, v29;
	_ =	sdelay $0x4  }
0x14f: {  	[tilespmem:v29+s12+$0x0] =	vst.idx.msk vm13, v28  }
0x150: {  	v28 =	vld.idx.msk [tilespmem:v26+s19+$0x60 ss:$0x1], $0xffff;
	_ =	sdelay $0x4  }
0x151: {  	v29 =	vshrl.u32 v28, $0x18  }
0x152: {  	vm14 =	veq.s32 v29, v22  }
0x153: {  	v29 =	vsel vm14, $0x1, v2  }
0x154: {  	(xrf0) =	vadd.scan.msk.s32 $0xffff, v29;
	_ =	sdelay $0x1  }
0x155: {  	v29 =	vmpcnt.ones.xlane vm13;
	_ =	sdelay $0x3  }
0x156: {  	v27 =	vadd.s32 v27, v29;
	v29, _, _ =	vpop (xrf0)  }
0x157: {  	v29 =	vadd.s32 v29, v27  }
0x158: {  	v29 =	vadd.s32 $0xFFFFFFFF, v29;
	_ =	sdelay $0x4  }
0x159: {  	[tilespmem:v29+s12+$0x0] =	vst.idx.msk vm14, v28  }
0x15a: {  	v28 =	vld.idx.msk [tilespmem:v26+s19+$0x70 ss:$0x1], $0xffff;
	_ =	sdelay $0x4  }
0x15b: {  	v29 =	vshrl.u32 v28, $0x18  }
0x15c: {  	vm15 =	veq.s32 v29, v22  }
0x15d: {  	v29 =	vsel vm15, $0x1, v2  }
0x15e: {  	(xrf0) =	vadd.scan.msk.s32 $0xffff, v29;
	_ =	sdelay $0x1  }
0x15f: {  	v29 =	vmpcnt.ones.xlane vm14;
	_ =	sdelay $0x3  }
0x160: {  	v27 =	vadd.s32 v27, v29;
	v29, _, _ =	vpop (xrf0)  }
0x161: {  	v29 =	vadd.s32 v29, v27  }
0x162: {  	p0 =	sne.s32 s18, $0x1C00;
	v29 =	vadd.s32 $0xFFFFFFFF, v29  }
.Ltmp5:
0x163: {  	_ = 	snop;
	(pc) =	sbr.rel @p0 .LBB2_5-.Ltmp5, $3  }
0x164: {  	_ = 	snop  }
0x165: {  	v30 =	vmpcnt.ones.xlane vm15;
	_ =	sdelay $0x1  }
0x166: {  	s18 =	sadd.s32 $0x400, s18;
	v27 =	vadd.s32 v27, v30;
	[tilespmem:v29+s12+$0x0] =	vst.idx.msk vm15, v28  }
0x167: {  	(v2sf) =	vpush v27, $0x0;
	_ =	sdelay $0x7  }
0x168: {  	[tilespmem:$0x10000] =	vst v2  }
0x169: {  	[tilespmem:$0x10010] =	vst v2  }
0x16a: {  	[tilespmem:$0x10020] =	vst v2  }
0x16b: {  	[tilespmem:$0x10030] =	vst v2  }
0x16c: {  	[tilespmem:$0x10040] =	vst v2  }
0x16d: {  	[tilespmem:$0x10050] =	vst v2  }
0x16e: {  	[tilespmem:$0x10060] =	vst v2  }
0x16f: {  	[tilespmem:$0x10070] =	vst v2;
	s18 =	spop (v2sf)  }
0x170: {  	[tilespmem:$0x10080] =	vst v2;
	s18 =	sadd.s32 $0xF, s18  }
0x171: {  	[tilespmem:$0x10090] =	vst v2;
	s18 =	sshra.s32 s18, $0x4  }
0x172: {  	[tilespmem:$0x100A0] =	vst v2;
	p0 =	slt.s32 s18, $0x1  }
.Ltmp6:
0x173: {  	[tilespmem:$0x100B0] =	vst v2;
	(pc) =	sbr.rel @p0 .LBB2_13-.Ltmp6, $4  }
0x174: {  	[tilespmem:$0x100C0] =	vst v2  }
0x175: {  	[tilespmem:$0x100D0] =	vst v2  }
0x176: {  	[tilespmem:$0x100E0] =	vst v2  }
0x177: {  	v26 =	vbroadcast v27, $0x0;
	[tilespmem:$0x100F0] =	vst v2  }
0x178: {  	p2 =	sne.s32 s18, $0x1  }
.Ltmp7:
0x179: {  	_ = 	snop;
	(pc) =	sbr.rel @!p2 .LBB2_8-.Ltmp7, $3  }
0x17a: {  	_ =	sdelay $0x1  }
0x17b: {  	s20 =	simm.s32 $0x10280  }
0x17c: {  	s19 =	simm.s32 $0x0;
	p1 =	por $0x0, $0x0;
	v27 =	vld [tilespmem:s20+$0x0];
	s20 =	sadd.s32 $0xFFFFFFFF, s18  }
0x17d: {  	_ =	sdelay $0x2  }
0x17e: {  	v28 =	vor.u32 s19, v0  }
0x17f: {  	vm0 =	vlt.s32 v28, v26;
	v27 =	vshrl.u32 v27, $0x10  }
0x180: {  	v27 =	vand.u32 $0xFF, v27  }
0x181: {  	p2 =	sne.s32 s20, $0x1  }
.Ltmp8:
0x182: {  	_ = 	snop;
	(pc) =	sbr.rel @!p2 .LBB2_10-.Ltmp8, $3  }
0x183: {  	_ =	sdelay $0x1  }
0x184: {  	s21 =	simm.s32 $0x10290;
	[tilespmem:v27+s10+$0x0] =	vst.idx.add.s32.msk vm0, v3  }
0x185: {  	s22 =	sadd.s32 $0xFFFFFFFF, s20;
	p1 =	por $0x1, $0x1;
	s20 =	simm.s32 $0x0;
	v27 =	vld [tilespmem:s21+$0x0]  }
.LBB2_11:
0x186: {  	p2 =	sne.s32 s22, $0x1;
	_ =	sdelay $0x1  }
0x187: {  	s20 =	sadd.s32 $0x10, s20  }
0x188: {  	v28 =	vor.u32 s20, v0  }
0x189: {  	vm0 =	vlt.s32 v28, v26;
	v27 =	vshrl.u32 v27, $0x10  }
0x18a: {  	v27 =	vand.u32 $0xFF, v27;
	_ =	sdelay $0x1  }
.Ltmp9:
0x18b: {  	(pc) =	sbr.rel @p2 .LBB2_11-.Ltmp9, $3  }
0x18c: {  	_ =	sdelay $0x1  }
0x18d: {  	s21 =	sadd.s32 $0x10, s21;
	[tilespmem:v27+s10+$0x0] =	vst.idx.add.s32.msk vm0, v3  }
0x18e: {  	s22 =	sadd.s32 $0xFFFFFFFF, s22;
	v27 =	vld [tilespmem:s21+$0x0]  }
.LBB2_12:
0x18f: {  	_ = 	snop  }
0x190: {  	s20 =	sadd.s32 @p1 $0x10, s20  }
0x191: {  	s19 =	smov.u32 @p1 s20  }
0x192: {  	v28 =	vor.u32 s19, v0  }
0x193: {  	vm0 =	vlt.s32 v28, v26;
	v27 =	vshrl.u32 v27, $0x10  }
0x194: {  	v27 =	vand.u32 $0xFF, v27;
	_ =	sdelay $0x4  }
0x195: {  	[tilespmem:v27+s10+$0x0] =	vst.idx.add.s32.msk vm0, v3  }
.LBB2_13:
0x196: {  	_ =	sdelay $0x3  }
0x197: {  	v27 =	vld.idx.msk [tilespmem:v1+s10+$0x0], $0xffff  }
0x198: {  	v28 =	vld.idx.msk [tilespmem:v4+s10+$0x0], $0xffff  }
0x199: {  	v29 =	vld.idx.msk [tilespmem:v5+s10+$0x0], $0xffff  }
0x19a: {  	v30 =	vld.idx.msk [tilespmem:v6+s10+$0x0], $0xffff  }
0x19b: {  	v31 =	vld.idx.msk [tilespmem:v7+s10+$0x0], $0xffff  }
0x19c: {  	v32 =	vld.idx.msk [tilespmem:v8+s10+$0x0], $0xffff  }
0x19d: {  	v27 =	vadd.s32 v27, v28;
	v28 =	vld.idx.msk [tilespmem:v9+s10+$0x0], $0xffff  }
0x19e: {  	v27 =	vadd.s32 v29, v27;
	v29 =	vld.idx.msk [tilespmem:v10+s10+$0x0], $0xffff  }
0x19f: {  	v27 =	vadd.s32 v30, v27;
	v30 =	vld.idx.msk [tilespmem:v11+s10+$0x0], $0xffff  }
0x1a0: {  	v27 =	vadd.s32 v31, v27;
	v31 =	vld.idx.msk [tilespmem:v12+s10+$0x0], $0xffff  }
0x1a1: {  	v62 =	vld.idx.msk [tilespmem:v13+s10+$0x0], $0xffff;
	v27 =	vadd.s32 v32, v27  }
0x1a2: {  	v27 =	vadd.s32 v28, v27;
	v28 =	vld.idx.msk [tilespmem:v14+s10+$0x0], $0xffff  }
0x1a3: {  	v27 =	vadd.s32 v29, v27;
	v29 =	vld.idx.msk [tilespmem:v15+s10+$0x0], $0xffff  }
0x1a4: {  	v27 =	vadd.s32 v30, v27;
	v30 =	vld.idx.msk [tilespmem:v16+s10+$0x0], $0xffff  }
0x1a5: {  	v27 =	vadd.s32 v31, v27;
	v31 =	vld.idx.msk [tilespmem:v17+s10+$0x0], $0xffff  }
0x1a6: {  	v63 =	vld.idx.msk [tilespmem:v18+s10+$0x0], $0xffff;
	v27 =	vadd.s32 v62, v27  }
0x1a7: {  	v27 =	vadd.s32 v28, v27  }
0x1a8: {  	v27 =	vadd.s32 v29, v27  }
0x1a9: {  	v27 =	vadd.s32 v30, v27  }
0x1aa: {  	v27 =	vadd.s32 v31, v27  }
0x1ab: {  	v27 =	vadd.s32 v63, v27  }
0x1ac: {  	v27 =	vperm.xlane v27, v19;
	_ =	sdelay $0x1  }
0x1ad: {  	(xrf0) =	vadd.scan.msk.s32 $0xffff, v27;
	_ =	sdelay $0x5  }
0x1ae: {  	vm0 =	vgt.s32 v24, $0xF;
	v24, _, _ =	vpop (xrf0)  }
0x1af: {  	v25 =	vsel vm0, $0x0, v25;
	v24 =	vperm.xlane v24, v19  }
0x1b0: {  	v23 =	vsub.s32 v23, v25  }
0x1b1: {  	vm0 =	vge.s32 v24, v23  }
0x1b2: {  	v25 =	vmpcnt.ones.xlane vm0;
	_ =	sdelay $0x1  }
0x1b3: {  	v27 =	vshll.u32 v25, $0x4  }
0x1b4: {  	v28 =	vadd.s32 v20, v27;
	_ =	sdelay $0x3  }
0x1b5: {  	[tilespmem:$0x10100] =	vst v24  }
0x1b6: {  	v24 =	vld.idx.msk [tilespmem:v28+s10+$0x0], $0xffff;
	_ =	sdelay $0x2  }
0x1b7: {  	vm0 =	vgt.s32 v25, $0xF  }
0x1b8: {  	v25 =	vsel vm0, $0xF, v25  }
0x1b9: {  	v24 =	vperm.xlane v24, v19;
	_ =	sdelay $0x1  }
0x1ba: {  	(xrf0) =	vadd.scan.msk.s32 $0xffff, v24;
	_ =	sdelay $0x1  }
0x1bb: {  	v24 =	vld.idx.msk [tilespmem:v25+s11+$0x0], $0xffff;
	_ =	sdelay $0x3  }
0x1bc: {  	v25, _, _ =	vpop (xrf0)  }
0x1bd: {  	v24 =	vsel vm0, $0x0, v24;
	v25 =	vperm.xlane v25, v19  }
0x1be: {  	v24 =	vsub.s32 v23, v24  }
0x1bf: {  	vm0 =	vge.s32 v25, v24  }
0x1c0: {  	v23 =	vmpcnt.ones.xlane vm0;
	_ =	sdelay $0x1  }
0x1c1: {  	vm0 =	vgt.s32 v23, $0xF  }
0x1c2: {  	v29 =	vsel vm0, $0xF, v23  }
.Ltmp10:
0x1c3: {  	_ = 	snop;
	(pc) =	sbr.rel @p0 .LBB2_21-.Ltmp10, $3  }
0x1c4: {  	_ =	sdelay $0x1  }
0x1c5: {  	[tilespmem:$0x10100] =	vst v25;
	v23 =	vadd.s32 v23, v27  }
0x1c6: {  	v28 =	vimm.s32 $0x0;
	v23 =	vadd.s32 $0xFFFFFFEF, v23;
	v25 =	vld.idx.msk [tilespmem:v29+s11+$0x0], $0xffff  }
0x1c7: {  	p1 =	sne.s32 s18, $0x1  }
.Ltmp11:
0x1c8: {  	_ = 	snop;
	(pc) =	sbr.rel @!p1 .LBB2_15-.Ltmp11, $3  }
0x1c9: {  	_ =	sdelay $0x1  }
0x1ca: {  	s20 =	simm.s32 $0x10280  }
0x1cb: {  	s19 =	simm.s32 $0x0;
	s18 =	sadd.s32 $0xFFFFFFFF, s18;
	p0 =	por $0x0, $0x0;
	v27 =	vld [tilespmem:s20+$0x0]  }
0x1cc: {  	_ =	sdelay $0x3  }
0x1cd: {  	v29 =	vshrl.u32 v27, $0x10  }
0x1ce: {  	v30 =	vor.u32 s19, v0;
	v29 =	vand.u32 $0xFF, v29  }
0x1cf: {  	vm1 =	vlt.s32 v30, v26;
	vm2 =	veq.s32 v29, v23  }
0x1d0: {  	vm1 =	vmand vm1, vm2  }
0x1d1: {  	v29 =	vsel vm1, $0x1, v2  }
0x1d2: {  	(xrf0) =	vadd.scan.msk.s32 $0xffff, v29;
	_ =	sdelay $0x5  }
0x1d3: {  	v29, _, _ =	vpop (xrf0)  }
0x1d4: {  	v29 =	vadd.s32 v29, v28  }
0x1d5: {  	v29 =	vadd.s32 $0xFFFFFFFF, v29  }
0x1d6: {  	p1 =	sne.s32 s18, $0x1  }
.Ltmp12:
0x1d7: {  	_ = 	snop;
	(pc) =	sbr.rel @!p1 .LBB2_17-.Ltmp12, $3  }
0x1d8: {  	v30 =	vmpcnt.ones.xlane vm1;
	_ =	sdelay $0x1  }
0x1d9: {  	s20 =	simm.s32 $0x10290;
	v30 =	vadd.s32 v28, v30;
	[tilespmem:v29+s13+$0x0] =	vst.idx.msk vm1, v27  }
0x1da: {  	s21 =	sadd.s32 $0xFFFFFFFF, s18;
	p0 =	por $0x1, $0x1;
	s18 =	simm.s32 $0x0;
	v29 =	vmov v30;
	v27 =	vld [tilespmem:s20+$0x0]  }
.LBB2_18:
0x1db: {  	p1 =	sne.s32 s21, $0x1;
	_ =	sdelay $0x3  }
0x1dc: {  	s18 =	sadd.s32 $0x10, s18;
	v28 =	vshrl.u32 v27, $0x10  }
0x1dd: {  	v31 =	vor.u32 s18, v0;
	v28 =	vand.u32 $0xFF, v28  }
0x1de: {  	vm1 =	vlt.s32 v31, v26;
	vm2 =	veq.s32 v28, v23  }
0x1df: {  	vm1 =	vmand vm1, vm2  }
0x1e0: {  	v28 =	vsel vm1, $0x1, v2;
	v31 =	vmpcnt.ones.xlane vm1  }
0x1e1: {  	(xrf0) =	vadd.scan.msk.s32 $0xffff, v28  }
0x1e2: {  	v30 =	vadd.s32 v30, v31;
	_ =	sdelay $0x4  }
0x1e3: {  	v28, _, _ =	vpop (xrf0)  }
0x1e4: {  	v28 =	vadd.s32 v28, v29;
	v29 =	vmov v30  }
0x1e5: {  	v28 =	vadd.s32 $0xFFFFFFFF, v28;
	_ =	sdelay $0x1  }
.Ltmp13:
0x1e6: {  	(pc) =	sbr.rel @p1 .LBB2_18-.Ltmp13, $3  }
0x1e7: {  	_ =	sdelay $0x1  }
0x1e8: {  	s20 =	sadd.s32 $0x10, s20;
	[tilespmem:v28+s13+$0x0] =	vst.idx.msk vm1, v27  }
0x1e9: {  	s21 =	sadd.s32 $0xFFFFFFFF, s21;
	v27 =	vld [tilespmem:s20+$0x0]  }
0x1ea: {  	v28 =	vmov v30  }
.LBB2_20:
0x1eb: {  	_ =	sdelay $0x1  }
0x1ec: {  	s18 =	sadd.s32 @p0 $0x10, s18  }
0x1ed: {  	s19 =	smov.u32 @p0 s18;
	v30 =	vshrl.u32 v27, $0x10  }
0x1ee: {  	v31 =	vor.u32 s19, v0;
	v30 =	vand.u32 $0xFF, v30  }
0x1ef: {  	vm1 =	vlt.s32 v31, v26;
	vm2 =	veq.s32 v30, v23  }
0x1f0: {  	vm1 =	vmand vm1, vm2  }
0x1f1: {  	v26 =	vsel vm1, $0x1, v2  }
0x1f2: {  	(xrf0) =	vadd.scan.msk.s32 $0xffff, v26;
	_ =	sdelay $0x5  }
0x1f3: {  	v26, _, _ =	vpop (xrf0)  }
0x1f4: {  	v26 =	vadd.s32 v26, v29  }
0x1f5: {  	v26 =	vadd.s32 $0xFFFFFFFF, v26;
	_ =	sdelay $0x2  }
0x1f6: {  	v29 =	vmpcnt.ones.xlane vm1;
	_ =	sdelay $0x1  }
0x1f7: {  	v28 =	vadd.s32 v28, v29;
	[tilespmem:v26+s13+$0x0] =	vst.idx.msk vm1, v27  }
.LBB2_21:
0x1f8: {  	(v2sf) =	vpush v28, $0x0;
	_ =	sdelay $0x7  }
0x1f9: {  	[tilespmem:$0x10000] =	vst v2  }
0x1fa: {  	[tilespmem:$0x10010] =	vst v2  }
0x1fb: {  	[tilespmem:$0x10020] =	vst v2  }
0x1fc: {  	[tilespmem:$0x10030] =	vst v2  }
0x1fd: {  	[tilespmem:$0x10040] =	vst v2  }
0x1fe: {  	[tilespmem:$0x10050] =	vst v2  }
0x1ff: {  	[tilespmem:$0x10060] =	vst v2  }
0x200: {  	[tilespmem:$0x10070] =	vst v2;
	s18 =	spop (v2sf)  }
0x201: {  	[tilespmem:$0x10080] =	vst v2;
	s18 =	sadd.s32 $0xF, s18  }
0x202: {  	[tilespmem:$0x10090] =	vst v2;
	s18 =	sshra.s32 s18, $0x4  }
0x203: {  	[tilespmem:$0x100A0] =	vst v2;
	p0 =	slt.s32 s18, $0x1  }
.Ltmp14:
0x204: {  	[tilespmem:$0x100B0] =	vst v2;
	(pc) =	sbr.rel @p0 .LBB2_28-.Ltmp14, $4  }
0x205: {  	[tilespmem:$0x100C0] =	vst v2  }
0x206: {  	[tilespmem:$0x100D0] =	vst v2  }
0x207: {  	[tilespmem:$0x100E0] =	vst v2  }
0x208: {  	v27 =	vbroadcast v28, $0x0;
	[tilespmem:$0x100F0] =	vst v2  }
0x209: {  	p2 =	sne.s32 s18, $0x1  }
.Ltmp15:
0x20a: {  	_ = 	snop;
	(pc) =	sbr.rel @!p2 .LBB2_23-.Ltmp15, $3  }
0x20b: {  	_ =	sdelay $0x1  }
0x20c: {  	s20 =	simm.s32 $0x10A80  }
0x20d: {  	s19 =	simm.s32 $0x0;
	p1 =	por $0x0, $0x0;
	v26 =	vld [tilespmem:s20+$0x0];
	s20 =	sadd.s32 $0xFFFFFFFF, s18  }
0x20e: {  	_ =	sdelay $0x2  }
0x20f: {  	v28 =	vor.u32 s19, v0  }
0x210: {  	vm1 =	vlt.s32 v28, v27;
	v26 =	vshrl.u32 v26, $0x8  }
0x211: {  	v26 =	vand.u32 $0xFF, v26  }
0x212: {  	p2 =	sne.s32 s20, $0x1  }
.Ltmp16:
0x213: {  	_ = 	snop;
	(pc) =	sbr.rel @!p2 .LBB2_25-.Ltmp16, $3  }
0x214: {  	_ =	sdelay $0x1  }
0x215: {  	s21 =	simm.s32 $0x10A90;
	[tilespmem:v26+s10+$0x0] =	vst.idx.add.s32.msk vm1, v3  }
0x216: {  	s22 =	sadd.s32 $0xFFFFFFFF, s20;
	p1 =	por $0x1, $0x1;
	s20 =	simm.s32 $0x0;
	v26 =	vld [tilespmem:s21+$0x0]  }
.LBB2_26:
0x217: {  	p2 =	sne.s32 s22, $0x1;
	_ =	sdelay $0x1  }
0x218: {  	s20 =	sadd.s32 $0x10, s20  }
0x219: {  	v28 =	vor.u32 s20, v0  }
0x21a: {  	vm1 =	vlt.s32 v28, v27;
	v26 =	vshrl.u32 v26, $0x8  }
0x21b: {  	v26 =	vand.u32 $0xFF, v26;
	_ =	sdelay $0x1  }
.Ltmp17:
0x21c: {  	(pc) =	sbr.rel @p2 .LBB2_26-.Ltmp17, $3  }
0x21d: {  	_ =	sdelay $0x1  }
0x21e: {  	s21 =	sadd.s32 $0x10, s21;
	[tilespmem:v26+s10+$0x0] =	vst.idx.add.s32.msk vm1, v3  }
0x21f: {  	s22 =	sadd.s32 $0xFFFFFFFF, s22;
	v26 =	vld [tilespmem:s21+$0x0]  }
.LBB2_27:
0x220: {  	_ = 	snop  }
0x221: {  	s20 =	sadd.s32 @p1 $0x10, s20  }
0x222: {  	s19 =	smov.u32 @p1 s20  }
0x223: {  	v28 =	vor.u32 s19, v0  }
0x224: {  	vm1 =	vlt.s32 v28, v27;
	v26 =	vshrl.u32 v26, $0x8  }
0x225: {  	v26 =	vand.u32 $0xFF, v26;
	_ =	sdelay $0x4  }
0x226: {  	[tilespmem:v26+s10+$0x0] =	vst.idx.add.s32.msk vm1, v3  }
.LBB2_28:
0x227: {  	_ =	sdelay $0x3  }
0x228: {  	v26 =	vld.idx.msk [tilespmem:v1+s10+$0x0], $0xffff  }
0x229: {  	v28 =	vld.idx.msk [tilespmem:v4+s10+$0x0], $0xffff  }
0x22a: {  	v29 =	vld.idx.msk [tilespmem:v5+s10+$0x0], $0xffff  }
0x22b: {  	v30 =	vld.idx.msk [tilespmem:v6+s10+$0x0], $0xffff  }
0x22c: {  	v31 =	vld.idx.msk [tilespmem:v7+s10+$0x0], $0xffff  }
0x22d: {  	v32 =	vld.idx.msk [tilespmem:v8+s10+$0x0], $0xffff  }
0x22e: {  	v26 =	vadd.s32 v26, v28;
	v28 =	vld.idx.msk [tilespmem:v9+s10+$0x0], $0xffff  }
0x22f: {  	v26 =	vadd.s32 v29, v26;
	v29 =	vld.idx.msk [tilespmem:v10+s10+$0x0], $0xffff  }
0x230: {  	v26 =	vadd.s32 v30, v26;
	v30 =	vld.idx.msk [tilespmem:v11+s10+$0x0], $0xffff  }
0x231: {  	v26 =	vadd.s32 v31, v26;
	v31 =	vld.idx.msk [tilespmem:v12+s10+$0x0], $0xffff  }
0x232: {  	v62 =	vld.idx.msk [tilespmem:v13+s10+$0x0], $0xffff;
	v26 =	vadd.s32 v32, v26  }
0x233: {  	v26 =	vadd.s32 v28, v26;
	v28 =	vld.idx.msk [tilespmem:v14+s10+$0x0], $0xffff  }
0x234: {  	v26 =	vadd.s32 v29, v26;
	v29 =	vld.idx.msk [tilespmem:v15+s10+$0x0], $0xffff  }
0x235: {  	v26 =	vadd.s32 v30, v26;
	v30 =	vld.idx.msk [tilespmem:v16+s10+$0x0], $0xffff  }
0x236: {  	v26 =	vadd.s32 v31, v26;
	v31 =	vld.idx.msk [tilespmem:v17+s10+$0x0], $0xffff  }
0x237: {  	v63 =	vld.idx.msk [tilespmem:v18+s10+$0x0], $0xffff;
	v26 =	vadd.s32 v62, v26  }
0x238: {  	v26 =	vadd.s32 v28, v26  }
0x239: {  	v26 =	vadd.s32 v29, v26  }
0x23a: {  	v26 =	vadd.s32 v30, v26  }
0x23b: {  	v26 =	vadd.s32 v31, v26  }
0x23c: {  	v26 =	vadd.s32 v63, v26  }
0x23d: {  	v26 =	vperm.xlane v26, v19;
	_ =	sdelay $0x1  }
0x23e: {  	(xrf0) =	vadd.scan.msk.s32 $0xffff, v26;
	_ =	sdelay $0x5  }
0x23f: {  	v26, _, _ =	vpop (xrf0)  }
0x240: {  	v25 =	vsel vm0, $0x0, v25;
	v26 =	vperm.xlane v26, v19  }
0x241: {  	v24 =	vsub.s32 v24, v25  }
0x242: {  	vm0 =	vge.s32 v26, v24  }
0x243: {  	v25 =	vmpcnt.ones.xlane vm0;
	_ =	sdelay $0x1  }
0x244: {  	v28 =	vshll.u32 v25, $0x4  }
0x245: {  	v29 =	vadd.s32 v20, v28;
	_ =	sdelay $0x3  }
0x246: {  	[tilespmem:$0x10100] =	vst v26  }
0x247: {  	v26 =	vld.idx.msk [tilespmem:v29+s10+$0x0], $0xffff;
	_ =	sdelay $0x2  }
0x248: {  	vm0 =	vgt.s32 v25, $0xF  }
0x249: {  	v25 =	vsel vm0, $0xF, v25  }
0x24a: {  	v26 =	vperm.xlane v26, v19;
	_ =	sdelay $0x1  }
0x24b: {  	(xrf0) =	vadd.scan.msk.s32 $0xffff, v26;
	_ =	sdelay $0x1  }
0x24c: {  	v25 =	vld.idx.msk [tilespmem:v25+s11+$0x0], $0xffff;
	_ =	sdelay $0x3  }
0x24d: {  	v26, _, _ =	vpop (xrf0)  }
0x24e: {  	v25 =	vsel vm0, $0x0, v25;
	v26 =	vperm.xlane v26, v19  }
0x24f: {  	v25 =	vsub.s32 v24, v25  }
0x250: {  	vm0 =	vge.s32 v26, v25  }
0x251: {  	v24 =	vmpcnt.ones.xlane vm0;
	_ =	sdelay $0x1  }
0x252: {  	vm0 =	vgt.s32 v24, $0xF  }
0x253: {  	v30 =	vsel vm0, $0xF, v24  }
.Ltmp18:
0x254: {  	_ = 	snop;
	(pc) =	sbr.rel @p0 .LBB2_36-.Ltmp18, $3  }
0x255: {  	_ =	sdelay $0x1  }
0x256: {  	[tilespmem:$0x10100] =	vst v26;
	v24 =	vadd.s32 v24, v28  }
0x257: {  	v29 =	vimm.s32 $0x0;
	v24 =	vadd.s32 $0xFFFFFFEF, v24;
	v26 =	vld.idx.msk [tilespmem:v30+s11+$0x0], $0xffff  }
0x258: {  	p1 =	sne.s32 s18, $0x1  }
.Ltmp19:
0x259: {  	_ = 	snop;
	(pc) =	sbr.rel @!p1 .LBB2_30-.Ltmp19, $3  }
0x25a: {  	_ =	sdelay $0x1  }
0x25b: {  	s20 =	simm.s32 $0x10A80  }
0x25c: {  	s19 =	simm.s32 $0x0;
	s18 =	sadd.s32 $0xFFFFFFFF, s18;
	p0 =	por $0x0, $0x0;
	v28 =	vld [tilespmem:s20+$0x0]  }
0x25d: {  	_ =	sdelay $0x3  }
0x25e: {  	v30 =	vshrl.u32 v28, $0x8  }
0x25f: {  	v31 =	vor.u32 s19, v0;
	v30 =	vand.u32 $0xFF, v30  }
0x260: {  	vm1 =	vlt.s32 v31, v27;
	vm2 =	veq.s32 v30, v24  }
0x261: {  	vm1 =	vmand vm1, vm2  }
0x262: {  	v30 =	vsel vm1, $0x1, v2  }
0x263: {  	(xrf0) =	vadd.scan.msk.s32 $0xffff, v30;
	_ =	sdelay $0x5  }
0x264: {  	v30, _, _ =	vpop (xrf0)  }
0x265: {  	v30 =	vadd.s32 v30, v29  }
0x266: {  	v30 =	vadd.s32 $0xFFFFFFFF, v30  }
0x267: {  	p1 =	sne.s32 s18, $0x1  }
.Ltmp20:
0x268: {  	_ = 	snop;
	(pc) =	sbr.rel @!p1 .LBB2_32-.Ltmp20, $3  }
0x269: {  	v31 =	vmpcnt.ones.xlane vm1;
	_ =	sdelay $0x1  }
0x26a: {  	s20 =	simm.s32 $0x10A90;
	v31 =	vadd.s32 v29, v31;
	[tilespmem:v30+s12+$0x0] =	vst.idx.msk vm1, v28  }
0x26b: {  	s21 =	sadd.s32 $0xFFFFFFFF, s18;
	p0 =	por $0x1, $0x1;
	s18 =	simm.s32 $0x0;
	v30 =	vmov v31;
	v28 =	vld [tilespmem:s20+$0x0]  }
.LBB2_33:
0x26c: {  	p1 =	sne.s32 s21, $0x1;
	_ =	sdelay $0x3  }
0x26d: {  	s18 =	sadd.s32 $0x10, s18;
	v29 =	vshrl.u32 v28, $0x8  }
0x26e: {  	v32 =	vor.u32 s18, v0;
	v29 =	vand.u32 $0xFF, v29  }
0x26f: {  	vm1 =	vlt.s32 v32, v27;
	vm2 =	veq.s32 v29, v24  }
0x270: {  	vm1 =	vmand vm1, vm2  }
0x271: {  	v29 =	vsel vm1, $0x1, v2;
	v32 =	vmpcnt.ones.xlane vm1  }
0x272: {  	(xrf0) =	vadd.scan.msk.s32 $0xffff, v29  }
0x273: {  	v31 =	vadd.s32 v31, v32;
	_ =	sdelay $0x4  }
0x274: {  	v29, _, _ =	vpop (xrf0)  }
0x275: {  	v29 =	vadd.s32 v29, v30;
	v30 =	vmov v31  }
0x276: {  	v29 =	vadd.s32 $0xFFFFFFFF, v29;
	_ =	sdelay $0x1  }
.Ltmp21:
0x277: {  	(pc) =	sbr.rel @p1 .LBB2_33-.Ltmp21, $3  }
0x278: {  	_ =	sdelay $0x1  }
0x279: {  	s20 =	sadd.s32 $0x10, s20;
	[tilespmem:v29+s12+$0x0] =	vst.idx.msk vm1, v28  }
0x27a: {  	s21 =	sadd.s32 $0xFFFFFFFF, s21;
	v28 =	vld [tilespmem:s20+$0x0]  }
0x27b: {  	v29 =	vmov v31  }
.LBB2_35:
0x27c: {  	_ =	sdelay $0x1  }
0x27d: {  	s18 =	sadd.s32 @p0 $0x10, s18  }
0x27e: {  	s19 =	smov.u32 @p0 s18;
	v31 =	vshrl.u32 v28, $0x8  }
0x27f: {  	v32 =	vor.u32 s19, v0;
	v31 =	vand.u32 $0xFF, v31  }
0x280: {  	vm1 =	vlt.s32 v32, v27;
	vm2 =	veq.s32 v31, v24  }
0x281: {  	vm1 =	vmand vm1, vm2  }
0x282: {  	v27 =	vsel vm1, $0x1, v2  }
0x283: {  	(xrf0) =	vadd.scan.msk.s32 $0xffff, v27;
	_ =	sdelay $0x5  }
0x284: {  	v27, _, _ =	vpop (xrf0)  }
0x285: {  	v27 =	vadd.s32 v27, v30  }
0x286: {  	v27 =	vadd.s32 $0xFFFFFFFF, v27;
	_ =	sdelay $0x2  }
0x287: {  	v30 =	vmpcnt.ones.xlane vm1;
	_ =	sdelay $0x1  }
0x288: {  	v29 =	vadd.s32 v29, v30;
	[tilespmem:v27+s12+$0x0] =	vst.idx.msk vm1, v28  }
.LBB2_36:
0x289: {  	(v2sf) =	vpush v29, $0x0;
	_ =	sdelay $0x7  }
0x28a: {  	[tilespmem:$0x10000] =	vst v2  }
0x28b: {  	[tilespmem:$0x10010] =	vst v2  }
0x28c: {  	[tilespmem:$0x10020] =	vst v2  }
0x28d: {  	[tilespmem:$0x10030] =	vst v2  }
0x28e: {  	[tilespmem:$0x10040] =	vst v2  }
0x28f: {  	[tilespmem:$0x10050] =	vst v2  }
0x290: {  	[tilespmem:$0x10060] =	vst v2  }
0x291: {  	[tilespmem:$0x10070] =	vst v2;
	s18 =	spop (v2sf)  }
0x292: {  	[tilespmem:$0x10080] =	vst v2;
	s18 =	sadd.s32 $0xF, s18  }
0x293: {  	[tilespmem:$0x10090] =	vst v2;
	s19 =	sshra.s32 s18, $0x4  }
0x294: {  	[tilespmem:$0x100A0] =	vst v2;
	p0 =	slt.s32 s19, $0x1  }
.Ltmp22:
0x295: {  	[tilespmem:$0x100B0] =	vst v2;
	(pc) =	sbr.rel @p0 .LBB2_43-.Ltmp22, $4  }
0x296: {  	[tilespmem:$0x100C0] =	vst v2  }
0x297: {  	[tilespmem:$0x100D0] =	vst v2  }
0x298: {  	[tilespmem:$0x100E0] =	vst v2  }
0x299: {  	[tilespmem:$0x100F0] =	vst v2  }
0x29a: {  	p1 =	sne.s32 s19, $0x1  }
.Ltmp23:
0x29b: {  	_ = 	snop;
	(pc) =	sbr.rel @!p1 .LBB2_38-.Ltmp23, $3  }
0x29c: {  	_ =	sdelay $0x1  }
0x29d: {  	s20 =	simm.s32 $0x10280  }
0x29e: {  	v27 =	vbroadcast v29, $0x0;
	s18 =	simm.s32 $0x0;
	s19 =	sadd.s32 $0xFFFFFFFF, s19;
	p0 =	por $0x0, $0x0;
	v28 =	vld [tilespmem:s20+$0x0]  }
0x29f: {  	_ =	sdelay $0x1  }
0x2a0: {  	v29 =	vor.u32 s18, v0  }
0x2a1: {  	vm1 =	vlt.s32 v29, v27  }
0x2a2: {  	v28 =	vand.u32 $0xFF, v28  }
0x2a3: {  	p1 =	sne.s32 s19, $0x1  }
.Ltmp24:
0x2a4: {  	_ = 	snop;
	(pc) =	sbr.rel @!p1 .LBB2_40-.Ltmp24, $3  }
0x2a5: {  	_ =	sdelay $0x1  }
0x2a6: {  	s20 =	simm.s32 $0x10290;
	[tilespmem:v28+s10+$0x0] =	vst.idx.add.s32.msk vm1, v3  }
0x2a7: {  	s21 =	sadd.s32 $0xFFFFFFFF, s19;
	p0 =	por $0x1, $0x1;
	s19 =	simm.s32 $0x0;
	v28 =	vld [tilespmem:s20+$0x0]  }
.LBB2_41:
0x2a8: {  	p1 =	sne.s32 s21, $0x1  }
0x2a9: {  	s19 =	sadd.s32 $0x10, s19  }
0x2aa: {  	v29 =	vor.u32 s19, v0  }
0x2ab: {  	vm1 =	vlt.s32 v29, v27  }
0x2ac: {  	v28 =	vand.u32 $0xFF, v28;
	_ =	sdelay $0x1  }
.Ltmp25:
0x2ad: {  	(pc) =	sbr.rel @p1 .LBB2_41-.Ltmp25, $3  }
0x2ae: {  	_ =	sdelay $0x1  }
0x2af: {  	s20 =	sadd.s32 $0x10, s20;
	[tilespmem:v28+s10+$0x0] =	vst.idx.add.s32.msk vm1, v3  }
0x2b0: {  	s21 =	sadd.s32 $0xFFFFFFFF, s21;
	v28 =	vld [tilespmem:s20+$0x0]  }
.Ltmp26:
0x2b1: {  	_ = 	snop;
	(pc) =	sbr.rel .LBB2_42-.Ltmp26, $1  }
0x2b2: {  	_ =	sdelay $0x3  }
.LBB2_8:
.Ltmp27:
0x2b3: {  	(pc) =	sbr.rel .LBB2_12-.Ltmp27, $2  }
0x2b4: {  	_ =	sdelay $0x2  }
0x2b5: {  	s20 =	simm.s32 $0x0  }
.LBB2_15:
.Ltmp28:
0x2b6: {  	(pc) =	sbr.rel .LBB2_20-.Ltmp28, $2  }
0x2b7: {  	_ =	sdelay $0x2  }
0x2b8: {  	s18 =	simm.s32 $0x0;
	v29 =	vimm.s32 $0x0  }
.LBB2_23:
.Ltmp29:
0x2b9: {  	(pc) =	sbr.rel .LBB2_27-.Ltmp29, $2  }
0x2ba: {  	_ =	sdelay $0x2  }
0x2bb: {  	s20 =	simm.s32 $0x0  }
.LBB2_30:
.Ltmp30:
0x2bc: {  	(pc) =	sbr.rel .LBB2_35-.Ltmp30, $2  }
0x2bd: {  	_ =	sdelay $0x2  }
0x2be: {  	s18 =	simm.s32 $0x0;
	v30 =	vimm.s32 $0x0  }
.LBB2_10:
.Ltmp31:
0x2bf: {  	(pc) =	sbr.rel .LBB2_12-.Ltmp31, $2  }
0x2c0: {  	_ =	sdelay $0x2  }
0x2c1: {  	s20 =	simm.s32 $0x0  }
.LBB2_17:
.Ltmp32:
0x2c2: {  	(pc) =	sbr.rel .LBB2_20-.Ltmp32, $2  }
0x2c3: {  	_ =	sdelay $0x2  }
0x2c4: {  	s18 =	simm.s32 $0x0;
	v28 =	vmov v30;
	v29 =	vmov v30  }
.LBB2_25:
.Ltmp33:
0x2c5: {  	(pc) =	sbr.rel .LBB2_27-.Ltmp33, $2  }
0x2c6: {  	_ =	sdelay $0x2  }
0x2c7: {  	s20 =	simm.s32 $0x0  }
.LBB2_32:
.Ltmp34:
0x2c8: {  	(pc) =	sbr.rel .LBB2_35-.Ltmp34, $2  }
0x2c9: {  	_ =	sdelay $0x2  }
0x2ca: {  	s18 =	simm.s32 $0x0;
	v29 =	vmov v31;
	v30 =	vmov v31  }
.LBB2_40:
.Ltmp35:
0x2cb: {  	(pc) =	sbr.rel .LBB2_42-.Ltmp35, $2  }
0x2cc: {  	_ =	sdelay $0x2  }
0x2cd: {  	s19 =	simm.s32 $0x0  }
.LBB2_44:
.Ltmp36:
0x2ce: {  	s16 =	simm.s32 $0x0;
	(pc) =	sbr.rel .LBB2_45-.Ltmp36, $4  }
0x2cf: {  	[tilespmem:s16], [sflag:$0x1] =	stream.linear.gather [hbm4b:s5+s16], $0x10000, $0x38;
	[tilespmem:$0x11280] =	vst v63  }
0x2d0: {  	_ =	swait.ge [sflag:s9], $0x10000  }
0x2d1: {  	[sflag:s9] =	ssyncset.done $0x0  }
0x2d2: {  	s17 =	simm.s32 $0x80;
	[sflag:s9] =	ssyncadd.s32 $0xFFFF0000  }
.LBB2_81:
0x2d3: {  	s19 =	simm.s32 $0x0  }
.LBB2_85:
0x2d4: {  	s19 =	sadd.s32 @p0 $0x10, s19  }
0x2d5: {  	s18 =	smov.u32 @p0 s19  }
0x2d6: {  	v29 =	vor.u32 s18, v0  }
0x2d7: {  	vm1 =	vlt.s32 v29, v27  }
0x2d8: {  	v27 =	vand.u32 $0xFF, v28;
	_ =	sdelay $0x4  }
0x2d9: {  	[tilespmem:v27+s10+$0x0] =	vst.idx.add.s32.msk vm1, v3  }
.LBB2_86:
0x2da: {  	_ =	sdelay $0x3  }
0x2db: {  	v27 =	vld.idx.msk [tilespmem:v1+s10+$0x0], $0xffff  }
0x2dc: {  	v28 =	vld.idx.msk [tilespmem:v4+s10+$0x0], $0xffff  }
0x2dd: {  	v29 =	vld.idx.msk [tilespmem:v5+s10+$0x0], $0xffff  }
0x2de: {  	v30 =	vld.idx.msk [tilespmem:v6+s10+$0x0], $0xffff  }
0x2df: {  	v31 =	vld.idx.msk [tilespmem:v7+s10+$0x0], $0xffff  }
0x2e0: {  	v32 =	vld.idx.msk [tilespmem:v8+s10+$0x0], $0xffff  }
0x2e1: {  	v50 =	vld.idx.msk [tilespmem:v9+s10+$0x0], $0xffff;
	v27 =	vadd.s32 v27, v28  }
0x2e2: {  	v51 =	vld.idx.msk [tilespmem:v10+s10+$0x0], $0xffff;
	v27 =	vadd.s32 v29, v27  }
0x2e3: {  	v52 =	vld.idx.msk [tilespmem:v11+s10+$0x0], $0xffff;
	v27 =	vadd.s32 v30, v27  }
0x2e4: {  	v53 =	vld.idx.msk [tilespmem:v12+s10+$0x0], $0xffff;
	v27 =	vadd.s32 v31, v27  }
0x2e5: {  	v54 =	vld.idx.msk [tilespmem:v13+s10+$0x0], $0xffff;
	v27 =	vadd.s32 v32, v27  }
0x2e6: {  	v55 =	vld.idx.msk [tilespmem:v14+s10+$0x0], $0xffff;
	v27 =	vadd.s32 v50, v27  }
0x2e7: {  	v56 =	vld.idx.msk [tilespmem:v15+s10+$0x0], $0xffff;
	v27 =	vadd.s32 v51, v27  }
0x2e8: {  	v57 =	vld.idx.msk [tilespmem:v16+s10+$0x0], $0xffff;
	v27 =	vadd.s32 v52, v27  }
0x2e9: {  	v58 =	vld.idx.msk [tilespmem:v17+s10+$0x0], $0xffff;
	v27 =	vadd.s32 v53, v27  }
0x2ea: {  	v59 =	vld.idx.msk [tilespmem:v18+s10+$0x0], $0xffff;
	v27 =	vadd.s32 v54, v27  }
0x2eb: {  	v27 =	vadd.s32 v55, v27  }
0x2ec: {  	v27 =	vadd.s32 v56, v27  }
0x2ed: {  	v27 =	vadd.s32 v57, v27  }
0x2ee: {  	v27 =	vadd.s32 v58, v27  }
0x2ef: {  	v27 =	vadd.s32 v59, v27  }
0x2f0: {  	v27 =	vperm.xlane v27, v19;
	_ =	sdelay $0x1  }
0x2f1: {  	(xrf0) =	vadd.scan.msk.s32 $0xffff, v27;
	_ =	sdelay $0x5  }
0x2f2: {  	v27, _, _ =	vpop (xrf0)  }
0x2f3: {  	v26 =	vsel vm0, $0x0, v26;
	v27 =	vperm.xlane v27, v19  }
0x2f4: {  	v25 =	vsub.s32 v25, v26  }
0x2f5: {  	vm14 =	vge.s32 v27, v25  }
0x2f6: {  	v60 =	vmpcnt.ones.xlane vm14;
	_ =	sdelay $0x1  }
0x2f7: {  	v61 =	vshll.u32 v60, $0x4  }
0x2f8: {  	v62 =	vadd.s32 v20, v61;
	_ =	sdelay $0x3  }
0x2f9: {  	[tilespmem:$0x10100] =	vst v27  }
0x2fa: {  	v27 =	vld.idx.msk [tilespmem:v62+s10+$0x0], $0xffff;
	_ =	sdelay $0x2  }
0x2fb: {  	vm0 =	vgt.s32 v60, $0xF  }
0x2fc: {  	v26 =	vsel vm0, $0xF, v60  }
0x2fd: {  	v27 =	vperm.xlane v27, v19;
	_ =	sdelay $0x1  }
0x2fe: {  	(xrf0) =	vadd.scan.msk.s32 $0xffff, v27;
	_ =	sdelay $0x1  }
0x2ff: {  	v26 =	vld.idx.msk [tilespmem:v26+s11+$0x0], $0xffff;
	_ =	sdelay $0x3  }
0x300: {  	v27, _, _ =	vpop (xrf0)  }
0x301: {  	v26 =	vsel vm0, $0x0, v26;
	v27 =	vperm.xlane v27, v19  }
0x302: {  	v25 =	vsub.s32 v25, v26  }
0x303: {  	s18 =	sor.u32 $0x20, s16;
	s16 =	sadd.s32 $0x1, s16;
	vm15 =	vge.s32 v27, v25  }
0x304: {  	v63 =	vmov s18;
	p0 =	sne.s32 s16, $0x20;
	v25 =	vmpcnt.ones.xlane vm15  }
.Ltmp37:
0x305: {  	v22 =	vshll.u32 v22, $0x18;
	v23 =	vshll.u32 v23, $0x10;
	(pc) =	sbr.rel @!p0 .LBB2_87-.Ltmp37, $4  }
0x306: {  	v24 =	vshll.u32 v24, $0x8;
	v22 =	vor.u32 v22, v23;
	v23 =	vadd.s32 v25, v61  }
0x307: {  	v22 =	vor.u32 v24, v22;
	v23 =	vadd.s32 $0xFFFFFFEF, v23  }
0x308: {  	[tilespmem:$0x10100] =	vst v27;
	v22 =	vor.u32 v23, v22  }
0x309: {  	s17 =	sadd.s32 $0x800, s17;
	[tilespmem:v63+s14+$0x0] =	vst.idx.msk $0x1, v22  }
.LBB2_45:
0x30a: {  	[tilespmem:$0x10000] =	vst v2  }
0x30b: {  	[tilespmem:$0x10010] =	vst v2  }
0x30c: {  	[tilespmem:$0x10020] =	vst v2  }
0x30d: {  	[tilespmem:$0x10030] =	vst v2  }
0x30e: {  	[tilespmem:$0x10040] =	vst v2  }
0x30f: {  	[tilespmem:$0x10050] =	vst v2  }
0x310: {  	[tilespmem:$0x10060] =	vst v2  }
0x311: {  	[tilespmem:$0x10070] =	vst v2  }
0x312: {  	[tilespmem:$0x10080] =	vst v2  }
0x313: {  	[tilespmem:$0x10090] =	vst v2  }
0x314: {  	[tilespmem:$0x100A0] =	vst v2  }
0x315: {  	[tilespmem:$0x100B0] =	vst v2  }
0x316: {  	[tilespmem:$0x100C0] =	vst v2;
	v26 =	vmov s17  }
0x317: {  	[tilespmem:$0x100D0] =	vst v2  }
0x318: {  	[tilespmem:$0x100E0] =	vst v2  }
0x319: {  	[tilespmem:$0x100F0] =	vst v2;
	s18 =	simm.s32 $0x0  }
.LBB2_46:
0x31a: {  	s19 =	sshra.s32 s18, $0x2  }
0x31b: {  	v22 =	vld.idx.msk [tilespmem:v26+s19+$0xFFFFFF80 ss:$0x1], $0xffff;
	_ =	sdelay $0x4  }
0x31c: {  	v22 =	vshrl.u32 v22, $0x18;
	_ =	sdelay $0x4  }
0x31d: {  	[tilespmem:v22+s10+$0x0] =	vst.idx.add.s32.msk $0xffff, v3  }
0x31e: {  	v22 =	vld.idx.msk [tilespmem:v26+s19+$0xFFFFFF90 ss:$0x1], $0xffff;
	_ =	sdelay $0x4  }
0x31f: {  	v22 =	vshrl.u32 v22, $0x18;
	_ =	sdelay $0x4  }
0x320: {  	[tilespmem:v22+s10+$0x0] =	vst.idx.add.s32.msk $0xffff, v3  }
0x321: {  	v22 =	vld.idx.msk [tilespmem:v26+s19+$0xFFFFFFA0 ss:$0x1], $0xffff;
	_ =	sdelay $0x4  }
0x322: {  	v22 =	vshrl.u32 v22, $0x18;
	_ =	sdelay $0x4  }
0x323: {  	[tilespmem:v22+s10+$0x0] =	vst.idx.add.s32.msk $0xffff, v3  }
0x324: {  	v22 =	vld.idx.msk [tilespmem:v26+s19+$0xFFFFFFB0 ss:$0x1], $0xffff;
	_ =	sdelay $0x4  }
0x325: {  	v22 =	vshrl.u32 v22, $0x18;
	_ =	sdelay $0x4  }
0x326: {  	[tilespmem:v22+s10+$0x0] =	vst.idx.add.s32.msk $0xffff, v3  }
0x327: {  	v22 =	vld.idx.msk [tilespmem:v26+s19+$0xFFFFFFC0 ss:$0x1], $0xffff;
	_ =	sdelay $0x4  }
0x328: {  	v22 =	vshrl.u32 v22, $0x18;
	_ =	sdelay $0x4  }
0x329: {  	[tilespmem:v22+s10+$0x0] =	vst.idx.add.s32.msk $0xffff, v3  }
0x32a: {  	v22 =	vld.idx.msk [tilespmem:v26+s19+$0xFFFFFFD0 ss:$0x1], $0xffff;
	_ =	sdelay $0x4  }
0x32b: {  	v22 =	vshrl.u32 v22, $0x18;
	_ =	sdelay $0x4  }
0x32c: {  	[tilespmem:v22+s10+$0x0] =	vst.idx.add.s32.msk $0xffff, v3  }
0x32d: {  	v22 =	vld.idx.msk [tilespmem:v26+s19+$0xFFFFFFE0 ss:$0x1], $0xffff;
	_ =	sdelay $0x4  }
0x32e: {  	v22 =	vshrl.u32 v22, $0x18;
	_ =	sdelay $0x4  }
0x32f: {  	[tilespmem:v22+s10+$0x0] =	vst.idx.add.s32.msk $0xffff, v3  }
0x330: {  	v22 =	vld.idx.msk [tilespmem:v26+s19+$0xFFFFFFF0 ss:$0x1], $0xffff;
	_ =	sdelay $0x4  }
0x331: {  	v22 =	vshrl.u32 v22, $0x18;
	_ =	sdelay $0x4  }
0x332: {  	[tilespmem:v22+s10+$0x0] =	vst.idx.add.s32.msk $0xffff, v3  }
0x333: {  	v22 =	vld.idx.msk [tilespmem:v26+s19+$0x0 ss:$0x1], $0xffff;
	_ =	sdelay $0x4  }
0x334: {  	v22 =	vshrl.u32 v22, $0x18;
	_ =	sdelay $0x4  }
0x335: {  	[tilespmem:v22+s10+$0x0] =	vst.idx.add.s32.msk $0xffff, v3  }
0x336: {  	v22 =	vld.idx.msk [tilespmem:v26+s19+$0x10 ss:$0x1], $0xffff;
	_ =	sdelay $0x4  }
0x337: {  	v22 =	vshrl.u32 v22, $0x18;
	_ =	sdelay $0x4  }
0x338: {  	[tilespmem:v22+s10+$0x0] =	vst.idx.add.s32.msk $0xffff, v3  }
0x339: {  	v22 =	vld.idx.msk [tilespmem:v26+s19+$0x20 ss:$0x1], $0xffff;
	_ =	sdelay $0x4  }
0x33a: {  	v22 =	vshrl.u32 v22, $0x18;
	_ =	sdelay $0x4  }
0x33b: {  	[tilespmem:v22+s10+$0x0] =	vst.idx.add.s32.msk $0xffff, v3  }
0x33c: {  	v22 =	vld.idx.msk [tilespmem:v26+s19+$0x30 ss:$0x1], $0xffff;
	_ =	sdelay $0x4  }
0x33d: {  	v22 =	vshrl.u32 v22, $0x18;
	_ =	sdelay $0x4  }
0x33e: {  	[tilespmem:v22+s10+$0x0] =	vst.idx.add.s32.msk $0xffff, v3  }
0x33f: {  	v22 =	vld.idx.msk [tilespmem:v26+s19+$0x40 ss:$0x1], $0xffff;
	_ =	sdelay $0x4  }
0x340: {  	v22 =	vshrl.u32 v22, $0x18;
	_ =	sdelay $0x4  }
0x341: {  	[tilespmem:v22+s10+$0x0] =	vst.idx.add.s32.msk $0xffff, v3  }
0x342: {  	v22 =	vld.idx.msk [tilespmem:v26+s19+$0x50 ss:$0x1], $0xffff;
	_ =	sdelay $0x4  }
0x343: {  	v22 =	vshrl.u32 v22, $0x18;
	_ =	sdelay $0x4  }
0x344: {  	[tilespmem:v22+s10+$0x0] =	vst.idx.add.s32.msk $0xffff, v3  }
0x345: {  	v22 =	vld.idx.msk [tilespmem:v26+s19+$0x60 ss:$0x1], $0xffff;
	_ =	sdelay $0x4  }
0x346: {  	v22 =	vshrl.u32 v22, $0x18;
	_ =	sdelay $0x4  }
0x347: {  	[tilespmem:v22+s10+$0x0] =	vst.idx.add.s32.msk $0xffff, v3  }
0x348: {  	v22 =	vld.idx.msk [tilespmem:v26+s19+$0x70 ss:$0x1], $0xffff;
	_ =	sdelay $0x4  }
0x349: {  	p0 =	sne.s32 s18, $0x1C00;
	v22 =	vshrl.u32 v22, $0x18  }
.Ltmp38:
0x34a: {  	_ = 	snop;
	(pc) =	sbr.rel @p0 .LBB2_46-.Ltmp38, $2  }
0x34b: {  	_ =	sdelay $0x2  }
0x34c: {  	s18 =	sadd.s32 $0x400, s18;
	[tilespmem:v22+s10+$0x0] =	vst.idx.add.s32.msk $0xffff, v3  }
0x34d: {  	_ =	sdelay $0x3  }
0x34e: {  	v22 =	vld.idx.msk [tilespmem:v1+s10+$0x0], $0xffff  }
0x34f: {  	v23 =	vld.idx.msk [tilespmem:v4+s10+$0x0], $0xffff  }
0x350: {  	v24 =	vld.idx.msk [tilespmem:v5+s10+$0x0], $0xffff  }
0x351: {  	v25 =	vld.idx.msk [tilespmem:v6+s10+$0x0], $0xffff  }
0x352: {  	v27 =	vld.idx.msk [tilespmem:v7+s10+$0x0], $0xffff  }
0x353: {  	v28 =	vld.idx.msk [tilespmem:v8+s10+$0x0], $0xffff  }
0x354: {  	v22 =	vadd.s32 v22, v23;
	v23 =	vld.idx.msk [tilespmem:v9+s10+$0x0], $0xffff  }
0x355: {  	v22 =	vadd.s32 v24, v22;
	v24 =	vld.idx.msk [tilespmem:v10+s10+$0x0], $0xffff  }
0x356: {  	v22 =	vadd.s32 v25, v22;
	v25 =	vld.idx.msk [tilespmem:v11+s10+$0x0], $0xffff  }
0x357: {  	v22 =	vadd.s32 v27, v22;
	v27 =	vld.idx.msk [tilespmem:v12+s10+$0x0], $0xffff  }
0x358: {  	v22 =	vadd.s32 v28, v22;
	v28 =	vld.idx.msk [tilespmem:v13+s10+$0x0], $0xffff  }
0x359: {  	v22 =	vadd.s32 v23, v22;
	v23 =	vld.idx.msk [tilespmem:v14+s10+$0x0], $0xffff  }
0x35a: {  	v22 =	vadd.s32 v24, v22;
	v24 =	vld.idx.msk [tilespmem:v15+s10+$0x0], $0xffff  }
0x35b: {  	v22 =	vadd.s32 v25, v22;
	v25 =	vld.idx.msk [tilespmem:v16+s10+$0x0], $0xffff  }
0x35c: {  	v22 =	vadd.s32 v27, v22;
	v27 =	vld.idx.msk [tilespmem:v17+s10+$0x0], $0xffff  }
0x35d: {  	v22 =	vadd.s32 v28, v22;
	v28 =	vld.idx.msk [tilespmem:v18+s10+$0x0], $0xffff  }
0x35e: {  	v22 =	vadd.s32 v23, v22  }
0x35f: {  	v22 =	vadd.s32 v24, v22  }
0x360: {  	v22 =	vadd.s32 v25, v22  }
0x361: {  	v22 =	vadd.s32 v27, v22  }
0x362: {  	v22 =	vadd.s32 v28, v22  }
0x363: {  	v22 =	vperm.xlane v22, v19;
	_ =	sdelay $0x1  }
0x364: {  	(xrf0) =	vadd.scan.msk.s32 $0xffff, v22;
	_ =	sdelay $0x5  }
0x365: {  	v22, _, _ =	vpop (xrf0)  }
0x366: {  	v22 =	vperm.xlane v22, v19;
	_ =	sdelay $0x1  }
0x367: {  	vm0 =	vge.s32 v22, v21  }
0x368: {  	v23 =	vmpcnt.ones.xlane vm0;
	_ =	sdelay $0x1  }
0x369: {  	v25 =	vshll.u32 v23, $0x4  }
0x36a: {  	v24 =	vadd.s32 v20, v25;
	_ =	sdelay $0x3  }
0x36b: {  	[tilespmem:$0x10100] =	vst v22  }
0x36c: {  	v22 =	vld.idx.msk [tilespmem:v24+s10+$0x0], $0xffff;
	_ =	sdelay $0x2  }
0x36d: {  	vm0 =	vgt.s32 v23, $0xF  }
0x36e: {  	v23 =	vsel vm0, $0xF, v23  }
0x36f: {  	v22 =	vperm.xlane v22, v19;
	_ =	sdelay $0x1  }
0x370: {  	(xrf0) =	vadd.scan.msk.s32 $0xffff, v22;
	_ =	sdelay $0x1  }
0x371: {  	v22 =	vld.idx.msk [tilespmem:v23+s11+$0x0], $0xffff;
	_ =	sdelay $0x3  }
0x372: {  	v23, _, _ =	vpop (xrf0)  }
0x373: {  	v22 =	vsel vm0, $0x0, v22;
	v27 =	vperm.xlane v23, v19  }
0x374: {  	v23 =	vsub.s32 v21, v22  }
0x375: {  	vm15 =	vge.s32 v27, v23  }
0x376: {  	v24 =	vmpcnt.ones.xlane vm15;
	_ =	sdelay $0x1  }
0x377: {  	vm0 =	vlt.s32 v24, $0xF  }
0x378: {  	v22 =	vnsel vm0, $0xF, v24;
	_ =	sdelay $0x3  }
0x379: {  	[tilespmem:$0x10100] =	vst v27;
	v28 =	vadd.s32 v24, v25  }
0x37a: {  	s18 =	simm.s32 $0x0;
	v27 =	vimm.s32 $0x0;
	v25 =	vld.idx.msk [tilespmem:v22+s11+$0x0], $0xffff;
	v22 =	vadd.s32 $0xFFFFFFEF, v28  }
.LBB2_48:
0x37b: {  	s19 =	sshra.s32 s18, $0x2  }
0x37c: {  	v28 =	vld.idx.msk [tilespmem:v26+s19+$0xFFFFFF80 ss:$0x1], $0xffff;
	_ =	sdelay $0x4  }
0x37d: {  	v29 =	vshrl.u32 v28, $0x18  }
0x37e: {  	vm0 =	veq.s32 v29, v22  }
0x37f: {  	v29 =	vsel vm0, $0x1, v2  }
0x380: {  	(xrf0) =	vadd.scan.msk.s32 $0xffff, v29;
	_ =	sdelay $0x5  }
0x381: {  	v29, _, _ =	vpop (xrf0)  }
0x382: {  	v29 =	vadd.s32 v29, v27  }
0x383: {  	v29 =	vadd.s32 $0xFFFFFFFF, v29;
	_ =	sdelay $0x4  }
0x384: {  	[tilespmem:v29+s12+$0x0] =	vst.idx.msk vm0, v28  }
0x385: {  	v28 =	vld.idx.msk [tilespmem:v26+s19+$0xFFFFFF90 ss:$0x1], $0xffff;
	_ =	sdelay $0x4  }
0x386: {  	v29 =	vshrl.u32 v28, $0x18  }
0x387: {  	vm1 =	veq.s32 v29, v22  }
0x388: {  	v29 =	vsel vm1, $0x1, v2  }
0x389: {  	(xrf0) =	vadd.scan.msk.s32 $0xffff, v29;
	_ =	sdelay $0x1  }
0x38a: {  	v29 =	vmpcnt.ones.xlane vm0;
	_ =	sdelay $0x3  }
0x38b: {  	v27 =	vadd.s32 v27, v29;
	v29, _, _ =	vpop (xrf0)  }
0x38c: {  	v29 =	vadd.s32 v29, v27  }
0x38d: {  	v29 =	vadd.s32 $0xFFFFFFFF, v29;
	_ =	sdelay $0x4  }
0x38e: {  	[tilespmem:v29+s12+$0x0] =	vst.idx.msk vm1, v28  }
0x38f: {  	v28 =	vld.idx.msk [tilespmem:v26+s19+$0xFFFFFFA0 ss:$0x1], $0xffff;
	_ =	sdelay $0x4  }
0x390: {  	v29 =	vshrl.u32 v28, $0x18  }
0x391: {  	vm14 =	veq.s32 v29, v22  }
0x392: {  	v29 =	vsel vm14, $0x1, v2  }
0x393: {  	(xrf0) =	vadd.scan.msk.s32 $0xffff, v29;
	_ =	sdelay $0x1  }
0x394: {  	v29 =	vmpcnt.ones.xlane vm1;
	_ =	sdelay $0x3  }
0x395: {  	v27 =	vadd.s32 v27, v29;
	v29, _, _ =	vpop (xrf0)  }
0x396: {  	v29 =	vadd.s32 v29, v27  }
0x397: {  	v29 =	vadd.s32 $0xFFFFFFFF, v29;
	_ =	sdelay $0x4  }
0x398: {  	[tilespmem:v29+s12+$0x0] =	vst.idx.msk vm14, v28  }
0x399: {  	v28 =	vld.idx.msk [tilespmem:v26+s19+$0xFFFFFFB0 ss:$0x1], $0xffff;
	_ =	sdelay $0x4  }
0x39a: {  	v29 =	vshrl.u32 v28, $0x18  }
0x39b: {  	vm15 =	veq.s32 v29, v22  }
0x39c: {  	v29 =	vsel vm15, $0x1, v2  }
0x39d: {  	(xrf0) =	vadd.scan.msk.s32 $0xffff, v29;
	_ =	sdelay $0x1  }
0x39e: {  	v29 =	vmpcnt.ones.xlane vm14;
	_ =	sdelay $0x3  }
0x39f: {  	v27 =	vadd.s32 v27, v29;
	v29, _, _ =	vpop (xrf0)  }
0x3a0: {  	v29 =	vadd.s32 v29, v27  }
0x3a1: {  	v29 =	vadd.s32 $0xFFFFFFFF, v29;
	_ =	sdelay $0x4  }
0x3a2: {  	[tilespmem:v29+s12+$0x0] =	vst.idx.msk vm15, v28  }
0x3a3: {  	v28 =	vld.idx.msk [tilespmem:v26+s19+$0xFFFFFFC0 ss:$0x1], $0xffff;
	_ =	sdelay $0x4  }
0x3a4: {  	v29 =	vshrl.u32 v28, $0x18  }
0x3a5: {  	vm4 =	veq.s32 v29, v22  }
0x3a6: {  	v29 =	vsel vm4, $0x1, v2  }
0x3a7: {  	(xrf0) =	vadd.scan.msk.s32 $0xffff, v29;
	_ =	sdelay $0x1  }
0x3a8: {  	v29 =	vmpcnt.ones.xlane vm15;
	_ =	sdelay $0x3  }
0x3a9: {  	v27 =	vadd.s32 v27, v29;
	v29, _, _ =	vpop (xrf0)  }
0x3aa: {  	v29 =	vadd.s32 v29, v27  }
0x3ab: {  	v29 =	vadd.s32 $0xFFFFFFFF, v29;
	_ =	sdelay $0x4  }
0x3ac: {  	[tilespmem:v29+s12+$0x0] =	vst.idx.msk vm4, v28  }
0x3ad: {  	v28 =	vld.idx.msk [tilespmem:v26+s19+$0xFFFFFFD0 ss:$0x1], $0xffff;
	_ =	sdelay $0x4  }
0x3ae: {  	v29 =	vshrl.u32 v28, $0x18  }
0x3af: {  	vm5 =	veq.s32 v29, v22  }
0x3b0: {  	v29 =	vsel vm5, $0x1, v2  }
0x3b1: {  	(xrf0) =	vadd.scan.msk.s32 $0xffff, v29;
	_ =	sdelay $0x1  }
0x3b2: {  	v29 =	vmpcnt.ones.xlane vm4;
	_ =	sdelay $0x3  }
0x3b3: {  	v27 =	vadd.s32 v27, v29;
	v29, _, _ =	vpop (xrf0)  }
0x3b4: {  	v29 =	vadd.s32 v29, v27  }
0x3b5: {  	v29 =	vadd.s32 $0xFFFFFFFF, v29;
	_ =	sdelay $0x4  }
0x3b6: {  	[tilespmem:v29+s12+$0x0] =	vst.idx.msk vm5, v28  }
0x3b7: {  	v28 =	vld.idx.msk [tilespmem:v26+s19+$0xFFFFFFE0 ss:$0x1], $0xffff;
	_ =	sdelay $0x4  }
0x3b8: {  	v29 =	vshrl.u32 v28, $0x18  }
0x3b9: {  	vm6 =	veq.s32 v29, v22  }
0x3ba: {  	v29 =	vsel vm6, $0x1, v2  }
0x3bb: {  	(xrf0) =	vadd.scan.msk.s32 $0xffff, v29;
	_ =	sdelay $0x1  }
0x3bc: {  	v29 =	vmpcnt.ones.xlane vm5;
	_ =	sdelay $0x3  }
0x3bd: {  	v27 =	vadd.s32 v27, v29;
	v29, _, _ =	vpop (xrf0)  }
0x3be: {  	v29 =	vadd.s32 v29, v27  }
0x3bf: {  	v29 =	vadd.s32 $0xFFFFFFFF, v29;
	_ =	sdelay $0x4  }
0x3c0: {  	[tilespmem:v29+s12+$0x0] =	vst.idx.msk vm6, v28  }
0x3c1: {  	v28 =	vld.idx.msk [tilespmem:v26+s19+$0xFFFFFFF0 ss:$0x1], $0xffff;
	_ =	sdelay $0x4  }
0x3c2: {  	v29 =	vshrl.u32 v28, $0x18  }
0x3c3: {  	vm7 =	veq.s32 v29, v22  }
0x3c4: {  	v29 =	vsel vm7, $0x1, v2  }
0x3c5: {  	(xrf0) =	vadd.scan.msk.s32 $0xffff, v29;
	_ =	sdelay $0x1  }
0x3c6: {  	v29 =	vmpcnt.ones.xlane vm6;
	_ =	sdelay $0x3  }
0x3c7: {  	v27 =	vadd.s32 v27, v29;
	v29, _, _ =	vpop (xrf0)  }
0x3c8: {  	v29 =	vadd.s32 v29, v27  }
0x3c9: {  	v29 =	vadd.s32 $0xFFFFFFFF, v29;
	_ =	sdelay $0x4  }
0x3ca: {  	[tilespmem:v29+s12+$0x0] =	vst.idx.msk vm7, v28  }
0x3cb: {  	v28 =	vld.idx.msk [tilespmem:v26+s19+$0x0 ss:$0x1], $0xffff;
	_ =	sdelay $0x4  }
0x3cc: {  	v29 =	vshrl.u32 v28, $0x18  }
0x3cd: {  	vm8 =	veq.s32 v29, v22  }
0x3ce: {  	v29 =	vsel vm8, $0x1, v2  }
0x3cf: {  	(xrf0) =	vadd.scan.msk.s32 $0xffff, v29;
	_ =	sdelay $0x1  }
0x3d0: {  	v29 =	vmpcnt.ones.xlane vm7;
	_ =	sdelay $0x3  }
0x3d1: {  	v27 =	vadd.s32 v27, v29;
	v29, _, _ =	vpop (xrf0)  }
0x3d2: {  	v29 =	vadd.s32 v29, v27  }
0x3d3: {  	v29 =	vadd.s32 $0xFFFFFFFF, v29;
	_ =	sdelay $0x4  }
0x3d4: {  	[tilespmem:v29+s12+$0x0] =	vst.idx.msk vm8, v28  }
0x3d5: {  	v28 =	vld.idx.msk [tilespmem:v26+s19+$0x10 ss:$0x1], $0xffff;
	_ =	sdelay $0x4  }
0x3d6: {  	v29 =	vshrl.u32 v28, $0x18  }
0x3d7: {  	vm9 =	veq.s32 v29, v22  }
0x3d8: {  	v29 =	vsel vm9, $0x1, v2  }
0x3d9: {  	(xrf0) =	vadd.scan.msk.s32 $0xffff, v29;
	_ =	sdelay $0x1  }
0x3da: {  	v29 =	vmpcnt.ones.xlane vm8;
	_ =	sdelay $0x3  }
0x3db: {  	v27 =	vadd.s32 v27, v29;
	v29, _, _ =	vpop (xrf0)  }
0x3dc: {  	v29 =	vadd.s32 v29, v27  }
0x3dd: {  	v29 =	vadd.s32 $0xFFFFFFFF, v29;
	_ =	sdelay $0x4  }
0x3de: {  	[tilespmem:v29+s12+$0x0] =	vst.idx.msk vm9, v28  }
0x3df: {  	v28 =	vld.idx.msk [tilespmem:v26+s19+$0x20 ss:$0x1], $0xffff;
	_ =	sdelay $0x4  }
0x3e0: {  	v29 =	vshrl.u32 v28, $0x18  }
0x3e1: {  	vm10 =	veq.s32 v29, v22  }
0x3e2: {  	v29 =	vsel vm10, $0x1, v2  }
0x3e3: {  	(xrf0) =	vadd.scan.msk.s32 $0xffff, v29;
	_ =	sdelay $0x1  }
0x3e4: {  	v29 =	vmpcnt.ones.xlane vm9;
	_ =	sdelay $0x3  }
0x3e5: {  	v27 =	vadd.s32 v27, v29;
	v29, _, _ =	vpop (xrf0)  }
0x3e6: {  	v29 =	vadd.s32 v29, v27  }
0x3e7: {  	v29 =	vadd.s32 $0xFFFFFFFF, v29;
	_ =	sdelay $0x4  }
0x3e8: {  	[tilespmem:v29+s12+$0x0] =	vst.idx.msk vm10, v28  }
0x3e9: {  	v28 =	vld.idx.msk [tilespmem:v26+s19+$0x30 ss:$0x1], $0xffff;
	_ =	sdelay $0x4  }
0x3ea: {  	v29 =	vshrl.u32 v28, $0x18  }
0x3eb: {  	vm11 =	veq.s32 v29, v22  }
0x3ec: {  	v29 =	vsel vm11, $0x1, v2  }
0x3ed: {  	(xrf0) =	vadd.scan.msk.s32 $0xffff, v29;
	_ =	sdelay $0x1  }
0x3ee: {  	v29 =	vmpcnt.ones.xlane vm10;
	_ =	sdelay $0x3  }
0x3ef: {  	v27 =	vadd.s32 v27, v29;
	v29, _, _ =	vpop (xrf0)  }
0x3f0: {  	v29 =	vadd.s32 v29, v27  }
0x3f1: {  	v29 =	vadd.s32 $0xFFFFFFFF, v29;
	_ =	sdelay $0x4  }
0x3f2: {  	[tilespmem:v29+s12+$0x0] =	vst.idx.msk vm11, v28  }
0x3f3: {  	v28 =	vld.idx.msk [tilespmem:v26+s19+$0x40 ss:$0x1], $0xffff;
	_ =	sdelay $0x4  }
0x3f4: {  	v29 =	vshrl.u32 v28, $0x18  }
0x3f5: {  	vm12 =	veq.s32 v29, v22  }
0x3f6: {  	v29 =	vsel vm12, $0x1, v2  }
0x3f7: {  	(xrf0) =	vadd.scan.msk.s32 $0xffff, v29;
	_ =	sdelay $0x1  }
0x3f8: {  	v29 =	vmpcnt.ones.xlane vm11;
	_ =	sdelay $0x3  }
0x3f9: {  	v27 =	vadd.s32 v27, v29;
	v29, _, _ =	vpop (xrf0)  }
0x3fa: {  	v29 =	vadd.s32 v29, v27  }
0x3fb: {  	v29 =	vadd.s32 $0xFFFFFFFF, v29;
	_ =	sdelay $0x4  }
0x3fc: {  	[tilespmem:v29+s12+$0x0] =	vst.idx.msk vm12, v28  }
0x3fd: {  	v28 =	vld.idx.msk [tilespmem:v26+s19+$0x50 ss:$0x1], $0xffff;
	_ =	sdelay $0x4  }
0x3fe: {  	v29 =	vshrl.u32 v28, $0x18  }
0x3ff: {  	vm13 =	veq.s32 v29, v22  }
0x400: {  	v29 =	vsel vm13, $0x1, v2  }
0x401: {  	(xrf0) =	vadd.scan.msk.s32 $0xffff, v29;
	_ =	sdelay $0x1  }
0x402: {  	v29 =	vmpcnt.ones.xlane vm12;
	_ =	sdelay $0x3  }
0x403: {  	v27 =	vadd.s32 v27, v29;
	v29, _, _ =	vpop (xrf0)  }
0x404: {  	v29 =	vadd.s32 v29, v27  }
0x405: {  	v29 =	vadd.s32 $0xFFFFFFFF, v29;
	_ =	sdelay $0x4  }
0x406: {  	[tilespmem:v29+s12+$0x0] =	vst.idx.msk vm13, v28  }
0x407: {  	v28 =	vld.idx.msk [tilespmem:v26+s19+$0x60 ss:$0x1], $0xffff;
	_ =	sdelay $0x4  }
0x408: {  	v29 =	vshrl.u32 v28, $0x18  }
0x409: {  	vm14 =	veq.s32 v29, v22  }
0x40a: {  	v29 =	vsel vm14, $0x1, v2  }
0x40b: {  	(xrf0) =	vadd.scan.msk.s32 $0xffff, v29;
	_ =	sdelay $0x1  }
0x40c: {  	v29 =	vmpcnt.ones.xlane vm13;
	_ =	sdelay $0x3  }
0x40d: {  	v27 =	vadd.s32 v27, v29;
	v29, _, _ =	vpop (xrf0)  }
0x40e: {  	v29 =	vadd.s32 v29, v27  }
0x40f: {  	v29 =	vadd.s32 $0xFFFFFFFF, v29;
	_ =	sdelay $0x4  }
0x410: {  	[tilespmem:v29+s12+$0x0] =	vst.idx.msk vm14, v28  }
0x411: {  	v28 =	vld.idx.msk [tilespmem:v26+s19+$0x70 ss:$0x1], $0xffff;
	_ =	sdelay $0x4  }
0x412: {  	v29 =	vshrl.u32 v28, $0x18  }
0x413: {  	vm15 =	veq.s32 v29, v22  }
0x414: {  	v29 =	vsel vm15, $0x1, v2  }
0x415: {  	(xrf0) =	vadd.scan.msk.s32 $0xffff, v29;
	_ =	sdelay $0x1  }
0x416: {  	v29 =	vmpcnt.ones.xlane vm14;
	_ =	sdelay $0x3  }
0x417: {  	v27 =	vadd.s32 v27, v29;
	v29, _, _ =	vpop (xrf0)  }
0x418: {  	v29 =	vadd.s32 v29, v27  }
0x419: {  	p0 =	sne.s32 s18, $0x1C00;
	v29 =	vadd.s32 $0xFFFFFFFF, v29  }
.Ltmp39:
0x41a: {  	_ = 	snop;
	(pc) =	sbr.rel @p0 .LBB2_48-.Ltmp39, $3  }
0x41b: {  	_ = 	snop  }
0x41c: {  	v30 =	vmpcnt.ones.xlane vm15;
	_ =	sdelay $0x1  }
0x41d: {  	s18 =	sadd.s32 $0x400, s18;
	v27 =	vadd.s32 v27, v30;
	[tilespmem:v29+s12+$0x0] =	vst.idx.msk vm15, v28  }
0x41e: {  	(v2sf) =	vpush v27, $0x0;
	_ =	sdelay $0x7  }
0x41f: {  	[tilespmem:$0x10000] =	vst v2  }
0x420: {  	[tilespmem:$0x10010] =	vst v2  }
0x421: {  	[tilespmem:$0x10020] =	vst v2  }
0x422: {  	[tilespmem:$0x10030] =	vst v2  }
0x423: {  	[tilespmem:$0x10040] =	vst v2  }
0x424: {  	[tilespmem:$0x10050] =	vst v2  }
0x425: {  	[tilespmem:$0x10060] =	vst v2  }
0x426: {  	[tilespmem:$0x10070] =	vst v2;
	s18 =	spop (v2sf)  }
0x427: {  	[tilespmem:$0x10080] =	vst v2;
	s18 =	sadd.s32 $0xF, s18  }
0x428: {  	[tilespmem:$0x10090] =	vst v2;
	s18 =	sshra.s32 s18, $0x4  }
0x429: {  	[tilespmem:$0x100A0] =	vst v2;
	p0 =	slt.s32 s18, $0x1  }
.Ltmp40:
0x42a: {  	[tilespmem:$0x100B0] =	vst v2;
	(pc) =	sbr.rel @p0 .LBB2_56-.Ltmp40, $4  }
0x42b: {  	[tilespmem:$0x100C0] =	vst v2  }
0x42c: {  	[tilespmem:$0x100D0] =	vst v2  }
0x42d: {  	[tilespmem:$0x100E0] =	vst v2  }
0x42e: {  	v26 =	vbroadcast v27, $0x0;
	[tilespmem:$0x100F0] =	vst v2  }
0x42f: {  	p2 =	sne.s32 s18, $0x1  }
.Ltmp41:
0x430: {  	_ = 	snop;
	(pc) =	sbr.rel @!p2 .LBB2_51-.Ltmp41, $3  }
0x431: {  	_ =	sdelay $0x1  }
0x432: {  	s20 =	simm.s32 $0x10280  }
0x433: {  	s19 =	simm.s32 $0x0;
	p1 =	por $0x0, $0x0;
	v27 =	vld [tilespmem:s20+$0x0];
	s20 =	sadd.s32 $0xFFFFFFFF, s18  }
0x434: {  	_ =	sdelay $0x2  }
0x435: {  	v28 =	vor.u32 s19, v0  }
0x436: {  	vm0 =	vlt.s32 v28, v26;
	v27 =	vshrl.u32 v27, $0x10  }
0x437: {  	v27 =	vand.u32 $0xFF, v27  }
0x438: {  	p2 =	sne.s32 s20, $0x1  }
.Ltmp42:
0x439: {  	_ = 	snop;
	(pc) =	sbr.rel @!p2 .LBB2_53-.Ltmp42, $3  }
0x43a: {  	_ =	sdelay $0x1  }
0x43b: {  	s21 =	simm.s32 $0x10290;
	[tilespmem:v27+s10+$0x0] =	vst.idx.add.s32.msk vm0, v3  }
0x43c: {  	s22 =	sadd.s32 $0xFFFFFFFF, s20;
	p1 =	por $0x1, $0x1;
	s20 =	simm.s32 $0x0;
	v27 =	vld [tilespmem:s21+$0x0]  }
.LBB2_54:
0x43d: {  	p2 =	sne.s32 s22, $0x1;
	_ =	sdelay $0x1  }
0x43e: {  	s20 =	sadd.s32 $0x10, s20  }
0x43f: {  	v28 =	vor.u32 s20, v0  }
0x440: {  	vm0 =	vlt.s32 v28, v26;
	v27 =	vshrl.u32 v27, $0x10  }
0x441: {  	v27 =	vand.u32 $0xFF, v27;
	_ =	sdelay $0x1  }
.Ltmp43:
0x442: {  	(pc) =	sbr.rel @p2 .LBB2_54-.Ltmp43, $3  }
0x443: {  	_ =	sdelay $0x1  }
0x444: {  	s21 =	sadd.s32 $0x10, s21;
	[tilespmem:v27+s10+$0x0] =	vst.idx.add.s32.msk vm0, v3  }
0x445: {  	s22 =	sadd.s32 $0xFFFFFFFF, s22;
	v27 =	vld [tilespmem:s21+$0x0]  }
.LBB2_55:
0x446: {  	_ = 	snop  }
0x447: {  	s20 =	sadd.s32 @p1 $0x10, s20  }
0x448: {  	s19 =	smov.u32 @p1 s20  }
0x449: {  	v28 =	vor.u32 s19, v0  }
0x44a: {  	vm0 =	vlt.s32 v28, v26;
	v27 =	vshrl.u32 v27, $0x10  }
0x44b: {  	v27 =	vand.u32 $0xFF, v27;
	_ =	sdelay $0x4  }
0x44c: {  	[tilespmem:v27+s10+$0x0] =	vst.idx.add.s32.msk vm0, v3  }
.LBB2_56:
0x44d: {  	_ =	sdelay $0x3  }
0x44e: {  	v27 =	vld.idx.msk [tilespmem:v1+s10+$0x0], $0xffff  }
0x44f: {  	v28 =	vld.idx.msk [tilespmem:v4+s10+$0x0], $0xffff  }
0x450: {  	v29 =	vld.idx.msk [tilespmem:v5+s10+$0x0], $0xffff  }
0x451: {  	v30 =	vld.idx.msk [tilespmem:v6+s10+$0x0], $0xffff  }
0x452: {  	v31 =	vld.idx.msk [tilespmem:v7+s10+$0x0], $0xffff  }
0x453: {  	v32 =	vld.idx.msk [tilespmem:v8+s10+$0x0], $0xffff  }
0x454: {  	v27 =	vadd.s32 v27, v28;
	v28 =	vld.idx.msk [tilespmem:v9+s10+$0x0], $0xffff  }
0x455: {  	v27 =	vadd.s32 v29, v27;
	v29 =	vld.idx.msk [tilespmem:v10+s10+$0x0], $0xffff  }
0x456: {  	v27 =	vadd.s32 v30, v27;
	v30 =	vld.idx.msk [tilespmem:v11+s10+$0x0], $0xffff  }
0x457: {  	v27 =	vadd.s32 v31, v27;
	v31 =	vld.idx.msk [tilespmem:v12+s10+$0x0], $0xffff  }
0x458: {  	v62 =	vld.idx.msk [tilespmem:v13+s10+$0x0], $0xffff;
	v27 =	vadd.s32 v32, v27  }
0x459: {  	v27 =	vadd.s32 v28, v27;
	v28 =	vld.idx.msk [tilespmem:v14+s10+$0x0], $0xffff  }
0x45a: {  	v27 =	vadd.s32 v29, v27;
	v29 =	vld.idx.msk [tilespmem:v15+s10+$0x0], $0xffff  }
0x45b: {  	v27 =	vadd.s32 v30, v27;
	v30 =	vld.idx.msk [tilespmem:v16+s10+$0x0], $0xffff  }
0x45c: {  	v27 =	vadd.s32 v31, v27;
	v31 =	vld.idx.msk [tilespmem:v17+s10+$0x0], $0xffff  }
0x45d: {  	v63 =	vld.idx.msk [tilespmem:v18+s10+$0x0], $0xffff;
	v27 =	vadd.s32 v62, v27  }
0x45e: {  	v27 =	vadd.s32 v28, v27  }
0x45f: {  	v27 =	vadd.s32 v29, v27  }
0x460: {  	v27 =	vadd.s32 v30, v27  }
0x461: {  	v27 =	vadd.s32 v31, v27  }
0x462: {  	v27 =	vadd.s32 v63, v27  }
0x463: {  	v27 =	vperm.xlane v27, v19;
	_ =	sdelay $0x1  }
0x464: {  	(xrf0) =	vadd.scan.msk.s32 $0xffff, v27;
	_ =	sdelay $0x5  }
0x465: {  	vm0 =	vgt.s32 v24, $0xF;
	v24, _, _ =	vpop (xrf0)  }
0x466: {  	v25 =	vsel vm0, $0x0, v25;
	v24 =	vperm.xlane v24, v19  }
0x467: {  	v23 =	vsub.s32 v23, v25  }
0x468: {  	vm0 =	vge.s32 v24, v23  }
0x469: {  	v25 =	vmpcnt.ones.xlane vm0;
	_ =	sdelay $0x1  }
0x46a: {  	v27 =	vshll.u32 v25, $0x4  }
0x46b: {  	v28 =	vadd.s32 v20, v27;
	_ =	sdelay $0x3  }
0x46c: {  	[tilespmem:$0x10100] =	vst v24  }
0x46d: {  	v24 =	vld.idx.msk [tilespmem:v28+s10+$0x0], $0xffff;
	_ =	sdelay $0x2  }
0x46e: {  	vm0 =	vgt.s32 v25, $0xF  }
0x46f: {  	v25 =	vsel vm0, $0xF, v25  }
0x470: {  	v24 =	vperm.xlane v24, v19;
	_ =	sdelay $0x1  }
0x471: {  	(xrf0) =	vadd.scan.msk.s32 $0xffff, v24;
	_ =	sdelay $0x1  }
0x472: {  	v24 =	vld.idx.msk [tilespmem:v25+s11+$0x0], $0xffff;
	_ =	sdelay $0x3  }
0x473: {  	v25, _, _ =	vpop (xrf0)  }
0x474: {  	v24 =	vsel vm0, $0x0, v24;
	v25 =	vperm.xlane v25, v19  }
0x475: {  	v24 =	vsub.s32 v23, v24  }
0x476: {  	vm0 =	vge.s32 v25, v24  }
0x477: {  	v23 =	vmpcnt.ones.xlane vm0;
	_ =	sdelay $0x1  }
0x478: {  	vm0 =	vgt.s32 v23, $0xF  }
0x479: {  	v29 =	vsel vm0, $0xF, v23  }
.Ltmp44:
0x47a: {  	_ = 	snop;
	(pc) =	sbr.rel @p0 .LBB2_64-.Ltmp44, $3  }
0x47b: {  	_ =	sdelay $0x1  }
0x47c: {  	[tilespmem:$0x10100] =	vst v25;
	v23 =	vadd.s32 v23, v27  }
0x47d: {  	v28 =	vimm.s32 $0x0;
	v23 =	vadd.s32 $0xFFFFFFEF, v23;
	v25 =	vld.idx.msk [tilespmem:v29+s11+$0x0], $0xffff  }
0x47e: {  	p1 =	sne.s32 s18, $0x1  }
.Ltmp45:
0x47f: {  	_ = 	snop;
	(pc) =	sbr.rel @!p1 .LBB2_58-.Ltmp45, $3  }
0x480: {  	_ =	sdelay $0x1  }
0x481: {  	s20 =	simm.s32 $0x10280  }
0x482: {  	s19 =	simm.s32 $0x0;
	s18 =	sadd.s32 $0xFFFFFFFF, s18;
	p0 =	por $0x0, $0x0;
	v27 =	vld [tilespmem:s20+$0x0]  }
0x483: {  	_ =	sdelay $0x3  }
0x484: {  	v29 =	vshrl.u32 v27, $0x10  }
0x485: {  	v30 =	vor.u32 s19, v0;
	v29 =	vand.u32 $0xFF, v29  }
0x486: {  	vm1 =	vlt.s32 v30, v26;
	vm2 =	veq.s32 v29, v23  }
0x487: {  	vm1 =	vmand vm1, vm2  }
0x488: {  	v29 =	vsel vm1, $0x1, v2  }
0x489: {  	(xrf0) =	vadd.scan.msk.s32 $0xffff, v29;
	_ =	sdelay $0x5  }
0x48a: {  	v29, _, _ =	vpop (xrf0)  }
0x48b: {  	v29 =	vadd.s32 v29, v28  }
0x48c: {  	v29 =	vadd.s32 $0xFFFFFFFF, v29  }
0x48d: {  	p1 =	sne.s32 s18, $0x1  }
.Ltmp46:
0x48e: {  	_ = 	snop;
	(pc) =	sbr.rel @!p1 .LBB2_60-.Ltmp46, $3  }
0x48f: {  	v30 =	vmpcnt.ones.xlane vm1;
	_ =	sdelay $0x1  }
0x490: {  	s20 =	simm.s32 $0x10290;
	v30 =	vadd.s32 v28, v30;
	[tilespmem:v29+s13+$0x0] =	vst.idx.msk vm1, v27  }
0x491: {  	s21 =	sadd.s32 $0xFFFFFFFF, s18;
	p0 =	por $0x1, $0x1;
	s18 =	simm.s32 $0x0;
	v29 =	vmov v30;
	v27 =	vld [tilespmem:s20+$0x0]  }
.LBB2_61:
0x492: {  	p1 =	sne.s32 s21, $0x1;
	_ =	sdelay $0x3  }
0x493: {  	s18 =	sadd.s32 $0x10, s18;
	v28 =	vshrl.u32 v27, $0x10  }
0x494: {  	v31 =	vor.u32 s18, v0;
	v28 =	vand.u32 $0xFF, v28  }
0x495: {  	vm1 =	vlt.s32 v31, v26;
	vm2 =	veq.s32 v28, v23  }
0x496: {  	vm1 =	vmand vm1, vm2  }
0x497: {  	v28 =	vsel vm1, $0x1, v2;
	v31 =	vmpcnt.ones.xlane vm1  }
0x498: {  	(xrf0) =	vadd.scan.msk.s32 $0xffff, v28  }
0x499: {  	v30 =	vadd.s32 v30, v31;
	_ =	sdelay $0x4  }
0x49a: {  	v28, _, _ =	vpop (xrf0)  }
0x49b: {  	v28 =	vadd.s32 v28, v29;
	v29 =	vmov v30  }
0x49c: {  	v28 =	vadd.s32 $0xFFFFFFFF, v28;
	_ =	sdelay $0x1  }
.Ltmp47:
0x49d: {  	(pc) =	sbr.rel @p1 .LBB2_61-.Ltmp47, $3  }
0x49e: {  	_ =	sdelay $0x1  }
0x49f: {  	s20 =	sadd.s32 $0x10, s20;
	[tilespmem:v28+s13+$0x0] =	vst.idx.msk vm1, v27  }
0x4a0: {  	s21 =	sadd.s32 $0xFFFFFFFF, s21;
	v27 =	vld [tilespmem:s20+$0x0]  }
0x4a1: {  	v28 =	vmov v30  }
.LBB2_63:
0x4a2: {  	_ =	sdelay $0x1  }
0x4a3: {  	s18 =	sadd.s32 @p0 $0x10, s18  }
0x4a4: {  	s19 =	smov.u32 @p0 s18;
	v30 =	vshrl.u32 v27, $0x10  }
0x4a5: {  	v31 =	vor.u32 s19, v0;
	v30 =	vand.u32 $0xFF, v30  }
0x4a6: {  	vm1 =	vlt.s32 v31, v26;
	vm2 =	veq.s32 v30, v23  }
0x4a7: {  	vm1 =	vmand vm1, vm2  }
0x4a8: {  	v26 =	vsel vm1, $0x1, v2  }
0x4a9: {  	(xrf0) =	vadd.scan.msk.s32 $0xffff, v26;
	_ =	sdelay $0x5  }
0x4aa: {  	v26, _, _ =	vpop (xrf0)  }
0x4ab: {  	v26 =	vadd.s32 v26, v29  }
0x4ac: {  	v26 =	vadd.s32 $0xFFFFFFFF, v26;
	_ =	sdelay $0x2  }
0x4ad: {  	v29 =	vmpcnt.ones.xlane vm1;
	_ =	sdelay $0x1  }
0x4ae: {  	v28 =	vadd.s32 v28, v29;
	[tilespmem:v26+s13+$0x0] =	vst.idx.msk vm1, v27  }
.LBB2_64:
0x4af: {  	(v2sf) =	vpush v28, $0x0;
	_ =	sdelay $0x7  }
0x4b0: {  	[tilespmem:$0x10000] =	vst v2  }
0x4b1: {  	[tilespmem:$0x10010] =	vst v2  }
0x4b2: {  	[tilespmem:$0x10020] =	vst v2  }
0x4b3: {  	[tilespmem:$0x10030] =	vst v2  }
0x4b4: {  	[tilespmem:$0x10040] =	vst v2  }
0x4b5: {  	[tilespmem:$0x10050] =	vst v2  }
0x4b6: {  	[tilespmem:$0x10060] =	vst v2  }
0x4b7: {  	[tilespmem:$0x10070] =	vst v2;
	s18 =	spop (v2sf)  }
0x4b8: {  	[tilespmem:$0x10080] =	vst v2;
	s18 =	sadd.s32 $0xF, s18  }
0x4b9: {  	[tilespmem:$0x10090] =	vst v2;
	s18 =	sshra.s32 s18, $0x4  }
0x4ba: {  	[tilespmem:$0x100A0] =	vst v2;
	p0 =	slt.s32 s18, $0x1  }
.Ltmp48:
0x4bb: {  	[tilespmem:$0x100B0] =	vst v2;
	(pc) =	sbr.rel @p0 .LBB2_71-.Ltmp48, $4  }
0x4bc: {  	[tilespmem:$0x100C0] =	vst v2  }
0x4bd: {  	[tilespmem:$0x100D0] =	vst v2  }
0x4be: {  	[tilespmem:$0x100E0] =	vst v2  }
0x4bf: {  	v27 =	vbroadcast v28, $0x0;
	[tilespmem:$0x100F0] =	vst v2  }
0x4c0: {  	p2 =	sne.s32 s18, $0x1  }
.Ltmp49:
0x4c1: {  	_ = 	snop;
	(pc) =	sbr.rel @!p2 .LBB2_66-.Ltmp49, $3  }
0x4c2: {  	_ =	sdelay $0x1  }
0x4c3: {  	s20 =	simm.s32 $0x10A80  }
0x4c4: {  	s19 =	simm.s32 $0x0;
	p1 =	por $0x0, $0x0;
	v26 =	vld [tilespmem:s20+$0x0];
	s20 =	sadd.s32 $0xFFFFFFFF, s18  }
0x4c5: {  	_ =	sdelay $0x2  }
0x4c6: {  	v28 =	vor.u32 s19, v0  }
0x4c7: {  	vm1 =	vlt.s32 v28, v27;
	v26 =	vshrl.u32 v26, $0x8  }
0x4c8: {  	v26 =	vand.u32 $0xFF, v26  }
0x4c9: {  	p2 =	sne.s32 s20, $0x1  }
.Ltmp50:
0x4ca: {  	_ = 	snop;
	(pc) =	sbr.rel @!p2 .LBB2_68-.Ltmp50, $3  }
0x4cb: {  	_ =	sdelay $0x1  }
0x4cc: {  	s21 =	simm.s32 $0x10A90;
	[tilespmem:v26+s10+$0x0] =	vst.idx.add.s32.msk vm1, v3  }
0x4cd: {  	s22 =	sadd.s32 $0xFFFFFFFF, s20;
	p1 =	por $0x1, $0x1;
	s20 =	simm.s32 $0x0;
	v26 =	vld [tilespmem:s21+$0x0]  }
.LBB2_69:
0x4ce: {  	p2 =	sne.s32 s22, $0x1;
	_ =	sdelay $0x1  }
0x4cf: {  	s20 =	sadd.s32 $0x10, s20  }
0x4d0: {  	v28 =	vor.u32 s20, v0  }
0x4d1: {  	vm1 =	vlt.s32 v28, v27;
	v26 =	vshrl.u32 v26, $0x8  }
0x4d2: {  	v26 =	vand.u32 $0xFF, v26;
	_ =	sdelay $0x1  }
.Ltmp51:
0x4d3: {  	(pc) =	sbr.rel @p2 .LBB2_69-.Ltmp51, $3  }
0x4d4: {  	_ =	sdelay $0x1  }
0x4d5: {  	s21 =	sadd.s32 $0x10, s21;
	[tilespmem:v26+s10+$0x0] =	vst.idx.add.s32.msk vm1, v3  }
0x4d6: {  	s22 =	sadd.s32 $0xFFFFFFFF, s22;
	v26 =	vld [tilespmem:s21+$0x0]  }
.LBB2_70:
0x4d7: {  	_ = 	snop  }
0x4d8: {  	s20 =	sadd.s32 @p1 $0x10, s20  }
0x4d9: {  	s19 =	smov.u32 @p1 s20  }
0x4da: {  	v28 =	vor.u32 s19, v0  }
0x4db: {  	vm1 =	vlt.s32 v28, v27;
	v26 =	vshrl.u32 v26, $0x8  }
0x4dc: {  	v26 =	vand.u32 $0xFF, v26;
	_ =	sdelay $0x4  }
0x4dd: {  	[tilespmem:v26+s10+$0x0] =	vst.idx.add.s32.msk vm1, v3  }
.LBB2_71:
0x4de: {  	_ =	sdelay $0x3  }
0x4df: {  	v26 =	vld.idx.msk [tilespmem:v1+s10+$0x0], $0xffff  }
0x4e0: {  	v28 =	vld.idx.msk [tilespmem:v4+s10+$0x0], $0xffff  }
0x4e1: {  	v29 =	vld.idx.msk [tilespmem:v5+s10+$0x0], $0xffff  }
0x4e2: {  	v30 =	vld.idx.msk [tilespmem:v6+s10+$0x0], $0xffff  }
0x4e3: {  	v31 =	vld.idx.msk [tilespmem:v7+s10+$0x0], $0xffff  }
0x4e4: {  	v32 =	vld.idx.msk [tilespmem:v8+s10+$0x0], $0xffff  }
0x4e5: {  	v26 =	vadd.s32 v26, v28;
	v28 =	vld.idx.msk [tilespmem:v9+s10+$0x0], $0xffff  }
0x4e6: {  	v26 =	vadd.s32 v29, v26;
	v29 =	vld.idx.msk [tilespmem:v10+s10+$0x0], $0xffff  }
0x4e7: {  	v26 =	vadd.s32 v30, v26;
	v30 =	vld.idx.msk [tilespmem:v11+s10+$0x0], $0xffff  }
0x4e8: {  	v26 =	vadd.s32 v31, v26;
	v31 =	vld.idx.msk [tilespmem:v12+s10+$0x0], $0xffff  }
0x4e9: {  	v62 =	vld.idx.msk [tilespmem:v13+s10+$0x0], $0xffff;
	v26 =	vadd.s32 v32, v26  }
0x4ea: {  	v26 =	vadd.s32 v28, v26;
	v28 =	vld.idx.msk [tilespmem:v14+s10+$0x0], $0xffff  }
0x4eb: {  	v26 =	vadd.s32 v29, v26;
	v29 =	vld.idx.msk [tilespmem:v15+s10+$0x0], $0xffff  }
0x4ec: {  	v26 =	vadd.s32 v30, v26;
	v30 =	vld.idx.msk [tilespmem:v16+s10+$0x0], $0xffff  }
0x4ed: {  	v26 =	vadd.s32 v31, v26;
	v31 =	vld.idx.msk [tilespmem:v17+s10+$0x0], $0xffff  }
0x4ee: {  	v63 =	vld.idx.msk [tilespmem:v18+s10+$0x0], $0xffff;
	v26 =	vadd.s32 v62, v26  }
0x4ef: {  	v26 =	vadd.s32 v28, v26  }
0x4f0: {  	v26 =	vadd.s32 v29, v26  }
0x4f1: {  	v26 =	vadd.s32 v30, v26  }
0x4f2: {  	v26 =	vadd.s32 v31, v26  }
0x4f3: {  	v26 =	vadd.s32 v63, v26  }
0x4f4: {  	v26 =	vperm.xlane v26, v19;
	_ =	sdelay $0x1  }
0x4f5: {  	(xrf0) =	vadd.scan.msk.s32 $0xffff, v26;
	_ =	sdelay $0x5  }
0x4f6: {  	v26, _, _ =	vpop (xrf0)  }
0x4f7: {  	v25 =	vsel vm0, $0x0, v25;
	v26 =	vperm.xlane v26, v19  }
0x4f8: {  	v24 =	vsub.s32 v24, v25  }
0x4f9: {  	vm0 =	vge.s32 v26, v24  }
0x4fa: {  	v25 =	vmpcnt.ones.xlane vm0;
	_ =	sdelay $0x1  }
0x4fb: {  	v28 =	vshll.u32 v25, $0x4  }
0x4fc: {  	v29 =	vadd.s32 v20, v28;
	_ =	sdelay $0x3  }
0x4fd: {  	[tilespmem:$0x10100] =	vst v26  }
0x4fe: {  	v26 =	vld.idx.msk [tilespmem:v29+s10+$0x0], $0xffff;
	_ =	sdelay $0x2  }
0x4ff: {  	vm0 =	vgt.s32 v25, $0xF  }
0x500: {  	v25 =	vsel vm0, $0xF, v25  }
0x501: {  	v26 =	vperm.xlane v26, v19;
	_ =	sdelay $0x1  }
0x502: {  	(xrf0) =	vadd.scan.msk.s32 $0xffff, v26;
	_ =	sdelay $0x1  }
0x503: {  	v25 =	vld.idx.msk [tilespmem:v25+s11+$0x0], $0xffff;
	_ =	sdelay $0x3  }
0x504: {  	v26, _, _ =	vpop (xrf0)  }
0x505: {  	v25 =	vsel vm0, $0x0, v25;
	v26 =	vperm.xlane v26, v19  }
0x506: {  	v25 =	vsub.s32 v24, v25  }
0x507: {  	vm0 =	vge.s32 v26, v25  }
0x508: {  	v24 =	vmpcnt.ones.xlane vm0;
	_ =	sdelay $0x1  }
0x509: {  	vm0 =	vgt.s32 v24, $0xF  }
0x50a: {  	v30 =	vsel vm0, $0xF, v24  }
.Ltmp52:
0x50b: {  	_ = 	snop;
	(pc) =	sbr.rel @p0 .LBB2_79-.Ltmp52, $3  }
0x50c: {  	_ =	sdelay $0x1  }
0x50d: {  	[tilespmem:$0x10100] =	vst v26;
	v24 =	vadd.s32 v24, v28  }
0x50e: {  	v29 =	vimm.s32 $0x0;
	v24 =	vadd.s32 $0xFFFFFFEF, v24;
	v26 =	vld.idx.msk [tilespmem:v30+s11+$0x0], $0xffff  }
0x50f: {  	p1 =	sne.s32 s18, $0x1  }
.Ltmp53:
0x510: {  	_ = 	snop;
	(pc) =	sbr.rel @!p1 .LBB2_73-.Ltmp53, $3  }
0x511: {  	_ =	sdelay $0x1  }
0x512: {  	s20 =	simm.s32 $0x10A80  }
0x513: {  	s19 =	simm.s32 $0x0;
	s18 =	sadd.s32 $0xFFFFFFFF, s18;
	p0 =	por $0x0, $0x0;
	v28 =	vld [tilespmem:s20+$0x0]  }
0x514: {  	_ =	sdelay $0x3  }
0x515: {  	v30 =	vshrl.u32 v28, $0x8  }
0x516: {  	v31 =	vor.u32 s19, v0;
	v30 =	vand.u32 $0xFF, v30  }
0x517: {  	vm1 =	vlt.s32 v31, v27;
	vm2 =	veq.s32 v30, v24  }
0x518: {  	vm1 =	vmand vm1, vm2  }
0x519: {  	v30 =	vsel vm1, $0x1, v2  }
0x51a: {  	(xrf0) =	vadd.scan.msk.s32 $0xffff, v30;
	_ =	sdelay $0x5  }
0x51b: {  	v30, _, _ =	vpop (xrf0)  }
0x51c: {  	v30 =	vadd.s32 v30, v29  }
0x51d: {  	v30 =	vadd.s32 $0xFFFFFFFF, v30  }
0x51e: {  	p1 =	sne.s32 s18, $0x1  }
.Ltmp54:
0x51f: {  	_ = 	snop;
	(pc) =	sbr.rel @!p1 .LBB2_75-.Ltmp54, $3  }
0x520: {  	v31 =	vmpcnt.ones.xlane vm1;
	_ =	sdelay $0x1  }
0x521: {  	s20 =	simm.s32 $0x10A90;
	v31 =	vadd.s32 v29, v31;
	[tilespmem:v30+s12+$0x0] =	vst.idx.msk vm1, v28  }
0x522: {  	s21 =	sadd.s32 $0xFFFFFFFF, s18;
	p0 =	por $0x1, $0x1;
	s18 =	simm.s32 $0x0;
	v30 =	vmov v31;
	v28 =	vld [tilespmem:s20+$0x0]  }
.LBB2_76:
0x523: {  	p1 =	sne.s32 s21, $0x1;
	_ =	sdelay $0x3  }
0x524: {  	s18 =	sadd.s32 $0x10, s18;
	v29 =	vshrl.u32 v28, $0x8  }
0x525: {  	v32 =	vor.u32 s18, v0;
	v29 =	vand.u32 $0xFF, v29  }
0x526: {  	vm1 =	vlt.s32 v32, v27;
	vm2 =	veq.s32 v29, v24  }
0x527: {  	vm1 =	vmand vm1, vm2  }
0x528: {  	v29 =	vsel vm1, $0x1, v2;
	v32 =	vmpcnt.ones.xlane vm1  }
0x529: {  	(xrf0) =	vadd.scan.msk.s32 $0xffff, v29  }
0x52a: {  	v31 =	vadd.s32 v31, v32;
	_ =	sdelay $0x4  }
0x52b: {  	v29, _, _ =	vpop (xrf0)  }
0x52c: {  	v29 =	vadd.s32 v29, v30;
	v30 =	vmov v31  }
0x52d: {  	v29 =	vadd.s32 $0xFFFFFFFF, v29;
	_ =	sdelay $0x1  }
.Ltmp55:
0x52e: {  	(pc) =	sbr.rel @p1 .LBB2_76-.Ltmp55, $3  }
0x52f: {  	_ =	sdelay $0x1  }
0x530: {  	s20 =	sadd.s32 $0x10, s20;
	[tilespmem:v29+s12+$0x0] =	vst.idx.msk vm1, v28  }
0x531: {  	s21 =	sadd.s32 $0xFFFFFFFF, s21;
	v28 =	vld [tilespmem:s20+$0x0]  }
0x532: {  	v29 =	vmov v31  }
.LBB2_78:
0x533: {  	_ =	sdelay $0x1  }
0x534: {  	s18 =	sadd.s32 @p0 $0x10, s18  }
0x535: {  	s19 =	smov.u32 @p0 s18;
	v31 =	vshrl.u32 v28, $0x8  }
0x536: {  	v32 =	vor.u32 s19, v0;
	v31 =	vand.u32 $0xFF, v31  }
0x537: {  	vm1 =	vlt.s32 v32, v27;
	vm2 =	veq.s32 v31, v24  }
0x538: {  	vm1 =	vmand vm1, vm2  }
0x539: {  	v27 =	vsel vm1, $0x1, v2  }
0x53a: {  	(xrf0) =	vadd.scan.msk.s32 $0xffff, v27;
	_ =	sdelay $0x5  }
0x53b: {  	v27, _, _ =	vpop (xrf0)  }
0x53c: {  	v27 =	vadd.s32 v27, v30  }
0x53d: {  	v27 =	vadd.s32 $0xFFFFFFFF, v27;
	_ =	sdelay $0x2  }
0x53e: {  	v30 =	vmpcnt.ones.xlane vm1;
	_ =	sdelay $0x1  }
0x53f: {  	v29 =	vadd.s32 v29, v30;
	[tilespmem:v27+s12+$0x0] =	vst.idx.msk vm1, v28  }
.LBB2_79:
0x540: {  	(v2sf) =	vpush v29, $0x0;
	_ =	sdelay $0x7  }
0x541: {  	[tilespmem:$0x10000] =	vst v2  }
0x542: {  	[tilespmem:$0x10010] =	vst v2  }
0x543: {  	[tilespmem:$0x10020] =	vst v2  }
0x544: {  	[tilespmem:$0x10030] =	vst v2  }
0x545: {  	[tilespmem:$0x10040] =	vst v2  }
0x546: {  	[tilespmem:$0x10050] =	vst v2  }
0x547: {  	[tilespmem:$0x10060] =	vst v2  }
0x548: {  	[tilespmem:$0x10070] =	vst v2;
	s18 =	spop (v2sf)  }
0x549: {  	[tilespmem:$0x10080] =	vst v2;
	s18 =	sadd.s32 $0xF, s18  }
0x54a: {  	[tilespmem:$0x10090] =	vst v2;
	s19 =	sshra.s32 s18, $0x4  }
0x54b: {  	[tilespmem:$0x100A0] =	vst v2;
	p0 =	slt.s32 s19, $0x1  }
.Ltmp56:
0x54c: {  	[tilespmem:$0x100B0] =	vst v2;
	(pc) =	sbr.rel @p0 .LBB2_86-.Ltmp56, $4  }
0x54d: {  	[tilespmem:$0x100C0] =	vst v2  }
0x54e: {  	[tilespmem:$0x100D0] =	vst v2  }
0x54f: {  	[tilespmem:$0x100E0] =	vst v2  }
0x550: {  	[tilespmem:$0x100F0] =	vst v2  }
0x551: {  	p1 =	sne.s32 s19, $0x1  }
.Ltmp57:
0x552: {  	_ = 	snop;
	(pc) =	sbr.rel @!p1 .LBB2_81-.Ltmp57, $3  }
0x553: {  	_ =	sdelay $0x1  }
0x554: {  	s20 =	simm.s32 $0x10280  }
0x555: {  	v27 =	vbroadcast v29, $0x0;
	s18 =	simm.s32 $0x0;
	s19 =	sadd.s32 $0xFFFFFFFF, s19;
	p0 =	por $0x0, $0x0;
	v28 =	vld [tilespmem:s20+$0x0]  }
0x556: {  	_ =	sdelay $0x1  }
0x557: {  	v29 =	vor.u32 s18, v0  }
0x558: {  	vm1 =	vlt.s32 v29, v27  }
0x559: {  	v28 =	vand.u32 $0xFF, v28  }
0x55a: {  	p1 =	sne.s32 s19, $0x1  }
.Ltmp58:
0x55b: {  	_ = 	snop;
	(pc) =	sbr.rel @!p1 .LBB2_83-.Ltmp58, $3  }
0x55c: {  	_ =	sdelay $0x1  }
0x55d: {  	s20 =	simm.s32 $0x10290;
	[tilespmem:v28+s10+$0x0] =	vst.idx.add.s32.msk vm1, v3  }
0x55e: {  	s21 =	sadd.s32 $0xFFFFFFFF, s19;
	p0 =	por $0x1, $0x1;
	s19 =	simm.s32 $0x0;
	v28 =	vld [tilespmem:s20+$0x0]  }
.LBB2_84:
0x55f: {  	p1 =	sne.s32 s21, $0x1  }
0x560: {  	s19 =	sadd.s32 $0x10, s19  }
0x561: {  	v29 =	vor.u32 s19, v0  }
0x562: {  	vm1 =	vlt.s32 v29, v27  }
0x563: {  	v28 =	vand.u32 $0xFF, v28;
	_ =	sdelay $0x1  }
.Ltmp59:
0x564: {  	(pc) =	sbr.rel @p1 .LBB2_84-.Ltmp59, $3  }
0x565: {  	_ =	sdelay $0x1  }
0x566: {  	s20 =	sadd.s32 $0x10, s20;
	[tilespmem:v28+s10+$0x0] =	vst.idx.add.s32.msk vm1, v3  }
0x567: {  	s21 =	sadd.s32 $0xFFFFFFFF, s21;
	v28 =	vld [tilespmem:s20+$0x0]  }
.Ltmp60:
0x568: {  	_ = 	snop;
	(pc) =	sbr.rel .LBB2_85-.Ltmp60, $1  }
0x569: {  	_ =	sdelay $0x3  }
.LBB2_51:
.Ltmp61:
0x56a: {  	(pc) =	sbr.rel .LBB2_55-.Ltmp61, $2  }
0x56b: {  	_ =	sdelay $0x2  }
0x56c: {  	s20 =	simm.s32 $0x0  }
.LBB2_58:
.Ltmp62:
0x56d: {  	(pc) =	sbr.rel .LBB2_63-.Ltmp62, $2  }
0x56e: {  	_ =	sdelay $0x2  }
0x56f: {  	s18 =	simm.s32 $0x0;
	v29 =	vimm.s32 $0x0  }
.LBB2_66:
.Ltmp63:
0x570: {  	(pc) =	sbr.rel .LBB2_70-.Ltmp63, $2  }
0x571: {  	_ =	sdelay $0x2  }
0x572: {  	s20 =	simm.s32 $0x0  }
.LBB2_73:
.Ltmp64:
0x573: {  	(pc) =	sbr.rel .LBB2_78-.Ltmp64, $2  }
0x574: {  	_ =	sdelay $0x2  }
0x575: {  	s18 =	simm.s32 $0x0;
	v30 =	vimm.s32 $0x0  }
.LBB2_53:
.Ltmp65:
0x576: {  	(pc) =	sbr.rel .LBB2_55-.Ltmp65, $2  }
0x577: {  	_ =	sdelay $0x2  }
0x578: {  	s20 =	simm.s32 $0x0  }
.LBB2_60:
.Ltmp66:
0x579: {  	(pc) =	sbr.rel .LBB2_63-.Ltmp66, $2  }
0x57a: {  	_ =	sdelay $0x2  }
0x57b: {  	s18 =	simm.s32 $0x0;
	v28 =	vmov v30;
	v29 =	vmov v30  }
.LBB2_68:
.Ltmp67:
0x57c: {  	(pc) =	sbr.rel .LBB2_70-.Ltmp67, $2  }
0x57d: {  	_ =	sdelay $0x2  }
0x57e: {  	s20 =	simm.s32 $0x0  }
.LBB2_75:
.Ltmp68:
0x57f: {  	(pc) =	sbr.rel .LBB2_78-.Ltmp68, $2  }
0x580: {  	_ =	sdelay $0x2  }
0x581: {  	s18 =	simm.s32 $0x0;
	v29 =	vmov v31;
	v30 =	vmov v31  }
.LBB2_83:
.Ltmp69:
0x582: {  	(pc) =	sbr.rel .LBB2_85-.Ltmp69, $2  }
0x583: {  	_ =	sdelay $0x2  }
0x584: {  	s19 =	simm.s32 $0x0  }
.LBB2_88:
0x585: {  	_ =	sfence.sel $0x180000  }
0x586: {  	[bflag:$0x0] =	sbarrier.arrive $0xFFFF  }
0x587: {  	p0 =	sne.s32 s1, $0x0;
	_ =	strace $0x90000047  }
0x588: {  	s0 =	sadd.s32 @!p0 $0x100000, s0;
	[bflag:$0x2] =	sbarrier.arrive $0xFFFF  }
0x589: {  	[sflag:s0] =	ssyncadd.tile.s32 @!p0 $0x1;
	_ =	shalt  }
.Lfunc_end2:
_tile_overlayer_lowered:
.L_overlay_start_2:
0x58a: {  	(tag) =	ssettag $0x2  }
0x58b: {  	s0 =	rddreg [dreg:$0x0];
	s2 =	stileid.u32  }
0x58c: {  	s1 =	rddreg [dreg:$0x1];
	p0 =	sne.s32 s2, $0x0  }
0x58d: {  	s3 =	rddreg [dreg:$0x2];
	[bflag:$0x3] =	sbarrier.arrive $0xFFFF;
	s2 =	simm.s32 @!p0 $0x1C01  }
0x58e: {  	[timem:s3], [sflag:s2] =	dma.local @!p0 [hbm:s0], s1  }
0x58f: {  	s0 =	simm.s32 @!p0 $0x1  }
0x590: {  	_ =	swait.ge @!p0 [sflag:s0], s1  }
0x591: {  	s1 =	ssub.s32 @!p0 $0x0, s1;
	[sflag:s0] =	ssyncset.done @!p0 $0x0  }
0x592: {  	[sflag:s0] =	ssyncadd.s32 @!p0 s1  }
0x593: {  	[bflag:$0x3] =	sbarrier.arrive $0xFFFF  }
0x594: {  	_ =	shalt  }

</sc_bundles>
